<compile_context>
chip_gen: v7x
topology: tpu7x:2x2x1
jax: 0.10.2.dev20260603
libtpu: 0.0.44.dev20260713+nightly
codegen_flags: <defaults>
</compile_context>

<pallas_src>
import functools

import jax
import jax.numpy as jnp
from jax import lax
from jax.experimental import pallas as pl
from jax.experimental.pallas import tpu as pltpu
from jax.experimental.pallas import tpu_sc as plsc

K = 16
KP1 = K + 1


def _transpose_kernel(feat_ref, out_ref):
    out_ref[0] = feat_ref[0].T


def _topk_kernel(coords_ref, idx_ref, *, rb: int, n: int, boff: int = 0):
    b = pl.program_id(0) + boff
    i = pl.program_id(1)
    c = coords_ref[0]
    rows = coords_ref[0, :, pl.ds(i * rb, rb)]
    col_sq = jnp.sum(c * c, axis=0, keepdims=True)
    row_sq = jnp.sum(rows * rows, axis=0)
    mm = lax.dot_general(
        rows, c, (((0,), (0,)), ((), ())),
        preferred_element_type=jnp.float32,
    )
    dist = -2.0 * mm
    dist = dist + row_sq[:, None]
    dist = dist + col_sq
    dist = jnp.clip(dist, 1e-12, None)

    iota_n = lax.broadcasted_iota(jnp.int32, (rb, n), 1)
    vals = dist
    for k in range(KP1):
        m = jnp.min(vals, axis=1, keepdims=True)
        am = jnp.min(jnp.where(vals == m, iota_n, n), axis=1, keepdims=True)
        idx_ref[0, k, :] = am[:, 0] + b * n
        if k + 1 < KP1:
            vals = jnp.where(iota_n == am, jnp.inf, vals)


def _make_sc_gather(rows: int, c: int, nw: int, ch: int):
    per_w = rows // nw
    mesh = plsc.VectorSubcoreMesh(core_axis_name="c", subcore_axis_name="s")

    @functools.partial(
        pl.kernel, mesh=mesh,
        out_type=jax.ShapeDtypeStruct((rows, c), jnp.float32),
        scratch_types=[
            pltpu.VMEM((ch,), jnp.int32),
            pltpu.VMEM((ch, c), jnp.float32),
            pltpu.SemaphoreType.DMA,
        ],
    )
    def sc_gather(table_hbm, ids_hbm, out_hbm, idx_v, rows_v, sem):
        wid = lax.axis_index("s") * 2 + lax.axis_index("c")
        base = wid * per_w

        def body(t, carry):
            off = base + t * ch
            pltpu.sync_copy(ids_hbm.at[pl.ds(off, ch)], idx_v)
            pltpu.async_copy(table_hbm.at[idx_v], rows_v, sem).wait()
            pltpu.sync_copy(rows_v, out_hbm.at[pl.ds(off, ch)])
            return carry

        lax.fori_loop(0, per_w // ch, body, 0)

    return sc_gather


def _finalize_kernel(gath_ref, feat_ref, out_ref, *, nb: int, c: int):
    j = pl.program_id(1)
    fb = feat_ref[0, :, pl.ds(j * nb, nb)]
    for k in range(K):
        slab = gath_ref[0, k]
        g = slab.T
        out_ref[0, 0:c, k, :] = fb
        out_ref[0, c:2 * c, k, :] = g - fb


def _finalize_alias_kernel(gath_ref, feat_ref, prev_ref, out_ref, *, nb, c):
    del prev_ref
    _finalize_kernel(gath_ref, feat_ref, out_ref, nb=nb, c=c)


def kernel(coordinates, features):
    if features.ndim == 4 and features.shape[-1] == 1:
        features = jnp.squeeze(features, axis=-1)
    B, C, N = features.shape
    RB = 256
    NB = 512
    ROWS = B * K * N

    table = pl.pallas_call(
        _transpose_kernel,
        grid=(B,),
        in_specs=[pl.BlockSpec((1, C, N), lambda b: (b, 0, 0))],
        out_specs=pl.BlockSpec((1, N, C), lambda b: (b, 0, 0)),
        out_shape=jax.ShapeDtypeStruct((B, N, C), jnp.float32),
    )(features)

    S = 4
    H = B // S
    HROWS = H * K * N
    table_flat = table.reshape(B * N, C)
    sc_gather = _make_sc_gather(HROWS, C, 32, 128)

    def topk_split(boff):
        return pl.pallas_call(
            functools.partial(_topk_kernel, rb=RB, n=N, boff=boff),
            grid=(H, N // RB),
            in_specs=[pl.BlockSpec((1, 3, N), lambda b, i: (b, 0, 0))],
            out_specs=pl.BlockSpec((1, KP1, RB), lambda b, i: (b, 0, i)),
            out_shape=jax.ShapeDtypeStruct((H, KP1, N), jnp.int32),
            compiler_params=pltpu.CompilerParams(
                dimension_semantics=("parallel", "parallel")),
        )(lax.slice_in_dim(coordinates, boff, boff + H, axis=0))

    idxs = [topk_split(s * H) for s in range(S)]
    gaths = [sc_gather(table_flat, ix[:, 1:, :].reshape(HROWS))
             for ix in idxs]

    out_shape = jax.ShapeDtypeStruct((B, 2 * C, K, N), jnp.float32)
    out = None
    for s in range(S):
        boff = s * H
        gspec = pl.BlockSpec((1, K, NB, C), lambda b, j: (b, 0, j, 0))
        fspec = pl.BlockSpec((1, C, N), lambda b, j, o=boff: (b + o, 0, 0))
        ospec = pl.BlockSpec(
            (1, 2 * C, K, NB), lambda b, j, o=boff: (b + o, 0, 0, j))
        gath = gaths[s].reshape(H, K, N, C)
        if s == 0:
            out = pl.pallas_call(
                functools.partial(_finalize_kernel, nb=NB, c=C),
                grid=(H, N // NB),
                in_specs=[gspec, fspec],
                out_specs=ospec,
                out_shape=out_shape,
                compiler_params=pltpu.CompilerParams(
                    dimension_semantics=("parallel", "parallel")),
            )(gath, features)
        else:
            out = pl.pallas_call(
                functools.partial(_finalize_alias_kernel, nb=NB, c=C),
                grid=(H, N // NB),
                in_specs=[gspec, fspec, pl.BlockSpec(memory_space=pl.ANY)],
                out_specs=ospec,
                out_shape=out_shape,
                input_output_aliases={2: 0},
                compiler_params=pltpu.CompilerParams(
                    dimension_semantics=("parallel", "parallel")),
            )(gath, features, out)
    return out.transpose(0, 1, 3, 2)

# --- scband reference (transcript-rebuilt; emitter-appended) ---
"""Pipeline reference for scband-knngraph-90142773609276 (READ-ONLY COPY).

The authoritative reference and input builder live on the scoring server;
editing this copy changes nothing except your own understanding.
"""

import jax, jax.numpy as jnp
import numpy as np

K = 16

def setup_inputs(seed: int = 0) -> dict:
    key = jax.random.key(seed)
    k1, k2 = jax.random.split(key)
    coordinates = jax.random.normal(k1, (8, 3, 2048), dtype=jnp.float32)
    features = jax.random.normal(k2, (8, 128, 2048), dtype=jnp.float32)
    return {"coordinates": coordinates, "features": features}

def _square_distance(source, target):
    dist = -2.0 * jnp.matmul(source, jnp.transpose(target, (0, 2, 1)))
    dist = dist + jnp.sum(source ** 2, axis=-1)[:, :, None]
    dist = dist + jnp.sum(target ** 2, axis=-1)[:, None, :]
    return jnp.clip(dist, 1e-12, None)

def reference(coordinates, features):
    if features.ndim == 4 and features.shape[-1] == 1:
        features = jnp.squeeze(features, axis=-1)
    B, C, N = features.shape
    src = jnp.transpose(coordinates, (0, 2, 1))
    dist = _square_distance(src, src)
    # torch topk(largest=False, sorted=True) == indices of K+1 smallest, ascending
    _, idx = jax.lax.top_k(-dist, K + 1)
    idx = idx[:, :, 1:]  # drop self, [B, N, K]
    b_idx = jnp.arange(B)[:, None, None, None]
    c_idx = jnp.arange(C)[None, :, None, None]
    n_idx = idx[:, None, :, :]
    neighbor_feats = features[b_idx, c_idx, n_idx]  # [B, C, N, K]
    feat_rep = jnp.broadcast_to(features[:, :, :, None], (B, C, N, K))
    return jnp.concatenate((feat_rep, neighbor_feats - feat_rep), axis=1)

if __name__ == "__main__":
    import jax
    _d = setup_inputs()
    print(jax.jit(kernel)(*tuple(_d.values())))

</pallas_src>

<mosaic_0001>
#map = affine_map<(d0, d1) -> (0, 0)>
#map1 = affine_map<(d0, d1) -> (0)>
module attributes {stable_mosaic.version = 14 : i64} {
  func.func @sc_gather(%arg0: i32, %arg1: i32, %arg2: memref<16384x128xf32, #tpu.memory_space<hbm>>, %arg3: memref<65536xi32, #tpu.memory_space<hbm>>, %arg4: memref<65536x128xf32, #tpu.memory_space<hbm>>, %arg5: memref<128xi32, #tpu.memory_space<vmem>>, %arg6: memref<128x128xf32, #tpu.memory_space<vmem>>, %arg7: memref<!tpu.dma_semaphore, #tpu.memory_space<semaphore_mem>>) attributes {dimension_semantics = [#tpu.dimension_semantics<core_parallel>, #tpu.dimension_semantics<subcore_parallel>], iteration_bounds = array<i64: 2, 16>, scalar_prefetch = 0 : i64, scratch_operands = 3 : i64, tpu.core_type = #tpu.core_type<sc_vector_subcore>, window_params = [{transform_indices = #map}, {transform_indices = #map1}, {transform_indices = #map}]} {
    %mul3A = arith.constant 2 : i32
    %mul3A_0 = arith.muli %arg1, %mul3A : i32
    %add3A = arith.addi %mul3A_0, %arg0 : i32
    %mul3A_1 = arith.constant 2048 : i32
    %mul3A_2 = arith.muli %add3A, %mul3A_1 : i32
    %scan3A = arith.constant 0 : i32
    %scan3A_3 = arith.constant 0 : i32
    %scan3A_4 = arith.constant 16 : i32
    %scan3A_5 = arith.addi %scan3A_3, %scan3A_4 : i32
    %scan3A_6 = arith.constant 1 : i32
    scf.for %scan3A_8 = %scan3A_3 to %scan3A_5 step %scan3A_6  : i32 {
      %mul3A_9 = arith.constant 128 : i32
      %mul3A_10 = arith.muli %scan3A_8, %mul3A_9 : i32
      %add3A_11 = arith.addi %mul3A_2, %mul3A_10 : i32
      "tpu.region"() ({
        %run_scoped3A = tpu.sem_alloc : memref<!tpu.dma_semaphore, #tpu.memory_space<semaphore_mem>>
        %dma_start3A_16 = tpu.memref_slice %arg3[%add3A_11] : memref<65536xi32, #tpu.memory_space<hbm>> -> memref<128xi32, #tpu.memory_space<hbm>>
        %dma_start3A_17 = tpu.memref_slice %arg3[%add3A_11] : memref<65536xi32, #tpu.memory_space<hbm>> -> memref<128xi32, #tpu.memory_space<hbm>>
        tpu.enqueue_dma source(%dma_start3A_17 : memref<128xi32, #tpu.memory_space<hbm>>) target(%arg5 : memref<128xi32, #tpu.memory_space<vmem>>) target_semaphore(%run_scoped3A : memref<!tpu.dma_semaphore, #tpu.memory_space<semaphore_mem>>)
        %dma_wait3A_18 = tpu.memref_slice %arg3[%add3A_11] : memref<65536xi32, #tpu.memory_space<hbm>> -> memref<128xi32, #tpu.memory_space<hbm>>
        %dma_wait3A_19 = tpu.memref_slice %arg3[%add3A_11] : memref<65536xi32, #tpu.memory_space<hbm>> -> memref<128xi32, #tpu.memory_space<hbm>>
        tpu.wait_dma2 semaphore(%run_scoped3A : memref<!tpu.dma_semaphore, #tpu.memory_space<semaphore_mem>>) src(%dma_wait3A_19 : memref<128xi32, #tpu.memory_space<hbm>>) dst(%arg5 : memref<128xi32, #tpu.memory_space<vmem>>)
        tpu.yield
      }) : () -> ()
      %dma_start3A = arith.constant 0 : i32
      %dma_start3A_12 = arith.constant 0 : i32
      %dma_start3A_13 = tpu.memref_slice %arg2[%dma_start3A, %dma_start3A_12] : memref<16384x128xf32, #tpu.memory_space<hbm>> -> memref<16384x128xf32, #tpu.memory_space<hbm>>
      tpu.enqueue_indirect_dma source(%dma_start3A_13 : memref<16384x128xf32, #tpu.memory_space<hbm>>) target(%arg6 : memref<128x128xf32, #tpu.memory_space<vmem>>) offsets(%arg5 : memref<128xi32, #tpu.memory_space<vmem>>) semaphore(%arg7 : memref<!tpu.dma_semaphore, #tpu.memory_space<semaphore_mem>>)
      %dma_wait3A = arith.constant 0 : i32
      %dma_wait3A_14 = arith.constant 0 : i32
      %dma_wait3A_15 = tpu.memref_slice %arg2[%dma_wait3A, %dma_wait3A_14] : memref<16384x128xf32, #tpu.memory_space<hbm>> -> memref<16384x128xf32, #tpu.memory_space<hbm>>
      tpu.wait_indirect_dma semaphore(%arg7 : memref<!tpu.dma_semaphore, #tpu.memory_space<semaphore_mem>>) src(%dma_wait3A_15 : memref<16384x128xf32, #tpu.memory_space<hbm>>) dst(%arg6 : memref<128x128xf32, #tpu.memory_space<vmem>>)
      "tpu.region"() ({
        %run_scoped3A = tpu.sem_alloc : memref<!tpu.dma_semaphore, #tpu.memory_space<semaphore_mem>>
        %dma_start3A_16 = arith.constant 0 : i32
        %dma_start3A_17 = tpu.memref_slice %arg4[%add3A_11, %dma_start3A_16] : memref<65536x128xf32, #tpu.memory_space<hbm>> -> memref<128x128xf32, #tpu.memory_space<hbm>>
        %dma_start3A_18 = arith.constant 0 : i32
        %dma_start3A_19 = tpu.memref_slice %arg4[%add3A_11, %dma_start3A_18] : memref<65536x128xf32, #tpu.memory_space<hbm>> -> memref<128x128xf32, #tpu.memory_space<hbm>>
        tpu.enqueue_dma source(%arg6 : memref<128x128xf32, #tpu.memory_space<vmem>>) target(%dma_start3A_19 : memref<128x128xf32, #tpu.memory_space<hbm>>) target_semaphore(%run_scoped3A : memref<!tpu.dma_semaphore, #tpu.memory_space<semaphore_mem>>)
        %dma_wait3A_20 = arith.constant 0 : i32
        %dma_wait3A_21 = tpu.memref_slice %arg4[%add3A_11, %dma_wait3A_20] : memref<65536x128xf32, #tpu.memory_space<hbm>> -> memref<128x128xf32, #tpu.memory_space<hbm>>
        %dma_wait3A_22 = arith.constant 0 : i32
        %dma_wait3A_23 = tpu.memref_slice %arg4[%add3A_11, %dma_wait3A_22] : memref<65536x128xf32, #tpu.memory_space<hbm>> -> memref<128x128xf32, #tpu.memory_space<hbm>>
        tpu.wait_dma2 semaphore(%run_scoped3A : memref<!tpu.dma_semaphore, #tpu.memory_space<semaphore_mem>>) src(%arg6 : memref<128x128xf32, #tpu.memory_space<vmem>>) dst(%dma_wait3A_23 : memref<128x128xf32, #tpu.memory_space<hbm>>)
        tpu.yield
      }) : () -> ()
    }
    %scan3A_7 = arith.constant 16 : i32
    return
  }
}

#map = affine_map<(d0, d1) -> (0, 0)>
#map1 = affine_map<(d0, d1) -> (0)>
module attributes {stable_mosaic.version = 14 : i64} {
  func.func @sc_gather(%arg0: i32, %arg1: i32, %arg2: memref<16384x128xf32, #tpu.memory_space<hbm>>, %arg3: memref<65536xi32, #tpu.memory_space<hbm>>, %arg4: memref<65536x128xf32, #tpu.memory_space<hbm>>, %arg5: memref<128xi32, #tpu.memory_space<vmem>>, %arg6: memref<128x128xf32, #tpu.memory_space<vmem>>, %arg7: memref<!tpu.dma_semaphore, #tpu.memory_space<semaphore_mem>>) attributes {dimension_semantics = [#tpu.dimension_semantics<core_parallel>, #tpu.dimension_semantics<subcore_parallel>], iteration_bounds = array<i64: 2, 16>, scalar_prefetch = 0 : i64, scratch_operands = 3 : i64, tpu.core_type = #tpu.core_type<sc_vector_subcore>, window_params = [{transform_indices = #map}, {transform_indices = #map1}, {transform_indices = #map}]} {
    %mul3A = arith.constant 2 : i32
    %mul3A_0 = arith.muli %arg1, %mul3A : i32
    %add3A = arith.addi %mul3A_0, %arg0 : i32
    %mul3A_1 = arith.constant 2048 : i32
    %mul3A_2 = arith.muli %add3A, %mul3A_1 : i32
    %scan3A = arith.constant 0 : i32
    %scan3A_3 = arith.constant 0 : i32
    %scan3A_4 = arith.constant 16 : i32
    %scan3A_5 = arith.addi %scan3A_3, %scan3A_4 : i32
    %scan3A_6 = arith.constant 1 : i32
    scf.for %scan3A_8 = %scan3A_3 to %scan3A_5 step %scan3A_6  : i32 {
      %mul3A_9 = arith.constant 128 : i32
      %mul3A_10 = arith.muli %scan3A_8, %mul3A_9 : i32
      %add3A_11 = arith.addi %mul3A_2, %mul3A_10 : i32
      "tpu.region"() ({
        %run_scoped3A = tpu.sem_alloc : memref<!tpu.dma_semaphore, #tpu.memory_space<semaphore_mem>>
        %dma_start3A_16 = tpu.memref_slice %arg3[%add3A_11] : memref<65536xi32, #tpu.memory_space<hbm>> -> memref<128xi32, #tpu.memory_space<hbm>>
        %dma_start3A_17 = tpu.memref_slice %arg3[%add3A_11] : memref<65536xi32, #tpu.memory_space<hbm>> -> memref<128xi32, #tpu.memory_space<hbm>>
        tpu.enqueue_dma source(%dma_start3A_17 : memref<128xi32, #tpu.memory_space<hbm>>) target(%arg5 : memref<128xi32, #tpu.memory_space<vmem>>) target_semaphore(%run_scoped3A : memref<!tpu.dma_semaphore, #tpu.memory_space<semaphore_mem>>)
        %dma_wait3A_18 = tpu.memref_slice %arg3[%add3A_11] : memref<65536xi32, #tpu.memory_space<hbm>> -> memref<128xi32, #tpu.memory_space<hbm>>
        %dma_wait3A_19 = tpu.memref_slice %arg3[%add3A_11] : memref<65536xi32, #tpu.memory_space<hbm>> -> memref<128xi32, #tpu.memory_space<hbm>>
        tpu.wait_dma2 semaphore(%run_scoped3A : memref<!tpu.dma_semaphore, #tpu.memory_space<semaphore_mem>>) src(%dma_wait3A_19 : memref<128xi32, #tpu.memory_space<hbm>>) dst(%arg5 : memref<128xi32, #tpu.memory_space<vmem>>)
        tpu.yield
      }) : () -> ()
      %dma_start3A = arith.constant 0 : i32
      %dma_start3A_12 = arith.constant 0 : i32
      %dma_start3A_13 = tpu.memref_slice %arg2[%dma_start3A, %dma_start3A_12] : memref<16384x128xf32, #tpu.memory_space<hbm>> -> memref<16384x128xf32, #tpu.memory_space<hbm>>
      tpu.enqueue_indirect_dma source(%dma_start3A_13 : memref<16384x128xf32, #tpu.memory_space<hbm>>) target(%arg6 : memref<128x128xf32, #tpu.memory_space<vmem>>) offsets(%arg5 : memref<128xi32, #tpu.memory_space<vmem>>) semaphore(%arg7 : memref<!tpu.dma_semaphore, #tpu.memory_space<semaphore_mem>>)
      %dma_wait3A = arith.constant 0 : i32
      %dma_wait3A_14 = arith.constant 0 : i32
      %dma_wait3A_15 = tpu.memref_slice %arg2[%dma_wait3A, %dma_wait3A_14] : memref<16384x128xf32, #tpu.memory_space<hbm>> -> memref<16384x128xf32, #tpu.memory_space<hbm>>
      tpu.wait_indirect_dma semaphore(%arg7 : memref<!tpu.dma_semaphore, #tpu.memory_space<semaphore_mem>>) src(%dma_wait3A_15 : memref<16384x128xf32, #tpu.memory_space<hbm>>) dst(%arg6 : memref<128x128xf32, #tpu.memory_space<vmem>>)
      "tpu.region"() ({
        %run_scoped3A = tpu.sem_alloc : memref<!tpu.dma_semaphore, #tpu.memory_space<semaphore_mem>>
        %dma_start3A_16 = arith.constant 0 : i32
        %dma_start3A_17 = tpu.memref_slice %arg4[%add3A_11, %dma_start3A_16] : memref<65536x128xf32, #tpu.memory_space<hbm>> -> memref<128x128xf32, #tpu.memory_space<hbm>>
        %dma_start3A_18 = arith.constant 0 : i32
        %dma_start3A_19 = tpu.memref_slice %arg4[%add3A_11, %dma_start3A_18] : memref<65536x128xf32, #tpu.memory_space<hbm>> -> memref<128x128xf32, #tpu.memory_space<hbm>>
        tpu.enqueue_dma source(%arg6 : memref<128x128xf32, #tpu.memory_space<vmem>>) target(%dma_start3A_19 : memref<128x128xf32, #tpu.memory_space<hbm>>) target_semaphore(%run_scoped3A : memref<!tpu.dma_semaphore, #tpu.memory_space<semaphore_mem>>)
        %dma_wait3A_20 = arith.constant 0 : i32
        %dma_wait3A_21 = tpu.memref_slice %arg4[%add3A_11, %dma_wait3A_20] : memref<65536x128xf32, #tpu.memory_space<hbm>> -> memref<128x128xf32, #tpu.memory_space<hbm>>
        %dma_wait3A_22 = arith.constant 0 : i32
        %dma_wait3A_23 = tpu.memref_slice %arg4[%add3A_11, %dma_wait3A_22] : memref<65536x128xf32, #tpu.memory_space<hbm>> -> memref<128x128xf32, #tpu.memory_space<hbm>>
        tpu.wait_dma2 semaphore(%run_scoped3A : memref<!tpu.dma_semaphore, #tpu.memory_space<semaphore_mem>>) src(%arg6 : memref<128x128xf32, #tpu.memory_space<vmem>>) dst(%dma_wait3A_23 : memref<128x128xf32, #tpu.memory_space<hbm>>)
        tpu.yield
      }) : () -> ()
    }
    %scan3A_7 = arith.constant 16 : i32
    return
  }
}

#map = affine_map<(d0, d1) -> (0, 0)>
#map1 = affine_map<(d0, d1) -> (0)>
module attributes {stable_mosaic.version = 14 : i64} {
  func.func @sc_gather(%arg0: i32, %arg1: i32, %arg2: memref<16384x128xf32, #tpu.memory_space<hbm>>, %arg3: memref<65536xi32, #tpu.memory_space<hbm>>, %arg4: memref<65536x128xf32, #tpu.memory_space<hbm>>, %arg5: memref<128xi32, #tpu.memory_space<vmem>>, %arg6: memref<128x128xf32, #tpu.memory_space<vmem>>, %arg7: memref<!tpu.dma_semaphore, #tpu.memory_space<semaphore_mem>>) attributes {dimension_semantics = [#tpu.dimension_semantics<core_parallel>, #tpu.dimension_semantics<subcore_parallel>], iteration_bounds = array<i64: 2, 16>, scalar_prefetch = 0 : i64, scratch_operands = 3 : i64, tpu.core_type = #tpu.core_type<sc_vector_subcore>, window_params = [{transform_indices = #map}, {transform_indices = #map1}, {transform_indices = #map}]} {
    %mul3A = arith.constant 2 : i32
    %mul3A_0 = arith.muli %arg1, %mul3A : i32
    %add3A = arith.addi %mul3A_0, %arg0 : i32
    %mul3A_1 = arith.constant 2048 : i32
    %mul3A_2 = arith.muli %add3A, %mul3A_1 : i32
    %scan3A = arith.constant 0 : i32
    %scan3A_3 = arith.constant 0 : i32
    %scan3A_4 = arith.constant 16 : i32
    %scan3A_5 = arith.addi %scan3A_3, %scan3A_4 : i32
    %scan3A_6 = arith.constant 1 : i32
    scf.for %scan3A_8 = %scan3A_3 to %scan3A_5 step %scan3A_6  : i32 {
      %mul3A_9 = arith.constant 128 : i32
      %mul3A_10 = arith.muli %scan3A_8, %mul3A_9 : i32
      %add3A_11 = arith.addi %mul3A_2, %mul3A_10 : i32
      "tpu.region"() ({
        %run_scoped3A = tpu.sem_alloc : memref<!tpu.dma_semaphore, #tpu.memory_space<semaphore_mem>>
        %dma_start3A_16 = tpu.memref_slice %arg3[%add3A_11] : memref<65536xi32, #tpu.memory_space<hbm>> -> memref<128xi32, #tpu.memory_space<hbm>>
        %dma_start3A_17 = tpu.memref_slice %arg3[%add3A_11] : memref<65536xi32, #tpu.memory_space<hbm>> -> memref<128xi32, #tpu.memory_space<hbm>>
        tpu.enqueue_dma source(%dma_start3A_17 : memref<128xi32, #tpu.memory_space<hbm>>) target(%arg5 : memref<128xi32, #tpu.memory_space<vmem>>) target_semaphore(%run_scoped3A : memref<!tpu.dma_semaphore, #tpu.memory_space<semaphore_mem>>)
        %dma_wait3A_18 = tpu.memref_slice %arg3[%add3A_11] : memref<65536xi32, #tpu.memory_space<hbm>> -> memref<128xi32, #tpu.memory_space<hbm>>
        %dma_wait3A_19 = tpu.memref_slice %arg3[%add3A_11] : memref<65536xi32, #tpu.memory_space<hbm>> -> memref<128xi32, #tpu.memory_space<hbm>>
        tpu.wait_dma2 semaphore(%run_scoped3A : memref<!tpu.dma_semaphore, #tpu.memory_space<semaphore_mem>>) src(%dma_wait3A_19 : memref<128xi32, #tpu.memory_space<hbm>>) dst(%arg5 : memref<128xi32, #tpu.memory_space<vmem>>)
        tpu.yield
      }) : () -> ()
      %dma_start3A = arith.constant 0 : i32
      %dma_start3A_12 = arith.constant 0 : i32
      %dma_start3A_13 = tpu.memref_slice %arg2[%dma_start3A, %dma_start3A_12] : memref<16384x128xf32, #tpu.memory_space<hbm>> -> memref<16384x128xf32, #tpu.memory_space<hbm>>
      tpu.enqueue_indirect_dma source(%dma_start3A_13 : memref<16384x128xf32, #tpu.memory_space<hbm>>) target(%arg6 : memref<128x128xf32, #tpu.memory_space<vmem>>) offsets(%arg5 : memref<128xi32, #tpu.memory_space<vmem>>) semaphore(%arg7 : memref<!tpu.dma_semaphore, #tpu.memory_space<semaphore_mem>>)
      %dma_wait3A = arith.constant 0 : i32
      %dma_wait3A_14 = arith.constant 0 : i32
      %dma_wait3A_15 = tpu.memref_slice %arg2[%dma_wait3A, %dma_wait3A_14] : memref<16384x128xf32, #tpu.memory_space<hbm>> -> memref<16384x128xf32, #tpu.memory_space<hbm>>
      tpu.wait_indirect_dma semaphore(%arg7 : memref<!tpu.dma_semaphore, #tpu.memory_space<semaphore_mem>>) src(%dma_wait3A_15 : memref<16384x128xf32, #tpu.memory_space<hbm>>) dst(%arg6 : memref<128x128xf32, #tpu.memory_space<vmem>>)
      "tpu.region"() ({
        %run_scoped3A = tpu.sem_alloc : memref<!tpu.dma_semaphore, #tpu.memory_space<semaphore_mem>>
        %dma_start3A_16 = arith.constant 0 : i32
        %dma_start3A_17 = tpu.memref_slice %arg4[%add3A_11, %dma_start3A_16] : memref<65536x128xf32, #tpu.memory_space<hbm>> -> memref<128x128xf32, #tpu.memory_space<hbm>>
        %dma_start3A_18 = arith.constant 0 : i32
        %dma_start3A_19 = tpu.memref_slice %arg4[%add3A_11, %dma_start3A_18] : memref<65536x128xf32, #tpu.memory_space<hbm>> -> memref<128x128xf32, #tpu.memory_space<hbm>>
        tpu.enqueue_dma source(%arg6 : memref<128x128xf32, #tpu.memory_space<vmem>>) target(%dma_start3A_19 : memref<128x128xf32, #tpu.memory_space<hbm>>) target_semaphore(%run_scoped3A : memref<!tpu.dma_semaphore, #tpu.memory_space<semaphore_mem>>)
        %dma_wait3A_20 = arith.constant 0 : i32
        %dma_wait3A_21 = tpu.memref_slice %arg4[%add3A_11, %dma_wait3A_20] : memref<65536x128xf32, #tpu.memory_space<hbm>> -> memref<128x128xf32, #tpu.memory_space<hbm>>
        %dma_wait3A_22 = arith.constant 0 : i32
        %dma_wait3A_23 = tpu.memref_slice %arg4[%add3A_11, %dma_wait3A_22] : memref<65536x128xf32, #tpu.memory_space<hbm>> -> memref<128x128xf32, #tpu.memory_space<hbm>>
        tpu.wait_dma2 semaphore(%run_scoped3A : memref<!tpu.dma_semaphore, #tpu.memory_space<semaphore_mem>>) src(%arg6 : memref<128x128xf32, #tpu.memory_space<vmem>>) dst(%dma_wait3A_23 : memref<128x128xf32, #tpu.memory_space<hbm>>)
        tpu.yield
      }) : () -> ()
    }
    %scan3A_7 = arith.constant 16 : i32
    return
  }
}

#map = affine_map<(d0, d1) -> (0, 0)>
#map1 = affine_map<(d0, d1) -> (0)>
module attributes {stable_mosaic.version = 14 : i64} {
  func.func @sc_gather(%arg0: i32, %arg1: i32, %arg2: memref<16384x128xf32, #tpu.memory_space<hbm>>, %arg3: memref<65536xi32, #tpu.memory_space<hbm>>, %arg4: memref<65536x128xf32, #tpu.memory_space<hbm>>, %arg5: memref<128xi32, #tpu.memory_space<vmem>>, %arg6: memref<128x128xf32, #tpu.memory_space<vmem>>, %arg7: memref<!tpu.dma_semaphore, #tpu.memory_space<semaphore_mem>>) attributes {dimension_semantics = [#tpu.dimension_semantics<core_parallel>, #tpu.dimension_semantics<subcore_parallel>], iteration_bounds = array<i64: 2, 16>, scalar_prefetch = 0 : i64, scratch_operands = 3 : i64, tpu.core_type = #tpu.core_type<sc_vector_subcore>, window_params = [{transform_indices = #map}, {transform_indices = #map1}, {transform_indices = #map}]} {
    %mul3A = arith.constant 2 : i32
    %mul3A_0 = arith.muli %arg1, %mul3A : i32
    %add3A = arith.addi %mul3A_0, %arg0 : i32
    %mul3A_1 = arith.constant 2048 : i32
    %mul3A_2 = arith.muli %add3A, %mul3A_1 : i32
    %scan3A = arith.constant 0 : i32
    %scan3A_3 = arith.constant 0 : i32
    %scan3A_4 = arith.constant 16 : i32
    %scan3A_5 = arith.addi %scan3A_3, %scan3A_4 : i32
    %scan3A_6 = arith.constant 1 : i32
    scf.for %scan3A_8 = %scan3A_3 to %scan3A_5 step %scan3A_6  : i32 {
      %mul3A_9 = arith.constant 128 : i32
      %mul3A_10 = arith.muli %scan3A_8, %mul3A_9 : i32
      %add3A_11 = arith.addi %mul3A_2, %mul3A_10 : i32
      "tpu.region"() ({
        %run_scoped3A = tpu.sem_alloc : memref<!tpu.dma_semaphore, #tpu.memory_space<semaphore_mem>>
        %dma_start3A_16 = tpu.memref_slice %arg3[%add3A_11] : memref<65536xi32, #tpu.memory_space<hbm>> -> memref<128xi32, #tpu.memory_space<hbm>>
        %dma_start3A_17 = tpu.memref_slice %arg3[%add3A_11] : memref<65536xi32, #tpu.memory_space<hbm>> -> memref<128xi32, #tpu.memory_space<hbm>>
        tpu.enqueue_dma source(%dma_start3A_17 : memref<128xi32, #tpu.memory_space<hbm>>) target(%arg5 : memref<128xi32, #tpu.memory_space<vmem>>) target_semaphore(%run_scoped3A : memref<!tpu.dma_semaphore, #tpu.memory_space<semaphore_mem>>)
        %dma_wait3A_18 = tpu.memref_slice %arg3[%add3A_11] : memref<65536xi32, #tpu.memory_space<hbm>> -> memref<128xi32, #tpu.memory_space<hbm>>
        %dma_wait3A_19 = tpu.memref_slice %arg3[%add3A_11] : memref<65536xi32, #tpu.memory_space<hbm>> -> memref<128xi32, #tpu.memory_space<hbm>>
        tpu.wait_dma2 semaphore(%run_scoped3A : memref<!tpu.dma_semaphore, #tpu.memory_space<semaphore_mem>>) src(%dma_wait3A_19 : memref<128xi32, #tpu.memory_space<hbm>>) dst(%arg5 : memref<128xi32, #tpu.memory_space<vmem>>)
        tpu.yield
      }) : () -> ()
      %dma_start3A = arith.constant 0 : i32
      %dma_start3A_12 = arith.constant 0 : i32
      %dma_start3A_13 = tpu.memref_slice %arg2[%dma_start3A, %dma_start3A_12] : memref<16384x128xf32, #tpu.memory_space<hbm>> -> memref<16384x128xf32, #tpu.memory_space<hbm>>
      tpu.enqueue_indirect_dma source(%dma_start3A_13 : memref<16384x128xf32, #tpu.memory_space<hbm>>) target(%arg6 : memref<128x128xf32, #tpu.memory_space<vmem>>) offsets(%arg5 : memref<128xi32, #tpu.memory_space<vmem>>) semaphore(%arg7 : memref<!tpu.dma_semaphore, #tpu.memory_space<semaphore_mem>>)
      %dma_wait3A = arith.constant 0 : i32
      %dma_wait3A_14 = arith.constant 0 : i32
      %dma_wait3A_15 = tpu.memref_slice %arg2[%dma_wait3A, %dma_wait3A_14] : memref<16384x128xf32, #tpu.memory_space<hbm>> -> memref<16384x128xf32, #tpu.memory_space<hbm>>
      tpu.wait_indirect_dma semaphore(%arg7 : memref<!tpu.dma_semaphore, #tpu.memory_space<semaphore_mem>>) src(%dma_wait3A_15 : memref<16384x128xf32, #tpu.memory_space<hbm>>) dst(%arg6 : memref<128x128xf32, #tpu.memory_space<vmem>>)
      "tpu.region"() ({
        %run_scoped3A = tpu.sem_alloc : memref<!tpu.dma_semaphore, #tpu.memory_space<semaphore_mem>>
        %dma_start3A_16 = arith.constant 0 : i32
        %dma_start3A_17 = tpu.memref_slice %arg4[%add3A_11, %dma_start3A_16] : memref<65536x128xf32, #tpu.memory_space<hbm>> -> memref<128x128xf32, #tpu.memory_space<hbm>>
        %dma_start3A_18 = arith.constant 0 : i32
        %dma_start3A_19 = tpu.memref_slice %arg4[%add3A_11, %dma_start3A_18] : memref<65536x128xf32, #tpu.memory_space<hbm>> -> memref<128x128xf32, #tpu.memory_space<hbm>>
        tpu.enqueue_dma source(%arg6 : memref<128x128xf32, #tpu.memory_space<vmem>>) target(%dma_start3A_19 : memref<128x128xf32, #tpu.memory_space<hbm>>) target_semaphore(%run_scoped3A : memref<!tpu.dma_semaphore, #tpu.memory_space<semaphore_mem>>)
        %dma_wait3A_20 = arith.constant 0 : i32
        %dma_wait3A_21 = tpu.memref_slice %arg4[%add3A_11, %dma_wait3A_20] : memref<65536x128xf32, #tpu.memory_space<hbm>> -> memref<128x128xf32, #tpu.memory_space<hbm>>
        %dma_wait3A_22 = arith.constant 0 : i32
        %dma_wait3A_23 = tpu.memref_slice %arg4[%add3A_11, %dma_wait3A_22] : memref<65536x128xf32, #tpu.memory_space<hbm>> -> memref<128x128xf32, #tpu.memory_space<hbm>>
        tpu.wait_dma2 semaphore(%run_scoped3A : memref<!tpu.dma_semaphore, #tpu.memory_space<semaphore_mem>>) src(%arg6 : memref<128x128xf32, #tpu.memory_space<vmem>>) dst(%dma_wait3A_23 : memref<128x128xf32, #tpu.memory_space<hbm>>)
        tpu.yield
      }) : () -> ()
    }
    %scan3A_7 = arith.constant 16 : i32
    return
  }
}

module attributes {stable_mosaic.version = 14 : i64} {
  func.func @_topk_kernel(%arg0: i32, %arg1: i32, %arg2: memref<1x3x2048xf32, #tpu.memory_space<vmem>>, %arg3: memref<1x17x256xi32, #tpu.memory_space<vmem>>) attributes {dimension_semantics = [#tpu.dimension_semantics<parallel>, #tpu.dimension_semantics<parallel>], iteration_bounds = array<i64: 2, 8>, scalar_prefetch = 0 : i64, scratch_operands = 0 : i64, tpu.core_type = #tpu.core_type<tc>, window_params = [{transform_indices = @transform_0, window_bounds = array<i64: 1, 3, 2048>}, {transform_indices = @transform_1, window_bounds = array<i64: 1, 17, 256>}]} {
    %add3A = arith.constant 0 : i32
    %add3A_0 = arith.addi %arg0, %add3A : i32
    %get3A = arith.constant 0 : index
    %get3A_1 = arith.constant 0 : index
    %get3A_2 = arith.constant 0 : index
    %get3A_3 = vector.load %arg2[%get3A, %get3A_1, %get3A_2] : memref<1x3x2048xf32, #tpu.memory_space<vmem>>, vector<1x3x2048xf32>
    %get3A_4 = vector.shape_cast %get3A_3 : vector<1x3x2048xf32> to vector<3x2048xf32>
    %mul3A = arith.constant 256 : i32
    %mul3A_5 = arith.muli %arg1, %mul3A : i32
    %get3A_6 = arith.constant 0 : index
    %get3A_7 = arith.constant 0 : index
    %get3A_8 = arith.index_cast %mul3A_5 : i32 to index
    %get3A_9 = vector.load %arg2[%get3A_6, %get3A_7, %get3A_8] : memref<1x3x2048xf32, #tpu.memory_space<vmem>>, vector<1x3x256xf32>
    %get3A_10 = vector.shape_cast %get3A_9 : vector<1x3x256xf32> to vector<3x256xf32>
    %mul3A_11 = arith.mulf %get3A_4, %get3A_4 : vector<3x2048xf32>
    %reduce_sum3A = arith.constant dense<0.000000e+00> : vector<2048xf32>
    %reduce_sum3A_12 = vector.multi_reduction <add>, %mul3A_11, %reduce_sum3A [0] : vector<3x2048xf32> to vector<2048xf32>
    %broadcast_in_dim3A = vector.shape_cast %reduce_sum3A_12 : vector<2048xf32> to vector<1x2048xf32>
    %mul3A_13 = arith.mulf %get3A_10, %get3A_10 : vector<3x256xf32>
    %reduce_sum3A_14 = arith.constant dense<0.000000e+00> : vector<256xf32>
    %reduce_sum3A_15 = vector.multi_reduction <add>, %mul3A_13, %reduce_sum3A_14 [0] : vector<3x256xf32> to vector<256xf32>
    %dot_general3A = arith.constant dense<0.000000e+00> : vector<256x2048xf32>
    %dot_general3A_16 = tpu.matmul %get3A_10, %get3A_4, %dot_general3A {dimension_numbers = #tpu.dot_dimension_numbers<[0], [0], [1], [1], [0, 1, 1, 1], [], []>, transpose_lhs_hint = false} : vector<3x256xf32>, vector<3x2048xf32>, vector<256x2048xf32> -> vector<256x2048xf32>
    %mul3A_17 = arith.constant -2.000000e+00 : f32
    %mul3A_18 = vector.broadcast %mul3A_17 : f32 to vector<256x2048xf32>
    %mul3A_19 = arith.mulf %mul3A_18, %dot_general3A_16 : vector<256x2048xf32>
    %broadcast_in_dim3A_20 = vector.shape_cast %reduce_sum3A_15 : vector<256xf32> to vector<256x1xf32>
    %add3A_21 = vector.broadcast %broadcast_in_dim3A_20 : vector<256x1xf32> to vector<256x2048xf32>
    %add3A_22 = arith.addf %mul3A_19, %add3A_21 : vector<256x2048xf32>
    %add3A_23 = vector.broadcast %broadcast_in_dim3A : vector<1x2048xf32> to vector<256x2048xf32>
    %add3A_24 = arith.addf %add3A_22, %add3A_23 : vector<256x2048xf32>
    %jit3A = arith.constant 9.99999996E-13 : f32
    %max3A = vector.broadcast %jit3A : f32 to vector<256x2048xf32>
    %max3A_25 = arith.maximumf %max3A, %add3A_24 : vector<256x2048xf32>
    %iota3A = tpu.iota {dimensions = array<i32: 1>} : vector<256x2048xi32>
    %reduce_min3A = arith.constant dense<0x7F800000> : vector<256xf32>
    %reduce_min3A_26 = vector.multi_reduction <minimumf>, %max3A_25, %reduce_min3A [1] : vector<256x2048xf32> to vector<256xf32>
    %broadcast_in_dim3A_27 = vector.shape_cast %reduce_min3A_26 : vector<256xf32> to vector<256x1xf32>
    %eq3A = vector.broadcast %broadcast_in_dim3A_27 : vector<256x1xf32> to vector<256x2048xf32>
    %eq3A_28 = arith.cmpf oeq, %max3A_25, %eq3A : vector<256x2048xf32>
    %jit3A_29 = arith.constant 2048 : i32
    %broadcast_in_dim3A_30 = vector.broadcast %jit3A_29 : i32 to vector<256x2048xi32>
    %select_n3A = arith.select %eq3A_28, %iota3A, %broadcast_in_dim3A_30 : vector<256x2048xi1>, vector<256x2048xi32>
    %reduce_min3A_31 = arith.constant dense<2147483647> : vector<256xi32>
    %reduce_min3A_32 = vector.multi_reduction <minsi>, %select_n3A, %reduce_min3A_31 [1] : vector<256x2048xi32> to vector<256xi32>
    %broadcast_in_dim3A_33 = vector.shape_cast %reduce_min3A_32 : vector<256xi32> to vector<256x1xi32>
    %squeeze3A = vector.shape_cast %broadcast_in_dim3A_33 : vector<256x1xi32> to vector<256xi32>
    %mul3A_34 = arith.constant 2048 : i32
    %mul3A_35 = arith.muli %add3A_0, %mul3A_34 : i32
    %add3A_36 = vector.broadcast %mul3A_35 : i32 to vector<256xi32>
    %add3A_37 = arith.addi %squeeze3A, %add3A_36 : vector<256xi32>
    %swap3A = arith.constant 0 : index
    %swap3A_38 = arith.constant 0 : index
    %swap3A_39 = arith.constant 0 : index
    %swap3A_40 = vector.load %arg3[%swap3A, %swap3A_38, %swap3A_39] : memref<1x17x256xi32, #tpu.memory_space<vmem>>, vector<1x1x256xi32>
    %swap3A_41 = vector.shape_cast %swap3A_40 : vector<1x1x256xi32> to vector<256xi32>
    %swap3A_42 = vector.shape_cast %add3A_37 : vector<256xi32> to vector<1x1x256xi32>
    tpu.vector_store %arg3[%swap3A, %swap3A_38, %swap3A_39], %swap3A_42 {strides = array<i32>} : memref<1x17x256xi32, #tpu.memory_space<vmem>>, vector<1x1x256xi32>,
    %eq3A_43 = vector.broadcast %broadcast_in_dim3A_33 : vector<256x1xi32> to vector<256x2048xi32>
    %eq3A_44 = arith.cmpi eq, %iota3A, %eq3A_43 : vector<256x2048xi32>
    %jit3A_45 = arith.constant 0x7F800000 : f32
    %broadcast_in_dim3A_46 = vector.broadcast %jit3A_45 : f32 to vector<256x2048xf32>
    %select_n3A_47 = arith.select %eq3A_44, %broadcast_in_dim3A_46, %max3A_25 : vector<256x2048xi1>, vector<256x2048xf32>
    %reduce_min3A_48 = arith.constant dense<0x7F800000> : vector<256xf32>
    %reduce_min3A_49 = vector.multi_reduction <minimumf>, %select_n3A_47, %reduce_min3A_48 [1] : vector<256x2048xf32> to vector<256xf32>
    %broadcast_in_dim3A_50 = vector.shape_cast %reduce_min3A_49 : vector<256xf32> to vector<256x1xf32>
    %eq3A_51 = vector.broadcast %broadcast_in_dim3A_50 : vector<256x1xf32> to vector<256x2048xf32>
    %eq3A_52 = arith.cmpf oeq, %select_n3A_47, %eq3A_51 : vector<256x2048xf32>
    %jit3A_53 = arith.constant 2048 : i32
    %broadcast_in_dim3A_54 = vector.broadcast %jit3A_53 : i32 to vector<256x2048xi32>
    %select_n3A_55 = arith.select %eq3A_52, %iota3A, %broadcast_in_dim3A_54 : vector<256x2048xi1>, vector<256x2048xi32>
    %reduce_min3A_56 = arith.constant dense<2147483647> : vector<256xi32>
    %reduce_min3A_57 = vector.multi_reduction <minsi>, %select_n3A_55, %reduce_min3A_56 [1] : vector<256x2048xi32> to vector<256xi32>
    %broadcast_in_dim3A_58 = vector.shape_cast %reduce_min3A_57 : vector<256xi32> to vector<256x1xi32>
    %squeeze3A_59 = vector.shape_cast %broadcast_in_dim3A_58 : vector<256x1xi32> to vector<256xi32>
    %mul3A_60 = arith.constant 2048 : i32
    %mul3A_61 = arith.muli %add3A_0, %mul3A_60 : i32
    %add3A_62 = vector.broadcast %mul3A_61 : i32 to vector<256xi32>
    %add3A_63 = arith.addi %squeeze3A_59, %add3A_62 : vector<256xi32>
    %swap3A_64 = arith.constant 0 : index
    %swap3A_65 = arith.constant 1 : index
    %swap3A_66 = arith.constant 0 : index
    %swap3A_67 = vector.load %arg3[%swap3A_64, %swap3A_65, %swap3A_66] : memref<1x17x256xi32, #tpu.memory_space<vmem>>, vector<1x1x256xi32>
    %swap3A_68 = vector.shape_cast %swap3A_67 : vector<1x1x256xi32> to vector<256xi32>
    %swap3A_69 = vector.shape_cast %add3A_63 : vector<256xi32> to vector<1x1x256xi32>
    tpu.vector_store %arg3[%swap3A_64, %swap3A_65, %swap3A_66], %swap3A_69 {strides = array<i32>} : memref<1x17x256xi32, #tpu.memory_space<vmem>>, vector<1x1x256xi32>,
    %eq3A_70 = vector.broadcast %broadcast_in_dim3A_58 : vector<256x1xi32> to vector<256x2048xi32>
    %eq3A_71 = arith.cmpi eq, %iota3A, %eq3A_70 : vector<256x2048xi32>
    %jit3A_72 = arith.constant 0x7F800000 : f32
    %broadcast_in_dim3A_73 = vector.broadcast %jit3A_72 : f32 to vector<256x2048xf32>
    %select_n3A_74 = arith.select %eq3A_71, %broadcast_in_dim3A_73, %select_n3A_47 : vector<256x2048xi1>, vector<256x2048xf32>
    %reduce_min3A_75 = arith.constant dense<0x7F800000> : vector<256xf32>
    %reduce_min3A_76 = vector.multi_reduction <minimumf>, %select_n3A_74, %reduce_min3A_75 [1] : vector<256x2048xf32> to vector<256xf32>
    %broadcast_in_dim3A_77 = vector.shape_cast %reduce_min3A_76 : vector<256xf32> to vector<256x1xf32>
    %eq3A_78 = vector.broadcast %broadcast_in_dim3A_77 : vector<256x1xf32> to vector<256x2048xf32>
    %eq3A_79 = arith.cmpf oeq, %select_n3A_74, %eq3A_78 : vector<256x2048xf32>
    %jit3A_80 = arith.constant 2048 : i32
    %broadcast_in_dim3A_81 = vector.broadcast %jit3A_80 : i32 to vector<256x2048xi32>
    %select_n3A_82 = arith.select %eq3A_79, %iota3A, %broadcast_in_dim3A_81 : vector<256x2048xi1>, vector<256x2048xi32>
    %reduce_min3A_83 = arith.constant dense<2147483647> : vector<256xi32>
    %reduce_min3A_84 = vector.multi_reduction <minsi>, %select_n3A_82, %reduce_min3A_83 [1] : vector<256x2048xi32> to vector<256xi32>
    %broadcast_in_dim3A_85 = vector.shape_cast %reduce_min3A_84 : vector<256xi32> to vector<256x1xi32>
    %squeeze3A_86 = vector.shape_cast %broadcast_in_dim3A_85 : vector<256x1xi32> to vector<256xi32>
    %mul3A_87 = arith.constant 2048 : i32
    %mul3A_88 = arith.muli %add3A_0, %mul3A_87 : i32
    %add3A_89 = vector.broadcast %mul3A_88 : i32 to vector<256xi32>
    %add3A_90 = arith.addi %squeeze3A_86, %add3A_89 : vector<256xi32>
    %swap3A_91 = arith.constant 0 : index
    %swap3A_92 = arith.constant 2 : index
    %swap3A_93 = arith.constant 0 : index
    %swap3A_94 = vector.load %arg3[%swap3A_91, %swap3A_92, %swap3A_93] : memref<1x17x256xi32, #tpu.memory_space<vmem>>, vector<1x1x256xi32>
    %swap3A_95 = vector.shape_cast %swap3A_94 : vector<1x1x256xi32> to vector<256xi32>
    %swap3A_96 = vector.shape_cast %add3A_90 : vector<256xi32> to vector<1x1x256xi32>
    tpu.vector_store %arg3[%swap3A_91, %swap3A_92, %swap3A_93], %swap3A_96 {strides = array<i32>} : memref<1x17x256xi32, #tpu.memory_space<vmem>>, vector<1x1x256xi32>,
    %eq3A_97 = vector.broadcast %broadcast_in_dim3A_85 : vector<256x1xi32> to vector<256x2048xi32>
    %eq3A_98 = arith.cmpi eq, %iota3A, %eq3A_97 : vector<256x2048xi32>
    %jit3A_99 = arith.constant 0x7F800000 : f32
    %broadcast_in_dim3A_100 = vector.broadcast %jit3A_99 : f32 to vector<256x2048xf32>
    %select_n3A_101 = arith.select %eq3A_98, %broadcast_in_dim3A_100, %select_n3A_74 : vector<256x2048xi1>, vector<256x2048xf32>
    %reduce_min3A_102 = arith.constant dense<0x7F800000> : vector<256xf32>
    %reduce_min3A_103 = vector.multi_reduction <minimumf>, %select_n3A_101, %reduce_min3A_102 [1] : vector<256x2048xf32> to vector<256xf32>
    %broadcast_in_dim3A_104 = vector.shape_cast %reduce_min3A_103 : vector<256xf32> to vector<256x1xf32>
    %eq3A_105 = vector.broadcast %broadcast_in_dim3A_104 : vector<256x1xf32> to vector<256x2048xf32>
    %eq3A_106 = arith.cmpf oeq, %select_n3A_101, %eq3A_105 : vector<256x2048xf32>
    %jit3A_107 = arith.constant 2048 : i32
    %broadcast_in_dim3A_108 = vector.broadcast %jit3A_107 : i32 to vector<256x2048xi32>
    %select_n3A_109 = arith.select %eq3A_106, %iota3A, %broadcast_in_dim3A_108 : vector<256x2048xi1>, vector<256x2048xi32>
    %reduce_min3A_110 = arith.constant dense<2147483647> : vector<256xi32>
    %reduce_min3A_111 = vector.multi_reduction <minsi>, %select_n3A_109, %reduce_min3A_110 [1] : vector<256x2048xi32> to vector<256xi32>
    %broadcast_in_dim3A_112 = vector.shape_cast %reduce_min3A_111 : vector<256xi32> to vector<256x1xi32>
    %squeeze3A_113 = vector.shape_cast %broadcast_in_dim3A_112 : vector<256x1xi32> to vector<256xi32>
    %mul3A_114 = arith.constant 2048 : i32
    %mul3A_115 = arith.muli %add3A_0, %mul3A_114 : i32
    %add3A_116 = vector.broadcast %mul3A_115 : i32 to vector<256xi32>
    %add3A_117 = arith.addi %squeeze3A_113, %add3A_116 : vector<256xi32>
    %swap3A_118 = arith.constant 0 : index
    %swap3A_119 = arith.constant 3 : index
    %swap3A_120 = arith.constant 0 : index
    %swap3A_121 = vector.load %arg3[%swap3A_118, %swap3A_119, %swap3A_120] : memref<1x17x256xi32, #tpu.memory_space<vmem>>, vector<1x1x256xi32>
    %swap3A_122 = vector.shape_cast %swap3A_121 : vector<1x1x256xi32> to vector<256xi32>
    %swap3A_123 = vector.shape_cast %add3A_117 : vector<256xi32> to vector<1x1x256xi32>
    tpu.vector_store %arg3[%swap3A_118, %swap3A_119, %swap3A_120], %swap3A_123 {strides = array<i32>} : memref<1x17x256xi32, #tpu.memory_space<vmem>>, vector<1x1x256xi32>,
    %eq3A_124 = vector.broadcast %broadcast_in_dim3A_112 : vector<256x1xi32> to vector<256x2048xi32>
    %eq3A_125 = arith.cmpi eq, %iota3A, %eq3A_124 : vector<256x2048xi32>
    %jit3A_126 = arith.constant 0x7F800000 : f32
    %broadcast_in_dim3A_127 = vector.broadcast %jit3A_126 : f32 to vector<256x2048xf32>
    %select_n3A_128 = arith.select %eq3A_125, %broadcast_in_dim3A_127, %select_n3A_101 : vector<256x2048xi1>, vector<256x2048xf32>
    %reduce_min3A_129 = arith.constant dense<0x7F800000> : vector<256xf32>
    %reduce_min3A_130 = vector.multi_reduction <minimumf>, %select_n3A_128, %reduce_min3A_129 [1] : vector<256x2048xf32> to vector<256xf32>
    %broadcast_in_dim3A_131 = vector.shape_cast %reduce_min3A_130 : vector<256xf32> to vector<256x1xf32>
    %eq3A_132 = vector.broadcast %broadcast_in_dim3A_131 : vector<256x1xf32> to vector<256x2048xf32>
    %eq3A_133 = arith.cmpf oeq, %select_n3A_128, %eq3A_132 : vector<256x2048xf32>
    %jit3A_134 = arith.constant 2048 : i32
    %broadcast_in_dim3A_135 = vector.broadcast %jit3A_134 : i32 to vector<256x2048xi32>
    %select_n3A_136 = arith.select %eq3A_133, %iota3A, %broadcast_in_dim3A_135 : vector<256x2048xi1>, vector<256x2048xi32>
    %reduce_min3A_137 = arith.constant dense<2147483647> : vector<256xi32>
    %reduce_min3A_138 = vector.multi_reduction <minsi>, %select_n3A_136, %reduce_min3A_137 [1] : vector<256x2048xi32> to vector<256xi32>
    %broadcast_in_dim3A_139 = vector.shape_cast %reduce_min3A_138 : vector<256xi32> to vector<256x1xi32>
    %squeeze3A_140 = vector.shape_cast %broadcast_in_dim3A_139 : vector<256x1xi32> to vector<256xi32>
    %mul3A_141 = arith.constant 2048 : i32
    %mul3A_142 = arith.muli %add3A_0, %mul3A_141 : i32
    %add3A_143 = vector.broadcast %mul3A_142 : i32 to vector<256xi32>
    %add3A_144 = arith.addi %squeeze3A_140, %add3A_143 : vector<256xi32>
    %swap3A_145 = arith.constant 0 : index
    %swap3A_146 = arith.constant 4 : index
    %swap3A_147 = arith.constant 0 : index
    %swap3A_148 = vector.load %arg3[%swap3A_145, %swap3A_146, %swap3A_147] : memref<1x17x256xi32, #tpu.memory_space<vmem>>, vector<1x1x256xi32>
    %swap3A_149 = vector.shape_cast %swap3A_148 : vector<1x1x256xi32> to vector<256xi32>
    %swap3A_150 = vector.shape_cast %add3A_144 : vector<256xi32> to vector<1x1x256xi32>
    tpu.vector_store %arg3[%swap3A_145, %swap3A_146, %swap3A_147], %swap3A_150 {strides = array<i32>} : memref<1x17x256xi32, #tpu.memory_space<vmem>>, vector<1x1x256xi32>,
    %eq3A_151 = vector.broadcast %broadcast_in_dim3A_139 : vector<256x1xi32> to vector<256x2048xi32>
    %eq3A_152 = arith.cmpi eq, %iota3A, %eq3A_151 : vector<256x2048xi32>
    %jit3A_153 = arith.constant 0x7F800000 : f32
    %broadcast_in_dim3A_154 = vector.broadcast %jit3A_153 : f32 to vector<256x2048xf32>
    %select_n3A_155 = arith.select %eq3A_152, %broadcast_in_dim3A_154, %select_n3A_128 : vector<256x2048xi1>, vector<256x2048xf32>
    %reduce_min3A_156 = arith.constant dense<0x7F800000> : vector<256xf32>
    %reduce_min3A_157 = vector.multi_reduction <minimumf>, %select_n3A_155, %reduce_min3A_156 [1] : vector<256x2048xf32> to vector<256xf32>
    %broadcast_in_dim3A_158 = vector.shape_cast %reduce_min3A_157 : vector<256xf32> to vector<256x1xf32>
    %eq3A_159 = vector.broadcast %broadcast_in_dim3A_158 : vector<256x1xf32> to vector<256x2048xf32>
    %eq3A_160 = arith.cmpf oeq, %select_n3A_155, %eq3A_159 : vector<256x2048xf32>
    %jit3A_161 = arith.constant 2048 : i32
    %broadcast_in_dim3A_162 = vector.broadcast %jit3A_161 : i32 to vector<256x2048xi32>
    %select_n3A_163 = arith.select %eq3A_160, %iota3A, %broadcast_in_dim3A_162 : vector<256x2048xi1>, vector<256x2048xi32>
    %reduce_min3A_164 = arith.constant dense<2147483647> : vector<256xi32>
    %reduce_min3A_165 = vector.multi_reduction <minsi>, %select_n3A_163, %reduce_min3A_164 [1] : vector<256x2048xi32> to vector<256xi32>
    %broadcast_in_dim3A_166 = vector.shape_cast %reduce_min3A_165 : vector<256xi32> to vector<256x1xi32>
    %squeeze3A_167 = vector.shape_cast %broadcast_in_dim3A_166 : vector<256x1xi32> to vector<256xi32>
    %mul3A_168 = arith.constant 2048 : i32
    %mul3A_169 = arith.muli %add3A_0, %mul3A_168 : i32
    %add3A_170 = vector.broadcast %mul3A_169 : i32 to vector<256xi32>
    %add3A_171 = arith.addi %squeeze3A_167, %add3A_170 : vector<256xi32>
    %swap3A_172 = arith.constant 0 : index
    %swap3A_173 = arith.constant 5 : index
    %swap3A_174 = arith.constant 0 : index
    %swap3A_175 = vector.load %arg3[%swap3A_172, %swap3A_173, %swap3A_174] : memref<1x17x256xi32, #tpu.memory_space<vmem>>, vector<1x1x256xi32>
    %swap3A_176 = vector.shape_cast %swap3A_175 : vector<1x1x256xi32> to vector<256xi32>
    %swap3A_177 = vector.shape_cast %add3A_171 : vector<256xi32> to vector<1x1x256xi32>
    tpu.vector_store %arg3[%swap3A_172, %swap3A_173, %swap3A_174], %swap3A_177 {strides = array<i32>} : memref<1x17x256xi32, #tpu.memory_space<vmem>>, vector<1x1x256xi32>,
    %eq3A_178 = vector.broadcast %broadcast_in_dim3A_166 : vector<256x1xi32> to vector<256x2048xi32>
    %eq3A_179 = arith.cmpi eq, %iota3A, %eq3A_178 : vector<256x2048xi32>
    %jit3A_180 = arith.constant 0x7F800000 : f32
    %broadcast_in_dim3A_181 = vector.broadcast %jit3A_180 : f32 to vector<256x2048xf32>
    %select_n3A_182 = arith.select %eq3A_179, %broadcast_in_dim3A_181, %select_n3A_155 : vector<256x2048xi1>, vector<256x2048xf32>
    %reduce_min3A_183 = arith.constant dense<0x7F800000> : vector<256xf32>
    %reduce_min3A_184 = vector.multi_reduction <minimumf>, %select_n3A_182, %reduce_min3A_183 [1] : vector<256x2048xf32> to vector<256xf32>
    %broadcast_in_dim3A_185 = vector.shape_cast %reduce_min3A_184 : vector<256xf32> to vector<256x1xf32>
    %eq3A_186 = vector.broadcast %broadcast_in_dim3A_185 : vector<256x1xf32> to vector<256x2048xf32>
    %eq3A_187 = arith.cmpf oeq, %select_n3A_182, %eq3A_186 : vector<256x2048xf32>
    %jit3A_188 = arith.constant 2048 : i32
    %broadcast_in_dim3A_189 = vector.broadcast %jit3A_188 : i32 to vector<256x2048xi32>
    %select_n3A_190 = arith.select %eq3A_187, %iota3A, %broadcast_in_dim3A_189 : vector<256x2048xi1>, vector<256x2048xi32>
    %reduce_min3A_191 = arith.constant dense<2147483647> : vector<256xi32>
    %reduce_min3A_192 = vector.multi_reduction <minsi>, %select_n3A_190, %reduce_min3A_191 [1] : vector<256x2048xi32> to vector<256xi32>
    %broadcast_in_dim3A_193 = vector.shape_cast %reduce_min3A_192 : vector<256xi32> to vector<256x1xi32>
    %squeeze3A_194 = vector.shape_cast %broadcast_in_dim3A_193 : vector<256x1xi32> to vector<256xi32>
    %mul3A_195 = arith.constant 2048 : i32
    %mul3A_196 = arith.muli %add3A_0, %mul3A_195 : i32
    %add3A_197 = vector.broadcast %mul3A_196 : i32 to vector<256xi32>
    %add3A_198 = arith.addi %squeeze3A_194, %add3A_197 : vector<256xi32>
    %swap3A_199 = arith.constant 0 : index
    %swap3A_200 = arith.constant 6 : index
    %swap3A_201 = arith.constant 0 : index
    %swap3A_202 = vector.load %arg3[%swap3A_199, %swap3A_200, %swap3A_201] : memref<1x17x256xi32, #tpu.memory_space<vmem>>, vector<1x1x256xi32>
    %swap3A_203 = vector.shape_cast %swap3A_202 : vector<1x1x256xi32> to vector<256xi32>
    %swap3A_204 = vector.shape_cast %add3A_198 : vector<256xi32> to vector<1x1x256xi32>
    tpu.vector_store %arg3[%swap3A_199, %swap3A_200, %swap3A_201], %swap3A_204 {strides = array<i32>} : memref<1x17x256xi32, #tpu.memory_space<vmem>>, vector<1x1x256xi32>,
    %eq3A_205 = vector.broadcast %broadcast_in_dim3A_193 : vector<256x1xi32> to vector<256x2048xi32>
    %eq3A_206 = arith.cmpi eq, %iota3A, %eq3A_205 : vector<256x2048xi32>
    %jit3A_207 = arith.constant 0x7F800000 : f32
    %broadcast_in_dim3A_208 = vector.broadcast %jit3A_207 : f32 to vector<256x2048xf32>
    %select_n3A_209 = arith.select %eq3A_206, %broadcast_in_dim3A_208, %select_n3A_182 : vector<256x2048xi1>, vector<256x2048xf32>
    %reduce_min3A_210 = arith.constant dense<0x7F800000> : vector<256xf32>
    %reduce_min3A_211 = vector.multi_reduction <minimumf>, %select_n3A_209, %reduce_min3A_210 [1] : vector<256x2048xf32> to vector<256xf32>
    %broadcast_in_dim3A_212 = vector.shape_cast %reduce_min3A_211 : vector<256xf32> to vector<256x1xf32>
    %eq3A_213 = vector.broadcast %broadcast_in_dim3A_212 : vector<256x1xf32> to vector<256x2048xf32>
    %eq3A_214 = arith.cmpf oeq, %select_n3A_209, %eq3A_213 : vector<256x2048xf32>
    %jit3A_215 = arith.constant 2048 : i32
    %broadcast_in_dim3A_216 = vector.broadcast %jit3A_215 : i32 to vector<256x2048xi32>
    %select_n3A_217 = arith.select %eq3A_214, %iota3A, %broadcast_in_dim3A_216 : vector<256x2048xi1>, vector<256x2048xi32>
    %reduce_min3A_218 = arith.constant dense<2147483647> : vector<256xi32>
    %reduce_min3A_219 = vector.multi_reduction <minsi>, %select_n3A_217, %reduce_min3A_218 [1] : vector<256x2048xi32> to vector<256xi32>
    %broadcast_in_dim3A_220 = vector.shape_cast %reduce_min3A_219 : vector<256xi32> to vector<256x1xi32>
    %squeeze3A_221 = vector.shape_cast %broadcast_in_dim3A_220 : vector<256x1xi32> to vector<256xi32>
    %mul3A_222 = arith.constant 2048 : i32
    %mul3A_223 = arith.muli %add3A_0, %mul3A_222 : i32
    %add3A_224 = vector.broadcast %mul3A_223 : i32 to vector<256xi32>
    %add3A_225 = arith.addi %squeeze3A_221, %add3A_224 : vector<256xi32>
    %swap3A_226 = arith.constant 0 : index
    %swap3A_227 = arith.constant 7 : index
    %swap3A_228 = arith.constant 0 : index
    %swap3A_229 = vector.load %arg3[%swap3A_226, %swap3A_227, %swap3A_228] : memref<1x17x256xi32, #tpu.memory_space<vmem>>, vector<1x1x256xi32>
    %swap3A_230 = vector.shape_cast %swap3A_229 : vector<1x1x256xi32> to vector<256xi32>
    %swap3A_231 = vector.shape_cast %add3A_225 : vector<256xi32> to vector<1x1x256xi32>
    tpu.vector_store %arg3[%swap3A_226, %swap3A_227, %swap3A_228], %swap3A_231 {strides = array<i32>} : memref<1x17x256xi32, #tpu.memory_space<vmem>>, vector<1x1x256xi32>,
    %eq3A_232 = vector.broadcast %broadcast_in_dim3A_220 : vector<256x1xi32> to vector<256x2048xi32>
    %eq3A_233 = arith.cmpi eq, %iota3A, %eq3A_232 : vector<256x2048xi32>
    %jit3A_234 = arith.constant 0x7F800000 : f32
    %broadcast_in_dim3A_235 = vector.broadcast %jit3A_234 : f32 to vector<256x2048xf32>
    %select_n3A_236 = arith.select %eq3A_233, %broadcast_in_dim3A_235, %select_n3A_209 : vector<256x2048xi1>, vector<256x2048xf32>
    %reduce_min3A_237 = arith.constant dense<0x7F800000> : vector<256xf32>
    %reduce_min3A_238 = vector.multi_reduction <minimumf>, %select_n3A_236, %reduce_min3A_237 [1] : vector<256x2048xf32> to vector<256xf32>
    %broadcast_in_dim3A_239 = vector.shape_cast %reduce_min3A_238 : vector<256xf32> to vector<256x1xf32>
    %eq3A_240 = vector.broadcast %broadcast_in_dim3A_239 : vector<256x1xf32> to vector<256x2048xf32>
    %eq3A_241 = arith.cmpf oeq, %select_n3A_236, %eq3A_240 : vector<256x2048xf32>
    %jit3A_242 = arith.constant 2048 : i32
    %broadcast_in_dim3A_243 = vector.broadcast %jit3A_242 : i32 to vector<256x2048xi32>
    %select_n3A_244 = arith.select %eq3A_241, %iota3A, %broadcast_in_dim3A_243 : vector<256x2048xi1>, vector<256x2048xi32>
    %reduce_min3A_245 = arith.constant dense<2147483647> : vector<256xi32>
    %reduce_min3A_246 = vector.multi_reduction <minsi>, %select_n3A_244, %reduce_min3A_245 [1] : vector<256x2048xi32> to vector<256xi32>
    %broadcast_in_dim3A_247 = vector.shape_cast %reduce_min3A_246 : vector<256xi32> to vector<256x1xi32>
    %squeeze3A_248 = vector.shape_cast %broadcast_in_dim3A_247 : vector<256x1xi32> to vector<256xi32>
    %mul3A_249 = arith.constant 2048 : i32
    %mul3A_250 = arith.muli %add3A_0, %mul3A_249 : i32
    %add3A_251 = vector.broadcast %mul3A_250 : i32 to vector<256xi32>
    %add3A_252 = arith.addi %squeeze3A_248, %add3A_251 : vector<256xi32>
    %swap3A_253 = arith.constant 0 : index
    %swap3A_254 = arith.constant 8 : index
    %swap3A_255 = arith.constant 0 : index
    %swap3A_256 = vector.load %arg3[%swap3A_253, %swap3A_254, %swap3A_255] : memref<1x17x256xi32, #tpu.memory_space<vmem>>, vector<1x1x256xi32>
    %swap3A_257 = vector.shape_cast %swap3A_256 : vector<1x1x256xi32> to vector<256xi32>
    %swap3A_258 = vector.shape_cast %add3A_252 : vector<256xi32> to vector<1x1x256xi32>
    tpu.vector_store %arg3[%swap3A_253, %swap3A_254, %swap3A_255], %swap3A_258 {strides = array<i32>} : memref<1x17x256xi32, #tpu.memory_space<vmem>>, vector<1x1x256xi32>,
    %eq3A_259 = vector.broadcast %broadcast_in_dim3A_247 : vector<256x1xi32> to vector<256x2048xi32>
    %eq3A_260 = arith.cmpi eq, %iota3A, %eq3A_259 : vector<256x2048xi32>
    %jit3A_261 = arith.constant 0x7F800000 : f32
    %broadcast_in_dim3A_262 = vector.broadcast %jit3A_261 : f32 to vector<256x2048xf32>
    %select_n3A_263 = arith.select %eq3A_260, %broadcast_in_dim3A_262, %select_n3A_236 : vector<256x2048xi1>, vector<256x2048xf32>
    %reduce_min3A_264 = arith.constant dense<0x7F800000> : vector<256xf32>
    %reduce_min3A_265 = vector.multi_reduction <minimumf>, %select_n3A_263, %reduce_min3A_264 [1] : vector<256x2048xf32> to vector<256xf32>
    %broadcast_in_dim3A_266 = vector.shape_cast %reduce_min3A_265 : vector<256xf32> to vector<256x1xf32>
    %eq3A_267 = vector.broadcast %broadcast_in_dim3A_266 : vector<256x1xf32> to vector<256x2048xf32>
    %eq3A_268 = arith.cmpf oeq, %select_n3A_263, %eq3A_267 : vector<256x2048xf32>
    %jit3A_269 = arith.constant 2048 : i32
    %broadcast_in_dim3A_270 = vector.broadcast %jit3A_269 : i32 to vector<256x2048xi32>
    %select_n3A_271 = arith.select %eq3A_268, %iota3A, %broadcast_in_dim3A_270 : vector<256x2048xi1>, vector<256x2048xi32>
    %reduce_min3A_272 = arith.constant dense<2147483647> : vector<256xi32>
    %reduce_min3A_273 = vector.multi_reduction <minsi>, %select_n3A_271, %reduce_min3A_272 [1] : vector<256x2048xi32> to vector<256xi32>
    %broadcast_in_dim3A_274 = vector.shape_cast %reduce_min3A_273 : vector<256xi32> to vector<256x1xi32>
    %squeeze3A_275 = vector.shape_cast %broadcast_in_dim3A_274 : vector<256x1xi32> to vector<256xi32>
    %mul3A_276 = arith.constant 2048 : i32
    %mul3A_277 = arith.muli %add3A_0, %mul3A_276 : i32
    %add3A_278 = vector.broadcast %mul3A_277 : i32 to vector<256xi32>
    %add3A_279 = arith.addi %squeeze3A_275, %add3A_278 : vector<256xi32>
    %swap3A_280 = arith.constant 0 : index
    %swap3A_281 = arith.constant 9 : index
    %swap3A_282 = arith.constant 0 : index
    %swap3A_283 = vector.load %arg3[%swap3A_280, %swap3A_281, %swap3A_282] : memref<1x17x256xi32, #tpu.memory_space<vmem>>, vector<1x1x256xi32>
    %swap3A_284 = vector.shape_cast %swap3A_283 : vector<1x1x256xi32> to vector<256xi32>
    %swap3A_285 = vector.shape_cast %add3A_279 : vector<256xi32> to vector<1x1x256xi32>
    tpu.vector_store %arg3[%swap3A_280, %swap3A_281, %swap3A_282], %swap3A_285 {strides = array<i32>} : memref<1x17x256xi32, #tpu.memory_space<vmem>>, vector<1x1x256xi32>,
    %eq3A_286 = vector.broadcast %broadcast_in_dim3A_274 : vector<256x1xi32> to vector<256x2048xi32>
    %eq3A_287 = arith.cmpi eq, %iota3A, %eq3A_286 : vector<256x2048xi32>
    %jit3A_288 = arith.constant 0x7F800000 : f32
    %broadcast_in_dim3A_289 = vector.broadcast %jit3A_288 : f32 to vector<256x2048xf32>
    %select_n3A_290 = arith.select %eq3A_287, %broadcast_in_dim3A_289, %select_n3A_263 : vector<256x2048xi1>, vector<256x2048xf32>
    %reduce_min3A_291 = arith.constant dense<0x7F800000> : vector<256xf32>
    %reduce_min3A_292 = vector.multi_reduction <minimumf>, %select_n3A_290, %reduce_min3A_291 [1] : vector<256x2048xf32> to vector<256xf32>
    %broadcast_in_dim3A_293 = vector.shape_cast %reduce_min3A_292 : vector<256xf32> to vector<256x1xf32>
    %eq3A_294 = vector.broadcast %broadcast_in_dim3A_293 : vector<256x1xf32> to vector<256x2048xf32>
    %eq3A_295 = arith.cmpf oeq, %select_n3A_290, %eq3A_294 : vector<256x2048xf32>
    %jit3A_296 = arith.constant 2048 : i32
    %broadcast_in_dim3A_297 = vector.broadcast %jit3A_296 : i32 to vector<256x2048xi32>
    %select_n3A_298 = arith.select %eq3A_295, %iota3A, %broadcast_in_dim3A_297 : vector<256x2048xi1>, vector<256x2048xi32>
    %reduce_min3A_299 = arith.constant dense<2147483647> : vector<256xi32>
    %reduce_min3A_300 = vector.multi_reduction <minsi>, %select_n3A_298, %reduce_min3A_299 [1] : vector<256x2048xi32> to vector<256xi32>
    %broadcast_in_dim3A_301 = vector.shape_cast %reduce_min3A_300 : vector<256xi32> to vector<256x1xi32>
    %squeeze3A_302 = vector.shape_cast %broadcast_in_dim3A_301 : vector<256x1xi32> to vector<256xi32>
    %mul3A_303 = arith.constant 2048 : i32
    %mul3A_304 = arith.muli %add3A_0, %mul3A_303 : i32
    %add3A_305 = vector.broadcast %mul3A_304 : i32 to vector<256xi32>
    %add3A_306 = arith.addi %squeeze3A_302, %add3A_305 : vector<256xi32>
    %swap3A_307 = arith.constant 0 : index
    %swap3A_308 = arith.constant 10 : index
    %swap3A_309 = arith.constant 0 : index
    %swap3A_310 = vector.load %arg3[%swap3A_307, %swap3A_308, %swap3A_309] : memref<1x17x256xi32, #tpu.memory_space<vmem>>, vector<1x1x256xi32>
    %swap3A_311 = vector.shape_cast %swap3A_310 : vector<1x1x256xi32> to vector<256xi32>
    %swap3A_312 = vector.shape_cast %add3A_306 : vector<256xi32> to vector<1x1x256xi32>
    tpu.vector_store %arg3[%swap3A_307, %swap3A_308, %swap3A_309], %swap3A_312 {strides = array<i32>} : memref<1x17x256xi32, #tpu.memory_space<vmem>>, vector<1x1x256xi32>,
    %eq3A_313 = vector.broadcast %broadcast_in_dim3A_301 : vector<256x1xi32> to vector<256x2048xi32>
    %eq3A_314 = arith.cmpi eq, %iota3A, %eq3A_313 : vector<256x2048xi32>
    %jit3A_315 = arith.constant 0x7F800000 : f32
    %broadcast_in_dim3A_316 = vector.broadcast %jit3A_315 : f32 to vector<256x2048xf32>
    %select_n3A_317 = arith.select %eq3A_314, %broadcast_in_dim3A_316, %select_n3A_290 : vector<256x2048xi1>, vector<256x2048xf32>
    %reduce_min3A_318 = arith.constant dense<0x7F800000> : vector<256xf32>
    %reduce_min3A_319 = vector.multi_reduction <minimumf>, %select_n3A_317, %reduce_min3A_318 [1] : vector<256x2048xf32> to vector<256xf32>
    %broadcast_in_dim3A_320 = vector.shape_cast %reduce_min3A_319 : vector<256xf32> to vector<256x1xf32>
    %eq3A_321 = vector.broadcast %broadcast_in_dim3A_320 : vector<256x1xf32> to vector<256x2048xf32>
    %eq3A_322 = arith.cmpf oeq, %select_n3A_317, %eq3A_321 : vector<256x2048xf32>
    %jit3A_323 = arith.constant 2048 : i32
    %broadcast_in_dim3A_324 = vector.broadcast %jit3A_323 : i32 to vector<256x2048xi32>
    %select_n3A_325 = arith.select %eq3A_322, %iota3A, %broadcast_in_dim3A_324 : vector<256x2048xi1>, vector<256x2048xi32>
    %reduce_min3A_326 = arith.constant dense<2147483647> : vector<256xi32>
    %reduce_min3A_327 = vector.multi_reduction <minsi>, %select_n3A_325, %reduce_min3A_326 [1] : vector<256x2048xi32> to vector<256xi32>
    %broadcast_in_dim3A_328 = vector.shape_cast %reduce_min3A_327 : vector<256xi32> to vector<256x1xi32>
    %squeeze3A_329 = vector.shape_cast %broadcast_in_dim3A_328 : vector<256x1xi32> to vector<256xi32>
    %mul3A_330 = arith.constant 2048 : i32
    %mul3A_331 = arith.muli %add3A_0, %mul3A_330 : i32
    %add3A_332 = vector.broadcast %mul3A_331 : i32 to vector<256xi32>
    %add3A_333 = arith.addi %squeeze3A_329, %add3A_332 : vector<256xi32>
    %swap3A_334 = arith.constant 0 : index
    %swap3A_335 = arith.constant 11 : index
    %swap3A_336 = arith.constant 0 : index
    %swap3A_337 = vector.load %arg3[%swap3A_334, %swap3A_335, %swap3A_336] : memref<1x17x256xi32, #tpu.memory_space<vmem>>, vector<1x1x256xi32>
    %swap3A_338 = vector.shape_cast %swap3A_337 : vector<1x1x256xi32> to vector<256xi32>
    %swap3A_339 = vector.shape_cast %add3A_333 : vector<256xi32> to vector<1x1x256xi32>
    tpu.vector_store %arg3[%swap3A_334, %swap3A_335, %swap3A_336], %swap3A_339 {strides = array<i32>} : memref<1x17x256xi32, #tpu.memory_space<vmem>>, vector<1x1x256xi32>,
    %eq3A_340 = vector.broadcast %broadcast_in_dim3A_328 : vector<256x1xi32> to vector<256x2048xi32>
    %eq3A_341 = arith.cmpi eq, %iota3A, %eq3A_340 : vector<256x2048xi32>
    %jit3A_342 = arith.constant 0x7F800000 : f32
    %broadcast_in_dim3A_343 = vector.broadcast %jit3A_342 : f32 to vector<256x2048xf32>
    %select_n3A_344 = arith.select %eq3A_341, %broadcast_in_dim3A_343, %select_n3A_317 : vector<256x2048xi1>, vector<256x2048xf32>
    %reduce_min3A_345 = arith.constant dense<0x7F800000> : vector<256xf32>
    %reduce_min3A_346 = vector.multi_reduction <minimumf>, %select_n3A_344, %reduce_min3A_345 [1] : vector<256x2048xf32> to vector<256xf32>
    %broadcast_in_dim3A_347 = vector.shape_cast %reduce_min3A_346 : vector<256xf32> to vector<256x1xf32>
    %eq3A_348 = vector.broadcast %broadcast_in_dim3A_347 : vector<256x1xf32> to vector<256x2048xf32>
    %eq3A_349 = arith.cmpf oeq, %select_n3A_344, %eq3A_348 : vector<256x2048xf32>
    %jit3A_350 = arith.constant 2048 : i32
    %broadcast_in_dim3A_351 = vector.broadcast %jit3A_350 : i32 to vector<256x2048xi32>
    %select_n3A_352 = arith.select %eq3A_349, %iota3A, %broadcast_in_dim3A_351 : vector<256x2048xi1>, vector<256x2048xi32>
    %reduce_min3A_353 = arith.constant dense<2147483647> : vector<256xi32>
    %reduce_min3A_354 = vector.multi_reduction <minsi>, %select_n3A_352, %reduce_min3A_353 [1] : vector<256x2048xi32> to vector<256xi32>
    %broadcast_in_dim3A_355 = vector.shape_cast %reduce_min3A_354 : vector<256xi32> to vector<256x1xi32>
    %squeeze3A_356 = vector.shape_cast %broadcast_in_dim3A_355 : vector<256x1xi32> to vector<256xi32>
    %mul3A_357 = arith.constant 2048 : i32
    %mul3A_358 = arith.muli %add3A_0, %mul3A_357 : i32
    %add3A_359 = vector.broadcast %mul3A_358 : i32 to vector<256xi32>
    %add3A_360 = arith.addi %squeeze3A_356, %add3A_359 : vector<256xi32>
    %swap3A_361 = arith.constant 0 : index
    %swap3A_362 = arith.constant 12 : index
    %swap3A_363 = arith.constant 0 : index
    %swap3A_364 = vector.load %arg3[%swap3A_361, %swap3A_362, %swap3A_363] : memref<1x17x256xi32, #tpu.memory_space<vmem>>, vector<1x1x256xi32>
    %swap3A_365 = vector.shape_cast %swap3A_364 : vector<1x1x256xi32> to vector<256xi32>
    %swap3A_366 = vector.shape_cast %add3A_360 : vector<256xi32> to vector<1x1x256xi32>
    tpu.vector_store %arg3[%swap3A_361, %swap3A_362, %swap3A_363], %swap3A_366 {strides = array<i32>} : memref<1x17x256xi32, #tpu.memory_space<vmem>>, vector<1x1x256xi32>,
    %eq3A_367 = vector.broadcast %broadcast_in_dim3A_355 : vector<256x1xi32> to vector<256x2048xi32>
    %eq3A_368 = arith.cmpi eq, %iota3A, %eq3A_367 : vector<256x2048xi32>
    %jit3A_369 = arith.constant 0x7F800000 : f32
    %broadcast_in_dim3A_370 = vector.broadcast %jit3A_369 : f32 to vector<256x2048xf32>
    %select_n3A_371 = arith.select %eq3A_368, %broadcast_in_dim3A_370, %select_n3A_344 : vector<256x2048xi1>, vector<256x2048xf32>
    %reduce_min3A_372 = arith.constant dense<0x7F800000> : vector<256xf32>
    %reduce_min3A_373 = vector.multi_reduction <minimumf>, %select_n3A_371, %reduce_min3A_372 [1] : vector<256x2048xf32> to vector<256xf32>
    %broadcast_in_dim3A_374 = vector.shape_cast %reduce_min3A_373 : vector<256xf32> to vector<256x1xf32>
    %eq3A_375 = vector.broadcast %broadcast_in_dim3A_374 : vector<256x1xf32> to vector<256x2048xf32>
    %eq3A_376 = arith.cmpf oeq, %select_n3A_371, %eq3A_375 : vector<256x2048xf32>
    %jit3A_377 = arith.constant 2048 : i32
    %broadcast_in_dim3A_378 = vector.broadcast %jit3A_377 : i32 to vector<256x2048xi32>
    %select_n3A_379 = arith.select %eq3A_376, %iota3A, %broadcast_in_dim3A_378 : vector<256x2048xi1>, vector<256x2048xi32>
    %reduce_min3A_380 = arith.constant dense<2147483647> : vector<256xi32>
    %reduce_min3A_381 = vector.multi_reduction <minsi>, %select_n3A_379, %reduce_min3A_380 [1] : vector<256x2048xi32> to vector<256xi32>
    %broadcast_in_dim3A_382 = vector.shape_cast %reduce_min3A_381 : vector<256xi32> to vector<256x1xi32>
    %squeeze3A_383 = vector.shape_cast %broadcast_in_dim3A_382 : vector<256x1xi32> to vector<256xi32>
    %mul3A_384 = arith.constant 2048 : i32
    %mul3A_385 = arith.muli %add3A_0, %mul3A_384 : i32
    %add3A_386 = vector.broadcast %mul3A_385 : i32 to vector<256xi32>
    %add3A_387 = arith.addi %squeeze3A_383, %add3A_386 : vector<256xi32>
    %swap3A_388 = arith.constant 0 : index
    %swap3A_389 = arith.constant 13 : index
    %swap3A_390 = arith.constant 0 : index
    %swap3A_391 = vector.load %arg3[%swap3A_388, %swap3A_389, %swap3A_390] : memref<1x17x256xi32, #tpu.memory_space<vmem>>, vector<1x1x256xi32>
    %swap3A_392 = vector.shape_cast %swap3A_391 : vector<1x1x256xi32> to vector<256xi32>
    %swap3A_393 = vector.shape_cast %add3A_387 : vector<256xi32> to vector<1x1x256xi32>
    tpu.vector_store %arg3[%swap3A_388, %swap3A_389, %swap3A_390], %swap3A_393 {strides = array<i32>} : memref<1x17x256xi32, #tpu.memory_space<vmem>>, vector<1x1x256xi32>,
    %eq3A_394 = vector.broadcast %broadcast_in_dim3A_382 : vector<256x1xi32> to vector<256x2048xi32>
    %eq3A_395 = arith.cmpi eq, %iota3A, %eq3A_394 : vector<256x2048xi32>
    %jit3A_396 = arith.constant 0x7F800000 : f32
    %broadcast_in_dim3A_397 = vector.broadcast %jit3A_396 : f32 to vector<256x2048xf32>
    %select_n3A_398 = arith.select %eq3A_395, %broadcast_in_dim3A_397, %select_n3A_371 : vector<256x2048xi1>, vector<256x2048xf32>
    %reduce_min3A_399 = arith.constant dense<0x7F800000> : vector<256xf32>
    %reduce_min3A_400 = vector.multi_reduction <minimumf>, %select_n3A_398, %reduce_min3A_399 [1] : vector<256x2048xf32> to vector<256xf32>
    %broadcast_in_dim3A_401 = vector.shape_cast %reduce_min3A_400 : vector<256xf32> to vector<256x1xf32>
    %eq3A_402 = vector.broadcast %broadcast_in_dim3A_401 : vector<256x1xf32> to vector<256x2048xf32>
    %eq3A_403 = arith.cmpf oeq, %select_n3A_398, %eq3A_402 : vector<256x2048xf32>
    %jit3A_404 = arith.constant 2048 : i32
    %broadcast_in_dim3A_405 = vector.broadcast %jit3A_404 : i32 to vector<256x2048xi32>
    %select_n3A_406 = arith.select %eq3A_403, %iota3A, %broadcast_in_dim3A_405 : vector<256x2048xi1>, vector<256x2048xi32>
    %reduce_min3A_407 = arith.constant dense<2147483647> : vector<256xi32>
    %reduce_min3A_408 = vector.multi_reduction <minsi>, %select_n3A_406, %reduce_min3A_407 [1] : vector<256x2048xi32> to vector<256xi32>
    %broadcast_in_dim3A_409 = vector.shape_cast %reduce_min3A_408 : vector<256xi32> to vector<256x1xi32>
    %squeeze3A_410 = vector.shape_cast %broadcast_in_dim3A_409 : vector<256x1xi32> to vector<256xi32>
    %mul3A_411 = arith.constant 2048 : i32
    %mul3A_412 = arith.muli %add3A_0, %mul3A_411 : i32
    %add3A_413 = vector.broadcast %mul3A_412 : i32 to vector<256xi32>
    %add3A_414 = arith.addi %squeeze3A_410, %add3A_413 : vector<256xi32>
    %swap3A_415 = arith.constant 0 : index
    %swap3A_416 = arith.constant 14 : index
    %swap3A_417 = arith.constant 0 : index
    %swap3A_418 = vector.load %arg3[%swap3A_415, %swap3A_416, %swap3A_417] : memref<1x17x256xi32, #tpu.memory_space<vmem>>, vector<1x1x256xi32>
    %swap3A_419 = vector.shape_cast %swap3A_418 : vector<1x1x256xi32> to vector<256xi32>
    %swap3A_420 = vector.shape_cast %add3A_414 : vector<256xi32> to vector<1x1x256xi32>
    tpu.vector_store %arg3[%swap3A_415, %swap3A_416, %swap3A_417], %swap3A_420 {strides = array<i32>} : memref<1x17x256xi32, #tpu.memory_space<vmem>>, vector<1x1x256xi32>,
    %eq3A_421 = vector.broadcast %broadcast_in_dim3A_409 : vector<256x1xi32> to vector<256x2048xi32>
    %eq3A_422 = arith.cmpi eq, %iota3A, %eq3A_421 : vector<256x2048xi32>
    %jit3A_423 = arith.constant 0x7F800000 : f32
    %broadcast_in_dim3A_424 = vector.broadcast %jit3A_423 : f32 to vector<256x2048xf32>
    %select_n3A_425 = arith.select %eq3A_422, %broadcast_in_dim3A_424, %select_n3A_398 : vector<256x2048xi1>, vector<256x2048xf32>
    %reduce_min3A_426 = arith.constant dense<0x7F800000> : vector<256xf32>
    %reduce_min3A_427 = vector.multi_reduction <minimumf>, %select_n3A_425, %reduce_min3A_426 [1] : vector<256x2048xf32> to vector<256xf32>
    %broadcast_in_dim3A_428 = vector.shape_cast %reduce_min3A_427 : vector<256xf32> to vector<256x1xf32>
    %eq3A_429 = vector.broadcast %broadcast_in_dim3A_428 : vector<256x1xf32> to vector<256x2048xf32>
    %eq3A_430 = arith.cmpf oeq, %select_n3A_425, %eq3A_429 : vector<256x2048xf32>
    %jit3A_431 = arith.constant 2048 : i32
    %broadcast_in_dim3A_432 = vector.broadcast %jit3A_431 : i32 to vector<256x2048xi32>
    %select_n3A_433 = arith.select %eq3A_430, %iota3A, %broadcast_in_dim3A_432 : vector<256x2048xi1>, vector<256x2048xi32>
    %reduce_min3A_434 = arith.constant dense<2147483647> : vector<256xi32>
    %reduce_min3A_435 = vector.multi_reduction <minsi>, %select_n3A_433, %reduce_min3A_434 [1] : vector<256x2048xi32> to vector<256xi32>
    %broadcast_in_dim3A_436 = vector.shape_cast %reduce_min3A_435 : vector<256xi32> to vector<256x1xi32>
    %squeeze3A_437 = vector.shape_cast %broadcast_in_dim3A_436 : vector<256x1xi32> to vector<256xi32>
    %mul3A_438 = arith.constant 2048 : i32
    %mul3A_439 = arith.muli %add3A_0, %mul3A_438 : i32
    %add3A_440 = vector.broadcast %mul3A_439 : i32 to vector<256xi32>
    %add3A_441 = arith.addi %squeeze3A_437, %add3A_440 : vector<256xi32>
    %swap3A_442 = arith.constant 0 : index
    %swap3A_443 = arith.constant 15 : index
    %swap3A_444 = arith.constant 0 : index
    %swap3A_445 = vector.load %arg3[%swap3A_442, %swap3A_443, %swap3A_444] : memref<1x17x256xi32, #tpu.memory_space<vmem>>, vector<1x1x256xi32>
    %swap3A_446 = vector.shape_cast %swap3A_445 : vector<1x1x256xi32> to vector<256xi32>
    %swap3A_447 = vector.shape_cast %add3A_441 : vector<256xi32> to vector<1x1x256xi32>
    tpu.vector_store %arg3[%swap3A_442, %swap3A_443, %swap3A_444], %swap3A_447 {strides = array<i32>} : memref<1x17x256xi32, #tpu.memory_space<vmem>>, vector<1x1x256xi32>,
    %eq3A_448 = vector.broadcast %broadcast_in_dim3A_436 : vector<256x1xi32> to vector<256x2048xi32>
    %eq3A_449 = arith.cmpi eq, %iota3A, %eq3A_448 : vector<256x2048xi32>
    %jit3A_450 = arith.constant 0x7F800000 : f32
    %broadcast_in_dim3A_451 = vector.broadcast %jit3A_450 : f32 to vector<256x2048xf32>
    %select_n3A_452 = arith.select %eq3A_449, %broadcast_in_dim3A_451, %select_n3A_425 : vector<256x2048xi1>, vector<256x2048xf32>
    %reduce_min3A_453 = arith.constant dense<0x7F800000> : vector<256xf32>
    %reduce_min3A_454 = vector.multi_reduction <minimumf>, %select_n3A_452, %reduce_min3A_453 [1] : vector<256x2048xf32> to vector<256xf32>
    %broadcast_in_dim3A_455 = vector.shape_cast %reduce_min3A_454 : vector<256xf32> to vector<256x1xf32>
    %eq3A_456 = vector.broadcast %broadcast_in_dim3A_455 : vector<256x1xf32> to vector<256x2048xf32>
    %eq3A_457 = arith.cmpf oeq, %select_n3A_452, %eq3A_456 : vector<256x2048xf32>
    %jit3A_458 = arith.constant 2048 : i32
    %broadcast_in_dim3A_459 = vector.broadcast %jit3A_458 : i32 to vector<256x2048xi32>
    %select_n3A_460 = arith.select %eq3A_457, %iota3A, %broadcast_in_dim3A_459 : vector<256x2048xi1>, vector<256x2048xi32>
    %reduce_min3A_461 = arith.constant dense<2147483647> : vector<256xi32>
    %reduce_min3A_462 = vector.multi_reduction <minsi>, %select_n3A_460, %reduce_min3A_461 [1] : vector<256x2048xi32> to vector<256xi32>
    %broadcast_in_dim3A_463 = vector.shape_cast %reduce_min3A_462 : vector<256xi32> to vector<256x1xi32>
    %squeeze3A_464 = vector.shape_cast %broadcast_in_dim3A_463 : vector<256x1xi32> to vector<256xi32>
    %mul3A_465 = arith.constant 2048 : i32
    %mul3A_466 = arith.muli %add3A_0, %mul3A_465 : i32
    %add3A_467 = vector.broadcast %mul3A_466 : i32 to vector<256xi32>
    %add3A_468 = arith.addi %squeeze3A_464, %add3A_467 : vector<256xi32>
    %swap3A_469 = arith.constant 0 : index
    %swap3A_470 = arith.constant 16 : index
    %swap3A_471 = arith.constant 0 : index
    %swap3A_472 = vector.load %arg3[%swap3A_469, %swap3A_470, %swap3A_471] : memref<1x17x256xi32, #tpu.memory_space<vmem>>, vector<1x1x256xi32>
    %swap3A_473 = vector.shape_cast %swap3A_472 : vector<1x1x256xi32> to vector<256xi32>
    %swap3A_474 = vector.shape_cast %add3A_468 : vector<256xi32> to vector<1x1x256xi32>
    tpu.vector_store %arg3[%swap3A_469, %swap3A_470, %swap3A_471], %swap3A_474 {strides = array<i32>} : memref<1x17x256xi32, #tpu.memory_space<vmem>>, vector<1x1x256xi32>,
    return
  }
  func.func @transform_0(%arg0: i32, %arg1: i32) -> (i32, i32, i32) {
    %c0_i32 = arith.constant 0 : i32
    %c0_i32_0 = arith.constant 0 : i32
    %c0_i32_1 = arith.constant 0 : i32
    return %arg0, %c0_i32, %c0_i32_0 : i32, i32, i32
  }
  func.func @transform_1(%arg0: i32, %arg1: i32) -> (i32, i32, i32) {
    %c0_i32 = arith.constant 0 : i32
    %c0_i32_0 = arith.constant 0 : i32
    return %arg0, %c0_i32, %arg1 : i32, i32, i32
  }
}

module attributes {stable_mosaic.version = 14 : i64} {
  func.func @_transpose_kernel(%arg0: i32, %arg1: memref<1x128x2048xf32, #tpu.memory_space<vmem>>, %arg2: memref<1x2048x128xf32, #tpu.memory_space<vmem>>) attributes {dimension_semantics = [#tpu.dimension_semantics<arbitrary>], iteration_bounds = array<i64: 8>, scalar_prefetch = 0 : i64, scratch_operands = 0 : i64, tpu.core_type = #tpu.core_type<tc>, window_params = [{transform_indices = @transform_0, window_bounds = array<i64: 1, 128, 2048>}, {transform_indices = @transform_1, window_bounds = array<i64: 1, 2048, 128>}]} {
    %get3A = arith.constant 0 : index
    %get3A_0 = arith.constant 0 : index
    %get3A_1 = arith.constant 0 : index
    %get3A_2 = vector.load %arg1[%get3A, %get3A_0, %get3A_1] : memref<1x128x2048xf32, #tpu.memory_space<vmem>>, vector<1x128x2048xf32>
    %get3A_3 = vector.shape_cast %get3A_2 : vector<1x128x2048xf32> to vector<128x2048xf32>
    %transpose3A = tpu.transpose %get3A_3, [1, 0] : vector<128x2048xf32> -> vector<2048x128xf32>
    %swap3A = arith.constant 0 : index
    %swap3A_4 = arith.constant 0 : index
    %swap3A_5 = arith.constant 0 : index
    %swap3A_6 = vector.load %arg2[%swap3A, %swap3A_4, %swap3A_5] : memref<1x2048x128xf32, #tpu.memory_space<vmem>>, vector<1x2048x128xf32>
    %swap3A_7 = vector.shape_cast %swap3A_6 : vector<1x2048x128xf32> to vector<2048x128xf32>
    %swap3A_8 = vector.shape_cast %transpose3A : vector<2048x128xf32> to vector<1x2048x128xf32>
    tpu.vector_store %arg2[%swap3A, %swap3A_4, %swap3A_5], %swap3A_8 {strides = array<i32>} : memref<1x2048x128xf32, #tpu.memory_space<vmem>>, vector<1x2048x128xf32>,
    return
  }
  func.func @transform_0(%arg0: i32) -> (i32, i32, i32) {
    %c0_i32 = arith.constant 0 : i32
    %c0_i32_0 = arith.constant 0 : i32
    %c0_i32_1 = arith.constant 0 : i32
    return %arg0, %c0_i32, %c0_i32_0 : i32, i32, i32
  }
  func.func @transform_1(%arg0: i32) -> (i32, i32, i32) {
    %c0_i32 = arith.constant 0 : i32
    %c0_i32_0 = arith.constant 0 : i32
    %c0_i32_1 = arith.constant 0 : i32
    return %arg0, %c0_i32, %c0_i32_0 : i32, i32, i32
  }
}

module attributes {stable_mosaic.version = 14 : i64} {
  func.func @_topk_kernel(%arg0: i32, %arg1: i32, %arg2: memref<1x3x2048xf32, #tpu.memory_space<vmem>>, %arg3: memref<1x17x256xi32, #tpu.memory_space<vmem>>) attributes {dimension_semantics = [#tpu.dimension_semantics<parallel>, #tpu.dimension_semantics<parallel>], iteration_bounds = array<i64: 2, 8>, scalar_prefetch = 0 : i64, scratch_operands = 0 : i64, tpu.core_type = #tpu.core_type<tc>, window_params = [{transform_indices = @transform_0, window_bounds = array<i64: 1, 3, 2048>}, {transform_indices = @transform_1, window_bounds = array<i64: 1, 17, 256>}]} {
    %add3A = arith.constant 2 : i32
    %add3A_0 = arith.addi %arg0, %add3A : i32
    %get3A = arith.constant 0 : index
    %get3A_1 = arith.constant 0 : index
    %get3A_2 = arith.constant 0 : index
    %get3A_3 = vector.load %arg2[%get3A, %get3A_1, %get3A_2] : memref<1x3x2048xf32, #tpu.memory_space<vmem>>, vector<1x3x2048xf32>
    %get3A_4 = vector.shape_cast %get3A_3 : vector<1x3x2048xf32> to vector<3x2048xf32>
    %mul3A = arith.constant 256 : i32
    %mul3A_5 = arith.muli %arg1, %mul3A : i32
    %get3A_6 = arith.constant 0 : index
    %get3A_7 = arith.constant 0 : index
    %get3A_8 = arith.index_cast %mul3A_5 : i32 to index
    %get3A_9 = vector.load %arg2[%get3A_6, %get3A_7, %get3A_8] : memref<1x3x2048xf32, #tpu.memory_space<vmem>>, vector<1x3x256xf32>
    %get3A_10 = vector.shape_cast %get3A_9 : vector<1x3x256xf32> to vector<3x256xf32>
    %mul3A_11 = arith.mulf %get3A_4, %get3A_4 : vector<3x2048xf32>
    %reduce_sum3A = arith.constant dense<0.000000e+00> : vector<2048xf32>
    %reduce_sum3A_12 = vector.multi_reduction <add>, %mul3A_11, %reduce_sum3A [0] : vector<3x2048xf32> to vector<2048xf32>
    %broadcast_in_dim3A = vector.shape_cast %reduce_sum3A_12 : vector<2048xf32> to vector<1x2048xf32>
    %mul3A_13 = arith.mulf %get3A_10, %get3A_10 : vector<3x256xf32>
    %reduce_sum3A_14 = arith.constant dense<0.000000e+00> : vector<256xf32>
    %reduce_sum3A_15 = vector.multi_reduction <add>, %mul3A_13, %reduce_sum3A_14 [0] : vector<3x256xf32> to vector<256xf32>
    %dot_general3A = arith.constant dense<0.000000e+00> : vector<256x2048xf32>
    %dot_general3A_16 = tpu.matmul %get3A_10, %get3A_4, %dot_general3A {dimension_numbers = #tpu.dot_dimension_numbers<[0], [0], [1], [1], [0, 1, 1, 1], [], []>, transpose_lhs_hint = false} : vector<3x256xf32>, vector<3x2048xf32>, vector<256x2048xf32> -> vector<256x2048xf32>
    %mul3A_17 = arith.constant -2.000000e+00 : f32
    %mul3A_18 = vector.broadcast %mul3A_17 : f32 to vector<256x2048xf32>
    %mul3A_19 = arith.mulf %mul3A_18, %dot_general3A_16 : vector<256x2048xf32>
    %broadcast_in_dim3A_20 = vector.shape_cast %reduce_sum3A_15 : vector<256xf32> to vector<256x1xf32>
    %add3A_21 = vector.broadcast %broadcast_in_dim3A_20 : vector<256x1xf32> to vector<256x2048xf32>
    %add3A_22 = arith.addf %mul3A_19, %add3A_21 : vector<256x2048xf32>
    %add3A_23 = vector.broadcast %broadcast_in_dim3A : vector<1x2048xf32> to vector<256x2048xf32>
    %add3A_24 = arith.addf %add3A_22, %add3A_23 : vector<256x2048xf32>
    %jit3A = arith.constant 9.99999996E-13 : f32
    %max3A = vector.broadcast %jit3A : f32 to vector<256x2048xf32>
    %max3A_25 = arith.maximumf %max3A, %add3A_24 : vector<256x2048xf32>
    %iota3A = tpu.iota {dimensions = array<i32: 1>} : vector<256x2048xi32>
    %reduce_min3A = arith.constant dense<0x7F800000> : vector<256xf32>
    %reduce_min3A_26 = vector.multi_reduction <minimumf>, %max3A_25, %reduce_min3A [1] : vector<256x2048xf32> to vector<256xf32>
    %broadcast_in_dim3A_27 = vector.shape_cast %reduce_min3A_26 : vector<256xf32> to vector<256x1xf32>
    %eq3A = vector.broadcast %broadcast_in_dim3A_27 : vector<256x1xf32> to vector<256x2048xf32>
    %eq3A_28 = arith.cmpf oeq, %max3A_25, %eq3A : vector<256x2048xf32>
    %jit3A_29 = arith.constant 2048 : i32
    %broadcast_in_dim3A_30 = vector.broadcast %jit3A_29 : i32 to vector<256x2048xi32>
    %select_n3A = arith.select %eq3A_28, %iota3A, %broadcast_in_dim3A_30 : vector<256x2048xi1>, vector<256x2048xi32>
    %reduce_min3A_31 = arith.constant dense<2147483647> : vector<256xi32>
    %reduce_min3A_32 = vector.multi_reduction <minsi>, %select_n3A, %reduce_min3A_31 [1] : vector<256x2048xi32> to vector<256xi32>
    %broadcast_in_dim3A_33 = vector.shape_cast %reduce_min3A_32 : vector<256xi32> to vector<256x1xi32>
    %squeeze3A = vector.shape_cast %broadcast_in_dim3A_33 : vector<256x1xi32> to vector<256xi32>
    %mul3A_34 = arith.constant 2048 : i32
    %mul3A_35 = arith.muli %add3A_0, %mul3A_34 : i32
    %add3A_36 = vector.broadcast %mul3A_35 : i32 to vector<256xi32>
    %add3A_37 = arith.addi %squeeze3A, %add3A_36 : vector<256xi32>
    %swap3A = arith.constant 0 : index
    %swap3A_38 = arith.constant 0 : index
    %swap3A_39 = arith.constant 0 : index
    %swap3A_40 = vector.load %arg3[%swap3A, %swap3A_38, %swap3A_39] : memref<1x17x256xi32, #tpu.memory_space<vmem>>, vector<1x1x256xi32>
    %swap3A_41 = vector.shape_cast %swap3A_40 : vector<1x1x256xi32> to vector<256xi32>
    %swap3A_42 = vector.shape_cast %add3A_37 : vector<256xi32> to vector<1x1x256xi32>
    tpu.vector_store %arg3[%swap3A, %swap3A_38, %swap3A_39], %swap3A_42 {strides = array<i32>} : memref<1x17x256xi32, #tpu.memory_space<vmem>>, vector<1x1x256xi32>,
    %eq3A_43 = vector.broadcast %broadcast_in_dim3A_33 : vector<256x1xi32> to vector<256x2048xi32>
    %eq3A_44 = arith.cmpi eq, %iota3A, %eq3A_43 : vector<256x2048xi32>
    %jit3A_45 = arith.constant 0x7F800000 : f32
    %broadcast_in_dim3A_46 = vector.broadcast %jit3A_45 : f32 to vector<256x2048xf32>
    %select_n3A_47 = arith.select %eq3A_44, %broadcast_in_dim3A_46, %max3A_25 : vector<256x2048xi1>, vector<256x2048xf32>
    %reduce_min3A_48 = arith.constant dense<0x7F800000> : vector<256xf32>
    %reduce_min3A_49 = vector.multi_reduction <minimumf>, %select_n3A_47, %reduce_min3A_48 [1] : vector<256x2048xf32> to vector<256xf32>
    %broadcast_in_dim3A_50 = vector.shape_cast %reduce_min3A_49 : vector<256xf32> to vector<256x1xf32>
    %eq3A_51 = vector.broadcast %broadcast_in_dim3A_50 : vector<256x1xf32> to vector<256x2048xf32>
    %eq3A_52 = arith.cmpf oeq, %select_n3A_47, %eq3A_51 : vector<256x2048xf32>
    %jit3A_53 = arith.constant 2048 : i32
    %broadcast_in_dim3A_54 = vector.broadcast %jit3A_53 : i32 to vector<256x2048xi32>
    %select_n3A_55 = arith.select %eq3A_52, %iota3A, %broadcast_in_dim3A_54 : vector<256x2048xi1>, vector<256x2048xi32>
    %reduce_min3A_56 = arith.constant dense<2147483647> : vector<256xi32>
    %reduce_min3A_57 = vector.multi_reduction <minsi>, %select_n3A_55, %reduce_min3A_56 [1] : vector<256x2048xi32> to vector<256xi32>
    %broadcast_in_dim3A_58 = vector.shape_cast %reduce_min3A_57 : vector<256xi32> to vector<256x1xi32>
    %squeeze3A_59 = vector.shape_cast %broadcast_in_dim3A_58 : vector<256x1xi32> to vector<256xi32>
    %mul3A_60 = arith.constant 2048 : i32
    %mul3A_61 = arith.muli %add3A_0, %mul3A_60 : i32
    %add3A_62 = vector.broadcast %mul3A_61 : i32 to vector<256xi32>
    %add3A_63 = arith.addi %squeeze3A_59, %add3A_62 : vector<256xi32>
    %swap3A_64 = arith.constant 0 : index
    %swap3A_65 = arith.constant 1 : index
    %swap3A_66 = arith.constant 0 : index
    %swap3A_67 = vector.load %arg3[%swap3A_64, %swap3A_65, %swap3A_66] : memref<1x17x256xi32, #tpu.memory_space<vmem>>, vector<1x1x256xi32>
    %swap3A_68 = vector.shape_cast %swap3A_67 : vector<1x1x256xi32> to vector<256xi32>
    %swap3A_69 = vector.shape_cast %add3A_63 : vector<256xi32> to vector<1x1x256xi32>
    tpu.vector_store %arg3[%swap3A_64, %swap3A_65, %swap3A_66], %swap3A_69 {strides = array<i32>} : memref<1x17x256xi32, #tpu.memory_space<vmem>>, vector<1x1x256xi32>,
    %eq3A_70 = vector.broadcast %broadcast_in_dim3A_58 : vector<256x1xi32> to vector<256x2048xi32>
    %eq3A_71 = arith.cmpi eq, %iota3A, %eq3A_70 : vector<256x2048xi32>
    %jit3A_72 = arith.constant 0x7F800000 : f32
    %broadcast_in_dim3A_73 = vector.broadcast %jit3A_72 : f32 to vector<256x2048xf32>
    %select_n3A_74 = arith.select %eq3A_71, %broadcast_in_dim3A_73, %select_n3A_47 : vector<256x2048xi1>, vector<256x2048xf32>
    %reduce_min3A_75 = arith.constant dense<0x7F800000> : vector<256xf32>
    %reduce_min3A_76 = vector.multi_reduction <minimumf>, %select_n3A_74, %reduce_min3A_75 [1] : vector<256x2048xf32> to vector<256xf32>
    %broadcast_in_dim3A_77 = vector.shape_cast %reduce_min3A_76 : vector<256xf32> to vector<256x1xf32>
    %eq3A_78 = vector.broadcast %broadcast_in_dim3A_77 : vector<256x1xf32> to vector<256x2048xf32>
    %eq3A_79 = arith.cmpf oeq, %select_n3A_74, %eq3A_78 : vector<256x2048xf32>
    %jit3A_80 = arith.constant 2048 : i32
    %broadcast_in_dim3A_81 = vector.broadcast %jit3A_80 : i32 to vector<256x2048xi32>
    %select_n3A_82 = arith.select %eq3A_79, %iota3A, %broadcast_in_dim3A_81 : vector<256x2048xi1>, vector<256x2048xi32>
    %reduce_min3A_83 = arith.constant dense<2147483647> : vector<256xi32>
    %reduce_min3A_84 = vector.multi_reduction <minsi>, %select_n3A_82, %reduce_min3A_83 [1] : vector<256x2048xi32> to vector<256xi32>
    %broadcast_in_dim3A_85 = vector.shape_cast %reduce_min3A_84 : vector<256xi32> to vector<256x1xi32>
    %squeeze3A_86 = vector.shape_cast %broadcast_in_dim3A_85 : vector<256x1xi32> to vector<256xi32>
    %mul3A_87 = arith.constant 2048 : i32
    %mul3A_88 = arith.muli %add3A_0, %mul3A_87 : i32
    %add3A_89 = vector.broadcast %mul3A_88 : i32 to vector<256xi32>
    %add3A_90 = arith.addi %squeeze3A_86, %add3A_89 : vector<256xi32>
    %swap3A_91 = arith.constant 0 : index
    %swap3A_92 = arith.constant 2 : index
    %swap3A_93 = arith.constant 0 : index
    %swap3A_94 = vector.load %arg3[%swap3A_91, %swap3A_92, %swap3A_93] : memref<1x17x256xi32, #tpu.memory_space<vmem>>, vector<1x1x256xi32>
    %swap3A_95 = vector.shape_cast %swap3A_94 : vector<1x1x256xi32> to vector<256xi32>
    %swap3A_96 = vector.shape_cast %add3A_90 : vector<256xi32> to vector<1x1x256xi32>
    tpu.vector_store %arg3[%swap3A_91, %swap3A_92, %swap3A_93], %swap3A_96 {strides = array<i32>} : memref<1x17x256xi32, #tpu.memory_space<vmem>>, vector<1x1x256xi32>,
    %eq3A_97 = vector.broadcast %broadcast_in_dim3A_85 : vector<256x1xi32> to vector<256x2048xi32>
    %eq3A_98 = arith.cmpi eq, %iota3A, %eq3A_97 : vector<256x2048xi32>
    %jit3A_99 = arith.constant 0x7F800000 : f32
    %broadcast_in_dim3A_100 = vector.broadcast %jit3A_99 : f32 to vector<256x2048xf32>
    %select_n3A_101 = arith.select %eq3A_98, %broadcast_in_dim3A_100, %select_n3A_74 : vector<256x2048xi1>, vector<256x2048xf32>
    %reduce_min3A_102 = arith.constant dense<0x7F800000> : vector<256xf32>
    %reduce_min3A_103 = vector.multi_reduction <minimumf>, %select_n3A_101, %reduce_min3A_102 [1] : vector<256x2048xf32> to vector<256xf32>
    %broadcast_in_dim3A_104 = vector.shape_cast %reduce_min3A_103 : vector<256xf32> to vector<256x1xf32>
    %eq3A_105 = vector.broadcast %broadcast_in_dim3A_104 : vector<256x1xf32> to vector<256x2048xf32>
    %eq3A_106 = arith.cmpf oeq, %select_n3A_101, %eq3A_105 : vector<256x2048xf32>
    %jit3A_107 = arith.constant 2048 : i32
    %broadcast_in_dim3A_108 = vector.broadcast %jit3A_107 : i32 to vector<256x2048xi32>
    %select_n3A_109 = arith.select %eq3A_106, %iota3A, %broadcast_in_dim3A_108 : vector<256x2048xi1>, vector<256x2048xi32>
    %reduce_min3A_110 = arith.constant dense<2147483647> : vector<256xi32>
    %reduce_min3A_111 = vector.multi_reduction <minsi>, %select_n3A_109, %reduce_min3A_110 [1] : vector<256x2048xi32> to vector<256xi32>
    %broadcast_in_dim3A_112 = vector.shape_cast %reduce_min3A_111 : vector<256xi32> to vector<256x1xi32>
    %squeeze3A_113 = vector.shape_cast %broadcast_in_dim3A_112 : vector<256x1xi32> to vector<256xi32>
    %mul3A_114 = arith.constant 2048 : i32
    %mul3A_115 = arith.muli %add3A_0, %mul3A_114 : i32
    %add3A_116 = vector.broadcast %mul3A_115 : i32 to vector<256xi32>
    %add3A_117 = arith.addi %squeeze3A_113, %add3A_116 : vector<256xi32>
    %swap3A_118 = arith.constant 0 : index
    %swap3A_119 = arith.constant 3 : index
    %swap3A_120 = arith.constant 0 : index
    %swap3A_121 = vector.load %arg3[%swap3A_118, %swap3A_119, %swap3A_120] : memref<1x17x256xi32, #tpu.memory_space<vmem>>, vector<1x1x256xi32>
    %swap3A_122 = vector.shape_cast %swap3A_121 : vector<1x1x256xi32> to vector<256xi32>
    %swap3A_123 = vector.shape_cast %add3A_117 : vector<256xi32> to vector<1x1x256xi32>
    tpu.vector_store %arg3[%swap3A_118, %swap3A_119, %swap3A_120], %swap3A_123 {strides = array<i32>} : memref<1x17x256xi32, #tpu.memory_space<vmem>>, vector<1x1x256xi32>,
    %eq3A_124 = vector.broadcast %broadcast_in_dim3A_112 : vector<256x1xi32> to vector<256x2048xi32>
    %eq3A_125 = arith.cmpi eq, %iota3A, %eq3A_124 : vector<256x2048xi32>
    %jit3A_126 = arith.constant 0x7F800000 : f32
    %broadcast_in_dim3A_127 = vector.broadcast %jit3A_126 : f32 to vector<256x2048xf32>
    %select_n3A_128 = arith.select %eq3A_125, %broadcast_in_dim3A_127, %select_n3A_101 : vector<256x2048xi1>, vector<256x2048xf32>
    %reduce_min3A_129 = arith.constant dense<0x7F800000> : vector<256xf32>
    %reduce_min3A_130 = vector.multi_reduction <minimumf>, %select_n3A_128, %reduce_min3A_129 [1] : vector<256x2048xf32> to vector<256xf32>
    %broadcast_in_dim3A_131 = vector.shape_cast %reduce_min3A_130 : vector<256xf32> to vector<256x1xf32>
    %eq3A_132 = vector.broadcast %broadcast_in_dim3A_131 : vector<256x1xf32> to vector<256x2048xf32>
    %eq3A_133 = arith.cmpf oeq, %select_n3A_128, %eq3A_132 : vector<256x2048xf32>
    %jit3A_134 = arith.constant 2048 : i32
    %broadcast_in_dim3A_135 = vector.broadcast %jit3A_134 : i32 to vector<256x2048xi32>
    %select_n3A_136 = arith.select %eq3A_133, %iota3A, %broadcast_in_dim3A_135 : vector<256x2048xi1>, vector<256x2048xi32>
    %reduce_min3A_137 = arith.constant dense<2147483647> : vector<256xi32>
    %reduce_min3A_138 = vector.multi_reduction <minsi>, %select_n3A_136, %reduce_min3A_137 [1] : vector<256x2048xi32> to vector<256xi32>
    %broadcast_in_dim3A_139 = vector.shape_cast %reduce_min3A_138 : vector<256xi32> to vector<256x1xi32>
    %squeeze3A_140 = vector.shape_cast %broadcast_in_dim3A_139 : vector<256x1xi32> to vector<256xi32>
    %mul3A_141 = arith.constant 2048 : i32
    %mul3A_142 = arith.muli %add3A_0, %mul3A_141 : i32
    %add3A_143 = vector.broadcast %mul3A_142 : i32 to vector<256xi32>
    %add3A_144 = arith.addi %squeeze3A_140, %add3A_143 : vector<256xi32>
    %swap3A_145 = arith.constant 0 : index
    %swap3A_146 = arith.constant 4 : index
    %swap3A_147 = arith.constant 0 : index
    %swap3A_148 = vector.load %arg3[%swap3A_145, %swap3A_146, %swap3A_147] : memref<1x17x256xi32, #tpu.memory_space<vmem>>, vector<1x1x256xi32>
    %swap3A_149 = vector.shape_cast %swap3A_148 : vector<1x1x256xi32> to vector<256xi32>
    %swap3A_150 = vector.shape_cast %add3A_144 : vector<256xi32> to vector<1x1x256xi32>
    tpu.vector_store %arg3[%swap3A_145, %swap3A_146, %swap3A_147], %swap3A_150 {strides = array<i32>} : memref<1x17x256xi32, #tpu.memory_space<vmem>>, vector<1x1x256xi32>,
    %eq3A_151 = vector.broadcast %broadcast_in_dim3A_139 : vector<256x1xi32> to vector<256x2048xi32>
    %eq3A_152 = arith.cmpi eq, %iota3A, %eq3A_151 : vector<256x2048xi32>
    %jit3A_153 = arith.constant 0x7F800000 : f32
    %broadcast_in_dim3A_154 = vector.broadcast %jit3A_153 : f32 to vector<256x2048xf32>
    %select_n3A_155 = arith.select %eq3A_152, %broadcast_in_dim3A_154, %select_n3A_128 : vector<256x2048xi1>, vector<256x2048xf32>
    %reduce_min3A_156 = arith.constant dense<0x7F800000> : vector<256xf32>
    %reduce_min3A_157 = vector.multi_reduction <minimumf>, %select_n3A_155, %reduce_min3A_156 [1] : vector<256x2048xf32> to vector<256xf32>
    %broadcast_in_dim3A_158 = vector.shape_cast %reduce_min3A_157 : vector<256xf32> to vector<256x1xf32>
    %eq3A_159 = vector.broadcast %broadcast_in_dim3A_158 : vector<256x1xf32> to vector<256x2048xf32>
    %eq3A_160 = arith.cmpf oeq, %select_n3A_155, %eq3A_159 : vector<256x2048xf32>
    %jit3A_161 = arith.constant 2048 : i32
    %broadcast_in_dim3A_162 = vector.broadcast %jit3A_161 : i32 to vector<256x2048xi32>
    %select_n3A_163 = arith.select %eq3A_160, %iota3A, %broadcast_in_dim3A_162 : vector<256x2048xi1>, vector<256x2048xi32>
    %reduce_min3A_164 = arith.constant dense<2147483647> : vector<256xi32>
    %reduce_min3A_165 = vector.multi_reduction <minsi>, %select_n3A_163, %reduce_min3A_164 [1] : vector<256x2048xi32> to vector<256xi32>
    %broadcast_in_dim3A_166 = vector.shape_cast %reduce_min3A_165 : vector<256xi32> to vector<256x1xi32>
    %squeeze3A_167 = vector.shape_cast %broadcast_in_dim3A_166 : vector<256x1xi32> to vector<256xi32>
    %mul3A_168 = arith.constant 2048 : i32
    %mul3A_169 = arith.muli %add3A_0, %mul3A_168 : i32
    %add3A_170 = vector.broadcast %mul3A_169 : i32 to vector<256xi32>
    %add3A_171 = arith.addi %squeeze3A_167, %add3A_170 : vector<256xi32>
    %swap3A_172 = arith.constant 0 : index
    %swap3A_173 = arith.constant 5 : index
    %swap3A_174 = arith.constant 0 : index
    %swap3A_175 = vector.load %arg3[%swap3A_172, %swap3A_173, %swap3A_174] : memref<1x17x256xi32, #tpu.memory_space<vmem>>, vector<1x1x256xi32>
    %swap3A_176 = vector.shape_cast %swap3A_175 : vector<1x1x256xi32> to vector<256xi32>
    %swap3A_177 = vector.shape_cast %add3A_171 : vector<256xi32> to vector<1x1x256xi32>
    tpu.vector_store %arg3[%swap3A_172, %swap3A_173, %swap3A_174], %swap3A_177 {strides = array<i32>} : memref<1x17x256xi32, #tpu.memory_space<vmem>>, vector<1x1x256xi32>,
    %eq3A_178 = vector.broadcast %broadcast_in_dim3A_166 : vector<256x1xi32> to vector<256x2048xi32>
    %eq3A_179 = arith.cmpi eq, %iota3A, %eq3A_178 : vector<256x2048xi32>
    %jit3A_180 = arith.constant 0x7F800000 : f32
    %broadcast_in_dim3A_181 = vector.broadcast %jit3A_180 : f32 to vector<256x2048xf32>
    %select_n3A_182 = arith.select %eq3A_179, %broadcast_in_dim3A_181, %select_n3A_155 : vector<256x2048xi1>, vector<256x2048xf32>
    %reduce_min3A_183 = arith.constant dense<0x7F800000> : vector<256xf32>
    %reduce_min3A_184 = vector.multi_reduction <minimumf>, %select_n3A_182, %reduce_min3A_183 [1] : vector<256x2048xf32> to vector<256xf32>
    %broadcast_in_dim3A_185 = vector.shape_cast %reduce_min3A_184 : vector<256xf32> to vector<256x1xf32>
    %eq3A_186 = vector.broadcast %broadcast_in_dim3A_185 : vector<256x1xf32> to vector<256x2048xf32>
    %eq3A_187 = arith.cmpf oeq, %select_n3A_182, %eq3A_186 : vector<256x2048xf32>
    %jit3A_188 = arith.constant 2048 : i32
    %broadcast_in_dim3A_189 = vector.broadcast %jit3A_188 : i32 to vector<256x2048xi32>
    %select_n3A_190 = arith.select %eq3A_187, %iota3A, %broadcast_in_dim3A_189 : vector<256x2048xi1>, vector<256x2048xi32>
    %reduce_min3A_191 = arith.constant dense<2147483647> : vector<256xi32>
    %reduce_min3A_192 = vector.multi_reduction <minsi>, %select_n3A_190, %reduce_min3A_191 [1] : vector<256x2048xi32> to vector<256xi32>
    %broadcast_in_dim3A_193 = vector.shape_cast %reduce_min3A_192 : vector<256xi32> to vector<256x1xi32>
    %squeeze3A_194 = vector.shape_cast %broadcast_in_dim3A_193 : vector<256x1xi32> to vector<256xi32>
    %mul3A_195 = arith.constant 2048 : i32
    %mul3A_196 = arith.muli %add3A_0, %mul3A_195 : i32
    %add3A_197 = vector.broadcast %mul3A_196 : i32 to vector<256xi32>
    %add3A_198 = arith.addi %squeeze3A_194, %add3A_197 : vector<256xi32>
    %swap3A_199 = arith.constant 0 : index
    %swap3A_200 = arith.constant 6 : index
    %swap3A_201 = arith.constant 0 : index
    %swap3A_202 = vector.load %arg3[%swap3A_199, %swap3A_200, %swap3A_201] : memref<1x17x256xi32, #tpu.memory_space<vmem>>, vector<1x1x256xi32>
    %swap3A_203 = vector.shape_cast %swap3A_202 : vector<1x1x256xi32> to vector<256xi32>
    %swap3A_204 = vector.shape_cast %add3A_198 : vector<256xi32> to vector<1x1x256xi32>
    tpu.vector_store %arg3[%swap3A_199, %swap3A_200, %swap3A_201], %swap3A_204 {strides = array<i32>} : memref<1x17x256xi32, #tpu.memory_space<vmem>>, vector<1x1x256xi32>,
    %eq3A_205 = vector.broadcast %broadcast_in_dim3A_193 : vector<256x1xi32> to vector<256x2048xi32>
    %eq3A_206 = arith.cmpi eq, %iota3A, %eq3A_205 : vector<256x2048xi32>
    %jit3A_207 = arith.constant 0x7F800000 : f32
    %broadcast_in_dim3A_208 = vector.broadcast %jit3A_207 : f32 to vector<256x2048xf32>
    %select_n3A_209 = arith.select %eq3A_206, %broadcast_in_dim3A_208, %select_n3A_182 : vector<256x2048xi1>, vector<256x2048xf32>
    %reduce_min3A_210 = arith.constant dense<0x7F800000> : vector<256xf32>
    %reduce_min3A_211 = vector.multi_reduction <minimumf>, %select_n3A_209, %reduce_min3A_210 [1] : vector<256x2048xf32> to vector<256xf32>
    %broadcast_in_dim3A_212 = vector.shape_cast %reduce_min3A_211 : vector<256xf32> to vector<256x1xf32>
    %eq3A_213 = vector.broadcast %broadcast_in_dim3A_212 : vector<256x1xf32> to vector<256x2048xf32>
    %eq3A_214 = arith.cmpf oeq, %select_n3A_209, %eq3A_213 : vector<256x2048xf32>
    %jit3A_215 = arith.constant 2048 : i32
    %broadcast_in_dim3A_216 = vector.broadcast %jit3A_215 : i32 to vector<256x2048xi32>
    %select_n3A_217 = arith.select %eq3A_214, %iota3A, %broadcast_in_dim3A_216 : vector<256x2048xi1>, vector<256x2048xi32>
    %reduce_min3A_218 = arith.constant dense<2147483647> : vector<256xi32>
    %reduce_min3A_219 = vector.multi_reduction <minsi>, %select_n3A_217, %reduce_min3A_218 [1] : vector<256x2048xi32> to vector<256xi32>
    %broadcast_in_dim3A_220 = vector.shape_cast %reduce_min3A_219 : vector<256xi32> to vector<256x1xi32>
    %squeeze3A_221 = vector.shape_cast %broadcast_in_dim3A_220 : vector<256x1xi32> to vector<256xi32>
    %mul3A_222 = arith.constant 2048 : i32
    %mul3A_223 = arith.muli %add3A_0, %mul3A_222 : i32
    %add3A_224 = vector.broadcast %mul3A_223 : i32 to vector<256xi32>
    %add3A_225 = arith.addi %squeeze3A_221, %add3A_224 : vector<256xi32>
    %swap3A_226 = arith.constant 0 : index
    %swap3A_227 = arith.constant 7 : index
    %swap3A_228 = arith.constant 0 : index
    %swap3A_229 = vector.load %arg3[%swap3A_226, %swap3A_227, %swap3A_228] : memref<1x17x256xi32, #tpu.memory_space<vmem>>, vector<1x1x256xi32>
    %swap3A_230 = vector.shape_cast %swap3A_229 : vector<1x1x256xi32> to vector<256xi32>
    %swap3A_231 = vector.shape_cast %add3A_225 : vector<256xi32> to vector<1x1x256xi32>
    tpu.vector_store %arg3[%swap3A_226, %swap3A_227, %swap3A_228], %swap3A_231 {strides = array<i32>} : memref<1x17x256xi32, #tpu.memory_space<vmem>>, vector<1x1x256xi32>,
    %eq3A_232 = vector.broadcast %broadcast_in_dim3A_220 : vector<256x1xi32> to vector<256x2048xi32>
    %eq3A_233 = arith.cmpi eq, %iota3A, %eq3A_232 : vector<256x2048xi32>
    %jit3A_234 = arith.constant 0x7F800000 : f32
    %broadcast_in_dim3A_235 = vector.broadcast %jit3A_234 : f32 to vector<256x2048xf32>
    %select_n3A_236 = arith.select %eq3A_233, %broadcast_in_dim3A_235, %select_n3A_209 : vector<256x2048xi1>, vector<256x2048xf32>
    %reduce_min3A_237 = arith.constant dense<0x7F800000> : vector<256xf32>
    %reduce_min3A_238 = vector.multi_reduction <minimumf>, %select_n3A_236, %reduce_min3A_237 [1] : vector<256x2048xf32> to vector<256xf32>
    %broadcast_in_dim3A_239 = vector.shape_cast %reduce_min3A_238 : vector<256xf32> to vector<256x1xf32>
    %eq3A_240 = vector.broadcast %broadcast_in_dim3A_239 : vector<256x1xf32> to vector<256x2048xf32>
    %eq3A_241 = arith.cmpf oeq, %select_n3A_236, %eq3A_240 : vector<256x2048xf32>
    %jit3A_242 = arith.constant 2048 : i32
    %broadcast_in_dim3A_243 = vector.broadcast %jit3A_242 : i32 to vector<256x2048xi32>
    %select_n3A_244 = arith.select %eq3A_241, %iota3A, %broadcast_in_dim3A_243 : vector<256x2048xi1>, vector<256x2048xi32>
    %reduce_min3A_245 = arith.constant dense<2147483647> : vector<256xi32>
    %reduce_min3A_246 = vector.multi_reduction <minsi>, %select_n3A_244, %reduce_min3A_245 [1] : vector<256x2048xi32> to vector<256xi32>
    %broadcast_in_dim3A_247 = vector.shape_cast %reduce_min3A_246 : vector<256xi32> to vector<256x1xi32>
    %squeeze3A_248 = vector.shape_cast %broadcast_in_dim3A_247 : vector<256x1xi32> to vector<256xi32>
    %mul3A_249 = arith.constant 2048 : i32
    %mul3A_250 = arith.muli %add3A_0, %mul3A_249 : i32
    %add3A_251 = vector.broadcast %mul3A_250 : i32 to vector<256xi32>
    %add3A_252 = arith.addi %squeeze3A_248, %add3A_251 : vector<256xi32>
    %swap3A_253 = arith.constant 0 : index
    %swap3A_254 = arith.constant 8 : index
    %swap3A_255 = arith.constant 0 : index
    %swap3A_256 = vector.load %arg3[%swap3A_253, %swap3A_254, %swap3A_255] : memref<1x17x256xi32, #tpu.memory_space<vmem>>, vector<1x1x256xi32>
    %swap3A_257 = vector.shape_cast %swap3A_256 : vector<1x1x256xi32> to vector<256xi32>
    %swap3A_258 = vector.shape_cast %add3A_252 : vector<256xi32> to vector<1x1x256xi32>
    tpu.vector_store %arg3[%swap3A_253, %swap3A_254, %swap3A_255], %swap3A_258 {strides = array<i32>} : memref<1x17x256xi32, #tpu.memory_space<vmem>>, vector<1x1x256xi32>,
    %eq3A_259 = vector.broadcast %broadcast_in_dim3A_247 : vector<256x1xi32> to vector<256x2048xi32>
    %eq3A_260 = arith.cmpi eq, %iota3A, %eq3A_259 : vector<256x2048xi32>
    %jit3A_261 = arith.constant 0x7F800000 : f32
    %broadcast_in_dim3A_262 = vector.broadcast %jit3A_261 : f32 to vector<256x2048xf32>
    %select_n3A_263 = arith.select %eq3A_260, %broadcast_in_dim3A_262, %select_n3A_236 : vector<256x2048xi1>, vector<256x2048xf32>
    %reduce_min3A_264 = arith.constant dense<0x7F800000> : vector<256xf32>
    %reduce_min3A_265 = vector.multi_reduction <minimumf>, %select_n3A_263, %reduce_min3A_264 [1] : vector<256x2048xf32> to vector<256xf32>
    %broadcast_in_dim3A_266 = vector.shape_cast %reduce_min3A_265 : vector<256xf32> to vector<256x1xf32>
    %eq3A_267 = vector.broadcast %broadcast_in_dim3A_266 : vector<256x1xf32> to vector<256x2048xf32>
    %eq3A_268 = arith.cmpf oeq, %select_n3A_263, %eq3A_267 : vector<256x2048xf32>
    %jit3A_269 = arith.constant 2048 : i32
    %broadcast_in_dim3A_270 = vector.broadcast %jit3A_269 : i32 to vector<256x2048xi32>
    %select_n3A_271 = arith.select %eq3A_268, %iota3A, %broadcast_in_dim3A_270 : vector<256x2048xi1>, vector<256x2048xi32>
    %reduce_min3A_272 = arith.constant dense<2147483647> : vector<256xi32>
    %reduce_min3A_273 = vector.multi_reduction <minsi>, %select_n3A_271, %reduce_min3A_272 [1] : vector<256x2048xi32> to vector<256xi32>
    %broadcast_in_dim3A_274 = vector.shape_cast %reduce_min3A_273 : vector<256xi32> to vector<256x1xi32>
    %squeeze3A_275 = vector.shape_cast %broadcast_in_dim3A_274 : vector<256x1xi32> to vector<256xi32>
    %mul3A_276 = arith.constant 2048 : i32
    %mul3A_277 = arith.muli %add3A_0, %mul3A_276 : i32
    %add3A_278 = vector.broadcast %mul3A_277 : i32 to vector<256xi32>
    %add3A_279 = arith.addi %squeeze3A_275, %add3A_278 : vector<256xi32>
    %swap3A_280 = arith.constant 0 : index
    %swap3A_281 = arith.constant 9 : index
    %swap3A_282 = arith.constant 0 : index
    %swap3A_283 = vector.load %arg3[%swap3A_280, %swap3A_281, %swap3A_282] : memref<1x17x256xi32, #tpu.memory_space<vmem>>, vector<1x1x256xi32>
    %swap3A_284 = vector.shape_cast %swap3A_283 : vector<1x1x256xi32> to vector<256xi32>
    %swap3A_285 = vector.shape_cast %add3A_279 : vector<256xi32> to vector<1x1x256xi32>
    tpu.vector_store %arg3[%swap3A_280, %swap3A_281, %swap3A_282], %swap3A_285 {strides = array<i32>} : memref<1x17x256xi32, #tpu.memory_space<vmem>>, vector<1x1x256xi32>,
    %eq3A_286 = vector.broadcast %broadcast_in_dim3A_274 : vector<256x1xi32> to vector<256x2048xi32>
    %eq3A_287 = arith.cmpi eq, %iota3A, %eq3A_286 : vector<256x2048xi32>
    %jit3A_288 = arith.constant 0x7F800000 : f32
    %broadcast_in_dim3A_289 = vector.broadcast %jit3A_288 : f32 to vector<256x2048xf32>
    %select_n3A_290 = arith.select %eq3A_287, %broadcast_in_dim3A_289, %select_n3A_263 : vector<256x2048xi1>, vector<256x2048xf32>
    %reduce_min3A_291 = arith.constant dense<0x7F800000> : vector<256xf32>
    %reduce_min3A_292 = vector.multi_reduction <minimumf>, %select_n3A_290, %reduce_min3A_291 [1] : vector<256x2048xf32> to vector<256xf32>
    %broadcast_in_dim3A_293 = vector.shape_cast %reduce_min3A_292 : vector<256xf32> to vector<256x1xf32>
    %eq3A_294 = vector.broadcast %broadcast_in_dim3A_293 : vector<256x1xf32> to vector<256x2048xf32>
    %eq3A_295 = arith.cmpf oeq, %select_n3A_290, %eq3A_294 : vector<256x2048xf32>
    %jit3A_296 = arith.constant 2048 : i32
    %broadcast_in_dim3A_297 = vector.broadcast %jit3A_296 : i32 to vector<256x2048xi32>
    %select_n3A_298 = arith.select %eq3A_295, %iota3A, %broadcast_in_dim3A_297 : vector<256x2048xi1>, vector<256x2048xi32>
    %reduce_min3A_299 = arith.constant dense<2147483647> : vector<256xi32>
    %reduce_min3A_300 = vector.multi_reduction <minsi>, %select_n3A_298, %reduce_min3A_299 [1] : vector<256x2048xi32> to vector<256xi32>
    %broadcast_in_dim3A_301 = vector.shape_cast %reduce_min3A_300 : vector<256xi32> to vector<256x1xi32>
    %squeeze3A_302 = vector.shape_cast %broadcast_in_dim3A_301 : vector<256x1xi32> to vector<256xi32>
    %mul3A_303 = arith.constant 2048 : i32
    %mul3A_304 = arith.muli %add3A_0, %mul3A_303 : i32
    %add3A_305 = vector.broadcast %mul3A_304 : i32 to vector<256xi32>
    %add3A_306 = arith.addi %squeeze3A_302, %add3A_305 : vector<256xi32>
    %swap3A_307 = arith.constant 0 : index
    %swap3A_308 = arith.constant 10 : index
    %swap3A_309 = arith.constant 0 : index
    %swap3A_310 = vector.load %arg3[%swap3A_307, %swap3A_308, %swap3A_309] : memref<1x17x256xi32, #tpu.memory_space<vmem>>, vector<1x1x256xi32>
    %swap3A_311 = vector.shape_cast %swap3A_310 : vector<1x1x256xi32> to vector<256xi32>
    %swap3A_312 = vector.shape_cast %add3A_306 : vector<256xi32> to vector<1x1x256xi32>
    tpu.vector_store %arg3[%swap3A_307, %swap3A_308, %swap3A_309], %swap3A_312 {strides = array<i32>} : memref<1x17x256xi32, #tpu.memory_space<vmem>>, vector<1x1x256xi32>,
    %eq3A_313 = vector.broadcast %broadcast_in_dim3A_301 : vector<256x1xi32> to vector<256x2048xi32>
    %eq3A_314 = arith.cmpi eq, %iota3A, %eq3A_313 : vector<256x2048xi32>
    %jit3A_315 = arith.constant 0x7F800000 : f32
    %broadcast_in_dim3A_316 = vector.broadcast %jit3A_315 : f32 to vector<256x2048xf32>
    %select_n3A_317 = arith.select %eq3A_314, %broadcast_in_dim3A_316, %select_n3A_290 : vector<256x2048xi1>, vector<256x2048xf32>
    %reduce_min3A_318 = arith.constant dense<0x7F800000> : vector<256xf32>
    %reduce_min3A_319 = vector.multi_reduction <minimumf>, %select_n3A_317, %reduce_min3A_318 [1] : vector<256x2048xf32> to vector<256xf32>
    %broadcast_in_dim3A_320 = vector.shape_cast %reduce_min3A_319 : vector<256xf32> to vector<256x1xf32>
    %eq3A_321 = vector.broadcast %broadcast_in_dim3A_320 : vector<256x1xf32> to vector<256x2048xf32>
    %eq3A_322 = arith.cmpf oeq, %select_n3A_317, %eq3A_321 : vector<256x2048xf32>
    %jit3A_323 = arith.constant 2048 : i32
    %broadcast_in_dim3A_324 = vector.broadcast %jit3A_323 : i32 to vector<256x2048xi32>
    %select_n3A_325 = arith.select %eq3A_322, %iota3A, %broadcast_in_dim3A_324 : vector<256x2048xi1>, vector<256x2048xi32>
    %reduce_min3A_326 = arith.constant dense<2147483647> : vector<256xi32>
    %reduce_min3A_327 = vector.multi_reduction <minsi>, %select_n3A_325, %reduce_min3A_326 [1] : vector<256x2048xi32> to vector<256xi32>
    %broadcast_in_dim3A_328 = vector.shape_cast %reduce_min3A_327 : vector<256xi32> to vector<256x1xi32>
    %squeeze3A_329 = vector.shape_cast %broadcast_in_dim3A_328 : vector<256x1xi32> to vector<256xi32>
    %mul3A_330 = arith.constant 2048 : i32
    %mul3A_331 = arith.muli %add3A_0, %mul3A_330 : i32
    %add3A_332 = vector.broadcast %mul3A_331 : i32 to vector<256xi32>
    %add3A_333 = arith.addi %squeeze3A_329, %add3A_332 : vector<256xi32>
    %swap3A_334 = arith.constant 0 : index
    %swap3A_335 = arith.constant 11 : index
    %swap3A_336 = arith.constant 0 : index
    %swap3A_337 = vector.load %arg3[%swap3A_334, %swap3A_335, %swap3A_336] : memref<1x17x256xi32, #tpu.memory_space<vmem>>, vector<1x1x256xi32>
    %swap3A_338 = vector.shape_cast %swap3A_337 : vector<1x1x256xi32> to vector<256xi32>
    %swap3A_339 = vector.shape_cast %add3A_333 : vector<256xi32> to vector<1x1x256xi32>
    tpu.vector_store %arg3[%swap3A_334, %swap3A_335, %swap3A_336], %swap3A_339 {strides = array<i32>} : memref<1x17x256xi32, #tpu.memory_space<vmem>>, vector<1x1x256xi32>,
    %eq3A_340 = vector.broadcast %broadcast_in_dim3A_328 : vector<256x1xi32> to vector<256x2048xi32>
    %eq3A_341 = arith.cmpi eq, %iota3A, %eq3A_340 : vector<256x2048xi32>
    %jit3A_342 = arith.constant 0x7F800000 : f32
    %broadcast_in_dim3A_343 = vector.broadcast %jit3A_342 : f32 to vector<256x2048xf32>
    %select_n3A_344 = arith.select %eq3A_341, %broadcast_in_dim3A_343, %select_n3A_317 : vector<256x2048xi1>, vector<256x2048xf32>
    %reduce_min3A_345 = arith.constant dense<0x7F800000> : vector<256xf32>
    %reduce_min3A_346 = vector.multi_reduction <minimumf>, %select_n3A_344, %reduce_min3A_345 [1] : vector<256x2048xf32> to vector<256xf32>
    %broadcast_in_dim3A_347 = vector.shape_cast %reduce_min3A_346 : vector<256xf32> to vector<256x1xf32>
    %eq3A_348 = vector.broadcast %broadcast_in_dim3A_347 : vector<256x1xf32> to vector<256x2048xf32>
    %eq3A_349 = arith.cmpf oeq, %select_n3A_344, %eq3A_348 : vector<256x2048xf32>
    %jit3A_350 = arith.constant 2048 : i32
    %broadcast_in_dim3A_351 = vector.broadcast %jit3A_350 : i32 to vector<256x2048xi32>
    %select_n3A_352 = arith.select %eq3A_349, %iota3A, %broadcast_in_dim3A_351 : vector<256x2048xi1>, vector<256x2048xi32>
    %reduce_min3A_353 = arith.constant dense<2147483647> : vector<256xi32>
    %reduce_min3A_354 = vector.multi_reduction <minsi>, %select_n3A_352, %reduce_min3A_353 [1] : vector<256x2048xi32> to vector<256xi32>
    %broadcast_in_dim3A_355 = vector.shape_cast %reduce_min3A_354 : vector<256xi32> to vector<256x1xi32>
    %squeeze3A_356 = vector.shape_cast %broadcast_in_dim3A_355 : vector<256x1xi32> to vector<256xi32>
    %mul3A_357 = arith.constant 2048 : i32
    %mul3A_358 = arith.muli %add3A_0, %mul3A_357 : i32
    %add3A_359 = vector.broadcast %mul3A_358 : i32 to vector<256xi32>
    %add3A_360 = arith.addi %squeeze3A_356, %add3A_359 : vector<256xi32>
    %swap3A_361 = arith.constant 0 : index
    %swap3A_362 = arith.constant 12 : index
    %swap3A_363 = arith.constant 0 : index
    %swap3A_364 = vector.load %arg3[%swap3A_361, %swap3A_362, %swap3A_363] : memref<1x17x256xi32, #tpu.memory_space<vmem>>, vector<1x1x256xi32>
    %swap3A_365 = vector.shape_cast %swap3A_364 : vector<1x1x256xi32> to vector<256xi32>
    %swap3A_366 = vector.shape_cast %add3A_360 : vector<256xi32> to vector<1x1x256xi32>
    tpu.vector_store %arg3[%swap3A_361, %swap3A_362, %swap3A_363], %swap3A_366 {strides = array<i32>} : memref<1x17x256xi32, #tpu.memory_space<vmem>>, vector<1x1x256xi32>,
    %eq3A_367 = vector.broadcast %broadcast_in_dim3A_355 : vector<256x1xi32> to vector<256x2048xi32>
    %eq3A_368 = arith.cmpi eq, %iota3A, %eq3A_367 : vector<256x2048xi32>
    %jit3A_369 = arith.constant 0x7F800000 : f32
    %broadcast_in_dim3A_370 = vector.broadcast %jit3A_369 : f32 to vector<256x2048xf32>
    %select_n3A_371 = arith.select %eq3A_368, %broadcast_in_dim3A_370, %select_n3A_344 : vector<256x2048xi1>, vector<256x2048xf32>
    %reduce_min3A_372 = arith.constant dense<0x7F800000> : vector<256xf32>
    %reduce_min3A_373 = vector.multi_reduction <minimumf>, %select_n3A_371, %reduce_min3A_372 [1] : vector<256x2048xf32> to vector<256xf32>
    %broadcast_in_dim3A_374 = vector.shape_cast %reduce_min3A_373 : vector<256xf32> to vector<256x1xf32>
    %eq3A_375 = vector.broadcast %broadcast_in_dim3A_374 : vector<256x1xf32> to vector<256x2048xf32>
    %eq3A_376 = arith.cmpf oeq, %select_n3A_371, %eq3A_375 : vector<256x2048xf32>
    %jit3A_377 = arith.constant 2048 : i32
    %broadcast_in_dim3A_378 = vector.broadcast %jit3A_377 : i32 to vector<256x2048xi32>
    %select_n3A_379 = arith.select %eq3A_376, %iota3A, %broadcast_in_dim3A_378 : vector<256x2048xi1>, vector<256x2048xi32>
    %reduce_min3A_380 = arith.constant dense<2147483647> : vector<256xi32>
    %reduce_min3A_381 = vector.multi_reduction <minsi>, %select_n3A_379, %reduce_min3A_380 [1] : vector<256x2048xi32> to vector<256xi32>
    %broadcast_in_dim3A_382 = vector.shape_cast %reduce_min3A_381 : vector<256xi32> to vector<256x1xi32>
    %squeeze3A_383 = vector.shape_cast %broadcast_in_dim3A_382 : vector<256x1xi32> to vector<256xi32>
    %mul3A_384 = arith.constant 2048 : i32
    %mul3A_385 = arith.muli %add3A_0, %mul3A_384 : i32
    %add3A_386 = vector.broadcast %mul3A_385 : i32 to vector<256xi32>
    %add3A_387 = arith.addi %squeeze3A_383, %add3A_386 : vector<256xi32>
    %swap3A_388 = arith.constant 0 : index
    %swap3A_389 = arith.constant 13 : index
    %swap3A_390 = arith.constant 0 : index
    %swap3A_391 = vector.load %arg3[%swap3A_388, %swap3A_389, %swap3A_390] : memref<1x17x256xi32, #tpu.memory_space<vmem>>, vector<1x1x256xi32>
    %swap3A_392 = vector.shape_cast %swap3A_391 : vector<1x1x256xi32> to vector<256xi32>
    %swap3A_393 = vector.shape_cast %add3A_387 : vector<256xi32> to vector<1x1x256xi32>
    tpu.vector_store %arg3[%swap3A_388, %swap3A_389, %swap3A_390], %swap3A_393 {strides = array<i32>} : memref<1x17x256xi32, #tpu.memory_space<vmem>>, vector<1x1x256xi32>,
    %eq3A_394 = vector.broadcast %broadcast_in_dim3A_382 : vector<256x1xi32> to vector<256x2048xi32>
    %eq3A_395 = arith.cmpi eq, %iota3A, %eq3A_394 : vector<256x2048xi32>
    %jit3A_396 = arith.constant 0x7F800000 : f32
    %broadcast_in_dim3A_397 = vector.broadcast %jit3A_396 : f32 to vector<256x2048xf32>
    %select_n3A_398 = arith.select %eq3A_395, %broadcast_in_dim3A_397, %select_n3A_371 : vector<256x2048xi1>, vector<256x2048xf32>
    %reduce_min3A_399 = arith.constant dense<0x7F800000> : vector<256xf32>
    %reduce_min3A_400 = vector.multi_reduction <minimumf>, %select_n3A_398, %reduce_min3A_399 [1] : vector<256x2048xf32> to vector<256xf32>
    %broadcast_in_dim3A_401 = vector.shape_cast %reduce_min3A_400 : vector<256xf32> to vector<256x1xf32>
    %eq3A_402 = vector.broadcast %broadcast_in_dim3A_401 : vector<256x1xf32> to vector<256x2048xf32>
    %eq3A_403 = arith.cmpf oeq, %select_n3A_398, %eq3A_402 : vector<256x2048xf32>
    %jit3A_404 = arith.constant 2048 : i32
    %broadcast_in_dim3A_405 = vector.broadcast %jit3A_404 : i32 to vector<256x2048xi32>
    %select_n3A_406 = arith.select %eq3A_403, %iota3A, %broadcast_in_dim3A_405 : vector<256x2048xi1>, vector<256x2048xi32>
    %reduce_min3A_407 = arith.constant dense<2147483647> : vector<256xi32>
    %reduce_min3A_408 = vector.multi_reduction <minsi>, %select_n3A_406, %reduce_min3A_407 [1] : vector<256x2048xi32> to vector<256xi32>
    %broadcast_in_dim3A_409 = vector.shape_cast %reduce_min3A_408 : vector<256xi32> to vector<256x1xi32>
    %squeeze3A_410 = vector.shape_cast %broadcast_in_dim3A_409 : vector<256x1xi32> to vector<256xi32>
    %mul3A_411 = arith.constant 2048 : i32
    %mul3A_412 = arith.muli %add3A_0, %mul3A_411 : i32
    %add3A_413 = vector.broadcast %mul3A_412 : i32 to vector<256xi32>
    %add3A_414 = arith.addi %squeeze3A_410, %add3A_413 : vector<256xi32>
    %swap3A_415 = arith.constant 0 : index
    %swap3A_416 = arith.constant 14 : index
    %swap3A_417 = arith.constant 0 : index
    %swap3A_418 = vector.load %arg3[%swap3A_415, %swap3A_416, %swap3A_417] : memref<1x17x256xi32, #tpu.memory_space<vmem>>, vector<1x1x256xi32>
    %swap3A_419 = vector.shape_cast %swap3A_418 : vector<1x1x256xi32> to vector<256xi32>
    %swap3A_420 = vector.shape_cast %add3A_414 : vector<256xi32> to vector<1x1x256xi32>
    tpu.vector_store %arg3[%swap3A_415, %swap3A_416, %swap3A_417], %swap3A_420 {strides = array<i32>} : memref<1x17x256xi32, #tpu.memory_space<vmem>>, vector<1x1x256xi32>,
    %eq3A_421 = vector.broadcast %broadcast_in_dim3A_409 : vector<256x1xi32> to vector<256x2048xi32>
    %eq3A_422 = arith.cmpi eq, %iota3A, %eq3A_421 : vector<256x2048xi32>
    %jit3A_423 = arith.constant 0x7F800000 : f32
    %broadcast_in_dim3A_424 = vector.broadcast %jit3A_423 : f32 to vector<256x2048xf32>
    %select_n3A_425 = arith.select %eq3A_422, %broadcast_in_dim3A_424, %select_n3A_398 : vector<256x2048xi1>, vector<256x2048xf32>
    %reduce_min3A_426 = arith.constant dense<0x7F800000> : vector<256xf32>
    %reduce_min3A_427 = vector.multi_reduction <minimumf>, %select_n3A_425, %reduce_min3A_426 [1] : vector<256x2048xf32> to vector<256xf32>
    %broadcast_in_dim3A_428 = vector.shape_cast %reduce_min3A_427 : vector<256xf32> to vector<256x1xf32>
    %eq3A_429 = vector.broadcast %broadcast_in_dim3A_428 : vector<256x1xf32> to vector<256x2048xf32>
    %eq3A_430 = arith.cmpf oeq, %select_n3A_425, %eq3A_429 : vector<256x2048xf32>
    %jit3A_431 = arith.constant 2048 : i32
    %broadcast_in_dim3A_432 = vector.broadcast %jit3A_431 : i32 to vector<256x2048xi32>
    %select_n3A_433 = arith.select %eq3A_430, %iota3A, %broadcast_in_dim3A_432 : vector<256x2048xi1>, vector<256x2048xi32>
    %reduce_min3A_434 = arith.constant dense<2147483647> : vector<256xi32>
    %reduce_min3A_435 = vector.multi_reduction <minsi>, %select_n3A_433, %reduce_min3A_434 [1] : vector<256x2048xi32> to vector<256xi32>
    %broadcast_in_dim3A_436 = vector.shape_cast %reduce_min3A_435 : vector<256xi32> to vector<256x1xi32>
    %squeeze3A_437 = vector.shape_cast %broadcast_in_dim3A_436 : vector<256x1xi32> to vector<256xi32>
    %mul3A_438 = arith.constant 2048 : i32
    %mul3A_439 = arith.muli %add3A_0, %mul3A_438 : i32
    %add3A_440 = vector.broadcast %mul3A_439 : i32 to vector<256xi32>
    %add3A_441 = arith.addi %squeeze3A_437, %add3A_440 : vector<256xi32>
    %swap3A_442 = arith.constant 0 : index
    %swap3A_443 = arith.constant 15 : index
    %swap3A_444 = arith.constant 0 : index
    %swap3A_445 = vector.load %arg3[%swap3A_442, %swap3A_443, %swap3A_444] : memref<1x17x256xi32, #tpu.memory_space<vmem>>, vector<1x1x256xi32>
    %swap3A_446 = vector.shape_cast %swap3A_445 : vector<1x1x256xi32> to vector<256xi32>
    %swap3A_447 = vector.shape_cast %add3A_441 : vector<256xi32> to vector<1x1x256xi32>
    tpu.vector_store %arg3[%swap3A_442, %swap3A_443, %swap3A_444], %swap3A_447 {strides = array<i32>} : memref<1x17x256xi32, #tpu.memory_space<vmem>>, vector<1x1x256xi32>,
    %eq3A_448 = vector.broadcast %broadcast_in_dim3A_436 : vector<256x1xi32> to vector<256x2048xi32>
    %eq3A_449 = arith.cmpi eq, %iota3A, %eq3A_448 : vector<256x2048xi32>
    %jit3A_450 = arith.constant 0x7F800000 : f32
    %broadcast_in_dim3A_451 = vector.broadcast %jit3A_450 : f32 to vector<256x2048xf32>
    %select_n3A_452 = arith.select %eq3A_449, %broadcast_in_dim3A_451, %select_n3A_425 : vector<256x2048xi1>, vector<256x2048xf32>
    %reduce_min3A_453 = arith.constant dense<0x7F800000> : vector<256xf32>
    %reduce_min3A_454 = vector.multi_reduction <minimumf>, %select_n3A_452, %reduce_min3A_453 [1] : vector<256x2048xf32> to vector<256xf32>
    %broadcast_in_dim3A_455 = vector.shape_cast %reduce_min3A_454 : vector<256xf32> to vector<256x1xf32>
    %eq3A_456 = vector.broadcast %broadcast_in_dim3A_455 : vector<256x1xf32> to vector<256x2048xf32>
    %eq3A_457 = arith.cmpf oeq, %select_n3A_452, %eq3A_456 : vector<256x2048xf32>
    %jit3A_458 = arith.constant 2048 : i32
    %broadcast_in_dim3A_459 = vector.broadcast %jit3A_458 : i32 to vector<256x2048xi32>
    %select_n3A_460 = arith.select %eq3A_457, %iota3A, %broadcast_in_dim3A_459 : vector<256x2048xi1>, vector<256x2048xi32>
    %reduce_min3A_461 = arith.constant dense<2147483647> : vector<256xi32>
    %reduce_min3A_462 = vector.multi_reduction <minsi>, %select_n3A_460, %reduce_min3A_461 [1] : vector<256x2048xi32> to vector<256xi32>
    %broadcast_in_dim3A_463 = vector.shape_cast %reduce_min3A_462 : vector<256xi32> to vector<256x1xi32>
    %squeeze3A_464 = vector.shape_cast %broadcast_in_dim3A_463 : vector<256x1xi32> to vector<256xi32>
    %mul3A_465 = arith.constant 2048 : i32
    %mul3A_466 = arith.muli %add3A_0, %mul3A_465 : i32
    %add3A_467 = vector.broadcast %mul3A_466 : i32 to vector<256xi32>
    %add3A_468 = arith.addi %squeeze3A_464, %add3A_467 : vector<256xi32>
    %swap3A_469 = arith.constant 0 : index
    %swap3A_470 = arith.constant 16 : index
    %swap3A_471 = arith.constant 0 : index
    %swap3A_472 = vector.load %arg3[%swap3A_469, %swap3A_470, %swap3A_471] : memref<1x17x256xi32, #tpu.memory_space<vmem>>, vector<1x1x256xi32>
    %swap3A_473 = vector.shape_cast %swap3A_472 : vector<1x1x256xi32> to vector<256xi32>
    %swap3A_474 = vector.shape_cast %add3A_468 : vector<256xi32> to vector<1x1x256xi32>
    tpu.vector_store %arg3[%swap3A_469, %swap3A_470, %swap3A_471], %swap3A_474 {strides = array<i32>} : memref<1x17x256xi32, #tpu.memory_space<vmem>>, vector<1x1x256xi32>,
    return
  }
  func.func @transform_0(%arg0: i32, %arg1: i32) -> (i32, i32, i32) {
    %c0_i32 = arith.constant 0 : i32
    %c0_i32_0 = arith.constant 0 : i32
    %c0_i32_1 = arith.constant 0 : i32
    return %arg0, %c0_i32, %c0_i32_0 : i32, i32, i32
  }
  func.func @transform_1(%arg0: i32, %arg1: i32) -> (i32, i32, i32) {
    %c0_i32 = arith.constant 0 : i32
    %c0_i32_0 = arith.constant 0 : i32
    return %arg0, %c0_i32, %arg1 : i32, i32, i32
  }
}

module attributes {stable_mosaic.version = 14 : i64} {
  func.func @_topk_kernel(%arg0: i32, %arg1: i32, %arg2: memref<1x3x2048xf32, #tpu.memory_space<vmem>>, %arg3: memref<1x17x256xi32, #tpu.memory_space<vmem>>) attributes {dimension_semantics = [#tpu.dimension_semantics<parallel>, #tpu.dimension_semantics<parallel>], iteration_bounds = array<i64: 2, 8>, scalar_prefetch = 0 : i64, scratch_operands = 0 : i64, tpu.core_type = #tpu.core_type<tc>, window_params = [{transform_indices = @transform_0, window_bounds = array<i64: 1, 3, 2048>}, {transform_indices = @transform_1, window_bounds = array<i64: 1, 17, 256>}]} {
    %add3A = arith.constant 4 : i32
    %add3A_0 = arith.addi %arg0, %add3A : i32
    %get3A = arith.constant 0 : index
    %get3A_1 = arith.constant 0 : index
    %get3A_2 = arith.constant 0 : index
    %get3A_3 = vector.load %arg2[%get3A, %get3A_1, %get3A_2] : memref<1x3x2048xf32, #tpu.memory_space<vmem>>, vector<1x3x2048xf32>
    %get3A_4 = vector.shape_cast %get3A_3 : vector<1x3x2048xf32> to vector<3x2048xf32>
    %mul3A = arith.constant 256 : i32
    %mul3A_5 = arith.muli %arg1, %mul3A : i32
    %get3A_6 = arith.constant 0 : index
    %get3A_7 = arith.constant 0 : index
    %get3A_8 = arith.index_cast %mul3A_5 : i32 to index
    %get3A_9 = vector.load %arg2[%get3A_6, %get3A_7, %get3A_8] : memref<1x3x2048xf32, #tpu.memory_space<vmem>>, vector<1x3x256xf32>
    %get3A_10 = vector.shape_cast %get3A_9 : vector<1x3x256xf32> to vector<3x256xf32>
    %mul3A_11 = arith.mulf %get3A_4, %get3A_4 : vector<3x2048xf32>
    %reduce_sum3A = arith.constant dense<0.000000e+00> : vector<2048xf32>
    %reduce_sum3A_12 = vector.multi_reduction <add>, %mul3A_11, %reduce_sum3A [0] : vector<3x2048xf32> to vector<2048xf32>
    %broadcast_in_dim3A = vector.shape_cast %reduce_sum3A_12 : vector<2048xf32> to vector<1x2048xf32>
    %mul3A_13 = arith.mulf %get3A_10, %get3A_10 : vector<3x256xf32>
    %reduce_sum3A_14 = arith.constant dense<0.000000e+00> : vector<256xf32>
    %reduce_sum3A_15 = vector.multi_reduction <add>, %mul3A_13, %reduce_sum3A_14 [0] : vector<3x256xf32> to vector<256xf32>
    %dot_general3A = arith.constant dense<0.000000e+00> : vector<256x2048xf32>
    %dot_general3A_16 = tpu.matmul %get3A_10, %get3A_4, %dot_general3A {dimension_numbers = #tpu.dot_dimension_numbers<[0], [0], [1], [1], [0, 1, 1, 1], [], []>, transpose_lhs_hint = false} : vector<3x256xf32>, vector<3x2048xf32>, vector<256x2048xf32> -> vector<256x2048xf32>
    %mul3A_17 = arith.constant -2.000000e+00 : f32
    %mul3A_18 = vector.broadcast %mul3A_17 : f32 to vector<256x2048xf32>
    %mul3A_19 = arith.mulf %mul3A_18, %dot_general3A_16 : vector<256x2048xf32>
    %broadcast_in_dim3A_20 = vector.shape_cast %reduce_sum3A_15 : vector<256xf32> to vector<256x1xf32>
    %add3A_21 = vector.broadcast %broadcast_in_dim3A_20 : vector<256x1xf32> to vector<256x2048xf32>
    %add3A_22 = arith.addf %mul3A_19, %add3A_21 : vector<256x2048xf32>
    %add3A_23 = vector.broadcast %broadcast_in_dim3A : vector<1x2048xf32> to vector<256x2048xf32>
    %add3A_24 = arith.addf %add3A_22, %add3A_23 : vector<256x2048xf32>
    %jit3A = arith.constant 9.99999996E-13 : f32
    %max3A = vector.broadcast %jit3A : f32 to vector<256x2048xf32>
    %max3A_25 = arith.maximumf %max3A, %add3A_24 : vector<256x2048xf32>
    %iota3A = tpu.iota {dimensions = array<i32: 1>} : vector<256x2048xi32>
    %reduce_min3A = arith.constant dense<0x7F800000> : vector<256xf32>
    %reduce_min3A_26 = vector.multi_reduction <minimumf>, %max3A_25, %reduce_min3A [1] : vector<256x2048xf32> to vector<256xf32>
    %broadcast_in_dim3A_27 = vector.shape_cast %reduce_min3A_26 : vector<256xf32> to vector<256x1xf32>
    %eq3A = vector.broadcast %broadcast_in_dim3A_27 : vector<256x1xf32> to vector<256x2048xf32>
    %eq3A_28 = arith.cmpf oeq, %max3A_25, %eq3A : vector<256x2048xf32>
    %jit3A_29 = arith.constant 2048 : i32
    %broadcast_in_dim3A_30 = vector.broadcast %jit3A_29 : i32 to vector<256x2048xi32>
    %select_n3A = arith.select %eq3A_28, %iota3A, %broadcast_in_dim3A_30 : vector<256x2048xi1>, vector<256x2048xi32>
    %reduce_min3A_31 = arith.constant dense<2147483647> : vector<256xi32>
    %reduce_min3A_32 = vector.multi_reduction <minsi>, %select_n3A, %reduce_min3A_31 [1] : vector<256x2048xi32> to vector<256xi32>
    %broadcast_in_dim3A_33 = vector.shape_cast %reduce_min3A_32 : vector<256xi32> to vector<256x1xi32>
    %squeeze3A = vector.shape_cast %broadcast_in_dim3A_33 : vector<256x1xi32> to vector<256xi32>
    %mul3A_34 = arith.constant 2048 : i32
    %mul3A_35 = arith.muli %add3A_0, %mul3A_34 : i32
    %add3A_36 = vector.broadcast %mul3A_35 : i32 to vector<256xi32>
    %add3A_37 = arith.addi %squeeze3A, %add3A_36 : vector<256xi32>
    %swap3A = arith.constant 0 : index
    %swap3A_38 = arith.constant 0 : index
    %swap3A_39 = arith.constant 0 : index
    %swap3A_40 = vector.load %arg3[%swap3A, %swap3A_38, %swap3A_39] : memref<1x17x256xi32, #tpu.memory_space<vmem>>, vector<1x1x256xi32>
    %swap3A_41 = vector.shape_cast %swap3A_40 : vector<1x1x256xi32> to vector<256xi32>
    %swap3A_42 = vector.shape_cast %add3A_37 : vector<256xi32> to vector<1x1x256xi32>
    tpu.vector_store %arg3[%swap3A, %swap3A_38, %swap3A_39], %swap3A_42 {strides = array<i32>} : memref<1x17x256xi32, #tpu.memory_space<vmem>>, vector<1x1x256xi32>,
    %eq3A_43 = vector.broadcast %broadcast_in_dim3A_33 : vector<256x1xi32> to vector<256x2048xi32>
    %eq3A_44 = arith.cmpi eq, %iota3A, %eq3A_43 : vector<256x2048xi32>
    %jit3A_45 = arith.constant 0x7F800000 : f32
    %broadcast_in_dim3A_46 = vector.broadcast %jit3A_45 : f32 to vector<256x2048xf32>
    %select_n3A_47 = arith.select %eq3A_44, %broadcast_in_dim3A_46, %max3A_25 : vector<256x2048xi1>, vector<256x2048xf32>
    %reduce_min3A_48 = arith.constant dense<0x7F800000> : vector<256xf32>
    %reduce_min3A_49 = vector.multi_reduction <minimumf>, %select_n3A_47, %reduce_min3A_48 [1] : vector<256x2048xf32> to vector<256xf32>
    %broadcast_in_dim3A_50 = vector.shape_cast %reduce_min3A_49 : vector<256xf32> to vector<256x1xf32>
    %eq3A_51 = vector.broadcast %broadcast_in_dim3A_50 : vector<256x1xf32> to vector<256x2048xf32>
    %eq3A_52 = arith.cmpf oeq, %select_n3A_47, %eq3A_51 : vector<256x2048xf32>
    %jit3A_53 = arith.constant 2048 : i32
    %broadcast_in_dim3A_54 = vector.broadcast %jit3A_53 : i32 to vector<256x2048xi32>
    %select_n3A_55 = arith.select %eq3A_52, %iota3A, %broadcast_in_dim3A_54 : vector<256x2048xi1>, vector<256x2048xi32>
    %reduce_min3A_56 = arith.constant dense<2147483647> : vector<256xi32>
    %reduce_min3A_57 = vector.multi_reduction <minsi>, %select_n3A_55, %reduce_min3A_56 [1] : vector<256x2048xi32> to vector<256xi32>
    %broadcast_in_dim3A_58 = vector.shape_cast %reduce_min3A_57 : vector<256xi32> to vector<256x1xi32>
    %squeeze3A_59 = vector.shape_cast %broadcast_in_dim3A_58 : vector<256x1xi32> to vector<256xi32>
    %mul3A_60 = arith.constant 2048 : i32
    %mul3A_61 = arith.muli %add3A_0, %mul3A_60 : i32
    %add3A_62 = vector.broadcast %mul3A_61 : i32 to vector<256xi32>
    %add3A_63 = arith.addi %squeeze3A_59, %add3A_62 : vector<256xi32>
    %swap3A_64 = arith.constant 0 : index
    %swap3A_65 = arith.constant 1 : index
    %swap3A_66 = arith.constant 0 : index
    %swap3A_67 = vector.load %arg3[%swap3A_64, %swap3A_65, %swap3A_66] : memref<1x17x256xi32, #tpu.memory_space<vmem>>, vector<1x1x256xi32>
    %swap3A_68 = vector.shape_cast %swap3A_67 : vector<1x1x256xi32> to vector<256xi32>
    %swap3A_69 = vector.shape_cast %add3A_63 : vector<256xi32> to vector<1x1x256xi32>
    tpu.vector_store %arg3[%swap3A_64, %swap3A_65, %swap3A_66], %swap3A_69 {strides = array<i32>} : memref<1x17x256xi32, #tpu.memory_space<vmem>>, vector<1x1x256xi32>,
    %eq3A_70 = vector.broadcast %broadcast_in_dim3A_58 : vector<256x1xi32> to vector<256x2048xi32>
    %eq3A_71 = arith.cmpi eq, %iota3A, %eq3A_70 : vector<256x2048xi32>
    %jit3A_72 = arith.constant 0x7F800000 : f32
    %broadcast_in_dim3A_73 = vector.broadcast %jit3A_72 : f32 to vector<256x2048xf32>
    %select_n3A_74 = arith.select %eq3A_71, %broadcast_in_dim3A_73, %select_n3A_47 : vector<256x2048xi1>, vector<256x2048xf32>
    %reduce_min3A_75 = arith.constant dense<0x7F800000> : vector<256xf32>
    %reduce_min3A_76 = vector.multi_reduction <minimumf>, %select_n3A_74, %reduce_min3A_75 [1] : vector<256x2048xf32> to vector<256xf32>
    %broadcast_in_dim3A_77 = vector.shape_cast %reduce_min3A_76 : vector<256xf32> to vector<256x1xf32>
    %eq3A_78 = vector.broadcast %broadcast_in_dim3A_77 : vector<256x1xf32> to vector<256x2048xf32>
    %eq3A_79 = arith.cmpf oeq, %select_n3A_74, %eq3A_78 : vector<256x2048xf32>
    %jit3A_80 = arith.constant 2048 : i32
    %broadcast_in_dim3A_81 = vector.broadcast %jit3A_80 : i32 to vector<256x2048xi32>
    %select_n3A_82 = arith.select %eq3A_79, %iota3A, %broadcast_in_dim3A_81 : vector<256x2048xi1>, vector<256x2048xi32>
    %reduce_min3A_83 = arith.constant dense<2147483647> : vector<256xi32>
    %reduce_min3A_84 = vector.multi_reduction <minsi>, %select_n3A_82, %reduce_min3A_83 [1] : vector<256x2048xi32> to vector<256xi32>
    %broadcast_in_dim3A_85 = vector.shape_cast %reduce_min3A_84 : vector<256xi32> to vector<256x1xi32>
    %squeeze3A_86 = vector.shape_cast %broadcast_in_dim3A_85 : vector<256x1xi32> to vector<256xi32>
    %mul3A_87 = arith.constant 2048 : i32
    %mul3A_88 = arith.muli %add3A_0, %mul3A_87 : i32
    %add3A_89 = vector.broadcast %mul3A_88 : i32 to vector<256xi32>
    %add3A_90 = arith.addi %squeeze3A_86, %add3A_89 : vector<256xi32>
    %swap3A_91 = arith.constant 0 : index
    %swap3A_92 = arith.constant 2 : index
    %swap3A_93 = arith.constant 0 : index
    %swap3A_94 = vector.load %arg3[%swap3A_91, %swap3A_92, %swap3A_93] : memref<1x17x256xi32, #tpu.memory_space<vmem>>, vector<1x1x256xi32>
    %swap3A_95 = vector.shape_cast %swap3A_94 : vector<1x1x256xi32> to vector<256xi32>
    %swap3A_96 = vector.shape_cast %add3A_90 : vector<256xi32> to vector<1x1x256xi32>
    tpu.vector_store %arg3[%swap3A_91, %swap3A_92, %swap3A_93], %swap3A_96 {strides = array<i32>} : memref<1x17x256xi32, #tpu.memory_space<vmem>>, vector<1x1x256xi32>,
    %eq3A_97 = vector.broadcast %broadcast_in_dim3A_85 : vector<256x1xi32> to vector<256x2048xi32>
    %eq3A_98 = arith.cmpi eq, %iota3A, %eq3A_97 : vector<256x2048xi32>
    %jit3A_99 = arith.constant 0x7F800000 : f32
    %broadcast_in_dim3A_100 = vector.broadcast %jit3A_99 : f32 to vector<256x2048xf32>
    %select_n3A_101 = arith.select %eq3A_98, %broadcast_in_dim3A_100, %select_n3A_74 : vector<256x2048xi1>, vector<256x2048xf32>
    %reduce_min3A_102 = arith.constant dense<0x7F800000> : vector<256xf32>
    %reduce_min3A_103 = vector.multi_reduction <minimumf>, %select_n3A_101, %reduce_min3A_102 [1] : vector<256x2048xf32> to vector<256xf32>
    %broadcast_in_dim3A_104 = vector.shape_cast %reduce_min3A_103 : vector<256xf32> to vector<256x1xf32>
    %eq3A_105 = vector.broadcast %broadcast_in_dim3A_104 : vector<256x1xf32> to vector<256x2048xf32>
    %eq3A_106 = arith.cmpf oeq, %select_n3A_101, %eq3A_105 : vector<256x2048xf32>
    %jit3A_107 = arith.constant 2048 : i32
    %broadcast_in_dim3A_108 = vector.broadcast %jit3A_107 : i32 to vector<256x2048xi32>
    %select_n3A_109 = arith.select %eq3A_106, %iota3A, %broadcast_in_dim3A_108 : vector<256x2048xi1>, vector<256x2048xi32>
    %reduce_min3A_110 = arith.constant dense<2147483647> : vector<256xi32>
    %reduce_min3A_111 = vector.multi_reduction <minsi>, %select_n3A_109, %reduce_min3A_110 [1] : vector<256x2048xi32> to vector<256xi32>
    %broadcast_in_dim3A_112 = vector.shape_cast %reduce_min3A_111 : vector<256xi32> to vector<256x1xi32>
    %squeeze3A_113 = vector.shape_cast %broadcast_in_dim3A_112 : vector<256x1xi32> to vector<256xi32>
    %mul3A_114 = arith.constant 2048 : i32
    %mul3A_115 = arith.muli %add3A_0, %mul3A_114 : i32
    %add3A_116 = vector.broadcast %mul3A_115 : i32 to vector<256xi32>
    %add3A_117 = arith.addi %squeeze3A_113, %add3A_116 : vector<256xi32>
    %swap3A_118 = arith.constant 0 : index
    %swap3A_119 = arith.constant 3 : index
    %swap3A_120 = arith.constant 0 : index
    %swap3A_121 = vector.load %arg3[%swap3A_118, %swap3A_119, %swap3A_120] : memref<1x17x256xi32, #tpu.memory_space<vmem>>, vector<1x1x256xi32>
    %swap3A_122 = vector.shape_cast %swap3A_121 : vector<1x1x256xi32> to vector<256xi32>
    %swap3A_123 = vector.shape_cast %add3A_117 : vector<256xi32> to vector<1x1x256xi32>
    tpu.vector_store %arg3[%swap3A_118, %swap3A_119, %swap3A_120], %swap3A_123 {strides = array<i32>} : memref<1x17x256xi32, #tpu.memory_space<vmem>>, vector<1x1x256xi32>,
    %eq3A_124 = vector.broadcast %broadcast_in_dim3A_112 : vector<256x1xi32> to vector<256x2048xi32>
    %eq3A_125 = arith.cmpi eq, %iota3A, %eq3A_124 : vector<256x2048xi32>
    %jit3A_126 = arith.constant 0x7F800000 : f32
    %broadcast_in_dim3A_127 = vector.broadcast %jit3A_126 : f32 to vector<256x2048xf32>
    %select_n3A_128 = arith.select %eq3A_125, %broadcast_in_dim3A_127, %select_n3A_101 : vector<256x2048xi1>, vector<256x2048xf32>
    %reduce_min3A_129 = arith.constant dense<0x7F800000> : vector<256xf32>
    %reduce_min3A_130 = vector.multi_reduction <minimumf>, %select_n3A_128, %reduce_min3A_129 [1] : vector<256x2048xf32> to vector<256xf32>
    %broadcast_in_dim3A_131 = vector.shape_cast %reduce_min3A_130 : vector<256xf32> to vector<256x1xf32>
    %eq3A_132 = vector.broadcast %broadcast_in_dim3A_131 : vector<256x1xf32> to vector<256x2048xf32>
    %eq3A_133 = arith.cmpf oeq, %select_n3A_128, %eq3A_132 : vector<256x2048xf32>
    %jit3A_134 = arith.constant 2048 : i32
    %broadcast_in_dim3A_135 = vector.broadcast %jit3A_134 : i32 to vector<256x2048xi32>
    %select_n3A_136 = arith.select %eq3A_133, %iota3A, %broadcast_in_dim3A_135 : vector<256x2048xi1>, vector<256x2048xi32>
    %reduce_min3A_137 = arith.constant dense<2147483647> : vector<256xi32>
    %reduce_min3A_138 = vector.multi_reduction <minsi>, %select_n3A_136, %reduce_min3A_137 [1] : vector<256x2048xi32> to vector<256xi32>
    %broadcast_in_dim3A_139 = vector.shape_cast %reduce_min3A_138 : vector<256xi32> to vector<256x1xi32>
    %squeeze3A_140 = vector.shape_cast %broadcast_in_dim3A_139 : vector<256x1xi32> to vector<256xi32>
    %mul3A_141 = arith.constant 2048 : i32
    %mul3A_142 = arith.muli %add3A_0, %mul3A_141 : i32
    %add3A_143 = vector.broadcast %mul3A_142 : i32 to vector<256xi32>
    %add3A_144 = arith.addi %squeeze3A_140, %add3A_143 : vector<256xi32>
    %swap3A_145 = arith.constant 0 : index
    %swap3A_146 = arith.constant 4 : index
    %swap3A_147 = arith.constant 0 : index
    %swap3A_148 = vector.load %arg3[%swap3A_145, %swap3A_146, %swap3A_147] : memref<1x17x256xi32, #tpu.memory_space<vmem>>, vector<1x1x256xi32>
    %swap3A_149 = vector.shape_cast %swap3A_148 : vector<1x1x256xi32> to vector<256xi32>
    %swap3A_150 = vector.shape_cast %add3A_144 : vector<256xi32> to vector<1x1x256xi32>
    tpu.vector_store %arg3[%swap3A_145, %swap3A_146, %swap3A_147], %swap3A_150 {strides = array<i32>} : memref<1x17x256xi32, #tpu.memory_space<vmem>>, vector<1x1x256xi32>,
    %eq3A_151 = vector.broadcast %broadcast_in_dim3A_139 : vector<256x1xi32> to vector<256x2048xi32>
    %eq3A_152 = arith.cmpi eq, %iota3A, %eq3A_151 : vector<256x2048xi32>
    %jit3A_153 = arith.constant 0x7F800000 : f32
    %broadcast_in_dim3A_154 = vector.broadcast %jit3A_153 : f32 to vector<256x2048xf32>
    %select_n3A_155 = arith.select %eq3A_152, %broadcast_in_dim3A_154, %select_n3A_128 : vector<256x2048xi1>, vector<256x2048xf32>
    %reduce_min3A_156 = arith.constant dense<0x7F800000> : vector<256xf32>
    %reduce_min3A_157 = vector.multi_reduction <minimumf>, %select_n3A_155, %reduce_min3A_156 [1] : vector<256x2048xf32> to vector<256xf32>
    %broadcast_in_dim3A_158 = vector.shape_cast %reduce_min3A_157 : vector<256xf32> to vector<256x1xf32>
    %eq3A_159 = vector.broadcast %broadcast_in_dim3A_158 : vector<256x1xf32> to vector<256x2048xf32>
    %eq3A_160 = arith.cmpf oeq, %select_n3A_155, %eq3A_159 : vector<256x2048xf32>
    %jit3A_161 = arith.constant 2048 : i32
    %broadcast_in_dim3A_162 = vector.broadcast %jit3A_161 : i32 to vector<256x2048xi32>
    %select_n3A_163 = arith.select %eq3A_160, %iota3A, %broadcast_in_dim3A_162 : vector<256x2048xi1>, vector<256x2048xi32>
    %reduce_min3A_164 = arith.constant dense<2147483647> : vector<256xi32>
    %reduce_min3A_165 = vector.multi_reduction <minsi>, %select_n3A_163, %reduce_min3A_164 [1] : vector<256x2048xi32> to vector<256xi32>
    %broadcast_in_dim3A_166 = vector.shape_cast %reduce_min3A_165 : vector<256xi32> to vector<256x1xi32>
    %squeeze3A_167 = vector.shape_cast %broadcast_in_dim3A_166 : vector<256x1xi32> to vector<256xi32>
    %mul3A_168 = arith.constant 2048 : i32
    %mul3A_169 = arith.muli %add3A_0, %mul3A_168 : i32
    %add3A_170 = vector.broadcast %mul3A_169 : i32 to vector<256xi32>
    %add3A_171 = arith.addi %squeeze3A_167, %add3A_170 : vector<256xi32>
    %swap3A_172 = arith.constant 0 : index
    %swap3A_173 = arith.constant 5 : index
    %swap3A_174 = arith.constant 0 : index
    %swap3A_175 = vector.load %arg3[%swap3A_172, %swap3A_173, %swap3A_174] : memref<1x17x256xi32, #tpu.memory_space<vmem>>, vector<1x1x256xi32>
    %swap3A_176 = vector.shape_cast %swap3A_175 : vector<1x1x256xi32> to vector<256xi32>
    %swap3A_177 = vector.shape_cast %add3A_171 : vector<256xi32> to vector<1x1x256xi32>
    tpu.vector_store %arg3[%swap3A_172, %swap3A_173, %swap3A_174], %swap3A_177 {strides = array<i32>} : memref<1x17x256xi32, #tpu.memory_space<vmem>>, vector<1x1x256xi32>,
    %eq3A_178 = vector.broadcast %broadcast_in_dim3A_166 : vector<256x1xi32> to vector<256x2048xi32>
    %eq3A_179 = arith.cmpi eq, %iota3A, %eq3A_178 : vector<256x2048xi32>
    %jit3A_180 = arith.constant 0x7F800000 : f32
    %broadcast_in_dim3A_181 = vector.broadcast %jit3A_180 : f32 to vector<256x2048xf32>
    %select_n3A_182 = arith.select %eq3A_179, %broadcast_in_dim3A_181, %select_n3A_155 : vector<256x2048xi1>, vector<256x2048xf32>
    %reduce_min3A_183 = arith.constant dense<0x7F800000> : vector<256xf32>
    %reduce_min3A_184 = vector.multi_reduction <minimumf>, %select_n3A_182, %reduce_min3A_183 [1] : vector<256x2048xf32> to vector<256xf32>
    %broadcast_in_dim3A_185 = vector.shape_cast %reduce_min3A_184 : vector<256xf32> to vector<256x1xf32>
    %eq3A_186 = vector.broadcast %broadcast_in_dim3A_185 : vector<256x1xf32> to vector<256x2048xf32>
    %eq3A_187 = arith.cmpf oeq, %select_n3A_182, %eq3A_186 : vector<256x2048xf32>
    %jit3A_188 = arith.constant 2048 : i32
    %broadcast_in_dim3A_189 = vector.broadcast %jit3A_188 : i32 to vector<256x2048xi32>
    %select_n3A_190 = arith.select %eq3A_187, %iota3A, %broadcast_in_dim3A_189 : vector<256x2048xi1>, vector<256x2048xi32>
    %reduce_min3A_191 = arith.constant dense<2147483647> : vector<256xi32>
    %reduce_min3A_192 = vector.multi_reduction <minsi>, %select_n3A_190, %reduce_min3A_191 [1] : vector<256x2048xi32> to vector<256xi32>
    %broadcast_in_dim3A_193 = vector.shape_cast %reduce_min3A_192 : vector<256xi32> to vector<256x1xi32>
    %squeeze3A_194 = vector.shape_cast %broadcast_in_dim3A_193 : vector<256x1xi32> to vector<256xi32>
    %mul3A_195 = arith.constant 2048 : i32
    %mul3A_196 = arith.muli %add3A_0, %mul3A_195 : i32
    %add3A_197 = vector.broadcast %mul3A_196 : i32 to vector<256xi32>
    %add3A_198 = arith.addi %squeeze3A_194, %add3A_197 : vector<256xi32>
    %swap3A_199 = arith.constant 0 : index
    %swap3A_200 = arith.constant 6 : index
    %swap3A_201 = arith.constant 0 : index
    %swap3A_202 = vector.load %arg3[%swap3A_199, %swap3A_200, %swap3A_201] : memref<1x17x256xi32, #tpu.memory_space<vmem>>, vector<1x1x256xi32>
    %swap3A_203 = vector.shape_cast %swap3A_202 : vector<1x1x256xi32> to vector<256xi32>
    %swap3A_204 = vector.shape_cast %add3A_198 : vector<256xi32> to vector<1x1x256xi32>
    tpu.vector_store %arg3[%swap3A_199, %swap3A_200, %swap3A_201], %swap3A_204 {strides = array<i32>} : memref<1x17x256xi32, #tpu.memory_space<vmem>>, vector<1x1x256xi32>,
    %eq3A_205 = vector.broadcast %broadcast_in_dim3A_193 : vector<256x1xi32> to vector<256x2048xi32>
    %eq3A_206 = arith.cmpi eq, %iota3A, %eq3A_205 : vector<256x2048xi32>
    %jit3A_207 = arith.constant 0x7F800000 : f32
    %broadcast_in_dim3A_208 = vector.broadcast %jit3A_207 : f32 to vector<256x2048xf32>
    %select_n3A_209 = arith.select %eq3A_206, %broadcast_in_dim3A_208, %select_n3A_182 : vector<256x2048xi1>, vector<256x2048xf32>
    %reduce_min3A_210 = arith.constant dense<0x7F800000> : vector<256xf32>
    %reduce_min3A_211 = vector.multi_reduction <minimumf>, %select_n3A_209, %reduce_min3A_210 [1] : vector<256x2048xf32> to vector<256xf32>
    %broadcast_in_dim3A_212 = vector.shape_cast %reduce_min3A_211 : vector<256xf32> to vector<256x1xf32>
    %eq3A_213 = vector.broadcast %broadcast_in_dim3A_212 : vector<256x1xf32> to vector<256x2048xf32>
    %eq3A_214 = arith.cmpf oeq, %select_n3A_209, %eq3A_213 : vector<256x2048xf32>
    %jit3A_215 = arith.constant 2048 : i32
    %broadcast_in_dim3A_216 = vector.broadcast %jit3A_215 : i32 to vector<256x2048xi32>
    %select_n3A_217 = arith.select %eq3A_214, %iota3A, %broadcast_in_dim3A_216 : vector<256x2048xi1>, vector<256x2048xi32>
    %reduce_min3A_218 = arith.constant dense<2147483647> : vector<256xi32>
    %reduce_min3A_219 = vector.multi_reduction <minsi>, %select_n3A_217, %reduce_min3A_218 [1] : vector<256x2048xi32> to vector<256xi32>
    %broadcast_in_dim3A_220 = vector.shape_cast %reduce_min3A_219 : vector<256xi32> to vector<256x1xi32>
    %squeeze3A_221 = vector.shape_cast %broadcast_in_dim3A_220 : vector<256x1xi32> to vector<256xi32>
    %mul3A_222 = arith.constant 2048 : i32
    %mul3A_223 = arith.muli %add3A_0, %mul3A_222 : i32
    %add3A_224 = vector.broadcast %mul3A_223 : i32 to vector<256xi32>
    %add3A_225 = arith.addi %squeeze3A_221, %add3A_224 : vector<256xi32>
    %swap3A_226 = arith.constant 0 : index
    %swap3A_227 = arith.constant 7 : index
    %swap3A_228 = arith.constant 0 : index
    %swap3A_229 = vector.load %arg3[%swap3A_226, %swap3A_227, %swap3A_228] : memref<1x17x256xi32, #tpu.memory_space<vmem>>, vector<1x1x256xi32>
    %swap3A_230 = vector.shape_cast %swap3A_229 : vector<1x1x256xi32> to vector<256xi32>
    %swap3A_231 = vector.shape_cast %add3A_225 : vector<256xi32> to vector<1x1x256xi32>
    tpu.vector_store %arg3[%swap3A_226, %swap3A_227, %swap3A_228], %swap3A_231 {strides = array<i32>} : memref<1x17x256xi32, #tpu.memory_space<vmem>>, vector<1x1x256xi32>,
    %eq3A_232 = vector.broadcast %broadcast_in_dim3A_220 : vector<256x1xi32> to vector<256x2048xi32>
    %eq3A_233 = arith.cmpi eq, %iota3A, %eq3A_232 : vector<256x2048xi32>
    %jit3A_234 = arith.constant 0x7F800000 : f32
    %broadcast_in_dim3A_235 = vector.broadcast %jit3A_234 : f32 to vector<256x2048xf32>
    %select_n3A_236 = arith.select %eq3A_233, %broadcast_in_dim3A_235, %select_n3A_209 : vector<256x2048xi1>, vector<256x2048xf32>
    %reduce_min3A_237 = arith.constant dense<0x7F800000> : vector<256xf32>
    %reduce_min3A_238 = vector.multi_reduction <minimumf>, %select_n3A_236, %reduce_min3A_237 [1] : vector<256x2048xf32> to vector<256xf32>
    %broadcast_in_dim3A_239 = vector.shape_cast %reduce_min3A_238 : vector<256xf32> to vector<256x1xf32>
    %eq3A_240 = vector.broadcast %broadcast_in_dim3A_239 : vector<256x1xf32> to vector<256x2048xf32>
    %eq3A_241 = arith.cmpf oeq, %select_n3A_236, %eq3A_240 : vector<256x2048xf32>
    %jit3A_242 = arith.constant 2048 : i32
    %broadcast_in_dim3A_243 = vector.broadcast %jit3A_242 : i32 to vector<256x2048xi32>
    %select_n3A_244 = arith.select %eq3A_241, %iota3A, %broadcast_in_dim3A_243 : vector<256x2048xi1>, vector<256x2048xi32>
    %reduce_min3A_245 = arith.constant dense<2147483647> : vector<256xi32>
    %reduce_min3A_246 = vector.multi_reduction <minsi>, %select_n3A_244, %reduce_min3A_245 [1] : vector<256x2048xi32> to vector<256xi32>
    %broadcast_in_dim3A_247 = vector.shape_cast %reduce_min3A_246 : vector<256xi32> to vector<256x1xi32>
    %squeeze3A_248 = vector.shape_cast %broadcast_in_dim3A_247 : vector<256x1xi32> to vector<256xi32>
    %mul3A_249 = arith.constant 2048 : i32
    %mul3A_250 = arith.muli %add3A_0, %mul3A_249 : i32
    %add3A_251 = vector.broadcast %mul3A_250 : i32 to vector<256xi32>
    %add3A_252 = arith.addi %squeeze3A_248, %add3A_251 : vector<256xi32>
    %swap3A_253 = arith.constant 0 : index
    %swap3A_254 = arith.constant 8 : index
    %swap3A_255 = arith.constant 0 : index
    %swap3A_256 = vector.load %arg3[%swap3A_253, %swap3A_254, %swap3A_255] : memref<1x17x256xi32, #tpu.memory_space<vmem>>, vector<1x1x256xi32>
    %swap3A_257 = vector.shape_cast %swap3A_256 : vector<1x1x256xi32> to vector<256xi32>
    %swap3A_258 = vector.shape_cast %add3A_252 : vector<256xi32> to vector<1x1x256xi32>
    tpu.vector_store %arg3[%swap3A_253, %swap3A_254, %swap3A_255], %swap3A_258 {strides = array<i32>} : memref<1x17x256xi32, #tpu.memory_space<vmem>>, vector<1x1x256xi32>,
    %eq3A_259 = vector.broadcast %broadcast_in_dim3A_247 : vector<256x1xi32> to vector<256x2048xi32>
    %eq3A_260 = arith.cmpi eq, %iota3A, %eq3A_259 : vector<256x2048xi32>
    %jit3A_261 = arith.constant 0x7F800000 : f32
    %broadcast_in_dim3A_262 = vector.broadcast %jit3A_261 : f32 to vector<256x2048xf32>
    %select_n3A_263 = arith.select %eq3A_260, %broadcast_in_dim3A_262, %select_n3A_236 : vector<256x2048xi1>, vector<256x2048xf32>
    %reduce_min3A_264 = arith.constant dense<0x7F800000> : vector<256xf32>
    %reduce_min3A_265 = vector.multi_reduction <minimumf>, %select_n3A_263, %reduce_min3A_264 [1] : vector<256x2048xf32> to vector<256xf32>
    %broadcast_in_dim3A_266 = vector.shape_cast %reduce_min3A_265 : vector<256xf32> to vector<256x1xf32>
    %eq3A_267 = vector.broadcast %broadcast_in_dim3A_266 : vector<256x1xf32> to vector<256x2048xf32>
    %eq3A_268 = arith.cmpf oeq, %select_n3A_263, %eq3A_267 : vector<256x2048xf32>
    %jit3A_269 = arith.constant 2048 : i32
    %broadcast_in_dim3A_270 = vector.broadcast %jit3A_269 : i32 to vector<256x2048xi32>
    %select_n3A_271 = arith.select %eq3A_268, %iota3A, %broadcast_in_dim3A_270 : vector<256x2048xi1>, vector<256x2048xi32>
    %reduce_min3A_272 = arith.constant dense<2147483647> : vector<256xi32>
    %reduce_min3A_273 = vector.multi_reduction <minsi>, %select_n3A_271, %reduce_min3A_272 [1] : vector<256x2048xi32> to vector<256xi32>
    %broadcast_in_dim3A_274 = vector.shape_cast %reduce_min3A_273 : vector<256xi32> to vector<256x1xi32>
    %squeeze3A_275 = vector.shape_cast %broadcast_in_dim3A_274 : vector<256x1xi32> to vector<256xi32>
    %mul3A_276 = arith.constant 2048 : i32
    %mul3A_277 = arith.muli %add3A_0, %mul3A_276 : i32
    %add3A_278 = vector.broadcast %mul3A_277 : i32 to vector<256xi32>
    %add3A_279 = arith.addi %squeeze3A_275, %add3A_278 : vector<256xi32>
    %swap3A_280 = arith.constant 0 : index
    %swap3A_281 = arith.constant 9 : index
    %swap3A_282 = arith.constant 0 : index
    %swap3A_283 = vector.load %arg3[%swap3A_280, %swap3A_281, %swap3A_282] : memref<1x17x256xi32, #tpu.memory_space<vmem>>, vector<1x1x256xi32>
    %swap3A_284 = vector.shape_cast %swap3A_283 : vector<1x1x256xi32> to vector<256xi32>
    %swap3A_285 = vector.shape_cast %add3A_279 : vector<256xi32> to vector<1x1x256xi32>
    tpu.vector_store %arg3[%swap3A_280, %swap3A_281, %swap3A_282], %swap3A_285 {strides = array<i32>} : memref<1x17x256xi32, #tpu.memory_space<vmem>>, vector<1x1x256xi32>,
    %eq3A_286 = vector.broadcast %broadcast_in_dim3A_274 : vector<256x1xi32> to vector<256x2048xi32>
    %eq3A_287 = arith.cmpi eq, %iota3A, %eq3A_286 : vector<256x2048xi32>
    %jit3A_288 = arith.constant 0x7F800000 : f32
    %broadcast_in_dim3A_289 = vector.broadcast %jit3A_288 : f32 to vector<256x2048xf32>
    %select_n3A_290 = arith.select %eq3A_287, %broadcast_in_dim3A_289, %select_n3A_263 : vector<256x2048xi1>, vector<256x2048xf32>
    %reduce_min3A_291 = arith.constant dense<0x7F800000> : vector<256xf32>
    %reduce_min3A_292 = vector.multi_reduction <minimumf>, %select_n3A_290, %reduce_min3A_291 [1] : vector<256x2048xf32> to vector<256xf32>
    %broadcast_in_dim3A_293 = vector.shape_cast %reduce_min3A_292 : vector<256xf32> to vector<256x1xf32>
    %eq3A_294 = vector.broadcast %broadcast_in_dim3A_293 : vector<256x1xf32> to vector<256x2048xf32>
    %eq3A_295 = arith.cmpf oeq, %select_n3A_290, %eq3A_294 : vector<256x2048xf32>
    %jit3A_296 = arith.constant 2048 : i32
    %broadcast_in_dim3A_297 = vector.broadcast %jit3A_296 : i32 to vector<256x2048xi32>
    %select_n3A_298 = arith.select %eq3A_295, %iota3A, %broadcast_in_dim3A_297 : vector<256x2048xi1>, vector<256x2048xi32>
    %reduce_min3A_299 = arith.constant dense<2147483647> : vector<256xi32>
    %reduce_min3A_300 = vector.multi_reduction <minsi>, %select_n3A_298, %reduce_min3A_299 [1] : vector<256x2048xi32> to vector<256xi32>
    %broadcast_in_dim3A_301 = vector.shape_cast %reduce_min3A_300 : vector<256xi32> to vector<256x1xi32>
    %squeeze3A_302 = vector.shape_cast %broadcast_in_dim3A_301 : vector<256x1xi32> to vector<256xi32>
    %mul3A_303 = arith.constant 2048 : i32
    %mul3A_304 = arith.muli %add3A_0, %mul3A_303 : i32
    %add3A_305 = vector.broadcast %mul3A_304 : i32 to vector<256xi32>
    %add3A_306 = arith.addi %squeeze3A_302, %add3A_305 : vector<256xi32>
    %swap3A_307 = arith.constant 0 : index
    %swap3A_308 = arith.constant 10 : index
    %swap3A_309 = arith.constant 0 : index
    %swap3A_310 = vector.load %arg3[%swap3A_307, %swap3A_308, %swap3A_309] : memref<1x17x256xi32, #tpu.memory_space<vmem>>, vector<1x1x256xi32>
    %swap3A_311 = vector.shape_cast %swap3A_310 : vector<1x1x256xi32> to vector<256xi32>
    %swap3A_312 = vector.shape_cast %add3A_306 : vector<256xi32> to vector<1x1x256xi32>
    tpu.vector_store %arg3[%swap3A_307, %swap3A_308, %swap3A_309], %swap3A_312 {strides = array<i32>} : memref<1x17x256xi32, #tpu.memory_space<vmem>>, vector<1x1x256xi32>,
    %eq3A_313 = vector.broadcast %broadcast_in_dim3A_301 : vector<256x1xi32> to vector<256x2048xi32>
    %eq3A_314 = arith.cmpi eq, %iota3A, %eq3A_313 : vector<256x2048xi32>
    %jit3A_315 = arith.constant 0x7F800000 : f32
    %broadcast_in_dim3A_316 = vector.broadcast %jit3A_315 : f32 to vector<256x2048xf32>
    %select_n3A_317 = arith.select %eq3A_314, %broadcast_in_dim3A_316, %select_n3A_290 : vector<256x2048xi1>, vector<256x2048xf32>
    %reduce_min3A_318 = arith.constant dense<0x7F800000> : vector<256xf32>
    %reduce_min3A_319 = vector.multi_reduction <minimumf>, %select_n3A_317, %reduce_min3A_318 [1] : vector<256x2048xf32> to vector<256xf32>
    %broadcast_in_dim3A_320 = vector.shape_cast %reduce_min3A_319 : vector<256xf32> to vector<256x1xf32>
    %eq3A_321 = vector.broadcast %broadcast_in_dim3A_320 : vector<256x1xf32> to vector<256x2048xf32>
    %eq3A_322 = arith.cmpf oeq, %select_n3A_317, %eq3A_321 : vector<256x2048xf32>
    %jit3A_323 = arith.constant 2048 : i32
    %broadcast_in_dim3A_324 = vector.broadcast %jit3A_323 : i32 to vector<256x2048xi32>
    %select_n3A_325 = arith.select %eq3A_322, %iota3A, %broadcast_in_dim3A_324 : vector<256x2048xi1>, vector<256x2048xi32>
    %reduce_min3A_326 = arith.constant dense<2147483647> : vector<256xi32>
    %reduce_min3A_327 = vector.multi_reduction <minsi>, %select_n3A_325, %reduce_min3A_326 [1] : vector<256x2048xi32> to vector<256xi32>
    %broadcast_in_dim3A_328 = vector.shape_cast %reduce_min3A_327 : vector<256xi32> to vector<256x1xi32>
    %squeeze3A_329 = vector.shape_cast %broadcast_in_dim3A_328 : vector<256x1xi32> to vector<256xi32>
    %mul3A_330 = arith.constant 2048 : i32
    %mul3A_331 = arith.muli %add3A_0, %mul3A_330 : i32
    %add3A_332 = vector.broadcast %mul3A_331 : i32 to vector<256xi32>
    %add3A_333 = arith.addi %squeeze3A_329, %add3A_332 : vector<256xi32>
    %swap3A_334 = arith.constant 0 : index
    %swap3A_335 = arith.constant 11 : index
    %swap3A_336 = arith.constant 0 : index
    %swap3A_337 = vector.load %arg3[%swap3A_334, %swap3A_335, %swap3A_336] : memref<1x17x256xi32, #tpu.memory_space<vmem>>, vector<1x1x256xi32>
    %swap3A_338 = vector.shape_cast %swap3A_337 : vector<1x1x256xi32> to vector<256xi32>
    %swap3A_339 = vector.shape_cast %add3A_333 : vector<256xi32> to vector<1x1x256xi32>
    tpu.vector_store %arg3[%swap3A_334, %swap3A_335, %swap3A_336], %swap3A_339 {strides = array<i32>} : memref<1x17x256xi32, #tpu.memory_space<vmem>>, vector<1x1x256xi32>,
    %eq3A_340 = vector.broadcast %broadcast_in_dim3A_328 : vector<256x1xi32> to vector<256x2048xi32>
    %eq3A_341 = arith.cmpi eq, %iota3A, %eq3A_340 : vector<256x2048xi32>
    %jit3A_342 = arith.constant 0x7F800000 : f32
    %broadcast_in_dim3A_343 = vector.broadcast %jit3A_342 : f32 to vector<256x2048xf32>
    %select_n3A_344 = arith.select %eq3A_341, %broadcast_in_dim3A_343, %select_n3A_317 : vector<256x2048xi1>, vector<256x2048xf32>
    %reduce_min3A_345 = arith.constant dense<0x7F800000> : vector<256xf32>
    %reduce_min3A_346 = vector.multi_reduction <minimumf>, %select_n3A_344, %reduce_min3A_345 [1] : vector<256x2048xf32> to vector<256xf32>
    %broadcast_in_dim3A_347 = vector.shape_cast %reduce_min3A_346 : vector<256xf32> to vector<256x1xf32>
    %eq3A_348 = vector.broadcast %broadcast_in_dim3A_347 : vector<256x1xf32> to vector<256x2048xf32>
    %eq3A_349 = arith.cmpf oeq, %select_n3A_344, %eq3A_348 : vector<256x2048xf32>
    %jit3A_350 = arith.constant 2048 : i32
    %broadcast_in_dim3A_351 = vector.broadcast %jit3A_350 : i32 to vector<256x2048xi32>
    %select_n3A_352 = arith.select %eq3A_349, %iota3A, %broadcast_in_dim3A_351 : vector<256x2048xi1>, vector<256x2048xi32>
    %reduce_min3A_353 = arith.constant dense<2147483647> : vector<256xi32>
    %reduce_min3A_354 = vector.multi_reduction <minsi>, %select_n3A_352, %reduce_min3A_353 [1] : vector<256x2048xi32> to vector<256xi32>
    %broadcast_in_dim3A_355 = vector.shape_cast %reduce_min3A_354 : vector<256xi32> to vector<256x1xi32>
    %squeeze3A_356 = vector.shape_cast %broadcast_in_dim3A_355 : vector<256x1xi32> to vector<256xi32>
    %mul3A_357 = arith.constant 2048 : i32
    %mul3A_358 = arith.muli %add3A_0, %mul3A_357 : i32
    %add3A_359 = vector.broadcast %mul3A_358 : i32 to vector<256xi32>
    %add3A_360 = arith.addi %squeeze3A_356, %add3A_359 : vector<256xi32>
    %swap3A_361 = arith.constant 0 : index
    %swap3A_362 = arith.constant 12 : index
    %swap3A_363 = arith.constant 0 : index
    %swap3A_364 = vector.load %arg3[%swap3A_361, %swap3A_362, %swap3A_363] : memref<1x17x256xi32, #tpu.memory_space<vmem>>, vector<1x1x256xi32>
    %swap3A_365 = vector.shape_cast %swap3A_364 : vector<1x1x256xi32> to vector<256xi32>
    %swap3A_366 = vector.shape_cast %add3A_360 : vector<256xi32> to vector<1x1x256xi32>
    tpu.vector_store %arg3[%swap3A_361, %swap3A_362, %swap3A_363], %swap3A_366 {strides = array<i32>} : memref<1x17x256xi32, #tpu.memory_space<vmem>>, vector<1x1x256xi32>,
    %eq3A_367 = vector.broadcast %broadcast_in_dim3A_355 : vector<256x1xi32> to vector<256x2048xi32>
    %eq3A_368 = arith.cmpi eq, %iota3A, %eq3A_367 : vector<256x2048xi32>
    %jit3A_369 = arith.constant 0x7F800000 : f32
    %broadcast_in_dim3A_370 = vector.broadcast %jit3A_369 : f32 to vector<256x2048xf32>
    %select_n3A_371 = arith.select %eq3A_368, %broadcast_in_dim3A_370, %select_n3A_344 : vector<256x2048xi1>, vector<256x2048xf32>
    %reduce_min3A_372 = arith.constant dense<0x7F800000> : vector<256xf32>
    %reduce_min3A_373 = vector.multi_reduction <minimumf>, %select_n3A_371, %reduce_min3A_372 [1] : vector<256x2048xf32> to vector<256xf32>
    %broadcast_in_dim3A_374 = vector.shape_cast %reduce_min3A_373 : vector<256xf32> to vector<256x1xf32>
    %eq3A_375 = vector.broadcast %broadcast_in_dim3A_374 : vector<256x1xf32> to vector<256x2048xf32>
    %eq3A_376 = arith.cmpf oeq, %select_n3A_371, %eq3A_375 : vector<256x2048xf32>
    %jit3A_377 = arith.constant 2048 : i32
    %broadcast_in_dim3A_378 = vector.broadcast %jit3A_377 : i32 to vector<256x2048xi32>
    %select_n3A_379 = arith.select %eq3A_376, %iota3A, %broadcast_in_dim3A_378 : vector<256x2048xi1>, vector<256x2048xi32>
    %reduce_min3A_380 = arith.constant dense<2147483647> : vector<256xi32>
    %reduce_min3A_381 = vector.multi_reduction <minsi>, %select_n3A_379, %reduce_min3A_380 [1] : vector<256x2048xi32> to vector<256xi32>
    %broadcast_in_dim3A_382 = vector.shape_cast %reduce_min3A_381 : vector<256xi32> to vector<256x1xi32>
    %squeeze3A_383 = vector.shape_cast %broadcast_in_dim3A_382 : vector<256x1xi32> to vector<256xi32>
    %mul3A_384 = arith.constant 2048 : i32
    %mul3A_385 = arith.muli %add3A_0, %mul3A_384 : i32
    %add3A_386 = vector.broadcast %mul3A_385 : i32 to vector<256xi32>
    %add3A_387 = arith.addi %squeeze3A_383, %add3A_386 : vector<256xi32>
    %swap3A_388 = arith.constant 0 : index
    %swap3A_389 = arith.constant 13 : index
    %swap3A_390 = arith.constant 0 : index
    %swap3A_391 = vector.load %arg3[%swap3A_388, %swap3A_389, %swap3A_390] : memref<1x17x256xi32, #tpu.memory_space<vmem>>, vector<1x1x256xi32>
    %swap3A_392 = vector.shape_cast %swap3A_391 : vector<1x1x256xi32> to vector<256xi32>
    %swap3A_393 = vector.shape_cast %add3A_387 : vector<256xi32> to vector<1x1x256xi32>
    tpu.vector_store %arg3[%swap3A_388, %swap3A_389, %swap3A_390], %swap3A_393 {strides = array<i32>} : memref<1x17x256xi32, #tpu.memory_space<vmem>>, vector<1x1x256xi32>,
    %eq3A_394 = vector.broadcast %broadcast_in_dim3A_382 : vector<256x1xi32> to vector<256x2048xi32>
    %eq3A_395 = arith.cmpi eq, %iota3A, %eq3A_394 : vector<256x2048xi32>
    %jit3A_396 = arith.constant 0x7F800000 : f32
    %broadcast_in_dim3A_397 = vector.broadcast %jit3A_396 : f32 to vector<256x2048xf32>
    %select_n3A_398 = arith.select %eq3A_395, %broadcast_in_dim3A_397, %select_n3A_371 : vector<256x2048xi1>, vector<256x2048xf32>
    %reduce_min3A_399 = arith.constant dense<0x7F800000> : vector<256xf32>
    %reduce_min3A_400 = vector.multi_reduction <minimumf>, %select_n3A_398, %reduce_min3A_399 [1] : vector<256x2048xf32> to vector<256xf32>
    %broadcast_in_dim3A_401 = vector.shape_cast %reduce_min3A_400 : vector<256xf32> to vector<256x1xf32>
    %eq3A_402 = vector.broadcast %broadcast_in_dim3A_401 : vector<256x1xf32> to vector<256x2048xf32>
    %eq3A_403 = arith.cmpf oeq, %select_n3A_398, %eq3A_402 : vector<256x2048xf32>
    %jit3A_404 = arith.constant 2048 : i32
    %broadcast_in_dim3A_405 = vector.broadcast %jit3A_404 : i32 to vector<256x2048xi32>
    %select_n3A_406 = arith.select %eq3A_403, %iota3A, %broadcast_in_dim3A_405 : vector<256x2048xi1>, vector<256x2048xi32>
    %reduce_min3A_407 = arith.constant dense<2147483647> : vector<256xi32>
    %reduce_min3A_408 = vector.multi_reduction <minsi>, %select_n3A_406, %reduce_min3A_407 [1] : vector<256x2048xi32> to vector<256xi32>
    %broadcast_in_dim3A_409 = vector.shape_cast %reduce_min3A_408 : vector<256xi32> to vector<256x1xi32>
    %squeeze3A_410 = vector.shape_cast %broadcast_in_dim3A_409 : vector<256x1xi32> to vector<256xi32>
    %mul3A_411 = arith.constant 2048 : i32
    %mul3A_412 = arith.muli %add3A_0, %mul3A_411 : i32
    %add3A_413 = vector.broadcast %mul3A_412 : i32 to vector<256xi32>
    %add3A_414 = arith.addi %squeeze3A_410, %add3A_413 : vector<256xi32>
    %swap3A_415 = arith.constant 0 : index
    %swap3A_416 = arith.constant 14 : index
    %swap3A_417 = arith.constant 0 : index
    %swap3A_418 = vector.load %arg3[%swap3A_415, %swap3A_416, %swap3A_417] : memref<1x17x256xi32, #tpu.memory_space<vmem>>, vector<1x1x256xi32>
    %swap3A_419 = vector.shape_cast %swap3A_418 : vector<1x1x256xi32> to vector<256xi32>
    %swap3A_420 = vector.shape_cast %add3A_414 : vector<256xi32> to vector<1x1x256xi32>
    tpu.vector_store %arg3[%swap3A_415, %swap3A_416, %swap3A_417], %swap3A_420 {strides = array<i32>} : memref<1x17x256xi32, #tpu.memory_space<vmem>>, vector<1x1x256xi32>,
    %eq3A_421 = vector.broadcast %broadcast_in_dim3A_409 : vector<256x1xi32> to vector<256x2048xi32>
    %eq3A_422 = arith.cmpi eq, %iota3A, %eq3A_421 : vector<256x2048xi32>
    %jit3A_423 = arith.constant 0x7F800000 : f32
    %broadcast_in_dim3A_424 = vector.broadcast %jit3A_423 : f32 to vector<256x2048xf32>
    %select_n3A_425 = arith.select %eq3A_422, %broadcast_in_dim3A_424, %select_n3A_398 : vector<256x2048xi1>, vector<256x2048xf32>
    %reduce_min3A_426 = arith.constant dense<0x7F800000> : vector<256xf32>
    %reduce_min3A_427 = vector.multi_reduction <minimumf>, %select_n3A_425, %reduce_min3A_426 [1] : vector<256x2048xf32> to vector<256xf32>
    %broadcast_in_dim3A_428 = vector.shape_cast %reduce_min3A_427 : vector<256xf32> to vector<256x1xf32>
    %eq3A_429 = vector.broadcast %broadcast_in_dim3A_428 : vector<256x1xf32> to vector<256x2048xf32>
    %eq3A_430 = arith.cmpf oeq, %select_n3A_425, %eq3A_429 : vector<256x2048xf32>
    %jit3A_431 = arith.constant 2048 : i32
    %broadcast_in_dim3A_432 = vector.broadcast %jit3A_431 : i32 to vector<256x2048xi32>
    %select_n3A_433 = arith.select %eq3A_430, %iota3A, %broadcast_in_dim3A_432 : vector<256x2048xi1>, vector<256x2048xi32>
    %reduce_min3A_434 = arith.constant dense<2147483647> : vector<256xi32>
    %reduce_min3A_435 = vector.multi_reduction <minsi>, %select_n3A_433, %reduce_min3A_434 [1] : vector<256x2048xi32> to vector<256xi32>
    %broadcast_in_dim3A_436 = vector.shape_cast %reduce_min3A_435 : vector<256xi32> to vector<256x1xi32>
    %squeeze3A_437 = vector.shape_cast %broadcast_in_dim3A_436 : vector<256x1xi32> to vector<256xi32>
    %mul3A_438 = arith.constant 2048 : i32
    %mul3A_439 = arith.muli %add3A_0, %mul3A_438 : i32
    %add3A_440 = vector.broadcast %mul3A_439 : i32 to vector<256xi32>
    %add3A_441 = arith.addi %squeeze3A_437, %add3A_440 : vector<256xi32>
    %swap3A_442 = arith.constant 0 : index
    %swap3A_443 = arith.constant 15 : index
    %swap3A_444 = arith.constant 0 : index
    %swap3A_445 = vector.load %arg3[%swap3A_442, %swap3A_443, %swap3A_444] : memref<1x17x256xi32, #tpu.memory_space<vmem>>, vector<1x1x256xi32>
    %swap3A_446 = vector.shape_cast %swap3A_445 : vector<1x1x256xi32> to vector<256xi32>
    %swap3A_447 = vector.shape_cast %add3A_441 : vector<256xi32> to vector<1x1x256xi32>
    tpu.vector_store %arg3[%swap3A_442, %swap3A_443, %swap3A_444], %swap3A_447 {strides = array<i32>} : memref<1x17x256xi32, #tpu.memory_space<vmem>>, vector<1x1x256xi32>,
    %eq3A_448 = vector.broadcast %broadcast_in_dim3A_436 : vector<256x1xi32> to vector<256x2048xi32>
    %eq3A_449 = arith.cmpi eq, %iota3A, %eq3A_448 : vector<256x2048xi32>
    %jit3A_450 = arith.constant 0x7F800000 : f32
    %broadcast_in_dim3A_451 = vector.broadcast %jit3A_450 : f32 to vector<256x2048xf32>
    %select_n3A_452 = arith.select %eq3A_449, %broadcast_in_dim3A_451, %select_n3A_425 : vector<256x2048xi1>, vector<256x2048xf32>
    %reduce_min3A_453 = arith.constant dense<0x7F800000> : vector<256xf32>
    %reduce_min3A_454 = vector.multi_reduction <minimumf>, %select_n3A_452, %reduce_min3A_453 [1] : vector<256x2048xf32> to vector<256xf32>
    %broadcast_in_dim3A_455 = vector.shape_cast %reduce_min3A_454 : vector<256xf32> to vector<256x1xf32>
    %eq3A_456 = vector.broadcast %broadcast_in_dim3A_455 : vector<256x1xf32> to vector<256x2048xf32>
    %eq3A_457 = arith.cmpf oeq, %select_n3A_452, %eq3A_456 : vector<256x2048xf32>
    %jit3A_458 = arith.constant 2048 : i32
    %broadcast_in_dim3A_459 = vector.broadcast %jit3A_458 : i32 to vector<256x2048xi32>
    %select_n3A_460 = arith.select %eq3A_457, %iota3A, %broadcast_in_dim3A_459 : vector<256x2048xi1>, vector<256x2048xi32>
    %reduce_min3A_461 = arith.constant dense<2147483647> : vector<256xi32>
    %reduce_min3A_462 = vector.multi_reduction <minsi>, %select_n3A_460, %reduce_min3A_461 [1] : vector<256x2048xi32> to vector<256xi32>
    %broadcast_in_dim3A_463 = vector.shape_cast %reduce_min3A_462 : vector<256xi32> to vector<256x1xi32>
    %squeeze3A_464 = vector.shape_cast %broadcast_in_dim3A_463 : vector<256x1xi32> to vector<256xi32>
    %mul3A_465 = arith.constant 2048 : i32
    %mul3A_466 = arith.muli %add3A_0, %mul3A_465 : i32
    %add3A_467 = vector.broadcast %mul3A_466 : i32 to vector<256xi32>
    %add3A_468 = arith.addi %squeeze3A_464, %add3A_467 : vector<256xi32>
    %swap3A_469 = arith.constant 0 : index
    %swap3A_470 = arith.constant 16 : index
    %swap3A_471 = arith.constant 0 : index
    %swap3A_472 = vector.load %arg3[%swap3A_469, %swap3A_470, %swap3A_471] : memref<1x17x256xi32, #tpu.memory_space<vmem>>, vector<1x1x256xi32>
    %swap3A_473 = vector.shape_cast %swap3A_472 : vector<1x1x256xi32> to vector<256xi32>
    %swap3A_474 = vector.shape_cast %add3A_468 : vector<256xi32> to vector<1x1x256xi32>
    tpu.vector_store %arg3[%swap3A_469, %swap3A_470, %swap3A_471], %swap3A_474 {strides = array<i32>} : memref<1x17x256xi32, #tpu.memory_space<vmem>>, vector<1x1x256xi32>,
    return
  }
  func.func @transform_0(%arg0: i32, %arg1: i32) -> (i32, i32, i32) {
    %c0_i32 = arith.constant 0 : i32
    %c0_i32_0 = arith.constant 0 : i32
    %c0_i32_1 = arith.constant 0 : i32
    return %arg0, %c0_i32, %c0_i32_0 : i32, i32, i32
  }
  func.func @transform_1(%arg0: i32, %arg1: i32) -> (i32, i32, i32) {
    %c0_i32 = arith.constant 0 : i32
    %c0_i32_0 = arith.constant 0 : i32
    return %arg0, %c0_i32, %arg1 : i32, i32, i32
  }
}

module attributes {stable_mosaic.version = 14 : i64} {
  func.func @_topk_kernel(%arg0: i32, %arg1: i32, %arg2: memref<1x3x2048xf32, #tpu.memory_space<vmem>>, %arg3: memref<1x17x256xi32, #tpu.memory_space<vmem>>) attributes {dimension_semantics = [#tpu.dimension_semantics<parallel>, #tpu.dimension_semantics<parallel>], iteration_bounds = array<i64: 2, 8>, scalar_prefetch = 0 : i64, scratch_operands = 0 : i64, tpu.core_type = #tpu.core_type<tc>, window_params = [{transform_indices = @transform_0, window_bounds = array<i64: 1, 3, 2048>}, {transform_indices = @transform_1, window_bounds = array<i64: 1, 17, 256>}]} {
    %add3A = arith.constant 6 : i32
    %add3A_0 = arith.addi %arg0, %add3A : i32
    %get3A = arith.constant 0 : index
    %get3A_1 = arith.constant 0 : index
    %get3A_2 = arith.constant 0 : index
    %get3A_3 = vector.load %arg2[%get3A, %get3A_1, %get3A_2] : memref<1x3x2048xf32, #tpu.memory_space<vmem>>, vector<1x3x2048xf32>
    %get3A_4 = vector.shape_cast %get3A_3 : vector<1x3x2048xf32> to vector<3x2048xf32>
    %mul3A = arith.constant 256 : i32
    %mul3A_5 = arith.muli %arg1, %mul3A : i32
    %get3A_6 = arith.constant 0 : index
    %get3A_7 = arith.constant 0 : index
    %get3A_8 = arith.index_cast %mul3A_5 : i32 to index
    %get3A_9 = vector.load %arg2[%get3A_6, %get3A_7, %get3A_8] : memref<1x3x2048xf32, #tpu.memory_space<vmem>>, vector<1x3x256xf32>
    %get3A_10 = vector.shape_cast %get3A_9 : vector<1x3x256xf32> to vector<3x256xf32>
    %mul3A_11 = arith.mulf %get3A_4, %get3A_4 : vector<3x2048xf32>
    %reduce_sum3A = arith.constant dense<0.000000e+00> : vector<2048xf32>
    %reduce_sum3A_12 = vector.multi_reduction <add>, %mul3A_11, %reduce_sum3A [0] : vector<3x2048xf32> to vector<2048xf32>
    %broadcast_in_dim3A = vector.shape_cast %reduce_sum3A_12 : vector<2048xf32> to vector<1x2048xf32>
    %mul3A_13 = arith.mulf %get3A_10, %get3A_10 : vector<3x256xf32>
    %reduce_sum3A_14 = arith.constant dense<0.000000e+00> : vector<256xf32>
    %reduce_sum3A_15 = vector.multi_reduction <add>, %mul3A_13, %reduce_sum3A_14 [0] : vector<3x256xf32> to vector<256xf32>
    %dot_general3A = arith.constant dense<0.000000e+00> : vector<256x2048xf32>
    %dot_general3A_16 = tpu.matmul %get3A_10, %get3A_4, %dot_general3A {dimension_numbers = #tpu.dot_dimension_numbers<[0], [0], [1], [1], [0, 1, 1, 1], [], []>, transpose_lhs_hint = false} : vector<3x256xf32>, vector<3x2048xf32>, vector<256x2048xf32> -> vector<256x2048xf32>
    %mul3A_17 = arith.constant -2.000000e+00 : f32
    %mul3A_18 = vector.broadcast %mul3A_17 : f32 to vector<256x2048xf32>
    %mul3A_19 = arith.mulf %mul3A_18, %dot_general3A_16 : vector<256x2048xf32>
    %broadcast_in_dim3A_20 = vector.shape_cast %reduce_sum3A_15 : vector<256xf32> to vector<256x1xf32>
    %add3A_21 = vector.broadcast %broadcast_in_dim3A_20 : vector<256x1xf32> to vector<256x2048xf32>
    %add3A_22 = arith.addf %mul3A_19, %add3A_21 : vector<256x2048xf32>
    %add3A_23 = vector.broadcast %broadcast_in_dim3A : vector<1x2048xf32> to vector<256x2048xf32>
    %add3A_24 = arith.addf %add3A_22, %add3A_23 : vector<256x2048xf32>
    %jit3A = arith.constant 9.99999996E-13 : f32
    %max3A = vector.broadcast %jit3A : f32 to vector<256x2048xf32>
    %max3A_25 = arith.maximumf %max3A, %add3A_24 : vector<256x2048xf32>
    %iota3A = tpu.iota {dimensions = array<i32: 1>} : vector<256x2048xi32>
    %reduce_min3A = arith.constant dense<0x7F800000> : vector<256xf32>
    %reduce_min3A_26 = vector.multi_reduction <minimumf>, %max3A_25, %reduce_min3A [1] : vector<256x2048xf32> to vector<256xf32>
    %broadcast_in_dim3A_27 = vector.shape_cast %reduce_min3A_26 : vector<256xf32> to vector<256x1xf32>
    %eq3A = vector.broadcast %broadcast_in_dim3A_27 : vector<256x1xf32> to vector<256x2048xf32>
    %eq3A_28 = arith.cmpf oeq, %max3A_25, %eq3A : vector<256x2048xf32>
    %jit3A_29 = arith.constant 2048 : i32
    %broadcast_in_dim3A_30 = vector.broadcast %jit3A_29 : i32 to vector<256x2048xi32>
    %select_n3A = arith.select %eq3A_28, %iota3A, %broadcast_in_dim3A_30 : vector<256x2048xi1>, vector<256x2048xi32>
    %reduce_min3A_31 = arith.constant dense<2147483647> : vector<256xi32>
    %reduce_min3A_32 = vector.multi_reduction <minsi>, %select_n3A, %reduce_min3A_31 [1] : vector<256x2048xi32> to vector<256xi32>
    %broadcast_in_dim3A_33 = vector.shape_cast %reduce_min3A_32 : vector<256xi32> to vector<256x1xi32>
    %squeeze3A = vector.shape_cast %broadcast_in_dim3A_33 : vector<256x1xi32> to vector<256xi32>
    %mul3A_34 = arith.constant 2048 : i32
    %mul3A_35 = arith.muli %add3A_0, %mul3A_34 : i32
    %add3A_36 = vector.broadcast %mul3A_35 : i32 to vector<256xi32>
    %add3A_37 = arith.addi %squeeze3A, %add3A_36 : vector<256xi32>
    %swap3A = arith.constant 0 : index
    %swap3A_38 = arith.constant 0 : index
    %swap3A_39 = arith.constant 0 : index
    %swap3A_40 = vector.load %arg3[%swap3A, %swap3A_38, %swap3A_39] : memref<1x17x256xi32, #tpu.memory_space<vmem>>, vector<1x1x256xi32>
    %swap3A_41 = vector.shape_cast %swap3A_40 : vector<1x1x256xi32> to vector<256xi32>
    %swap3A_42 = vector.shape_cast %add3A_37 : vector<256xi32> to vector<1x1x256xi32>
    tpu.vector_store %arg3[%swap3A, %swap3A_38, %swap3A_39], %swap3A_42 {strides = array<i32>} : memref<1x17x256xi32, #tpu.memory_space<vmem>>, vector<1x1x256xi32>,
    %eq3A_43 = vector.broadcast %broadcast_in_dim3A_33 : vector<256x1xi32> to vector<256x2048xi32>
    %eq3A_44 = arith.cmpi eq, %iota3A, %eq3A_43 : vector<256x2048xi32>
    %jit3A_45 = arith.constant 0x7F800000 : f32
    %broadcast_in_dim3A_46 = vector.broadcast %jit3A_45 : f32 to vector<256x2048xf32>
    %select_n3A_47 = arith.select %eq3A_44, %broadcast_in_dim3A_46, %max3A_25 : vector<256x2048xi1>, vector<256x2048xf32>
    %reduce_min3A_48 = arith.constant dense<0x7F800000> : vector<256xf32>
    %reduce_min3A_49 = vector.multi_reduction <minimumf>, %select_n3A_47, %reduce_min3A_48 [1] : vector<256x2048xf32> to vector<256xf32>
    %broadcast_in_dim3A_50 = vector.shape_cast %reduce_min3A_49 : vector<256xf32> to vector<256x1xf32>
    %eq3A_51 = vector.broadcast %broadcast_in_dim3A_50 : vector<256x1xf32> to vector<256x2048xf32>
    %eq3A_52 = arith.cmpf oeq, %select_n3A_47, %eq3A_51 : vector<256x2048xf32>
    %jit3A_53 = arith.constant 2048 : i32
    %broadcast_in_dim3A_54 = vector.broadcast %jit3A_53 : i32 to vector<256x2048xi32>
    %select_n3A_55 = arith.select %eq3A_52, %iota3A, %broadcast_in_dim3A_54 : vector<256x2048xi1>, vector<256x2048xi32>
    %reduce_min3A_56 = arith.constant dense<2147483647> : vector<256xi32>
    %reduce_min3A_57 = vector.multi_reduction <minsi>, %select_n3A_55, %reduce_min3A_56 [1] : vector<256x2048xi32> to vector<256xi32>
    %broadcast_in_dim3A_58 = vector.shape_cast %reduce_min3A_57 : vector<256xi32> to vector<256x1xi32>
    %squeeze3A_59 = vector.shape_cast %broadcast_in_dim3A_58 : vector<256x1xi32> to vector<256xi32>
    %mul3A_60 = arith.constant 2048 : i32
    %mul3A_61 = arith.muli %add3A_0, %mul3A_60 : i32
    %add3A_62 = vector.broadcast %mul3A_61 : i32 to vector<256xi32>
    %add3A_63 = arith.addi %squeeze3A_59, %add3A_62 : vector<256xi32>
    %swap3A_64 = arith.constant 0 : index
    %swap3A_65 = arith.constant 1 : index
    %swap3A_66 = arith.constant 0 : index
    %swap3A_67 = vector.load %arg3[%swap3A_64, %swap3A_65, %swap3A_66] : memref<1x17x256xi32, #tpu.memory_space<vmem>>, vector<1x1x256xi32>
    %swap3A_68 = vector.shape_cast %swap3A_67 : vector<1x1x256xi32> to vector<256xi32>
    %swap3A_69 = vector.shape_cast %add3A_63 : vector<256xi32> to vector<1x1x256xi32>
    tpu.vector_store %arg3[%swap3A_64, %swap3A_65, %swap3A_66], %swap3A_69 {strides = array<i32>} : memref<1x17x256xi32, #tpu.memory_space<vmem>>, vector<1x1x256xi32>,
    %eq3A_70 = vector.broadcast %broadcast_in_dim3A_58 : vector<256x1xi32> to vector<256x2048xi32>
    %eq3A_71 = arith.cmpi eq, %iota3A, %eq3A_70 : vector<256x2048xi32>
    %jit3A_72 = arith.constant 0x7F800000 : f32
    %broadcast_in_dim3A_73 = vector.broadcast %jit3A_72 : f32 to vector<256x2048xf32>
    %select_n3A_74 = arith.select %eq3A_71, %broadcast_in_dim3A_73, %select_n3A_47 : vector<256x2048xi1>, vector<256x2048xf32>
    %reduce_min3A_75 = arith.constant dense<0x7F800000> : vector<256xf32>
    %reduce_min3A_76 = vector.multi_reduction <minimumf>, %select_n3A_74, %reduce_min3A_75 [1] : vector<256x2048xf32> to vector<256xf32>
    %broadcast_in_dim3A_77 = vector.shape_cast %reduce_min3A_76 : vector<256xf32> to vector<256x1xf32>
    %eq3A_78 = vector.broadcast %broadcast_in_dim3A_77 : vector<256x1xf32> to vector<256x2048xf32>
    %eq3A_79 = arith.cmpf oeq, %select_n3A_74, %eq3A_78 : vector<256x2048xf32>
    %jit3A_80 = arith.constant 2048 : i32
    %broadcast_in_dim3A_81 = vector.broadcast %jit3A_80 : i32 to vector<256x2048xi32>
    %select_n3A_82 = arith.select %eq3A_79, %iota3A, %broadcast_in_dim3A_81 : vector<256x2048xi1>, vector<256x2048xi32>
    %reduce_min3A_83 = arith.constant dense<2147483647> : vector<256xi32>
    %reduce_min3A_84 = vector.multi_reduction <minsi>, %select_n3A_82, %reduce_min3A_83 [1] : vector<256x2048xi32> to vector<256xi32>
    %broadcast_in_dim3A_85 = vector.shape_cast %reduce_min3A_84 : vector<256xi32> to vector<256x1xi32>
    %squeeze3A_86 = vector.shape_cast %broadcast_in_dim3A_85 : vector<256x1xi32> to vector<256xi32>
    %mul3A_87 = arith.constant 2048 : i32
    %mul3A_88 = arith.muli %add3A_0, %mul3A_87 : i32
    %add3A_89 = vector.broadcast %mul3A_88 : i32 to vector<256xi32>
    %add3A_90 = arith.addi %squeeze3A_86, %add3A_89 : vector<256xi32>
    %swap3A_91 = arith.constant 0 : index
    %swap3A_92 = arith.constant 2 : index
    %swap3A_93 = arith.constant 0 : index
    %swap3A_94 = vector.load %arg3[%swap3A_91, %swap3A_92, %swap3A_93] : memref<1x17x256xi32, #tpu.memory_space<vmem>>, vector<1x1x256xi32>
    %swap3A_95 = vector.shape_cast %swap3A_94 : vector<1x1x256xi32> to vector<256xi32>
    %swap3A_96 = vector.shape_cast %add3A_90 : vector<256xi32> to vector<1x1x256xi32>
    tpu.vector_store %arg3[%swap3A_91, %swap3A_92, %swap3A_93], %swap3A_96 {strides = array<i32>} : memref<1x17x256xi32, #tpu.memory_space<vmem>>, vector<1x1x256xi32>,
    %eq3A_97 = vector.broadcast %broadcast_in_dim3A_85 : vector<256x1xi32> to vector<256x2048xi32>
    %eq3A_98 = arith.cmpi eq, %iota3A, %eq3A_97 : vector<256x2048xi32>
    %jit3A_99 = arith.constant 0x7F800000 : f32
    %broadcast_in_dim3A_100 = vector.broadcast %jit3A_99 : f32 to vector<256x2048xf32>
    %select_n3A_101 = arith.select %eq3A_98, %broadcast_in_dim3A_100, %select_n3A_74 : vector<256x2048xi1>, vector<256x2048xf32>
    %reduce_min3A_102 = arith.constant dense<0x7F800000> : vector<256xf32>
    %reduce_min3A_103 = vector.multi_reduction <minimumf>, %select_n3A_101, %reduce_min3A_102 [1] : vector<256x2048xf32> to vector<256xf32>
    %broadcast_in_dim3A_104 = vector.shape_cast %reduce_min3A_103 : vector<256xf32> to vector<256x1xf32>
    %eq3A_105 = vector.broadcast %broadcast_in_dim3A_104 : vector<256x1xf32> to vector<256x2048xf32>
    %eq3A_106 = arith.cmpf oeq, %select_n3A_101, %eq3A_105 : vector<256x2048xf32>
    %jit3A_107 = arith.constant 2048 : i32
    %broadcast_in_dim3A_108 = vector.broadcast %jit3A_107 : i32 to vector<256x2048xi32>
    %select_n3A_109 = arith.select %eq3A_106, %iota3A, %broadcast_in_dim3A_108 : vector<256x2048xi1>, vector<256x2048xi32>
    %reduce_min3A_110 = arith.constant dense<2147483647> : vector<256xi32>
    %reduce_min3A_111 = vector.multi_reduction <minsi>, %select_n3A_109, %reduce_min3A_110 [1] : vector<256x2048xi32> to vector<256xi32>
    %broadcast_in_dim3A_112 = vector.shape_cast %reduce_min3A_111 : vector<256xi32> to vector<256x1xi32>
    %squeeze3A_113 = vector.shape_cast %broadcast_in_dim3A_112 : vector<256x1xi32> to vector<256xi32>
    %mul3A_114 = arith.constant 2048 : i32
    %mul3A_115 = arith.muli %add3A_0, %mul3A_114 : i32
    %add3A_116 = vector.broadcast %mul3A_115 : i32 to vector<256xi32>
    %add3A_117 = arith.addi %squeeze3A_113, %add3A_116 : vector<256xi32>
    %swap3A_118 = arith.constant 0 : index
    %swap3A_119 = arith.constant 3 : index
    %swap3A_120 = arith.constant 0 : index
    %swap3A_121 = vector.load %arg3[%swap3A_118, %swap3A_119, %swap3A_120] : memref<1x17x256xi32, #tpu.memory_space<vmem>>, vector<1x1x256xi32>
    %swap3A_122 = vector.shape_cast %swap3A_121 : vector<1x1x256xi32> to vector<256xi32>
    %swap3A_123 = vector.shape_cast %add3A_117 : vector<256xi32> to vector<1x1x256xi32>
    tpu.vector_store %arg3[%swap3A_118, %swap3A_119, %swap3A_120], %swap3A_123 {strides = array<i32>} : memref<1x17x256xi32, #tpu.memory_space<vmem>>, vector<1x1x256xi32>,
    %eq3A_124 = vector.broadcast %broadcast_in_dim3A_112 : vector<256x1xi32> to vector<256x2048xi32>
    %eq3A_125 = arith.cmpi eq, %iota3A, %eq3A_124 : vector<256x2048xi32>
    %jit3A_126 = arith.constant 0x7F800000 : f32
    %broadcast_in_dim3A_127 = vector.broadcast %jit3A_126 : f32 to vector<256x2048xf32>
    %select_n3A_128 = arith.select %eq3A_125, %broadcast_in_dim3A_127, %select_n3A_101 : vector<256x2048xi1>, vector<256x2048xf32>
    %reduce_min3A_129 = arith.constant dense<0x7F800000> : vector<256xf32>
    %reduce_min3A_130 = vector.multi_reduction <minimumf>, %select_n3A_128, %reduce_min3A_129 [1] : vector<256x2048xf32> to vector<256xf32>
    %broadcast_in_dim3A_131 = vector.shape_cast %reduce_min3A_130 : vector<256xf32> to vector<256x1xf32>
    %eq3A_132 = vector.broadcast %broadcast_in_dim3A_131 : vector<256x1xf32> to vector<256x2048xf32>
    %eq3A_133 = arith.cmpf oeq, %select_n3A_128, %eq3A_132 : vector<256x2048xf32>
    %jit3A_134 = arith.constant 2048 : i32
    %broadcast_in_dim3A_135 = vector.broadcast %jit3A_134 : i32 to vector<256x2048xi32>
    %select_n3A_136 = arith.select %eq3A_133, %iota3A, %broadcast_in_dim3A_135 : vector<256x2048xi1>, vector<256x2048xi32>
    %reduce_min3A_137 = arith.constant dense<2147483647> : vector<256xi32>
    %reduce_min3A_138 = vector.multi_reduction <minsi>, %select_n3A_136, %reduce_min3A_137 [1] : vector<256x2048xi32> to vector<256xi32>
    %broadcast_in_dim3A_139 = vector.shape_cast %reduce_min3A_138 : vector<256xi32> to vector<256x1xi32>
    %squeeze3A_140 = vector.shape_cast %broadcast_in_dim3A_139 : vector<256x1xi32> to vector<256xi32>
    %mul3A_141 = arith.constant 2048 : i32
    %mul3A_142 = arith.muli %add3A_0, %mul3A_141 : i32
    %add3A_143 = vector.broadcast %mul3A_142 : i32 to vector<256xi32>
    %add3A_144 = arith.addi %squeeze3A_140, %add3A_143 : vector<256xi32>
    %swap3A_145 = arith.constant 0 : index
    %swap3A_146 = arith.constant 4 : index
    %swap3A_147 = arith.constant 0 : index
    %swap3A_148 = vector.load %arg3[%swap3A_145, %swap3A_146, %swap3A_147] : memref<1x17x256xi32, #tpu.memory_space<vmem>>, vector<1x1x256xi32>
    %swap3A_149 = vector.shape_cast %swap3A_148 : vector<1x1x256xi32> to vector<256xi32>
    %swap3A_150 = vector.shape_cast %add3A_144 : vector<256xi32> to vector<1x1x256xi32>
    tpu.vector_store %arg3[%swap3A_145, %swap3A_146, %swap3A_147], %swap3A_150 {strides = array<i32>} : memref<1x17x256xi32, #tpu.memory_space<vmem>>, vector<1x1x256xi32>,
    %eq3A_151 = vector.broadcast %broadcast_in_dim3A_139 : vector<256x1xi32> to vector<256x2048xi32>
    %eq3A_152 = arith.cmpi eq, %iota3A, %eq3A_151 : vector<256x2048xi32>
    %jit3A_153 = arith.constant 0x7F800000 : f32
    %broadcast_in_dim3A_154 = vector.broadcast %jit3A_153 : f32 to vector<256x2048xf32>
    %select_n3A_155 = arith.select %eq3A_152, %broadcast_in_dim3A_154, %select_n3A_128 : vector<256x2048xi1>, vector<256x2048xf32>
    %reduce_min3A_156 = arith.constant dense<0x7F800000> : vector<256xf32>
    %reduce_min3A_157 = vector.multi_reduction <minimumf>, %select_n3A_155, %reduce_min3A_156 [1] : vector<256x2048xf32> to vector<256xf32>
    %broadcast_in_dim3A_158 = vector.shape_cast %reduce_min3A_157 : vector<256xf32> to vector<256x1xf32>
    %eq3A_159 = vector.broadcast %broadcast_in_dim3A_158 : vector<256x1xf32> to vector<256x2048xf32>
    %eq3A_160 = arith.cmpf oeq, %select_n3A_155, %eq3A_159 : vector<256x2048xf32>
    %jit3A_161 = arith.constant 2048 : i32
    %broadcast_in_dim3A_162 = vector.broadcast %jit3A_161 : i32 to vector<256x2048xi32>
    %select_n3A_163 = arith.select %eq3A_160, %iota3A, %broadcast_in_dim3A_162 : vector<256x2048xi1>, vector<256x2048xi32>
    %reduce_min3A_164 = arith.constant dense<2147483647> : vector<256xi32>
    %reduce_min3A_165 = vector.multi_reduction <minsi>, %select_n3A_163, %reduce_min3A_164 [1] : vector<256x2048xi32> to vector<256xi32>
    %broadcast_in_dim3A_166 = vector.shape_cast %reduce_min3A_165 : vector<256xi32> to vector<256x1xi32>
    %squeeze3A_167 = vector.shape_cast %broadcast_in_dim3A_166 : vector<256x1xi32> to vector<256xi32>
    %mul3A_168 = arith.constant 2048 : i32
    %mul3A_169 = arith.muli %add3A_0, %mul3A_168 : i32
    %add3A_170 = vector.broadcast %mul3A_169 : i32 to vector<256xi32>
    %add3A_171 = arith.addi %squeeze3A_167, %add3A_170 : vector<256xi32>
    %swap3A_172 = arith.constant 0 : index
    %swap3A_173 = arith.constant 5 : index
    %swap3A_174 = arith.constant 0 : index
    %swap3A_175 = vector.load %arg3[%swap3A_172, %swap3A_173, %swap3A_174] : memref<1x17x256xi32, #tpu.memory_space<vmem>>, vector<1x1x256xi32>
    %swap3A_176 = vector.shape_cast %swap3A_175 : vector<1x1x256xi32> to vector<256xi32>
    %swap3A_177 = vector.shape_cast %add3A_171 : vector<256xi32> to vector<1x1x256xi32>
    tpu.vector_store %arg3[%swap3A_172, %swap3A_173, %swap3A_174], %swap3A_177 {strides = array<i32>} : memref<1x17x256xi32, #tpu.memory_space<vmem>>, vector<1x1x256xi32>,
    %eq3A_178 = vector.broadcast %broadcast_in_dim3A_166 : vector<256x1xi32> to vector<256x2048xi32>
    %eq3A_179 = arith.cmpi eq, %iota3A, %eq3A_178 : vector<256x2048xi32>
    %jit3A_180 = arith.constant 0x7F800000 : f32
    %broadcast_in_dim3A_181 = vector.broadcast %jit3A_180 : f32 to vector<256x2048xf32>
    %select_n3A_182 = arith.select %eq3A_179, %broadcast_in_dim3A_181, %select_n3A_155 : vector<256x2048xi1>, vector<256x2048xf32>
    %reduce_min3A_183 = arith.constant dense<0x7F800000> : vector<256xf32>
    %reduce_min3A_184 = vector.multi_reduction <minimumf>, %select_n3A_182, %reduce_min3A_183 [1] : vector<256x2048xf32> to vector<256xf32>
    %broadcast_in_dim3A_185 = vector.shape_cast %reduce_min3A_184 : vector<256xf32> to vector<256x1xf32>
    %eq3A_186 = vector.broadcast %broadcast_in_dim3A_185 : vector<256x1xf32> to vector<256x2048xf32>
    %eq3A_187 = arith.cmpf oeq, %select_n3A_182, %eq3A_186 : vector<256x2048xf32>
    %jit3A_188 = arith.constant 2048 : i32
    %broadcast_in_dim3A_189 = vector.broadcast %jit3A_188 : i32 to vector<256x2048xi32>
    %select_n3A_190 = arith.select %eq3A_187, %iota3A, %broadcast_in_dim3A_189 : vector<256x2048xi1>, vector<256x2048xi32>
    %reduce_min3A_191 = arith.constant dense<2147483647> : vector<256xi32>
    %reduce_min3A_192 = vector.multi_reduction <minsi>, %select_n3A_190, %reduce_min3A_191 [1] : vector<256x2048xi32> to vector<256xi32>
    %broadcast_in_dim3A_193 = vector.shape_cast %reduce_min3A_192 : vector<256xi32> to vector<256x1xi32>
    %squeeze3A_194 = vector.shape_cast %broadcast_in_dim3A_193 : vector<256x1xi32> to vector<256xi32>
    %mul3A_195 = arith.constant 2048 : i32
    %mul3A_196 = arith.muli %add3A_0, %mul3A_195 : i32
    %add3A_197 = vector.broadcast %mul3A_196 : i32 to vector<256xi32>
    %add3A_198 = arith.addi %squeeze3A_194, %add3A_197 : vector<256xi32>
    %swap3A_199 = arith.constant 0 : index
    %swap3A_200 = arith.constant 6 : index
    %swap3A_201 = arith.constant 0 : index
    %swap3A_202 = vector.load %arg3[%swap3A_199, %swap3A_200, %swap3A_201] : memref<1x17x256xi32, #tpu.memory_space<vmem>>, vector<1x1x256xi32>
    %swap3A_203 = vector.shape_cast %swap3A_202 : vector<1x1x256xi32> to vector<256xi32>
    %swap3A_204 = vector.shape_cast %add3A_198 : vector<256xi32> to vector<1x1x256xi32>
    tpu.vector_store %arg3[%swap3A_199, %swap3A_200, %swap3A_201], %swap3A_204 {strides = array<i32>} : memref<1x17x256xi32, #tpu.memory_space<vmem>>, vector<1x1x256xi32>,
    %eq3A_205 = vector.broadcast %broadcast_in_dim3A_193 : vector<256x1xi32> to vector<256x2048xi32>
    %eq3A_206 = arith.cmpi eq, %iota3A, %eq3A_205 : vector<256x2048xi32>
    %jit3A_207 = arith.constant 0x7F800000 : f32
    %broadcast_in_dim3A_208 = vector.broadcast %jit3A_207 : f32 to vector<256x2048xf32>
    %select_n3A_209 = arith.select %eq3A_206, %broadcast_in_dim3A_208, %select_n3A_182 : vector<256x2048xi1>, vector<256x2048xf32>
    %reduce_min3A_210 = arith.constant dense<0x7F800000> : vector<256xf32>
    %reduce_min3A_211 = vector.multi_reduction <minimumf>, %select_n3A_209, %reduce_min3A_210 [1] : vector<256x2048xf32> to vector<256xf32>
    %broadcast_in_dim3A_212 = vector.shape_cast %reduce_min3A_211 : vector<256xf32> to vector<256x1xf32>
    %eq3A_213 = vector.broadcast %broadcast_in_dim3A_212 : vector<256x1xf32> to vector<256x2048xf32>
    %eq3A_214 = arith.cmpf oeq, %select_n3A_209, %eq3A_213 : vector<256x2048xf32>
    %jit3A_215 = arith.constant 2048 : i32
    %broadcast_in_dim3A_216 = vector.broadcast %jit3A_215 : i32 to vector<256x2048xi32>
    %select_n3A_217 = arith.select %eq3A_214, %iota3A, %broadcast_in_dim3A_216 : vector<256x2048xi1>, vector<256x2048xi32>
    %reduce_min3A_218 = arith.constant dense<2147483647> : vector<256xi32>
    %reduce_min3A_219 = vector.multi_reduction <minsi>, %select_n3A_217, %reduce_min3A_218 [1] : vector<256x2048xi32> to vector<256xi32>
    %broadcast_in_dim3A_220 = vector.shape_cast %reduce_min3A_219 : vector<256xi32> to vector<256x1xi32>
    %squeeze3A_221 = vector.shape_cast %broadcast_in_dim3A_220 : vector<256x1xi32> to vector<256xi32>
    %mul3A_222 = arith.constant 2048 : i32
    %mul3A_223 = arith.muli %add3A_0, %mul3A_222 : i32
    %add3A_224 = vector.broadcast %mul3A_223 : i32 to vector<256xi32>
    %add3A_225 = arith.addi %squeeze3A_221, %add3A_224 : vector<256xi32>
    %swap3A_226 = arith.constant 0 : index
    %swap3A_227 = arith.constant 7 : index
    %swap3A_228 = arith.constant 0 : index
    %swap3A_229 = vector.load %arg3[%swap3A_226, %swap3A_227, %swap3A_228] : memref<1x17x256xi32, #tpu.memory_space<vmem>>, vector<1x1x256xi32>
    %swap3A_230 = vector.shape_cast %swap3A_229 : vector<1x1x256xi32> to vector<256xi32>
    %swap3A_231 = vector.shape_cast %add3A_225 : vector<256xi32> to vector<1x1x256xi32>
    tpu.vector_store %arg3[%swap3A_226, %swap3A_227, %swap3A_228], %swap3A_231 {strides = array<i32>} : memref<1x17x256xi32, #tpu.memory_space<vmem>>, vector<1x1x256xi32>,
    %eq3A_232 = vector.broadcast %broadcast_in_dim3A_220 : vector<256x1xi32> to vector<256x2048xi32>
    %eq3A_233 = arith.cmpi eq, %iota3A, %eq3A_232 : vector<256x2048xi32>
    %jit3A_234 = arith.constant 0x7F800000 : f32
    %broadcast_in_dim3A_235 = vector.broadcast %jit3A_234 : f32 to vector<256x2048xf32>
    %select_n3A_236 = arith.select %eq3A_233, %broadcast_in_dim3A_235, %select_n3A_209 : vector<256x2048xi1>, vector<256x2048xf32>
    %reduce_min3A_237 = arith.constant dense<0x7F800000> : vector<256xf32>
    %reduce_min3A_238 = vector.multi_reduction <minimumf>, %select_n3A_236, %reduce_min3A_237 [1] : vector<256x2048xf32> to vector<256xf32>
    %broadcast_in_dim3A_239 = vector.shape_cast %reduce_min3A_238 : vector<256xf32> to vector<256x1xf32>
    %eq3A_240 = vector.broadcast %broadcast_in_dim3A_239 : vector<256x1xf32> to vector<256x2048xf32>
    %eq3A_241 = arith.cmpf oeq, %select_n3A_236, %eq3A_240 : vector<256x2048xf32>
    %jit3A_242 = arith.constant 2048 : i32
    %broadcast_in_dim3A_243 = vector.broadcast %jit3A_242 : i32 to vector<256x2048xi32>
    %select_n3A_244 = arith.select %eq3A_241, %iota3A, %broadcast_in_dim3A_243 : vector<256x2048xi1>, vector<256x2048xi32>
    %reduce_min3A_245 = arith.constant dense<2147483647> : vector<256xi32>
    %reduce_min3A_246 = vector.multi_reduction <minsi>, %select_n3A_244, %reduce_min3A_245 [1] : vector<256x2048xi32> to vector<256xi32>
    %broadcast_in_dim3A_247 = vector.shape_cast %reduce_min3A_246 : vector<256xi32> to vector<256x1xi32>
    %squeeze3A_248 = vector.shape_cast %broadcast_in_dim3A_247 : vector<256x1xi32> to vector<256xi32>
    %mul3A_249 = arith.constant 2048 : i32
    %mul3A_250 = arith.muli %add3A_0, %mul3A_249 : i32
    %add3A_251 = vector.broadcast %mul3A_250 : i32 to vector<256xi32>
    %add3A_252 = arith.addi %squeeze3A_248, %add3A_251 : vector<256xi32>
    %swap3A_253 = arith.constant 0 : index
    %swap3A_254 = arith.constant 8 : index
    %swap3A_255 = arith.constant 0 : index
    %swap3A_256 = vector.load %arg3[%swap3A_253, %swap3A_254, %swap3A_255] : memref<1x17x256xi32, #tpu.memory_space<vmem>>, vector<1x1x256xi32>
    %swap3A_257 = vector.shape_cast %swap3A_256 : vector<1x1x256xi32> to vector<256xi32>
    %swap3A_258 = vector.shape_cast %add3A_252 : vector<256xi32> to vector<1x1x256xi32>
    tpu.vector_store %arg3[%swap3A_253, %swap3A_254, %swap3A_255], %swap3A_258 {strides = array<i32>} : memref<1x17x256xi32, #tpu.memory_space<vmem>>, vector<1x1x256xi32>,
    %eq3A_259 = vector.broadcast %broadcast_in_dim3A_247 : vector<256x1xi32> to vector<256x2048xi32>
    %eq3A_260 = arith.cmpi eq, %iota3A, %eq3A_259 : vector<256x2048xi32>
    %jit3A_261 = arith.constant 0x7F800000 : f32
    %broadcast_in_dim3A_262 = vector.broadcast %jit3A_261 : f32 to vector<256x2048xf32>
    %select_n3A_263 = arith.select %eq3A_260, %broadcast_in_dim3A_262, %select_n3A_236 : vector<256x2048xi1>, vector<256x2048xf32>
    %reduce_min3A_264 = arith.constant dense<0x7F800000> : vector<256xf32>
    %reduce_min3A_265 = vector.multi_reduction <minimumf>, %select_n3A_263, %reduce_min3A_264 [1] : vector<256x2048xf32> to vector<256xf32>
    %broadcast_in_dim3A_266 = vector.shape_cast %reduce_min3A_265 : vector<256xf32> to vector<256x1xf32>
    %eq3A_267 = vector.broadcast %broadcast_in_dim3A_266 : vector<256x1xf32> to vector<256x2048xf32>
    %eq3A_268 = arith.cmpf oeq, %select_n3A_263, %eq3A_267 : vector<256x2048xf32>
    %jit3A_269 = arith.constant 2048 : i32
    %broadcast_in_dim3A_270 = vector.broadcast %jit3A_269 : i32 to vector<256x2048xi32>
    %select_n3A_271 = arith.select %eq3A_268, %iota3A, %broadcast_in_dim3A_270 : vector<256x2048xi1>, vector<256x2048xi32>
    %reduce_min3A_272 = arith.constant dense<2147483647> : vector<256xi32>
    %reduce_min3A_273 = vector.multi_reduction <minsi>, %select_n3A_271, %reduce_min3A_272 [1] : vector<256x2048xi32> to vector<256xi32>
    %broadcast_in_dim3A_274 = vector.shape_cast %reduce_min3A_273 : vector<256xi32> to vector<256x1xi32>
    %squeeze3A_275 = vector.shape_cast %broadcast_in_dim3A_274 : vector<256x1xi32> to vector<256xi32>
    %mul3A_276 = arith.constant 2048 : i32
    %mul3A_277 = arith.muli %add3A_0, %mul3A_276 : i32
    %add3A_278 = vector.broadcast %mul3A_277 : i32 to vector<256xi32>
    %add3A_279 = arith.addi %squeeze3A_275, %add3A_278 : vector<256xi32>
    %swap3A_280 = arith.constant 0 : index
    %swap3A_281 = arith.constant 9 : index
    %swap3A_282 = arith.constant 0 : index
    %swap3A_283 = vector.load %arg3[%swap3A_280, %swap3A_281, %swap3A_282] : memref<1x17x256xi32, #tpu.memory_space<vmem>>, vector<1x1x256xi32>
    %swap3A_284 = vector.shape_cast %swap3A_283 : vector<1x1x256xi32> to vector<256xi32>
    %swap3A_285 = vector.shape_cast %add3A_279 : vector<256xi32> to vector<1x1x256xi32>
    tpu.vector_store %arg3[%swap3A_280, %swap3A_281, %swap3A_282], %swap3A_285 {strides = array<i32>} : memref<1x17x256xi32, #tpu.memory_space<vmem>>, vector<1x1x256xi32>,
    %eq3A_286 = vector.broadcast %broadcast_in_dim3A_274 : vector<256x1xi32> to vector<256x2048xi32>
    %eq3A_287 = arith.cmpi eq, %iota3A, %eq3A_286 : vector<256x2048xi32>
    %jit3A_288 = arith.constant 0x7F800000 : f32
    %broadcast_in_dim3A_289 = vector.broadcast %jit3A_288 : f32 to vector<256x2048xf32>
    %select_n3A_290 = arith.select %eq3A_287, %broadcast_in_dim3A_289, %select_n3A_263 : vector<256x2048xi1>, vector<256x2048xf32>
    %reduce_min3A_291 = arith.constant dense<0x7F800000> : vector<256xf32>
    %reduce_min3A_292 = vector.multi_reduction <minimumf>, %select_n3A_290, %reduce_min3A_291 [1] : vector<256x2048xf32> to vector<256xf32>
    %broadcast_in_dim3A_293 = vector.shape_cast %reduce_min3A_292 : vector<256xf32> to vector<256x1xf32>
    %eq3A_294 = vector.broadcast %broadcast_in_dim3A_293 : vector<256x1xf32> to vector<256x2048xf32>
    %eq3A_295 = arith.cmpf oeq, %select_n3A_290, %eq3A_294 : vector<256x2048xf32>
    %jit3A_296 = arith.constant 2048 : i32
    %broadcast_in_dim3A_297 = vector.broadcast %jit3A_296 : i32 to vector<256x2048xi32>
    %select_n3A_298 = arith.select %eq3A_295, %iota3A, %broadcast_in_dim3A_297 : vector<256x2048xi1>, vector<256x2048xi32>
    %reduce_min3A_299 = arith.constant dense<2147483647> : vector<256xi32>
    %reduce_min3A_300 = vector.multi_reduction <minsi>, %select_n3A_298, %reduce_min3A_299 [1] : vector<256x2048xi32> to vector<256xi32>
    %broadcast_in_dim3A_301 = vector.shape_cast %reduce_min3A_300 : vector<256xi32> to vector<256x1xi32>
    %squeeze3A_302 = vector.shape_cast %broadcast_in_dim3A_301 : vector<256x1xi32> to vector<256xi32>
    %mul3A_303 = arith.constant 2048 : i32
    %mul3A_304 = arith.muli %add3A_0, %mul3A_303 : i32
    %add3A_305 = vector.broadcast %mul3A_304 : i32 to vector<256xi32>
    %add3A_306 = arith.addi %squeeze3A_302, %add3A_305 : vector<256xi32>
    %swap3A_307 = arith.constant 0 : index
    %swap3A_308 = arith.constant 10 : index
    %swap3A_309 = arith.constant 0 : index
    %swap3A_310 = vector.load %arg3[%swap3A_307, %swap3A_308, %swap3A_309] : memref<1x17x256xi32, #tpu.memory_space<vmem>>, vector<1x1x256xi32>
    %swap3A_311 = vector.shape_cast %swap3A_310 : vector<1x1x256xi32> to vector<256xi32>
    %swap3A_312 = vector.shape_cast %add3A_306 : vector<256xi32> to vector<1x1x256xi32>
    tpu.vector_store %arg3[%swap3A_307, %swap3A_308, %swap3A_309], %swap3A_312 {strides = array<i32>} : memref<1x17x256xi32, #tpu.memory_space<vmem>>, vector<1x1x256xi32>,
    %eq3A_313 = vector.broadcast %broadcast_in_dim3A_301 : vector<256x1xi32> to vector<256x2048xi32>
    %eq3A_314 = arith.cmpi eq, %iota3A, %eq3A_313 : vector<256x2048xi32>
    %jit3A_315 = arith.constant 0x7F800000 : f32
    %broadcast_in_dim3A_316 = vector.broadcast %jit3A_315 : f32 to vector<256x2048xf32>
    %select_n3A_317 = arith.select %eq3A_314, %broadcast_in_dim3A_316, %select_n3A_290 : vector<256x2048xi1>, vector<256x2048xf32>
    %reduce_min3A_318 = arith.constant dense<0x7F800000> : vector<256xf32>
    %reduce_min3A_319 = vector.multi_reduction <minimumf>, %select_n3A_317, %reduce_min3A_318 [1] : vector<256x2048xf32> to vector<256xf32>
    %broadcast_in_dim3A_320 = vector.shape_cast %reduce_min3A_319 : vector<256xf32> to vector<256x1xf32>
    %eq3A_321 = vector.broadcast %broadcast_in_dim3A_320 : vector<256x1xf32> to vector<256x2048xf32>
    %eq3A_322 = arith.cmpf oeq, %select_n3A_317, %eq3A_321 : vector<256x2048xf32>
    %jit3A_323 = arith.constant 2048 : i32
    %broadcast_in_dim3A_324 = vector.broadcast %jit3A_323 : i32 to vector<256x2048xi32>
    %select_n3A_325 = arith.select %eq3A_322, %iota3A, %broadcast_in_dim3A_324 : vector<256x2048xi1>, vector<256x2048xi32>
    %reduce_min3A_326 = arith.constant dense<2147483647> : vector<256xi32>
    %reduce_min3A_327 = vector.multi_reduction <minsi>, %select_n3A_325, %reduce_min3A_326 [1] : vector<256x2048xi32> to vector<256xi32>
    %broadcast_in_dim3A_328 = vector.shape_cast %reduce_min3A_327 : vector<256xi32> to vector<256x1xi32>
    %squeeze3A_329 = vector.shape_cast %broadcast_in_dim3A_328 : vector<256x1xi32> to vector<256xi32>
    %mul3A_330 = arith.constant 2048 : i32
    %mul3A_331 = arith.muli %add3A_0, %mul3A_330 : i32
    %add3A_332 = vector.broadcast %mul3A_331 : i32 to vector<256xi32>
    %add3A_333 = arith.addi %squeeze3A_329, %add3A_332 : vector<256xi32>
    %swap3A_334 = arith.constant 0 : index
    %swap3A_335 = arith.constant 11 : index
    %swap3A_336 = arith.constant 0 : index
    %swap3A_337 = vector.load %arg3[%swap3A_334, %swap3A_335, %swap3A_336] : memref<1x17x256xi32, #tpu.memory_space<vmem>>, vector<1x1x256xi32>
    %swap3A_338 = vector.shape_cast %swap3A_337 : vector<1x1x256xi32> to vector<256xi32>
    %swap3A_339 = vector.shape_cast %add3A_333 : vector<256xi32> to vector<1x1x256xi32>
    tpu.vector_store %arg3[%swap3A_334, %swap3A_335, %swap3A_336], %swap3A_339 {strides = array<i32>} : memref<1x17x256xi32, #tpu.memory_space<vmem>>, vector<1x1x256xi32>,
    %eq3A_340 = vector.broadcast %broadcast_in_dim3A_328 : vector<256x1xi32> to vector<256x2048xi32>
    %eq3A_341 = arith.cmpi eq, %iota3A, %eq3A_340 : vector<256x2048xi32>
    %jit3A_342 = arith.constant 0x7F800000 : f32
    %broadcast_in_dim3A_343 = vector.broadcast %jit3A_342 : f32 to vector<256x2048xf32>
    %select_n3A_344 = arith.select %eq3A_341, %broadcast_in_dim3A_343, %select_n3A_317 : vector<256x2048xi1>, vector<256x2048xf32>
    %reduce_min3A_345 = arith.constant dense<0x7F800000> : vector<256xf32>
    %reduce_min3A_346 = vector.multi_reduction <minimumf>, %select_n3A_344, %reduce_min3A_345 [1] : vector<256x2048xf32> to vector<256xf32>
    %broadcast_in_dim3A_347 = vector.shape_cast %reduce_min3A_346 : vector<256xf32> to vector<256x1xf32>
    %eq3A_348 = vector.broadcast %broadcast_in_dim3A_347 : vector<256x1xf32> to vector<256x2048xf32>
    %eq3A_349 = arith.cmpf oeq, %select_n3A_344, %eq3A_348 : vector<256x2048xf32>
    %jit3A_350 = arith.constant 2048 : i32
    %broadcast_in_dim3A_351 = vector.broadcast %jit3A_350 : i32 to vector<256x2048xi32>
    %select_n3A_352 = arith.select %eq3A_349, %iota3A, %broadcast_in_dim3A_351 : vector<256x2048xi1>, vector<256x2048xi32>
    %reduce_min3A_353 = arith.constant dense<2147483647> : vector<256xi32>
    %reduce_min3A_354 = vector.multi_reduction <minsi>, %select_n3A_352, %reduce_min3A_353 [1] : vector<256x2048xi32> to vector<256xi32>
    %broadcast_in_dim3A_355 = vector.shape_cast %reduce_min3A_354 : vector<256xi32> to vector<256x1xi32>
    %squeeze3A_356 = vector.shape_cast %broadcast_in_dim3A_355 : vector<256x1xi32> to vector<256xi32>
    %mul3A_357 = arith.constant 2048 : i32
    %mul3A_358 = arith.muli %add3A_0, %mul3A_357 : i32
    %add3A_359 = vector.broadcast %mul3A_358 : i32 to vector<256xi32>
    %add3A_360 = arith.addi %squeeze3A_356, %add3A_359 : vector<256xi32>
    %swap3A_361 = arith.constant 0 : index
    %swap3A_362 = arith.constant 12 : index
    %swap3A_363 = arith.constant 0 : index
    %swap3A_364 = vector.load %arg3[%swap3A_361, %swap3A_362, %swap3A_363] : memref<1x17x256xi32, #tpu.memory_space<vmem>>, vector<1x1x256xi32>
    %swap3A_365 = vector.shape_cast %swap3A_364 : vector<1x1x256xi32> to vector<256xi32>
    %swap3A_366 = vector.shape_cast %add3A_360 : vector<256xi32> to vector<1x1x256xi32>
    tpu.vector_store %arg3[%swap3A_361, %swap3A_362, %swap3A_363], %swap3A_366 {strides = array<i32>} : memref<1x17x256xi32, #tpu.memory_space<vmem>>, vector<1x1x256xi32>,
    %eq3A_367 = vector.broadcast %broadcast_in_dim3A_355 : vector<256x1xi32> to vector<256x2048xi32>
    %eq3A_368 = arith.cmpi eq, %iota3A, %eq3A_367 : vector<256x2048xi32>
    %jit3A_369 = arith.constant 0x7F800000 : f32
    %broadcast_in_dim3A_370 = vector.broadcast %jit3A_369 : f32 to vector<256x2048xf32>
    %select_n3A_371 = arith.select %eq3A_368, %broadcast_in_dim3A_370, %select_n3A_344 : vector<256x2048xi1>, vector<256x2048xf32>
    %reduce_min3A_372 = arith.constant dense<0x7F800000> : vector<256xf32>
    %reduce_min3A_373 = vector.multi_reduction <minimumf>, %select_n3A_371, %reduce_min3A_372 [1] : vector<256x2048xf32> to vector<256xf32>
    %broadcast_in_dim3A_374 = vector.shape_cast %reduce_min3A_373 : vector<256xf32> to vector<256x1xf32>
    %eq3A_375 = vector.broadcast %broadcast_in_dim3A_374 : vector<256x1xf32> to vector<256x2048xf32>
    %eq3A_376 = arith.cmpf oeq, %select_n3A_371, %eq3A_375 : vector<256x2048xf32>
    %jit3A_377 = arith.constant 2048 : i32
    %broadcast_in_dim3A_378 = vector.broadcast %jit3A_377 : i32 to vector<256x2048xi32>
    %select_n3A_379 = arith.select %eq3A_376, %iota3A, %broadcast_in_dim3A_378 : vector<256x2048xi1>, vector<256x2048xi32>
    %reduce_min3A_380 = arith.constant dense<2147483647> : vector<256xi32>
    %reduce_min3A_381 = vector.multi_reduction <minsi>, %select_n3A_379, %reduce_min3A_380 [1] : vector<256x2048xi32> to vector<256xi32>
    %broadcast_in_dim3A_382 = vector.shape_cast %reduce_min3A_381 : vector<256xi32> to vector<256x1xi32>
    %squeeze3A_383 = vector.shape_cast %broadcast_in_dim3A_382 : vector<256x1xi32> to vector<256xi32>
    %mul3A_384 = arith.constant 2048 : i32
    %mul3A_385 = arith.muli %add3A_0, %mul3A_384 : i32
    %add3A_386 = vector.broadcast %mul3A_385 : i32 to vector<256xi32>
    %add3A_387 = arith.addi %squeeze3A_383, %add3A_386 : vector<256xi32>
    %swap3A_388 = arith.constant 0 : index
    %swap3A_389 = arith.constant 13 : index
    %swap3A_390 = arith.constant 0 : index
    %swap3A_391 = vector.load %arg3[%swap3A_388, %swap3A_389, %swap3A_390] : memref<1x17x256xi32, #tpu.memory_space<vmem>>, vector<1x1x256xi32>
    %swap3A_392 = vector.shape_cast %swap3A_391 : vector<1x1x256xi32> to vector<256xi32>
    %swap3A_393 = vector.shape_cast %add3A_387 : vector<256xi32> to vector<1x1x256xi32>
    tpu.vector_store %arg3[%swap3A_388, %swap3A_389, %swap3A_390], %swap3A_393 {strides = array<i32>} : memref<1x17x256xi32, #tpu.memory_space<vmem>>, vector<1x1x256xi32>,
    %eq3A_394 = vector.broadcast %broadcast_in_dim3A_382 : vector<256x1xi32> to vector<256x2048xi32>
    %eq3A_395 = arith.cmpi eq, %iota3A, %eq3A_394 : vector<256x2048xi32>
    %jit3A_396 = arith.constant 0x7F800000 : f32
    %broadcast_in_dim3A_397 = vector.broadcast %jit3A_396 : f32 to vector<256x2048xf32>
    %select_n3A_398 = arith.select %eq3A_395, %broadcast_in_dim3A_397, %select_n3A_371 : vector<256x2048xi1>, vector<256x2048xf32>
    %reduce_min3A_399 = arith.constant dense<0x7F800000> : vector<256xf32>
    %reduce_min3A_400 = vector.multi_reduction <minimumf>, %select_n3A_398, %reduce_min3A_399 [1] : vector<256x2048xf32> to vector<256xf32>
    %broadcast_in_dim3A_401 = vector.shape_cast %reduce_min3A_400 : vector<256xf32> to vector<256x1xf32>
    %eq3A_402 = vector.broadcast %broadcast_in_dim3A_401 : vector<256x1xf32> to vector<256x2048xf32>
    %eq3A_403 = arith.cmpf oeq, %select_n3A_398, %eq3A_402 : vector<256x2048xf32>
    %jit3A_404 = arith.constant 2048 : i32
    %broadcast_in_dim3A_405 = vector.broadcast %jit3A_404 : i32 to vector<256x2048xi32>
    %select_n3A_406 = arith.select %eq3A_403, %iota3A, %broadcast_in_dim3A_405 : vector<256x2048xi1>, vector<256x2048xi32>
    %reduce_min3A_407 = arith.constant dense<2147483647> : vector<256xi32>
    %reduce_min3A_408 = vector.multi_reduction <minsi>, %select_n3A_406, %reduce_min3A_407 [1] : vector<256x2048xi32> to vector<256xi32>
    %broadcast_in_dim3A_409 = vector.shape_cast %reduce_min3A_408 : vector<256xi32> to vector<256x1xi32>
    %squeeze3A_410 = vector.shape_cast %broadcast_in_dim3A_409 : vector<256x1xi32> to vector<256xi32>
    %mul3A_411 = arith.constant 2048 : i32
    %mul3A_412 = arith.muli %add3A_0, %mul3A_411 : i32
    %add3A_413 = vector.broadcast %mul3A_412 : i32 to vector<256xi32>
    %add3A_414 = arith.addi %squeeze3A_410, %add3A_413 : vector<256xi32>
    %swap3A_415 = arith.constant 0 : index
    %swap3A_416 = arith.constant 14 : index
    %swap3A_417 = arith.constant 0 : index
    %swap3A_418 = vector.load %arg3[%swap3A_415, %swap3A_416, %swap3A_417] : memref<1x17x256xi32, #tpu.memory_space<vmem>>, vector<1x1x256xi32>
    %swap3A_419 = vector.shape_cast %swap3A_418 : vector<1x1x256xi32> to vector<256xi32>
    %swap3A_420 = vector.shape_cast %add3A_414 : vector<256xi32> to vector<1x1x256xi32>
    tpu.vector_store %arg3[%swap3A_415, %swap3A_416, %swap3A_417], %swap3A_420 {strides = array<i32>} : memref<1x17x256xi32, #tpu.memory_space<vmem>>, vector<1x1x256xi32>,
    %eq3A_421 = vector.broadcast %broadcast_in_dim3A_409 : vector<256x1xi32> to vector<256x2048xi32>
    %eq3A_422 = arith.cmpi eq, %iota3A, %eq3A_421 : vector<256x2048xi32>
    %jit3A_423 = arith.constant 0x7F800000 : f32
    %broadcast_in_dim3A_424 = vector.broadcast %jit3A_423 : f32 to vector<256x2048xf32>
    %select_n3A_425 = arith.select %eq3A_422, %broadcast_in_dim3A_424, %select_n3A_398 : vector<256x2048xi1>, vector<256x2048xf32>
    %reduce_min3A_426 = arith.constant dense<0x7F800000> : vector<256xf32>
    %reduce_min3A_427 = vector.multi_reduction <minimumf>, %select_n3A_425, %reduce_min3A_426 [1] : vector<256x2048xf32> to vector<256xf32>
    %broadcast_in_dim3A_428 = vector.shape_cast %reduce_min3A_427 : vector<256xf32> to vector<256x1xf32>
    %eq3A_429 = vector.broadcast %broadcast_in_dim3A_428 : vector<256x1xf32> to vector<256x2048xf32>
    %eq3A_430 = arith.cmpf oeq, %select_n3A_425, %eq3A_429 : vector<256x2048xf32>
    %jit3A_431 = arith.constant 2048 : i32
    %broadcast_in_dim3A_432 = vector.broadcast %jit3A_431 : i32 to vector<256x2048xi32>
    %select_n3A_433 = arith.select %eq3A_430, %iota3A, %broadcast_in_dim3A_432 : vector<256x2048xi1>, vector<256x2048xi32>
    %reduce_min3A_434 = arith.constant dense<2147483647> : vector<256xi32>
    %reduce_min3A_435 = vector.multi_reduction <minsi>, %select_n3A_433, %reduce_min3A_434 [1] : vector<256x2048xi32> to vector<256xi32>
    %broadcast_in_dim3A_436 = vector.shape_cast %reduce_min3A_435 : vector<256xi32> to vector<256x1xi32>
    %squeeze3A_437 = vector.shape_cast %broadcast_in_dim3A_436 : vector<256x1xi32> to vector<256xi32>
    %mul3A_438 = arith.constant 2048 : i32
    %mul3A_439 = arith.muli %add3A_0, %mul3A_438 : i32
    %add3A_440 = vector.broadcast %mul3A_439 : i32 to vector<256xi32>
    %add3A_441 = arith.addi %squeeze3A_437, %add3A_440 : vector<256xi32>
    %swap3A_442 = arith.constant 0 : index
    %swap3A_443 = arith.constant 15 : index
    %swap3A_444 = arith.constant 0 : index
    %swap3A_445 = vector.load %arg3[%swap3A_442, %swap3A_443, %swap3A_444] : memref<1x17x256xi32, #tpu.memory_space<vmem>>, vector<1x1x256xi32>
    %swap3A_446 = vector.shape_cast %swap3A_445 : vector<1x1x256xi32> to vector<256xi32>
    %swap3A_447 = vector.shape_cast %add3A_441 : vector<256xi32> to vector<1x1x256xi32>
    tpu.vector_store %arg3[%swap3A_442, %swap3A_443, %swap3A_444], %swap3A_447 {strides = array<i32>} : memref<1x17x256xi32, #tpu.memory_space<vmem>>, vector<1x1x256xi32>,
    %eq3A_448 = vector.broadcast %broadcast_in_dim3A_436 : vector<256x1xi32> to vector<256x2048xi32>
    %eq3A_449 = arith.cmpi eq, %iota3A, %eq3A_448 : vector<256x2048xi32>
    %jit3A_450 = arith.constant 0x7F800000 : f32
    %broadcast_in_dim3A_451 = vector.broadcast %jit3A_450 : f32 to vector<256x2048xf32>
    %select_n3A_452 = arith.select %eq3A_449, %broadcast_in_dim3A_451, %select_n3A_425 : vector<256x2048xi1>, vector<256x2048xf32>
    %reduce_min3A_453 = arith.constant dense<0x7F800000> : vector<256xf32>
    %reduce_min3A_454 = vector.multi_reduction <minimumf>, %select_n3A_452, %reduce_min3A_453 [1] : vector<256x2048xf32> to vector<256xf32>
    %broadcast_in_dim3A_455 = vector.shape_cast %reduce_min3A_454 : vector<256xf32> to vector<256x1xf32>
    %eq3A_456 = vector.broadcast %broadcast_in_dim3A_455 : vector<256x1xf32> to vector<256x2048xf32>
    %eq3A_457 = arith.cmpf oeq, %select_n3A_452, %eq3A_456 : vector<256x2048xf32>
    %jit3A_458 = arith.constant 2048 : i32
    %broadcast_in_dim3A_459 = vector.broadcast %jit3A_458 : i32 to vector<256x2048xi32>
    %select_n3A_460 = arith.select %eq3A_457, %iota3A, %broadcast_in_dim3A_459 : vector<256x2048xi1>, vector<256x2048xi32>
    %reduce_min3A_461 = arith.constant dense<2147483647> : vector<256xi32>
    %reduce_min3A_462 = vector.multi_reduction <minsi>, %select_n3A_460, %reduce_min3A_461 [1] : vector<256x2048xi32> to vector<256xi32>
    %broadcast_in_dim3A_463 = vector.shape_cast %reduce_min3A_462 : vector<256xi32> to vector<256x1xi32>
    %squeeze3A_464 = vector.shape_cast %broadcast_in_dim3A_463 : vector<256x1xi32> to vector<256xi32>
    %mul3A_465 = arith.constant 2048 : i32
    %mul3A_466 = arith.muli %add3A_0, %mul3A_465 : i32
    %add3A_467 = vector.broadcast %mul3A_466 : i32 to vector<256xi32>
    %add3A_468 = arith.addi %squeeze3A_464, %add3A_467 : vector<256xi32>
    %swap3A_469 = arith.constant 0 : index
    %swap3A_470 = arith.constant 16 : index
    %swap3A_471 = arith.constant 0 : index
    %swap3A_472 = vector.load %arg3[%swap3A_469, %swap3A_470, %swap3A_471] : memref<1x17x256xi32, #tpu.memory_space<vmem>>, vector<1x1x256xi32>
    %swap3A_473 = vector.shape_cast %swap3A_472 : vector<1x1x256xi32> to vector<256xi32>
    %swap3A_474 = vector.shape_cast %add3A_468 : vector<256xi32> to vector<1x1x256xi32>
    tpu.vector_store %arg3[%swap3A_469, %swap3A_470, %swap3A_471], %swap3A_474 {strides = array<i32>} : memref<1x17x256xi32, #tpu.memory_space<vmem>>, vector<1x1x256xi32>,
    return
  }
  func.func @transform_0(%arg0: i32, %arg1: i32) -> (i32, i32, i32) {
    %c0_i32 = arith.constant 0 : i32
    %c0_i32_0 = arith.constant 0 : i32
    %c0_i32_1 = arith.constant 0 : i32
    return %arg0, %c0_i32, %c0_i32_0 : i32, i32, i32
  }
  func.func @transform_1(%arg0: i32, %arg1: i32) -> (i32, i32, i32) {
    %c0_i32 = arith.constant 0 : i32
    %c0_i32_0 = arith.constant 0 : i32
    return %arg0, %c0_i32, %arg1 : i32, i32, i32
  }
}

module attributes {stable_mosaic.version = 14 : i64} {
  func.func @_finalize_kernel(%arg0: i32, %arg1: i32, %arg2: memref<1x16x512x128xf32, #tpu.memory_space<vmem>>, %arg3: memref<1x128x2048xf32, #tpu.memory_space<vmem>>, %arg4: memref<1x256x16x512xf32, #tpu.memory_space<vmem>>) attributes {dimension_semantics = [#tpu.dimension_semantics<parallel>, #tpu.dimension_semantics<parallel>], iteration_bounds = array<i64: 2, 4>, scalar_prefetch = 0 : i64, scratch_operands = 0 : i64, tpu.core_type = #tpu.core_type<tc>, window_params = [{transform_indices = @transform_0, window_bounds = array<i64: 1, 16, 512, 128>}, {transform_indices = @transform_1, window_bounds = array<i64: 1, 128, 2048>}, {transform_indices = @transform_2, window_bounds = array<i64: 1, 256, 16, 512>}]} {
    %mul3A = arith.constant 512 : i32
    %mul3A_0 = arith.muli %arg1, %mul3A : i32
    %get3A = arith.constant 0 : index
    %get3A_1 = arith.constant 0 : index
    %get3A_2 = arith.index_cast %mul3A_0 : i32 to index
    %get3A_3 = vector.load %arg3[%get3A, %get3A_1, %get3A_2] : memref<1x128x2048xf32, #tpu.memory_space<vmem>>, vector<1x128x512xf32>
    %get3A_4 = vector.shape_cast %get3A_3 : vector<1x128x512xf32> to vector<128x512xf32>
    %get3A_5 = arith.constant 0 : index
    %get3A_6 = arith.constant 0 : index
    %get3A_7 = arith.constant 0 : index
    %get3A_8 = arith.constant 0 : index
    %get3A_9 = vector.load %arg2[%get3A_5, %get3A_6, %get3A_7, %get3A_8] : memref<1x16x512x128xf32, #tpu.memory_space<vmem>>, vector<1x1x512x128xf32>
    %get3A_10 = vector.shape_cast %get3A_9 : vector<1x1x512x128xf32> to vector<512x128xf32>
    %transpose3A = tpu.transpose %get3A_10, [1, 0] : vector<512x128xf32> -> vector<128x512xf32>
    %swap3A = arith.constant 0 : index
    %swap3A_11 = arith.constant 0 : index
    %swap3A_12 = arith.constant 0 : index
    %swap3A_13 = arith.constant 0 : index
    %swap3A_14 = vector.load %arg4[%swap3A, %swap3A_11, %swap3A_12, %swap3A_13] : memref<1x256x16x512xf32, #tpu.memory_space<vmem>>, vector<1x128x1x512xf32>
    %swap3A_15 = vector.shape_cast %swap3A_14 : vector<1x128x1x512xf32> to vector<128x512xf32>
    %swap3A_16 = vector.shape_cast %get3A_4 : vector<128x512xf32> to vector<1x128x1x512xf32>
    tpu.vector_store %arg4[%swap3A, %swap3A_11, %swap3A_12, %swap3A_13], %swap3A_16 {strides = array<i32>} : memref<1x256x16x512xf32, #tpu.memory_space<vmem>>, vector<1x128x1x512xf32>,
    %sub3A = arith.subf %transpose3A, %get3A_4 : vector<128x512xf32>
    %swap3A_17 = arith.constant 0 : index
    %swap3A_18 = arith.constant 128 : index
    %swap3A_19 = arith.constant 0 : index
    %swap3A_20 = arith.constant 0 : index
    %swap3A_21 = vector.load %arg4[%swap3A_17, %swap3A_18, %swap3A_19, %swap3A_20] : memref<1x256x16x512xf32, #tpu.memory_space<vmem>>, vector<1x128x1x512xf32>
    %swap3A_22 = vector.shape_cast %swap3A_21 : vector<1x128x1x512xf32> to vector<128x512xf32>
    %swap3A_23 = vector.shape_cast %sub3A : vector<128x512xf32> to vector<1x128x1x512xf32>
    tpu.vector_store %arg4[%swap3A_17, %swap3A_18, %swap3A_19, %swap3A_20], %swap3A_23 {strides = array<i32>} : memref<1x256x16x512xf32, #tpu.memory_space<vmem>>, vector<1x128x1x512xf32>,
    %get3A_24 = arith.constant 0 : index
    %get3A_25 = arith.constant 1 : index
    %get3A_26 = arith.constant 0 : index
    %get3A_27 = arith.constant 0 : index
    %get3A_28 = vector.load %arg2[%get3A_24, %get3A_25, %get3A_26, %get3A_27] : memref<1x16x512x128xf32, #tpu.memory_space<vmem>>, vector<1x1x512x128xf32>
    %get3A_29 = vector.shape_cast %get3A_28 : vector<1x1x512x128xf32> to vector<512x128xf32>
    %transpose3A_30 = tpu.transpose %get3A_29, [1, 0] : vector<512x128xf32> -> vector<128x512xf32>
    %swap3A_31 = arith.constant 0 : index
    %swap3A_32 = arith.constant 0 : index
    %swap3A_33 = arith.constant 1 : index
    %swap3A_34 = arith.constant 0 : index
    %swap3A_35 = vector.load %arg4[%swap3A_31, %swap3A_32, %swap3A_33, %swap3A_34] : memref<1x256x16x512xf32, #tpu.memory_space<vmem>>, vector<1x128x1x512xf32>
    %swap3A_36 = vector.shape_cast %swap3A_35 : vector<1x128x1x512xf32> to vector<128x512xf32>
    %swap3A_37 = vector.shape_cast %get3A_4 : vector<128x512xf32> to vector<1x128x1x512xf32>
    tpu.vector_store %arg4[%swap3A_31, %swap3A_32, %swap3A_33, %swap3A_34], %swap3A_37 {strides = array<i32>} : memref<1x256x16x512xf32, #tpu.memory_space<vmem>>, vector<1x128x1x512xf32>,
    %sub3A_38 = arith.subf %transpose3A_30, %get3A_4 : vector<128x512xf32>
    %swap3A_39 = arith.constant 0 : index
    %swap3A_40 = arith.constant 128 : index
    %swap3A_41 = arith.constant 1 : index
    %swap3A_42 = arith.constant 0 : index
    %swap3A_43 = vector.load %arg4[%swap3A_39, %swap3A_40, %swap3A_41, %swap3A_42] : memref<1x256x16x512xf32, #tpu.memory_space<vmem>>, vector<1x128x1x512xf32>
    %swap3A_44 = vector.shape_cast %swap3A_43 : vector<1x128x1x512xf32> to vector<128x512xf32>
    %swap3A_45 = vector.shape_cast %sub3A_38 : vector<128x512xf32> to vector<1x128x1x512xf32>
    tpu.vector_store %arg4[%swap3A_39, %swap3A_40, %swap3A_41, %swap3A_42], %swap3A_45 {strides = array<i32>} : memref<1x256x16x512xf32, #tpu.memory_space<vmem>>, vector<1x128x1x512xf32>,
    %get3A_46 = arith.constant 0 : index
    %get3A_47 = arith.constant 2 : index
    %get3A_48 = arith.constant 0 : index
    %get3A_49 = arith.constant 0 : index
    %get3A_50 = vector.load %arg2[%get3A_46, %get3A_47, %get3A_48, %get3A_49] : memref<1x16x512x128xf32, #tpu.memory_space<vmem>>, vector<1x1x512x128xf32>
    %get3A_51 = vector.shape_cast %get3A_50 : vector<1x1x512x128xf32> to vector<512x128xf32>
    %transpose3A_52 = tpu.transpose %get3A_51, [1, 0] : vector<512x128xf32> -> vector<128x512xf32>
    %swap3A_53 = arith.constant 0 : index
    %swap3A_54 = arith.constant 0 : index
    %swap3A_55 = arith.constant 2 : index
    %swap3A_56 = arith.constant 0 : index
    %swap3A_57 = vector.load %arg4[%swap3A_53, %swap3A_54, %swap3A_55, %swap3A_56] : memref<1x256x16x512xf32, #tpu.memory_space<vmem>>, vector<1x128x1x512xf32>
    %swap3A_58 = vector.shape_cast %swap3A_57 : vector<1x128x1x512xf32> to vector<128x512xf32>
    %swap3A_59 = vector.shape_cast %get3A_4 : vector<128x512xf32> to vector<1x128x1x512xf32>
    tpu.vector_store %arg4[%swap3A_53, %swap3A_54, %swap3A_55, %swap3A_56], %swap3A_59 {strides = array<i32>} : memref<1x256x16x512xf32, #tpu.memory_space<vmem>>, vector<1x128x1x512xf32>,
    %sub3A_60 = arith.subf %transpose3A_52, %get3A_4 : vector<128x512xf32>
    %swap3A_61 = arith.constant 0 : index
    %swap3A_62 = arith.constant 128 : index
    %swap3A_63 = arith.constant 2 : index
    %swap3A_64 = arith.constant 0 : index
    %swap3A_65 = vector.load %arg4[%swap3A_61, %swap3A_62, %swap3A_63, %swap3A_64] : memref<1x256x16x512xf32, #tpu.memory_space<vmem>>, vector<1x128x1x512xf32>
    %swap3A_66 = vector.shape_cast %swap3A_65 : vector<1x128x1x512xf32> to vector<128x512xf32>
    %swap3A_67 = vector.shape_cast %sub3A_60 : vector<128x512xf32> to vector<1x128x1x512xf32>
    tpu.vector_store %arg4[%swap3A_61, %swap3A_62, %swap3A_63, %swap3A_64], %swap3A_67 {strides = array<i32>} : memref<1x256x16x512xf32, #tpu.memory_space<vmem>>, vector<1x128x1x512xf32>,
    %get3A_68 = arith.constant 0 : index
    %get3A_69 = arith.constant 3 : index
    %get3A_70 = arith.constant 0 : index
    %get3A_71 = arith.constant 0 : index
    %get3A_72 = vector.load %arg2[%get3A_68, %get3A_69, %get3A_70, %get3A_71] : memref<1x16x512x128xf32, #tpu.memory_space<vmem>>, vector<1x1x512x128xf32>
    %get3A_73 = vector.shape_cast %get3A_72 : vector<1x1x512x128xf32> to vector<512x128xf32>
    %transpose3A_74 = tpu.transpose %get3A_73, [1, 0] : vector<512x128xf32> -> vector<128x512xf32>
    %swap3A_75 = arith.constant 0 : index
    %swap3A_76 = arith.constant 0 : index
    %swap3A_77 = arith.constant 3 : index
    %swap3A_78 = arith.constant 0 : index
    %swap3A_79 = vector.load %arg4[%swap3A_75, %swap3A_76, %swap3A_77, %swap3A_78] : memref<1x256x16x512xf32, #tpu.memory_space<vmem>>, vector<1x128x1x512xf32>
    %swap3A_80 = vector.shape_cast %swap3A_79 : vector<1x128x1x512xf32> to vector<128x512xf32>
    %swap3A_81 = vector.shape_cast %get3A_4 : vector<128x512xf32> to vector<1x128x1x512xf32>
    tpu.vector_store %arg4[%swap3A_75, %swap3A_76, %swap3A_77, %swap3A_78], %swap3A_81 {strides = array<i32>} : memref<1x256x16x512xf32, #tpu.memory_space<vmem>>, vector<1x128x1x512xf32>,
    %sub3A_82 = arith.subf %transpose3A_74, %get3A_4 : vector<128x512xf32>
    %swap3A_83 = arith.constant 0 : index
    %swap3A_84 = arith.constant 128 : index
    %swap3A_85 = arith.constant 3 : index
    %swap3A_86 = arith.constant 0 : index
    %swap3A_87 = vector.load %arg4[%swap3A_83, %swap3A_84, %swap3A_85, %swap3A_86] : memref<1x256x16x512xf32, #tpu.memory_space<vmem>>, vector<1x128x1x512xf32>
    %swap3A_88 = vector.shape_cast %swap3A_87 : vector<1x128x1x512xf32> to vector<128x512xf32>
    %swap3A_89 = vector.shape_cast %sub3A_82 : vector<128x512xf32> to vector<1x128x1x512xf32>
    tpu.vector_store %arg4[%swap3A_83, %swap3A_84, %swap3A_85, %swap3A_86], %swap3A_89 {strides = array<i32>} : memref<1x256x16x512xf32, #tpu.memory_space<vmem>>, vector<1x128x1x512xf32>,
    %get3A_90 = arith.constant 0 : index
    %get3A_91 = arith.constant 4 : index
    %get3A_92 = arith.constant 0 : index
    %get3A_93 = arith.constant 0 : index
    %get3A_94 = vector.load %arg2[%get3A_90, %get3A_91, %get3A_92, %get3A_93] : memref<1x16x512x128xf32, #tpu.memory_space<vmem>>, vector<1x1x512x128xf32>
    %get3A_95 = vector.shape_cast %get3A_94 : vector<1x1x512x128xf32> to vector<512x128xf32>
    %transpose3A_96 = tpu.transpose %get3A_95, [1, 0] : vector<512x128xf32> -> vector<128x512xf32>
    %swap3A_97 = arith.constant 0 : index
    %swap3A_98 = arith.constant 0 : index
    %swap3A_99 = arith.constant 4 : index
    %swap3A_100 = arith.constant 0 : index
    %swap3A_101 = vector.load %arg4[%swap3A_97, %swap3A_98, %swap3A_99, %swap3A_100] : memref<1x256x16x512xf32, #tpu.memory_space<vmem>>, vector<1x128x1x512xf32>
    %swap3A_102 = vector.shape_cast %swap3A_101 : vector<1x128x1x512xf32> to vector<128x512xf32>
    %swap3A_103 = vector.shape_cast %get3A_4 : vector<128x512xf32> to vector<1x128x1x512xf32>
    tpu.vector_store %arg4[%swap3A_97, %swap3A_98, %swap3A_99, %swap3A_100], %swap3A_103 {strides = array<i32>} : memref<1x256x16x512xf32, #tpu.memory_space<vmem>>, vector<1x128x1x512xf32>,
    %sub3A_104 = arith.subf %transpose3A_96, %get3A_4 : vector<128x512xf32>
    %swap3A_105 = arith.constant 0 : index
    %swap3A_106 = arith.constant 128 : index
    %swap3A_107 = arith.constant 4 : index
    %swap3A_108 = arith.constant 0 : index
    %swap3A_109 = vector.load %arg4[%swap3A_105, %swap3A_106, %swap3A_107, %swap3A_108] : memref<1x256x16x512xf32, #tpu.memory_space<vmem>>, vector<1x128x1x512xf32>
    %swap3A_110 = vector.shape_cast %swap3A_109 : vector<1x128x1x512xf32> to vector<128x512xf32>
    %swap3A_111 = vector.shape_cast %sub3A_104 : vector<128x512xf32> to vector<1x128x1x512xf32>
    tpu.vector_store %arg4[%swap3A_105, %swap3A_106, %swap3A_107, %swap3A_108], %swap3A_111 {strides = array<i32>} : memref<1x256x16x512xf32, #tpu.memory_space<vmem>>, vector<1x128x1x512xf32>,
    %get3A_112 = arith.constant 0 : index
    %get3A_113 = arith.constant 5 : index
    %get3A_114 = arith.constant 0 : index
    %get3A_115 = arith.constant 0 : index
    %get3A_116 = vector.load %arg2[%get3A_112, %get3A_113, %get3A_114, %get3A_115] : memref<1x16x512x128xf32, #tpu.memory_space<vmem>>, vector<1x1x512x128xf32>
    %get3A_117 = vector.shape_cast %get3A_116 : vector<1x1x512x128xf32> to vector<512x128xf32>
    %transpose3A_118 = tpu.transpose %get3A_117, [1, 0] : vector<512x128xf32> -> vector<128x512xf32>
    %swap3A_119 = arith.constant 0 : index
    %swap3A_120 = arith.constant 0 : index
    %swap3A_121 = arith.constant 5 : index
    %swap3A_122 = arith.constant 0 : index
    %swap3A_123 = vector.load %arg4[%swap3A_119, %swap3A_120, %swap3A_121, %swap3A_122] : memref<1x256x16x512xf32, #tpu.memory_space<vmem>>, vector<1x128x1x512xf32>
    %swap3A_124 = vector.shape_cast %swap3A_123 : vector<1x128x1x512xf32> to vector<128x512xf32>
    %swap3A_125 = vector.shape_cast %get3A_4 : vector<128x512xf32> to vector<1x128x1x512xf32>
    tpu.vector_store %arg4[%swap3A_119, %swap3A_120, %swap3A_121, %swap3A_122], %swap3A_125 {strides = array<i32>} : memref<1x256x16x512xf32, #tpu.memory_space<vmem>>, vector<1x128x1x512xf32>,
    %sub3A_126 = arith.subf %transpose3A_118, %get3A_4 : vector<128x512xf32>
    %swap3A_127 = arith.constant 0 : index
    %swap3A_128 = arith.constant 128 : index
    %swap3A_129 = arith.constant 5 : index
    %swap3A_130 = arith.constant 0 : index
    %swap3A_131 = vector.load %arg4[%swap3A_127, %swap3A_128, %swap3A_129, %swap3A_130] : memref<1x256x16x512xf32, #tpu.memory_space<vmem>>, vector<1x128x1x512xf32>
    %swap3A_132 = vector.shape_cast %swap3A_131 : vector<1x128x1x512xf32> to vector<128x512xf32>
    %swap3A_133 = vector.shape_cast %sub3A_126 : vector<128x512xf32> to vector<1x128x1x512xf32>
    tpu.vector_store %arg4[%swap3A_127, %swap3A_128, %swap3A_129, %swap3A_130], %swap3A_133 {strides = array<i32>} : memref<1x256x16x512xf32, #tpu.memory_space<vmem>>, vector<1x128x1x512xf32>,
    %get3A_134 = arith.constant 0 : index
    %get3A_135 = arith.constant 6 : index
    %get3A_136 = arith.constant 0 : index
    %get3A_137 = arith.constant 0 : index
    %get3A_138 = vector.load %arg2[%get3A_134, %get3A_135, %get3A_136, %get3A_137] : memref<1x16x512x128xf32, #tpu.memory_space<vmem>>, vector<1x1x512x128xf32>
    %get3A_139 = vector.shape_cast %get3A_138 : vector<1x1x512x128xf32> to vector<512x128xf32>
    %transpose3A_140 = tpu.transpose %get3A_139, [1, 0] : vector<512x128xf32> -> vector<128x512xf32>
    %swap3A_141 = arith.constant 0 : index
    %swap3A_142 = arith.constant 0 : index
    %swap3A_143 = arith.constant 6 : index
    %swap3A_144 = arith.constant 0 : index
    %swap3A_145 = vector.load %arg4[%swap3A_141, %swap3A_142, %swap3A_143, %swap3A_144] : memref<1x256x16x512xf32, #tpu.memory_space<vmem>>, vector<1x128x1x512xf32>
    %swap3A_146 = vector.shape_cast %swap3A_145 : vector<1x128x1x512xf32> to vector<128x512xf32>
    %swap3A_147 = vector.shape_cast %get3A_4 : vector<128x512xf32> to vector<1x128x1x512xf32>
    tpu.vector_store %arg4[%swap3A_141, %swap3A_142, %swap3A_143, %swap3A_144], %swap3A_147 {strides = array<i32>} : memref<1x256x16x512xf32, #tpu.memory_space<vmem>>, vector<1x128x1x512xf32>,
    %sub3A_148 = arith.subf %transpose3A_140, %get3A_4 : vector<128x512xf32>
    %swap3A_149 = arith.constant 0 : index
    %swap3A_150 = arith.constant 128 : index
    %swap3A_151 = arith.constant 6 : index
    %swap3A_152 = arith.constant 0 : index
    %swap3A_153 = vector.load %arg4[%swap3A_149, %swap3A_150, %swap3A_151, %swap3A_152] : memref<1x256x16x512xf32, #tpu.memory_space<vmem>>, vector<1x128x1x512xf32>
    %swap3A_154 = vector.shape_cast %swap3A_153 : vector<1x128x1x512xf32> to vector<128x512xf32>
    %swap3A_155 = vector.shape_cast %sub3A_148 : vector<128x512xf32> to vector<1x128x1x512xf32>
    tpu.vector_store %arg4[%swap3A_149, %swap3A_150, %swap3A_151, %swap3A_152], %swap3A_155 {strides = array<i32>} : memref<1x256x16x512xf32, #tpu.memory_space<vmem>>, vector<1x128x1x512xf32>,
    %get3A_156 = arith.constant 0 : index
    %get3A_157 = arith.constant 7 : index
    %get3A_158 = arith.constant 0 : index
    %get3A_159 = arith.constant 0 : index
    %get3A_160 = vector.load %arg2[%get3A_156, %get3A_157, %get3A_158, %get3A_159] : memref<1x16x512x128xf32, #tpu.memory_space<vmem>>, vector<1x1x512x128xf32>
    %get3A_161 = vector.shape_cast %get3A_160 : vector<1x1x512x128xf32> to vector<512x128xf32>
    %transpose3A_162 = tpu.transpose %get3A_161, [1, 0] : vector<512x128xf32> -> vector<128x512xf32>
    %swap3A_163 = arith.constant 0 : index
    %swap3A_164 = arith.constant 0 : index
    %swap3A_165 = arith.constant 7 : index
    %swap3A_166 = arith.constant 0 : index
    %swap3A_167 = vector.load %arg4[%swap3A_163, %swap3A_164, %swap3A_165, %swap3A_166] : memref<1x256x16x512xf32, #tpu.memory_space<vmem>>, vector<1x128x1x512xf32>
    %swap3A_168 = vector.shape_cast %swap3A_167 : vector<1x128x1x512xf32> to vector<128x512xf32>
    %swap3A_169 = vector.shape_cast %get3A_4 : vector<128x512xf32> to vector<1x128x1x512xf32>
    tpu.vector_store %arg4[%swap3A_163, %swap3A_164, %swap3A_165, %swap3A_166], %swap3A_169 {strides = array<i32>} : memref<1x256x16x512xf32, #tpu.memory_space<vmem>>, vector<1x128x1x512xf32>,
    %sub3A_170 = arith.subf %transpose3A_162, %get3A_4 : vector<128x512xf32>
    %swap3A_171 = arith.constant 0 : index
    %swap3A_172 = arith.constant 128 : index
    %swap3A_173 = arith.constant 7 : index
    %swap3A_174 = arith.constant 0 : index
    %swap3A_175 = vector.load %arg4[%swap3A_171, %swap3A_172, %swap3A_173, %swap3A_174] : memref<1x256x16x512xf32, #tpu.memory_space<vmem>>, vector<1x128x1x512xf32>
    %swap3A_176 = vector.shape_cast %swap3A_175 : vector<1x128x1x512xf32> to vector<128x512xf32>
    %swap3A_177 = vector.shape_cast %sub3A_170 : vector<128x512xf32> to vector<1x128x1x512xf32>
    tpu.vector_store %arg4[%swap3A_171, %swap3A_172, %swap3A_173, %swap3A_174], %swap3A_177 {strides = array<i32>} : memref<1x256x16x512xf32, #tpu.memory_space<vmem>>, vector<1x128x1x512xf32>,
    %get3A_178 = arith.constant 0 : index
    %get3A_179 = arith.constant 8 : index
    %get3A_180 = arith.constant 0 : index
    %get3A_181 = arith.constant 0 : index
    %get3A_182 = vector.load %arg2[%get3A_178, %get3A_179, %get3A_180, %get3A_181] : memref<1x16x512x128xf32, #tpu.memory_space<vmem>>, vector<1x1x512x128xf32>
    %get3A_183 = vector.shape_cast %get3A_182 : vector<1x1x512x128xf32> to vector<512x128xf32>
    %transpose3A_184 = tpu.transpose %get3A_183, [1, 0] : vector<512x128xf32> -> vector<128x512xf32>
    %swap3A_185 = arith.constant 0 : index
    %swap3A_186 = arith.constant 0 : index
    %swap3A_187 = arith.constant 8 : index
    %swap3A_188 = arith.constant 0 : index
    %swap3A_189 = vector.load %arg4[%swap3A_185, %swap3A_186, %swap3A_187, %swap3A_188] : memref<1x256x16x512xf32, #tpu.memory_space<vmem>>, vector<1x128x1x512xf32>
    %swap3A_190 = vector.shape_cast %swap3A_189 : vector<1x128x1x512xf32> to vector<128x512xf32>
    %swap3A_191 = vector.shape_cast %get3A_4 : vector<128x512xf32> to vector<1x128x1x512xf32>
    tpu.vector_store %arg4[%swap3A_185, %swap3A_186, %swap3A_187, %swap3A_188], %swap3A_191 {strides = array<i32>} : memref<1x256x16x512xf32, #tpu.memory_space<vmem>>, vector<1x128x1x512xf32>,
    %sub3A_192 = arith.subf %transpose3A_184, %get3A_4 : vector<128x512xf32>
    %swap3A_193 = arith.constant 0 : index
    %swap3A_194 = arith.constant 128 : index
    %swap3A_195 = arith.constant 8 : index
    %swap3A_196 = arith.constant 0 : index
    %swap3A_197 = vector.load %arg4[%swap3A_193, %swap3A_194, %swap3A_195, %swap3A_196] : memref<1x256x16x512xf32, #tpu.memory_space<vmem>>, vector<1x128x1x512xf32>
    %swap3A_198 = vector.shape_cast %swap3A_197 : vector<1x128x1x512xf32> to vector<128x512xf32>
    %swap3A_199 = vector.shape_cast %sub3A_192 : vector<128x512xf32> to vector<1x128x1x512xf32>
    tpu.vector_store %arg4[%swap3A_193, %swap3A_194, %swap3A_195, %swap3A_196], %swap3A_199 {strides = array<i32>} : memref<1x256x16x512xf32, #tpu.memory_space<vmem>>, vector<1x128x1x512xf32>,
    %get3A_200 = arith.constant 0 : index
    %get3A_201 = arith.constant 9 : index
    %get3A_202 = arith.constant 0 : index
    %get3A_203 = arith.constant 0 : index
    %get3A_204 = vector.load %arg2[%get3A_200, %get3A_201, %get3A_202, %get3A_203] : memref<1x16x512x128xf32, #tpu.memory_space<vmem>>, vector<1x1x512x128xf32>
    %get3A_205 = vector.shape_cast %get3A_204 : vector<1x1x512x128xf32> to vector<512x128xf32>
    %transpose3A_206 = tpu.transpose %get3A_205, [1, 0] : vector<512x128xf32> -> vector<128x512xf32>
    %swap3A_207 = arith.constant 0 : index
    %swap3A_208 = arith.constant 0 : index
    %swap3A_209 = arith.constant 9 : index
    %swap3A_210 = arith.constant 0 : index
    %swap3A_211 = vector.load %arg4[%swap3A_207, %swap3A_208, %swap3A_209, %swap3A_210] : memref<1x256x16x512xf32, #tpu.memory_space<vmem>>, vector<1x128x1x512xf32>
    %swap3A_212 = vector.shape_cast %swap3A_211 : vector<1x128x1x512xf32> to vector<128x512xf32>
    %swap3A_213 = vector.shape_cast %get3A_4 : vector<128x512xf32> to vector<1x128x1x512xf32>
    tpu.vector_store %arg4[%swap3A_207, %swap3A_208, %swap3A_209, %swap3A_210], %swap3A_213 {strides = array<i32>} : memref<1x256x16x512xf32, #tpu.memory_space<vmem>>, vector<1x128x1x512xf32>,
    %sub3A_214 = arith.subf %transpose3A_206, %get3A_4 : vector<128x512xf32>
    %swap3A_215 = arith.constant 0 : index
    %swap3A_216 = arith.constant 128 : index
    %swap3A_217 = arith.constant 9 : index
    %swap3A_218 = arith.constant 0 : index
    %swap3A_219 = vector.load %arg4[%swap3A_215, %swap3A_216, %swap3A_217, %swap3A_218] : memref<1x256x16x512xf32, #tpu.memory_space<vmem>>, vector<1x128x1x512xf32>
    %swap3A_220 = vector.shape_cast %swap3A_219 : vector<1x128x1x512xf32> to vector<128x512xf32>
    %swap3A_221 = vector.shape_cast %sub3A_214 : vector<128x512xf32> to vector<1x128x1x512xf32>
    tpu.vector_store %arg4[%swap3A_215, %swap3A_216, %swap3A_217, %swap3A_218], %swap3A_221 {strides = array<i32>} : memref<1x256x16x512xf32, #tpu.memory_space<vmem>>, vector<1x128x1x512xf32>,
    %get3A_222 = arith.constant 0 : index
    %get3A_223 = arith.constant 10 : index
    %get3A_224 = arith.constant 0 : index
    %get3A_225 = arith.constant 0 : index
    %get3A_226 = vector.load %arg2[%get3A_222, %get3A_223, %get3A_224, %get3A_225] : memref<1x16x512x128xf32, #tpu.memory_space<vmem>>, vector<1x1x512x128xf32>
    %get3A_227 = vector.shape_cast %get3A_226 : vector<1x1x512x128xf32> to vector<512x128xf32>
    %transpose3A_228 = tpu.transpose %get3A_227, [1, 0] : vector<512x128xf32> -> vector<128x512xf32>
    %swap3A_229 = arith.constant 0 : index
    %swap3A_230 = arith.constant 0 : index
    %swap3A_231 = arith.constant 10 : index
    %swap3A_232 = arith.constant 0 : index
    %swap3A_233 = vector.load %arg4[%swap3A_229, %swap3A_230, %swap3A_231, %swap3A_232] : memref<1x256x16x512xf32, #tpu.memory_space<vmem>>, vector<1x128x1x512xf32>
    %swap3A_234 = vector.shape_cast %swap3A_233 : vector<1x128x1x512xf32> to vector<128x512xf32>
    %swap3A_235 = vector.shape_cast %get3A_4 : vector<128x512xf32> to vector<1x128x1x512xf32>
    tpu.vector_store %arg4[%swap3A_229, %swap3A_230, %swap3A_231, %swap3A_232], %swap3A_235 {strides = array<i32>} : memref<1x256x16x512xf32, #tpu.memory_space<vmem>>, vector<1x128x1x512xf32>,
    %sub3A_236 = arith.subf %transpose3A_228, %get3A_4 : vector<128x512xf32>
    %swap3A_237 = arith.constant 0 : index
    %swap3A_238 = arith.constant 128 : index
    %swap3A_239 = arith.constant 10 : index
    %swap3A_240 = arith.constant 0 : index
    %swap3A_241 = vector.load %arg4[%swap3A_237, %swap3A_238, %swap3A_239, %swap3A_240] : memref<1x256x16x512xf32, #tpu.memory_space<vmem>>, vector<1x128x1x512xf32>
    %swap3A_242 = vector.shape_cast %swap3A_241 : vector<1x128x1x512xf32> to vector<128x512xf32>
    %swap3A_243 = vector.shape_cast %sub3A_236 : vector<128x512xf32> to vector<1x128x1x512xf32>
    tpu.vector_store %arg4[%swap3A_237, %swap3A_238, %swap3A_239, %swap3A_240], %swap3A_243 {strides = array<i32>} : memref<1x256x16x512xf32, #tpu.memory_space<vmem>>, vector<1x128x1x512xf32>,
    %get3A_244 = arith.constant 0 : index
    %get3A_245 = arith.constant 11 : index
    %get3A_246 = arith.constant 0 : index
    %get3A_247 = arith.constant 0 : index
    %get3A_248 = vector.load %arg2[%get3A_244, %get3A_245, %get3A_246, %get3A_247] : memref<1x16x512x128xf32, #tpu.memory_space<vmem>>, vector<1x1x512x128xf32>
    %get3A_249 = vector.shape_cast %get3A_248 : vector<1x1x512x128xf32> to vector<512x128xf32>
    %transpose3A_250 = tpu.transpose %get3A_249, [1, 0] : vector<512x128xf32> -> vector<128x512xf32>
    %swap3A_251 = arith.constant 0 : index
    %swap3A_252 = arith.constant 0 : index
    %swap3A_253 = arith.constant 11 : index
    %swap3A_254 = arith.constant 0 : index
    %swap3A_255 = vector.load %arg4[%swap3A_251, %swap3A_252, %swap3A_253, %swap3A_254] : memref<1x256x16x512xf32, #tpu.memory_space<vmem>>, vector<1x128x1x512xf32>
    %swap3A_256 = vector.shape_cast %swap3A_255 : vector<1x128x1x512xf32> to vector<128x512xf32>
    %swap3A_257 = vector.shape_cast %get3A_4 : vector<128x512xf32> to vector<1x128x1x512xf32>
    tpu.vector_store %arg4[%swap3A_251, %swap3A_252, %swap3A_253, %swap3A_254], %swap3A_257 {strides = array<i32>} : memref<1x256x16x512xf32, #tpu.memory_space<vmem>>, vector<1x128x1x512xf32>,
    %sub3A_258 = arith.subf %transpose3A_250, %get3A_4 : vector<128x512xf32>
    %swap3A_259 = arith.constant 0 : index
    %swap3A_260 = arith.constant 128 : index
    %swap3A_261 = arith.constant 11 : index
    %swap3A_262 = arith.constant 0 : index
    %swap3A_263 = vector.load %arg4[%swap3A_259, %swap3A_260, %swap3A_261, %swap3A_262] : memref<1x256x16x512xf32, #tpu.memory_space<vmem>>, vector<1x128x1x512xf32>
    %swap3A_264 = vector.shape_cast %swap3A_263 : vector<1x128x1x512xf32> to vector<128x512xf32>
    %swap3A_265 = vector.shape_cast %sub3A_258 : vector<128x512xf32> to vector<1x128x1x512xf32>
    tpu.vector_store %arg4[%swap3A_259, %swap3A_260, %swap3A_261, %swap3A_262], %swap3A_265 {strides = array<i32>} : memref<1x256x16x512xf32, #tpu.memory_space<vmem>>, vector<1x128x1x512xf32>,
    %get3A_266 = arith.constant 0 : index
    %get3A_267 = arith.constant 12 : index
    %get3A_268 = arith.constant 0 : index
    %get3A_269 = arith.constant 0 : index
    %get3A_270 = vector.load %arg2[%get3A_266, %get3A_267, %get3A_268, %get3A_269] : memref<1x16x512x128xf32, #tpu.memory_space<vmem>>, vector<1x1x512x128xf32>
    %get3A_271 = vector.shape_cast %get3A_270 : vector<1x1x512x128xf32> to vector<512x128xf32>
    %transpose3A_272 = tpu.transpose %get3A_271, [1, 0] : vector<512x128xf32> -> vector<128x512xf32>
    %swap3A_273 = arith.constant 0 : index
    %swap3A_274 = arith.constant 0 : index
    %swap3A_275 = arith.constant 12 : index
    %swap3A_276 = arith.constant 0 : index
    %swap3A_277 = vector.load %arg4[%swap3A_273, %swap3A_274, %swap3A_275, %swap3A_276] : memref<1x256x16x512xf32, #tpu.memory_space<vmem>>, vector<1x128x1x512xf32>
    %swap3A_278 = vector.shape_cast %swap3A_277 : vector<1x128x1x512xf32> to vector<128x512xf32>
    %swap3A_279 = vector.shape_cast %get3A_4 : vector<128x512xf32> to vector<1x128x1x512xf32>
    tpu.vector_store %arg4[%swap3A_273, %swap3A_274, %swap3A_275, %swap3A_276], %swap3A_279 {strides = array<i32>} : memref<1x256x16x512xf32, #tpu.memory_space<vmem>>, vector<1x128x1x512xf32>,
    %sub3A_280 = arith.subf %transpose3A_272, %get3A_4 : vector<128x512xf32>
    %swap3A_281 = arith.constant 0 : index
    %swap3A_282 = arith.constant 128 : index
    %swap3A_283 = arith.constant 12 : index
    %swap3A_284 = arith.constant 0 : index
    %swap3A_285 = vector.load %arg4[%swap3A_281, %swap3A_282, %swap3A_283, %swap3A_284] : memref<1x256x16x512xf32, #tpu.memory_space<vmem>>, vector<1x128x1x512xf32>
    %swap3A_286 = vector.shape_cast %swap3A_285 : vector<1x128x1x512xf32> to vector<128x512xf32>
    %swap3A_287 = vector.shape_cast %sub3A_280 : vector<128x512xf32> to vector<1x128x1x512xf32>
    tpu.vector_store %arg4[%swap3A_281, %swap3A_282, %swap3A_283, %swap3A_284], %swap3A_287 {strides = array<i32>} : memref<1x256x16x512xf32, #tpu.memory_space<vmem>>, vector<1x128x1x512xf32>,
    %get3A_288 = arith.constant 0 : index
    %get3A_289 = arith.constant 13 : index
    %get3A_290 = arith.constant 0 : index
    %get3A_291 = arith.constant 0 : index
    %get3A_292 = vector.load %arg2[%get3A_288, %get3A_289, %get3A_290, %get3A_291] : memref<1x16x512x128xf32, #tpu.memory_space<vmem>>, vector<1x1x512x128xf32>
    %get3A_293 = vector.shape_cast %get3A_292 : vector<1x1x512x128xf32> to vector<512x128xf32>
    %transpose3A_294 = tpu.transpose %get3A_293, [1, 0] : vector<512x128xf32> -> vector<128x512xf32>
    %swap3A_295 = arith.constant 0 : index
    %swap3A_296 = arith.constant 0 : index
    %swap3A_297 = arith.constant 13 : index
    %swap3A_298 = arith.constant 0 : index
    %swap3A_299 = vector.load %arg4[%swap3A_295, %swap3A_296, %swap3A_297, %swap3A_298] : memref<1x256x16x512xf32, #tpu.memory_space<vmem>>, vector<1x128x1x512xf32>
    %swap3A_300 = vector.shape_cast %swap3A_299 : vector<1x128x1x512xf32> to vector<128x512xf32>
    %swap3A_301 = vector.shape_cast %get3A_4 : vector<128x512xf32> to vector<1x128x1x512xf32>
    tpu.vector_store %arg4[%swap3A_295, %swap3A_296, %swap3A_297, %swap3A_298], %swap3A_301 {strides = array<i32>} : memref<1x256x16x512xf32, #tpu.memory_space<vmem>>, vector<1x128x1x512xf32>,
    %sub3A_302 = arith.subf %transpose3A_294, %get3A_4 : vector<128x512xf32>
    %swap3A_303 = arith.constant 0 : index
    %swap3A_304 = arith.constant 128 : index
    %swap3A_305 = arith.constant 13 : index
    %swap3A_306 = arith.constant 0 : index
    %swap3A_307 = vector.load %arg4[%swap3A_303, %swap3A_304, %swap3A_305, %swap3A_306] : memref<1x256x16x512xf32, #tpu.memory_space<vmem>>, vector<1x128x1x512xf32>
    %swap3A_308 = vector.shape_cast %swap3A_307 : vector<1x128x1x512xf32> to vector<128x512xf32>
    %swap3A_309 = vector.shape_cast %sub3A_302 : vector<128x512xf32> to vector<1x128x1x512xf32>
    tpu.vector_store %arg4[%swap3A_303, %swap3A_304, %swap3A_305, %swap3A_306], %swap3A_309 {strides = array<i32>} : memref<1x256x16x512xf32, #tpu.memory_space<vmem>>, vector<1x128x1x512xf32>,
    %get3A_310 = arith.constant 0 : index
    %get3A_311 = arith.constant 14 : index
    %get3A_312 = arith.constant 0 : index
    %get3A_313 = arith.constant 0 : index
    %get3A_314 = vector.load %arg2[%get3A_310, %get3A_311, %get3A_312, %get3A_313] : memref<1x16x512x128xf32, #tpu.memory_space<vmem>>, vector<1x1x512x128xf32>
    %get3A_315 = vector.shape_cast %get3A_314 : vector<1x1x512x128xf32> to vector<512x128xf32>
    %transpose3A_316 = tpu.transpose %get3A_315, [1, 0] : vector<512x128xf32> -> vector<128x512xf32>
    %swap3A_317 = arith.constant 0 : index
    %swap3A_318 = arith.constant 0 : index
    %swap3A_319 = arith.constant 14 : index
    %swap3A_320 = arith.constant 0 : index
    %swap3A_321 = vector.load %arg4[%swap3A_317, %swap3A_318, %swap3A_319, %swap3A_320] : memref<1x256x16x512xf32, #tpu.memory_space<vmem>>, vector<1x128x1x512xf32>
    %swap3A_322 = vector.shape_cast %swap3A_321 : vector<1x128x1x512xf32> to vector<128x512xf32>
    %swap3A_323 = vector.shape_cast %get3A_4 : vector<128x512xf32> to vector<1x128x1x512xf32>
    tpu.vector_store %arg4[%swap3A_317, %swap3A_318, %swap3A_319, %swap3A_320], %swap3A_323 {strides = array<i32>} : memref<1x256x16x512xf32, #tpu.memory_space<vmem>>, vector<1x128x1x512xf32>,
    %sub3A_324 = arith.subf %transpose3A_316, %get3A_4 : vector<128x512xf32>
    %swap3A_325 = arith.constant 0 : index
    %swap3A_326 = arith.constant 128 : index
    %swap3A_327 = arith.constant 14 : index
    %swap3A_328 = arith.constant 0 : index
    %swap3A_329 = vector.load %arg4[%swap3A_325, %swap3A_326, %swap3A_327, %swap3A_328] : memref<1x256x16x512xf32, #tpu.memory_space<vmem>>, vector<1x128x1x512xf32>
    %swap3A_330 = vector.shape_cast %swap3A_329 : vector<1x128x1x512xf32> to vector<128x512xf32>
    %swap3A_331 = vector.shape_cast %sub3A_324 : vector<128x512xf32> to vector<1x128x1x512xf32>
    tpu.vector_store %arg4[%swap3A_325, %swap3A_326, %swap3A_327, %swap3A_328], %swap3A_331 {strides = array<i32>} : memref<1x256x16x512xf32, #tpu.memory_space<vmem>>, vector<1x128x1x512xf32>,
    %get3A_332 = arith.constant 0 : index
    %get3A_333 = arith.constant 15 : index
    %get3A_334 = arith.constant 0 : index
    %get3A_335 = arith.constant 0 : index
    %get3A_336 = vector.load %arg2[%get3A_332, %get3A_333, %get3A_334, %get3A_335] : memref<1x16x512x128xf32, #tpu.memory_space<vmem>>, vector<1x1x512x128xf32>
    %get3A_337 = vector.shape_cast %get3A_336 : vector<1x1x512x128xf32> to vector<512x128xf32>
    %transpose3A_338 = tpu.transpose %get3A_337, [1, 0] : vector<512x128xf32> -> vector<128x512xf32>
    %swap3A_339 = arith.constant 0 : index
    %swap3A_340 = arith.constant 0 : index
    %swap3A_341 = arith.constant 15 : index
    %swap3A_342 = arith.constant 0 : index
    %swap3A_343 = vector.load %arg4[%swap3A_339, %swap3A_340, %swap3A_341, %swap3A_342] : memref<1x256x16x512xf32, #tpu.memory_space<vmem>>, vector<1x128x1x512xf32>
    %swap3A_344 = vector.shape_cast %swap3A_343 : vector<1x128x1x512xf32> to vector<128x512xf32>
    %swap3A_345 = vector.shape_cast %get3A_4 : vector<128x512xf32> to vector<1x128x1x512xf32>
    tpu.vector_store %arg4[%swap3A_339, %swap3A_340, %swap3A_341, %swap3A_342], %swap3A_345 {strides = array<i32>} : memref<1x256x16x512xf32, #tpu.memory_space<vmem>>, vector<1x128x1x512xf32>,
    %sub3A_346 = arith.subf %transpose3A_338, %get3A_4 : vector<128x512xf32>
    %swap3A_347 = arith.constant 0 : index
    %swap3A_348 = arith.constant 128 : index
    %swap3A_349 = arith.constant 15 : index
    %swap3A_350 = arith.constant 0 : index
    %swap3A_351 = vector.load %arg4[%swap3A_347, %swap3A_348, %swap3A_349, %swap3A_350] : memref<1x256x16x512xf32, #tpu.memory_space<vmem>>, vector<1x128x1x512xf32>
    %swap3A_352 = vector.shape_cast %swap3A_351 : vector<1x128x1x512xf32> to vector<128x512xf32>
    %swap3A_353 = vector.shape_cast %sub3A_346 : vector<128x512xf32> to vector<1x128x1x512xf32>
    tpu.vector_store %arg4[%swap3A_347, %swap3A_348, %swap3A_349, %swap3A_350], %swap3A_353 {strides = array<i32>} : memref<1x256x16x512xf32, #tpu.memory_space<vmem>>, vector<1x128x1x512xf32>,
    return
  }
  func.func @transform_0(%arg0: i32, %arg1: i32) -> (i32, i32, i32, i32) {
    %c0_i32 = arith.constant 0 : i32
    %c0_i32_0 = arith.constant 0 : i32
    %c0_i32_1 = arith.constant 0 : i32
    return %arg0, %c0_i32, %arg1, %c0_i32_0 : i32, i32, i32, i32
  }
  func.func @transform_1(%arg0: i32, %arg1: i32) -> (i32, i32, i32) {
    %add3A = arith.constant 0 : i32
    %add3A_0 = arith.addi %arg0, %add3A : i32
    %c0_i32 = arith.constant 0 : i32
    %c0_i32_1 = arith.constant 0 : i32
    %c0_i32_2 = arith.constant 0 : i32
    return %add3A_0, %c0_i32, %c0_i32_1 : i32, i32, i32
  }
  func.func @transform_2(%arg0: i32, %arg1: i32) -> (i32, i32, i32, i32) {
    %add3A = arith.constant 0 : i32
    %add3A_0 = arith.addi %arg0, %add3A : i32
    %c0_i32 = arith.constant 0 : i32
    %c0_i32_1 = arith.constant 0 : i32
    %c0_i32_2 = arith.constant 0 : i32
    return %add3A_0, %c0_i32, %c0_i32_1, %arg1 : i32, i32, i32, i32
  }
}

module attributes {stable_mosaic.version = 14 : i64} {
  func.func @_finalize_alias_kernel(%arg0: i32, %arg1: i32, %arg2: memref<1x16x512x128xf32, #tpu.memory_space<vmem>>, %arg3: memref<1x128x2048xf32, #tpu.memory_space<vmem>>, %arg4: memref<8x256x16x2048xf32, #tpu.memory_space<any>>, %arg5: memref<1x256x16x512xf32, #tpu.memory_space<vmem>>) attributes {dimension_semantics = [#tpu.dimension_semantics<parallel>, #tpu.dimension_semantics<parallel>], iteration_bounds = array<i64: 2, 4>, scalar_prefetch = 0 : i64, scratch_operands = 0 : i64, tpu.core_type = #tpu.core_type<tc>, window_params = [{transform_indices = @transform_0, window_bounds = array<i64: 1, 16, 512, 128>}, {transform_indices = @transform_1, window_bounds = array<i64: 1, 128, 2048>}, {}, {transform_indices = @transform_3, window_bounds = array<i64: 1, 256, 16, 512>}]} {
    %mul3A = arith.constant 512 : i32
    %mul3A_0 = arith.muli %arg1, %mul3A : i32
    %get3A = arith.constant 0 : index
    %get3A_1 = arith.constant 0 : index
    %get3A_2 = arith.index_cast %mul3A_0 : i32 to index
    %get3A_3 = vector.load %arg3[%get3A, %get3A_1, %get3A_2] : memref<1x128x2048xf32, #tpu.memory_space<vmem>>, vector<1x128x512xf32>
    %get3A_4 = vector.shape_cast %get3A_3 : vector<1x128x512xf32> to vector<128x512xf32>
    %get3A_5 = arith.constant 0 : index
    %get3A_6 = arith.constant 0 : index
    %get3A_7 = arith.constant 0 : index
    %get3A_8 = arith.constant 0 : index
    %get3A_9 = vector.load %arg2[%get3A_5, %get3A_6, %get3A_7, %get3A_8] : memref<1x16x512x128xf32, #tpu.memory_space<vmem>>, vector<1x1x512x128xf32>
    %get3A_10 = vector.shape_cast %get3A_9 : vector<1x1x512x128xf32> to vector<512x128xf32>
    %transpose3A = tpu.transpose %get3A_10, [1, 0] : vector<512x128xf32> -> vector<128x512xf32>
    %swap3A = arith.constant 0 : index
    %swap3A_11 = arith.constant 0 : index
    %swap3A_12 = arith.constant 0 : index
    %swap3A_13 = arith.constant 0 : index
    %swap3A_14 = vector.load %arg5[%swap3A, %swap3A_11, %swap3A_12, %swap3A_13] : memref<1x256x16x512xf32, #tpu.memory_space<vmem>>, vector<1x128x1x512xf32>
    %swap3A_15 = vector.shape_cast %swap3A_14 : vector<1x128x1x512xf32> to vector<128x512xf32>
    %swap3A_16 = vector.shape_cast %get3A_4 : vector<128x512xf32> to vector<1x128x1x512xf32>
    tpu.vector_store %arg5[%swap3A, %swap3A_11, %swap3A_12, %swap3A_13], %swap3A_16 {strides = array<i32>} : memref<1x256x16x512xf32, #tpu.memory_space<vmem>>, vector<1x128x1x512xf32>,
    %sub3A = arith.subf %transpose3A, %get3A_4 : vector<128x512xf32>
    %swap3A_17 = arith.constant 0 : index
    %swap3A_18 = arith.constant 128 : index
    %swap3A_19 = arith.constant 0 : index
    %swap3A_20 = arith.constant 0 : index
    %swap3A_21 = vector.load %arg5[%swap3A_17, %swap3A_18, %swap3A_19, %swap3A_20] : memref<1x256x16x512xf32, #tpu.memory_space<vmem>>, vector<1x128x1x512xf32>
    %swap3A_22 = vector.shape_cast %swap3A_21 : vector<1x128x1x512xf32> to vector<128x512xf32>
    %swap3A_23 = vector.shape_cast %sub3A : vector<128x512xf32> to vector<1x128x1x512xf32>
    tpu.vector_store %arg5[%swap3A_17, %swap3A_18, %swap3A_19, %swap3A_20], %swap3A_23 {strides = array<i32>} : memref<1x256x16x512xf32, #tpu.memory_space<vmem>>, vector<1x128x1x512xf32>,
    %get3A_24 = arith.constant 0 : index
    %get3A_25 = arith.constant 1 : index
    %get3A_26 = arith.constant 0 : index
    %get3A_27 = arith.constant 0 : index
    %get3A_28 = vector.load %arg2[%get3A_24, %get3A_25, %get3A_26, %get3A_27] : memref<1x16x512x128xf32, #tpu.memory_space<vmem>>, vector<1x1x512x128xf32>
    %get3A_29 = vector.shape_cast %get3A_28 : vector<1x1x512x128xf32> to vector<512x128xf32>
    %transpose3A_30 = tpu.transpose %get3A_29, [1, 0] : vector<512x128xf32> -> vector<128x512xf32>
    %swap3A_31 = arith.constant 0 : index
    %swap3A_32 = arith.constant 0 : index
    %swap3A_33 = arith.constant 1 : index
    %swap3A_34 = arith.constant 0 : index
    %swap3A_35 = vector.load %arg5[%swap3A_31, %swap3A_32, %swap3A_33, %swap3A_34] : memref<1x256x16x512xf32, #tpu.memory_space<vmem>>, vector<1x128x1x512xf32>
    %swap3A_36 = vector.shape_cast %swap3A_35 : vector<1x128x1x512xf32> to vector<128x512xf32>
    %swap3A_37 = vector.shape_cast %get3A_4 : vector<128x512xf32> to vector<1x128x1x512xf32>
    tpu.vector_store %arg5[%swap3A_31, %swap3A_32, %swap3A_33, %swap3A_34], %swap3A_37 {strides = array<i32>} : memref<1x256x16x512xf32, #tpu.memory_space<vmem>>, vector<1x128x1x512xf32>,
    %sub3A_38 = arith.subf %transpose3A_30, %get3A_4 : vector<128x512xf32>
    %swap3A_39 = arith.constant 0 : index
    %swap3A_40 = arith.constant 128 : index
    %swap3A_41 = arith.constant 1 : index
    %swap3A_42 = arith.constant 0 : index
    %swap3A_43 = vector.load %arg5[%swap3A_39, %swap3A_40, %swap3A_41, %swap3A_42] : memref<1x256x16x512xf32, #tpu.memory_space<vmem>>, vector<1x128x1x512xf32>
    %swap3A_44 = vector.shape_cast %swap3A_43 : vector<1x128x1x512xf32> to vector<128x512xf32>
    %swap3A_45 = vector.shape_cast %sub3A_38 : vector<128x512xf32> to vector<1x128x1x512xf32>
    tpu.vector_store %arg5[%swap3A_39, %swap3A_40, %swap3A_41, %swap3A_42], %swap3A_45 {strides = array<i32>} : memref<1x256x16x512xf32, #tpu.memory_space<vmem>>, vector<1x128x1x512xf32>,
    %get3A_46 = arith.constant 0 : index
    %get3A_47 = arith.constant 2 : index
    %get3A_48 = arith.constant 0 : index
    %get3A_49 = arith.constant 0 : index
    %get3A_50 = vector.load %arg2[%get3A_46, %get3A_47, %get3A_48, %get3A_49] : memref<1x16x512x128xf32, #tpu.memory_space<vmem>>, vector<1x1x512x128xf32>
    %get3A_51 = vector.shape_cast %get3A_50 : vector<1x1x512x128xf32> to vector<512x128xf32>
    %transpose3A_52 = tpu.transpose %get3A_51, [1, 0] : vector<512x128xf32> -> vector<128x512xf32>
    %swap3A_53 = arith.constant 0 : index
    %swap3A_54 = arith.constant 0 : index
    %swap3A_55 = arith.constant 2 : index
    %swap3A_56 = arith.constant 0 : index
    %swap3A_57 = vector.load %arg5[%swap3A_53, %swap3A_54, %swap3A_55, %swap3A_56] : memref<1x256x16x512xf32, #tpu.memory_space<vmem>>, vector<1x128x1x512xf32>
    %swap3A_58 = vector.shape_cast %swap3A_57 : vector<1x128x1x512xf32> to vector<128x512xf32>
    %swap3A_59 = vector.shape_cast %get3A_4 : vector<128x512xf32> to vector<1x128x1x512xf32>
    tpu.vector_store %arg5[%swap3A_53, %swap3A_54, %swap3A_55, %swap3A_56], %swap3A_59 {strides = array<i32>} : memref<1x256x16x512xf32, #tpu.memory_space<vmem>>, vector<1x128x1x512xf32>,
    %sub3A_60 = arith.subf %transpose3A_52, %get3A_4 : vector<128x512xf32>
    %swap3A_61 = arith.constant 0 : index
    %swap3A_62 = arith.constant 128 : index
    %swap3A_63 = arith.constant 2 : index
    %swap3A_64 = arith.constant 0 : index
    %swap3A_65 = vector.load %arg5[%swap3A_61, %swap3A_62, %swap3A_63, %swap3A_64] : memref<1x256x16x512xf32, #tpu.memory_space<vmem>>, vector<1x128x1x512xf32>
    %swap3A_66 = vector.shape_cast %swap3A_65 : vector<1x128x1x512xf32> to vector<128x512xf32>
    %swap3A_67 = vector.shape_cast %sub3A_60 : vector<128x512xf32> to vector<1x128x1x512xf32>
    tpu.vector_store %arg5[%swap3A_61, %swap3A_62, %swap3A_63, %swap3A_64], %swap3A_67 {strides = array<i32>} : memref<1x256x16x512xf32, #tpu.memory_space<vmem>>, vector<1x128x1x512xf32>,
    %get3A_68 = arith.constant 0 : index
    %get3A_69 = arith.constant 3 : index
    %get3A_70 = arith.constant 0 : index
    %get3A_71 = arith.constant 0 : index
    %get3A_72 = vector.load %arg2[%get3A_68, %get3A_69, %get3A_70, %get3A_71] : memref<1x16x512x128xf32, #tpu.memory_space<vmem>>, vector<1x1x512x128xf32>
    %get3A_73 = vector.shape_cast %get3A_72 : vector<1x1x512x128xf32> to vector<512x128xf32>
    %transpose3A_74 = tpu.transpose %get3A_73, [1, 0] : vector<512x128xf32> -> vector<128x512xf32>
    %swap3A_75 = arith.constant 0 : index
    %swap3A_76 = arith.constant 0 : index
    %swap3A_77 = arith.constant 3 : index
    %swap3A_78 = arith.constant 0 : index
    %swap3A_79 = vector.load %arg5[%swap3A_75, %swap3A_76, %swap3A_77, %swap3A_78] : memref<1x256x16x512xf32, #tpu.memory_space<vmem>>, vector<1x128x1x512xf32>
    %swap3A_80 = vector.shape_cast %swap3A_79 : vector<1x128x1x512xf32> to vector<128x512xf32>
    %swap3A_81 = vector.shape_cast %get3A_4 : vector<128x512xf32> to vector<1x128x1x512xf32>
    tpu.vector_store %arg5[%swap3A_75, %swap3A_76, %swap3A_77, %swap3A_78], %swap3A_81 {strides = array<i32>} : memref<1x256x16x512xf32, #tpu.memory_space<vmem>>, vector<1x128x1x512xf32>,
    %sub3A_82 = arith.subf %transpose3A_74, %get3A_4 : vector<128x512xf32>
    %swap3A_83 = arith.constant 0 : index
    %swap3A_84 = arith.constant 128 : index
    %swap3A_85 = arith.constant 3 : index
    %swap3A_86 = arith.constant 0 : index
    %swap3A_87 = vector.load %arg5[%swap3A_83, %swap3A_84, %swap3A_85, %swap3A_86] : memref<1x256x16x512xf32, #tpu.memory_space<vmem>>, vector<1x128x1x512xf32>
    %swap3A_88 = vector.shape_cast %swap3A_87 : vector<1x128x1x512xf32> to vector<128x512xf32>
    %swap3A_89 = vector.shape_cast %sub3A_82 : vector<128x512xf32> to vector<1x128x1x512xf32>
    tpu.vector_store %arg5[%swap3A_83, %swap3A_84, %swap3A_85, %swap3A_86], %swap3A_89 {strides = array<i32>} : memref<1x256x16x512xf32, #tpu.memory_space<vmem>>, vector<1x128x1x512xf32>,
    %get3A_90 = arith.constant 0 : index
    %get3A_91 = arith.constant 4 : index
    %get3A_92 = arith.constant 0 : index
    %get3A_93 = arith.constant 0 : index
    %get3A_94 = vector.load %arg2[%get3A_90, %get3A_91, %get3A_92, %get3A_93] : memref<1x16x512x128xf32, #tpu.memory_space<vmem>>, vector<1x1x512x128xf32>
    %get3A_95 = vector.shape_cast %get3A_94 : vector<1x1x512x128xf32> to vector<512x128xf32>
    %transpose3A_96 = tpu.transpose %get3A_95, [1, 0] : vector<512x128xf32> -> vector<128x512xf32>
    %swap3A_97 = arith.constant 0 : index
    %swap3A_98 = arith.constant 0 : index
    %swap3A_99 = arith.constant 4 : index
    %swap3A_100 = arith.constant 0 : index
    %swap3A_101 = vector.load %arg5[%swap3A_97, %swap3A_98, %swap3A_99, %swap3A_100] : memref<1x256x16x512xf32, #tpu.memory_space<vmem>>, vector<1x128x1x512xf32>
    %swap3A_102 = vector.shape_cast %swap3A_101 : vector<1x128x1x512xf32> to vector<128x512xf32>
    %swap3A_103 = vector.shape_cast %get3A_4 : vector<128x512xf32> to vector<1x128x1x512xf32>
    tpu.vector_store %arg5[%swap3A_97, %swap3A_98, %swap3A_99, %swap3A_100], %swap3A_103 {strides = array<i32>} : memref<1x256x16x512xf32, #tpu.memory_space<vmem>>, vector<1x128x1x512xf32>,
    %sub3A_104 = arith.subf %transpose3A_96, %get3A_4 : vector<128x512xf32>
    %swap3A_105 = arith.constant 0 : index
    %swap3A_106 = arith.constant 128 : index
    %swap3A_107 = arith.constant 4 : index
    %swap3A_108 = arith.constant 0 : index
    %swap3A_109 = vector.load %arg5[%swap3A_105, %swap3A_106, %swap3A_107, %swap3A_108] : memref<1x256x16x512xf32, #tpu.memory_space<vmem>>, vector<1x128x1x512xf32>
    %swap3A_110 = vector.shape_cast %swap3A_109 : vector<1x128x1x512xf32> to vector<128x512xf32>
    %swap3A_111 = vector.shape_cast %sub3A_104 : vector<128x512xf32> to vector<1x128x1x512xf32>
    tpu.vector_store %arg5[%swap3A_105, %swap3A_106, %swap3A_107, %swap3A_108], %swap3A_111 {strides = array<i32>} : memref<1x256x16x512xf32, #tpu.memory_space<vmem>>, vector<1x128x1x512xf32>,
    %get3A_112 = arith.constant 0 : index
    %get3A_113 = arith.constant 5 : index
    %get3A_114 = arith.constant 0 : index
    %get3A_115 = arith.constant 0 : index
    %get3A_116 = vector.load %arg2[%get3A_112, %get3A_113, %get3A_114, %get3A_115] : memref<1x16x512x128xf32, #tpu.memory_space<vmem>>, vector<1x1x512x128xf32>
    %get3A_117 = vector.shape_cast %get3A_116 : vector<1x1x512x128xf32> to vector<512x128xf32>
    %transpose3A_118 = tpu.transpose %get3A_117, [1, 0] : vector<512x128xf32> -> vector<128x512xf32>
    %swap3A_119 = arith.constant 0 : index
    %swap3A_120 = arith.constant 0 : index
    %swap3A_121 = arith.constant 5 : index
    %swap3A_122 = arith.constant 0 : index
    %swap3A_123 = vector.load %arg5[%swap3A_119, %swap3A_120, %swap3A_121, %swap3A_122] : memref<1x256x16x512xf32, #tpu.memory_space<vmem>>, vector<1x128x1x512xf32>
    %swap3A_124 = vector.shape_cast %swap3A_123 : vector<1x128x1x512xf32> to vector<128x512xf32>
    %swap3A_125 = vector.shape_cast %get3A_4 : vector<128x512xf32> to vector<1x128x1x512xf32>
    tpu.vector_store %arg5[%swap3A_119, %swap3A_120, %swap3A_121, %swap3A_122], %swap3A_125 {strides = array<i32>} : memref<1x256x16x512xf32, #tpu.memory_space<vmem>>, vector<1x128x1x512xf32>,
    %sub3A_126 = arith.subf %transpose3A_118, %get3A_4 : vector<128x512xf32>
    %swap3A_127 = arith.constant 0 : index
    %swap3A_128 = arith.constant 128 : index
    %swap3A_129 = arith.constant 5 : index
    %swap3A_130 = arith.constant 0 : index
    %swap3A_131 = vector.load %arg5[%swap3A_127, %swap3A_128, %swap3A_129, %swap3A_130] : memref<1x256x16x512xf32, #tpu.memory_space<vmem>>, vector<1x128x1x512xf32>
    %swap3A_132 = vector.shape_cast %swap3A_131 : vector<1x128x1x512xf32> to vector<128x512xf32>
    %swap3A_133 = vector.shape_cast %sub3A_126 : vector<128x512xf32> to vector<1x128x1x512xf32>
    tpu.vector_store %arg5[%swap3A_127, %swap3A_128, %swap3A_129, %swap3A_130], %swap3A_133 {strides = array<i32>} : memref<1x256x16x512xf32, #tpu.memory_space<vmem>>, vector<1x128x1x512xf32>,
    %get3A_134 = arith.constant 0 : index
    %get3A_135 = arith.constant 6 : index
    %get3A_136 = arith.constant 0 : index
    %get3A_137 = arith.constant 0 : index
    %get3A_138 = vector.load %arg2[%get3A_134, %get3A_135, %get3A_136, %get3A_137] : memref<1x16x512x128xf32, #tpu.memory_space<vmem>>, vector<1x1x512x128xf32>
    %get3A_139 = vector.shape_cast %get3A_138 : vector<1x1x512x128xf32> to vector<512x128xf32>
    %transpose3A_140 = tpu.transpose %get3A_139, [1, 0] : vector<512x128xf32> -> vector<128x512xf32>
    %swap3A_141 = arith.constant 0 : index
    %swap3A_142 = arith.constant 0 : index
    %swap3A_143 = arith.constant 6 : index
    %swap3A_144 = arith.constant 0 : index
    %swap3A_145 = vector.load %arg5[%swap3A_141, %swap3A_142, %swap3A_143, %swap3A_144] : memref<1x256x16x512xf32, #tpu.memory_space<vmem>>, vector<1x128x1x512xf32>
    %swap3A_146 = vector.shape_cast %swap3A_145 : vector<1x128x1x512xf32> to vector<128x512xf32>
    %swap3A_147 = vector.shape_cast %get3A_4 : vector<128x512xf32> to vector<1x128x1x512xf32>
    tpu.vector_store %arg5[%swap3A_141, %swap3A_142, %swap3A_143, %swap3A_144], %swap3A_147 {strides = array<i32>} : memref<1x256x16x512xf32, #tpu.memory_space<vmem>>, vector<1x128x1x512xf32>,
    %sub3A_148 = arith.subf %transpose3A_140, %get3A_4 : vector<128x512xf32>
    %swap3A_149 = arith.constant 0 : index
    %swap3A_150 = arith.constant 128 : index
    %swap3A_151 = arith.constant 6 : index
    %swap3A_152 = arith.constant 0 : index
    %swap3A_153 = vector.load %arg5[%swap3A_149, %swap3A_150, %swap3A_151, %swap3A_152] : memref<1x256x16x512xf32, #tpu.memory_space<vmem>>, vector<1x128x1x512xf32>
    %swap3A_154 = vector.shape_cast %swap3A_153 : vector<1x128x1x512xf32> to vector<128x512xf32>
    %swap3A_155 = vector.shape_cast %sub3A_148 : vector<128x512xf32> to vector<1x128x1x512xf32>
    tpu.vector_store %arg5[%swap3A_149, %swap3A_150, %swap3A_151, %swap3A_152], %swap3A_155 {strides = array<i32>} : memref<1x256x16x512xf32, #tpu.memory_space<vmem>>, vector<1x128x1x512xf32>,
    %get3A_156 = arith.constant 0 : index
    %get3A_157 = arith.constant 7 : index
    %get3A_158 = arith.constant 0 : index
    %get3A_159 = arith.constant 0 : index
    %get3A_160 = vector.load %arg2[%get3A_156, %get3A_157, %get3A_158, %get3A_159] : memref<1x16x512x128xf32, #tpu.memory_space<vmem>>, vector<1x1x512x128xf32>
    %get3A_161 = vector.shape_cast %get3A_160 : vector<1x1x512x128xf32> to vector<512x128xf32>
    %transpose3A_162 = tpu.transpose %get3A_161, [1, 0] : vector<512x128xf32> -> vector<128x512xf32>
    %swap3A_163 = arith.constant 0 : index
    %swap3A_164 = arith.constant 0 : index
    %swap3A_165 = arith.constant 7 : index
    %swap3A_166 = arith.constant 0 : index
    %swap3A_167 = vector.load %arg5[%swap3A_163, %swap3A_164, %swap3A_165, %swap3A_166] : memref<1x256x16x512xf32, #tpu.memory_space<vmem>>, vector<1x128x1x512xf32>
    %swap3A_168 = vector.shape_cast %swap3A_167 : vector<1x128x1x512xf32> to vector<128x512xf32>
    %swap3A_169 = vector.shape_cast %get3A_4 : vector<128x512xf32> to vector<1x128x1x512xf32>
    tpu.vector_store %arg5[%swap3A_163, %swap3A_164, %swap3A_165, %swap3A_166], %swap3A_169 {strides = array<i32>} : memref<1x256x16x512xf32, #tpu.memory_space<vmem>>, vector<1x128x1x512xf32>,
    %sub3A_170 = arith.subf %transpose3A_162, %get3A_4 : vector<128x512xf32>
    %swap3A_171 = arith.constant 0 : index
    %swap3A_172 = arith.constant 128 : index
    %swap3A_173 = arith.constant 7 : index
    %swap3A_174 = arith.constant 0 : index
    %swap3A_175 = vector.load %arg5[%swap3A_171, %swap3A_172, %swap3A_173, %swap3A_174] : memref<1x256x16x512xf32, #tpu.memory_space<vmem>>, vector<1x128x1x512xf32>
    %swap3A_176 = vector.shape_cast %swap3A_175 : vector<1x128x1x512xf32> to vector<128x512xf32>
    %swap3A_177 = vector.shape_cast %sub3A_170 : vector<128x512xf32> to vector<1x128x1x512xf32>
    tpu.vector_store %arg5[%swap3A_171, %swap3A_172, %swap3A_173, %swap3A_174], %swap3A_177 {strides = array<i32>} : memref<1x256x16x512xf32, #tpu.memory_space<vmem>>, vector<1x128x1x512xf32>,
    %get3A_178 = arith.constant 0 : index
    %get3A_179 = arith.constant 8 : index
    %get3A_180 = arith.constant 0 : index
    %get3A_181 = arith.constant 0 : index
    %get3A_182 = vector.load %arg2[%get3A_178, %get3A_179, %get3A_180, %get3A_181] : memref<1x16x512x128xf32, #tpu.memory_space<vmem>>, vector<1x1x512x128xf32>
    %get3A_183 = vector.shape_cast %get3A_182 : vector<1x1x512x128xf32> to vector<512x128xf32>
    %transpose3A_184 = tpu.transpose %get3A_183, [1, 0] : vector<512x128xf32> -> vector<128x512xf32>
    %swap3A_185 = arith.constant 0 : index
    %swap3A_186 = arith.constant 0 : index
    %swap3A_187 = arith.constant 8 : index
    %swap3A_188 = arith.constant 0 : index
    %swap3A_189 = vector.load %arg5[%swap3A_185, %swap3A_186, %swap3A_187, %swap3A_188] : memref<1x256x16x512xf32, #tpu.memory_space<vmem>>, vector<1x128x1x512xf32>
    %swap3A_190 = vector.shape_cast %swap3A_189 : vector<1x128x1x512xf32> to vector<128x512xf32>
    %swap3A_191 = vector.shape_cast %get3A_4 : vector<128x512xf32> to vector<1x128x1x512xf32>
    tpu.vector_store %arg5[%swap3A_185, %swap3A_186, %swap3A_187, %swap3A_188], %swap3A_191 {strides = array<i32>} : memref<1x256x16x512xf32, #tpu.memory_space<vmem>>, vector<1x128x1x512xf32>,
    %sub3A_192 = arith.subf %transpose3A_184, %get3A_4 : vector<128x512xf32>
    %swap3A_193 = arith.constant 0 : index
    %swap3A_194 = arith.constant 128 : index
    %swap3A_195 = arith.constant 8 : index
    %swap3A_196 = arith.constant 0 : index
    %swap3A_197 = vector.load %arg5[%swap3A_193, %swap3A_194, %swap3A_195, %swap3A_196] : memref<1x256x16x512xf32, #tpu.memory_space<vmem>>, vector<1x128x1x512xf32>
    %swap3A_198 = vector.shape_cast %swap3A_197 : vector<1x128x1x512xf32> to vector<128x512xf32>
    %swap3A_199 = vector.shape_cast %sub3A_192 : vector<128x512xf32> to vector<1x128x1x512xf32>
    tpu.vector_store %arg5[%swap3A_193, %swap3A_194, %swap3A_195, %swap3A_196], %swap3A_199 {strides = array<i32>} : memref<1x256x16x512xf32, #tpu.memory_space<vmem>>, vector<1x128x1x512xf32>,
    %get3A_200 = arith.constant 0 : index
    %get3A_201 = arith.constant 9 : index
    %get3A_202 = arith.constant 0 : index
    %get3A_203 = arith.constant 0 : index
    %get3A_204 = vector.load %arg2[%get3A_200, %get3A_201, %get3A_202, %get3A_203] : memref<1x16x512x128xf32, #tpu.memory_space<vmem>>, vector<1x1x512x128xf32>
    %get3A_205 = vector.shape_cast %get3A_204 : vector<1x1x512x128xf32> to vector<512x128xf32>
    %transpose3A_206 = tpu.transpose %get3A_205, [1, 0] : vector<512x128xf32> -> vector<128x512xf32>
    %swap3A_207 = arith.constant 0 : index
    %swap3A_208 = arith.constant 0 : index
    %swap3A_209 = arith.constant 9 : index
    %swap3A_210 = arith.constant 0 : index
    %swap3A_211 = vector.load %arg5[%swap3A_207, %swap3A_208, %swap3A_209, %swap3A_210] : memref<1x256x16x512xf32, #tpu.memory_space<vmem>>, vector<1x128x1x512xf32>
    %swap3A_212 = vector.shape_cast %swap3A_211 : vector<1x128x1x512xf32> to vector<128x512xf32>
    %swap3A_213 = vector.shape_cast %get3A_4 : vector<128x512xf32> to vector<1x128x1x512xf32>
    tpu.vector_store %arg5[%swap3A_207, %swap3A_208, %swap3A_209, %swap3A_210], %swap3A_213 {strides = array<i32>} : memref<1x256x16x512xf32, #tpu.memory_space<vmem>>, vector<1x128x1x512xf32>,
    %sub3A_214 = arith.subf %transpose3A_206, %get3A_4 : vector<128x512xf32>
    %swap3A_215 = arith.constant 0 : index
    %swap3A_216 = arith.constant 128 : index
    %swap3A_217 = arith.constant 9 : index
    %swap3A_218 = arith.constant 0 : index
    %swap3A_219 = vector.load %arg5[%swap3A_215, %swap3A_216, %swap3A_217, %swap3A_218] : memref<1x256x16x512xf32, #tpu.memory_space<vmem>>, vector<1x128x1x512xf32>
    %swap3A_220 = vector.shape_cast %swap3A_219 : vector<1x128x1x512xf32> to vector<128x512xf32>
    %swap3A_221 = vector.shape_cast %sub3A_214 : vector<128x512xf32> to vector<1x128x1x512xf32>
    tpu.vector_store %arg5[%swap3A_215, %swap3A_216, %swap3A_217, %swap3A_218], %swap3A_221 {strides = array<i32>} : memref<1x256x16x512xf32, #tpu.memory_space<vmem>>, vector<1x128x1x512xf32>,
    %get3A_222 = arith.constant 0 : index
    %get3A_223 = arith.constant 10 : index
    %get3A_224 = arith.constant 0 : index
    %get3A_225 = arith.constant 0 : index
    %get3A_226 = vector.load %arg2[%get3A_222, %get3A_223, %get3A_224, %get3A_225] : memref<1x16x512x128xf32, #tpu.memory_space<vmem>>, vector<1x1x512x128xf32>
    %get3A_227 = vector.shape_cast %get3A_226 : vector<1x1x512x128xf32> to vector<512x128xf32>
    %transpose3A_228 = tpu.transpose %get3A_227, [1, 0] : vector<512x128xf32> -> vector<128x512xf32>
    %swap3A_229 = arith.constant 0 : index
    %swap3A_230 = arith.constant 0 : index
    %swap3A_231 = arith.constant 10 : index
    %swap3A_232 = arith.constant 0 : index
    %swap3A_233 = vector.load %arg5[%swap3A_229, %swap3A_230, %swap3A_231, %swap3A_232] : memref<1x256x16x512xf32, #tpu.memory_space<vmem>>, vector<1x128x1x512xf32>
    %swap3A_234 = vector.shape_cast %swap3A_233 : vector<1x128x1x512xf32> to vector<128x512xf32>
    %swap3A_235 = vector.shape_cast %get3A_4 : vector<128x512xf32> to vector<1x128x1x512xf32>
    tpu.vector_store %arg5[%swap3A_229, %swap3A_230, %swap3A_231, %swap3A_232], %swap3A_235 {strides = array<i32>} : memref<1x256x16x512xf32, #tpu.memory_space<vmem>>, vector<1x128x1x512xf32>,
    %sub3A_236 = arith.subf %transpose3A_228, %get3A_4 : vector<128x512xf32>
    %swap3A_237 = arith.constant 0 : index
    %swap3A_238 = arith.constant 128 : index
    %swap3A_239 = arith.constant 10 : index
    %swap3A_240 = arith.constant 0 : index
    %swap3A_241 = vector.load %arg5[%swap3A_237, %swap3A_238, %swap3A_239, %swap3A_240] : memref<1x256x16x512xf32, #tpu.memory_space<vmem>>, vector<1x128x1x512xf32>
    %swap3A_242 = vector.shape_cast %swap3A_241 : vector<1x128x1x512xf32> to vector<128x512xf32>
    %swap3A_243 = vector.shape_cast %sub3A_236 : vector<128x512xf32> to vector<1x128x1x512xf32>
    tpu.vector_store %arg5[%swap3A_237, %swap3A_238, %swap3A_239, %swap3A_240], %swap3A_243 {strides = array<i32>} : memref<1x256x16x512xf32, #tpu.memory_space<vmem>>, vector<1x128x1x512xf32>,
    %get3A_244 = arith.constant 0 : index
    %get3A_245 = arith.constant 11 : index
    %get3A_246 = arith.constant 0 : index
    %get3A_247 = arith.constant 0 : index
    %get3A_248 = vector.load %arg2[%get3A_244, %get3A_245, %get3A_246, %get3A_247] : memref<1x16x512x128xf32, #tpu.memory_space<vmem>>, vector<1x1x512x128xf32>
    %get3A_249 = vector.shape_cast %get3A_248 : vector<1x1x512x128xf32> to vector<512x128xf32>
    %transpose3A_250 = tpu.transpose %get3A_249, [1, 0] : vector<512x128xf32> -> vector<128x512xf32>
    %swap3A_251 = arith.constant 0 : index
    %swap3A_252 = arith.constant 0 : index
    %swap3A_253 = arith.constant 11 : index
    %swap3A_254 = arith.constant 0 : index
    %swap3A_255 = vector.load %arg5[%swap3A_251, %swap3A_252, %swap3A_253, %swap3A_254] : memref<1x256x16x512xf32, #tpu.memory_space<vmem>>, vector<1x128x1x512xf32>
    %swap3A_256 = vector.shape_cast %swap3A_255 : vector<1x128x1x512xf32> to vector<128x512xf32>
    %swap3A_257 = vector.shape_cast %get3A_4 : vector<128x512xf32> to vector<1x128x1x512xf32>
    tpu.vector_store %arg5[%swap3A_251, %swap3A_252, %swap3A_253, %swap3A_254], %swap3A_257 {strides = array<i32>} : memref<1x256x16x512xf32, #tpu.memory_space<vmem>>, vector<1x128x1x512xf32>,
    %sub3A_258 = arith.subf %transpose3A_250, %get3A_4 : vector<128x512xf32>
    %swap3A_259 = arith.constant 0 : index
    %swap3A_260 = arith.constant 128 : index
    %swap3A_261 = arith.constant 11 : index
    %swap3A_262 = arith.constant 0 : index
    %swap3A_263 = vector.load %arg5[%swap3A_259, %swap3A_260, %swap3A_261, %swap3A_262] : memref<1x256x16x512xf32, #tpu.memory_space<vmem>>, vector<1x128x1x512xf32>
    %swap3A_264 = vector.shape_cast %swap3A_263 : vector<1x128x1x512xf32> to vector<128x512xf32>
    %swap3A_265 = vector.shape_cast %sub3A_258 : vector<128x512xf32> to vector<1x128x1x512xf32>
    tpu.vector_store %arg5[%swap3A_259, %swap3A_260, %swap3A_261, %swap3A_262], %swap3A_265 {strides = array<i32>} : memref<1x256x16x512xf32, #tpu.memory_space<vmem>>, vector<1x128x1x512xf32>,
    %get3A_266 = arith.constant 0 : index
    %get3A_267 = arith.constant 12 : index
    %get3A_268 = arith.constant 0 : index
    %get3A_269 = arith.constant 0 : index
    %get3A_270 = vector.load %arg2[%get3A_266, %get3A_267, %get3A_268, %get3A_269] : memref<1x16x512x128xf32, #tpu.memory_space<vmem>>, vector<1x1x512x128xf32>
    %get3A_271 = vector.shape_cast %get3A_270 : vector<1x1x512x128xf32> to vector<512x128xf32>
    %transpose3A_272 = tpu.transpose %get3A_271, [1, 0] : vector<512x128xf32> -> vector<128x512xf32>
    %swap3A_273 = arith.constant 0 : index
    %swap3A_274 = arith.constant 0 : index
    %swap3A_275 = arith.constant 12 : index
    %swap3A_276 = arith.constant 0 : index
    %swap3A_277 = vector.load %arg5[%swap3A_273, %swap3A_274, %swap3A_275, %swap3A_276] : memref<1x256x16x512xf32, #tpu.memory_space<vmem>>, vector<1x128x1x512xf32>
    %swap3A_278 = vector.shape_cast %swap3A_277 : vector<1x128x1x512xf32> to vector<128x512xf32>
    %swap3A_279 = vector.shape_cast %get3A_4 : vector<128x512xf32> to vector<1x128x1x512xf32>
    tpu.vector_store %arg5[%swap3A_273, %swap3A_274, %swap3A_275, %swap3A_276], %swap3A_279 {strides = array<i32>} : memref<1x256x16x512xf32, #tpu.memory_space<vmem>>, vector<1x128x1x512xf32>,
    %sub3A_280 = arith.subf %transpose3A_272, %get3A_4 : vector<128x512xf32>
    %swap3A_281 = arith.constant 0 : index
    %swap3A_282 = arith.constant 128 : index
    %swap3A_283 = arith.constant 12 : index
    %swap3A_284 = arith.constant 0 : index
    %swap3A_285 = vector.load %arg5[%swap3A_281, %swap3A_282, %swap3A_283, %swap3A_284] : memref<1x256x16x512xf32, #tpu.memory_space<vmem>>, vector<1x128x1x512xf32>
    %swap3A_286 = vector.shape_cast %swap3A_285 : vector<1x128x1x512xf32> to vector<128x512xf32>
    %swap3A_287 = vector.shape_cast %sub3A_280 : vector<128x512xf32> to vector<1x128x1x512xf32>
    tpu.vector_store %arg5[%swap3A_281, %swap3A_282, %swap3A_283, %swap3A_284], %swap3A_287 {strides = array<i32>} : memref<1x256x16x512xf32, #tpu.memory_space<vmem>>, vector<1x128x1x512xf32>,
    %get3A_288 = arith.constant 0 : index
    %get3A_289 = arith.constant 13 : index
    %get3A_290 = arith.constant 0 : index
    %get3A_291 = arith.constant 0 : index
    %get3A_292 = vector.load %arg2[%get3A_288, %get3A_289, %get3A_290, %get3A_291] : memref<1x16x512x128xf32, #tpu.memory_space<vmem>>, vector<1x1x512x128xf32>
    %get3A_293 = vector.shape_cast %get3A_292 : vector<1x1x512x128xf32> to vector<512x128xf32>
    %transpose3A_294 = tpu.transpose %get3A_293, [1, 0] : vector<512x128xf32> -> vector<128x512xf32>
    %swap3A_295 = arith.constant 0 : index
    %swap3A_296 = arith.constant 0 : index
    %swap3A_297 = arith.constant 13 : index
    %swap3A_298 = arith.constant 0 : index
    %swap3A_299 = vector.load %arg5[%swap3A_295, %swap3A_296, %swap3A_297, %swap3A_298] : memref<1x256x16x512xf32, #tpu.memory_space<vmem>>, vector<1x128x1x512xf32>
    %swap3A_300 = vector.shape_cast %swap3A_299 : vector<1x128x1x512xf32> to vector<128x512xf32>
    %swap3A_301 = vector.shape_cast %get3A_4 : vector<128x512xf32> to vector<1x128x1x512xf32>
    tpu.vector_store %arg5[%swap3A_295, %swap3A_296, %swap3A_297, %swap3A_298], %swap3A_301 {strides = array<i32>} : memref<1x256x16x512xf32, #tpu.memory_space<vmem>>, vector<1x128x1x512xf32>,
    %sub3A_302 = arith.subf %transpose3A_294, %get3A_4 : vector<128x512xf32>
    %swap3A_303 = arith.constant 0 : index
    %swap3A_304 = arith.constant 128 : index
    %swap3A_305 = arith.constant 13 : index
    %swap3A_306 = arith.constant 0 : index
    %swap3A_307 = vector.load %arg5[%swap3A_303, %swap3A_304, %swap3A_305, %swap3A_306] : memref<1x256x16x512xf32, #tpu.memory_space<vmem>>, vector<1x128x1x512xf32>
    %swap3A_308 = vector.shape_cast %swap3A_307 : vector<1x128x1x512xf32> to vector<128x512xf32>
    %swap3A_309 = vector.shape_cast %sub3A_302 : vector<128x512xf32> to vector<1x128x1x512xf32>
    tpu.vector_store %arg5[%swap3A_303, %swap3A_304, %swap3A_305, %swap3A_306], %swap3A_309 {strides = array<i32>} : memref<1x256x16x512xf32, #tpu.memory_space<vmem>>, vector<1x128x1x512xf32>,
    %get3A_310 = arith.constant 0 : index
    %get3A_311 = arith.constant 14 : index
    %get3A_312 = arith.constant 0 : index
    %get3A_313 = arith.constant 0 : index
    %get3A_314 = vector.load %arg2[%get3A_310, %get3A_311, %get3A_312, %get3A_313] : memref<1x16x512x128xf32, #tpu.memory_space<vmem>>, vector<1x1x512x128xf32>
    %get3A_315 = vector.shape_cast %get3A_314 : vector<1x1x512x128xf32> to vector<512x128xf32>
    %transpose3A_316 = tpu.transpose %get3A_315, [1, 0] : vector<512x128xf32> -> vector<128x512xf32>
    %swap3A_317 = arith.constant 0 : index
    %swap3A_318 = arith.constant 0 : index
    %swap3A_319 = arith.constant 14 : index
    %swap3A_320 = arith.constant 0 : index
    %swap3A_321 = vector.load %arg5[%swap3A_317, %swap3A_318, %swap3A_319, %swap3A_320] : memref<1x256x16x512xf32, #tpu.memory_space<vmem>>, vector<1x128x1x512xf32>
    %swap3A_322 = vector.shape_cast %swap3A_321 : vector<1x128x1x512xf32> to vector<128x512xf32>
    %swap3A_323 = vector.shape_cast %get3A_4 : vector<128x512xf32> to vector<1x128x1x512xf32>
    tpu.vector_store %arg5[%swap3A_317, %swap3A_318, %swap3A_319, %swap3A_320], %swap3A_323 {strides = array<i32>} : memref<1x256x16x512xf32, #tpu.memory_space<vmem>>, vector<1x128x1x512xf32>,
    %sub3A_324 = arith.subf %transpose3A_316, %get3A_4 : vector<128x512xf32>
    %swap3A_325 = arith.constant 0 : index
    %swap3A_326 = arith.constant 128 : index
    %swap3A_327 = arith.constant 14 : index
    %swap3A_328 = arith.constant 0 : index
    %swap3A_329 = vector.load %arg5[%swap3A_325, %swap3A_326, %swap3A_327, %swap3A_328] : memref<1x256x16x512xf32, #tpu.memory_space<vmem>>, vector<1x128x1x512xf32>
    %swap3A_330 = vector.shape_cast %swap3A_329 : vector<1x128x1x512xf32> to vector<128x512xf32>
    %swap3A_331 = vector.shape_cast %sub3A_324 : vector<128x512xf32> to vector<1x128x1x512xf32>
    tpu.vector_store %arg5[%swap3A_325, %swap3A_326, %swap3A_327, %swap3A_328], %swap3A_331 {strides = array<i32>} : memref<1x256x16x512xf32, #tpu.memory_space<vmem>>, vector<1x128x1x512xf32>,
    %get3A_332 = arith.constant 0 : index
    %get3A_333 = arith.constant 15 : index
    %get3A_334 = arith.constant 0 : index
    %get3A_335 = arith.constant 0 : index
    %get3A_336 = vector.load %arg2[%get3A_332, %get3A_333, %get3A_334, %get3A_335] : memref<1x16x512x128xf32, #tpu.memory_space<vmem>>, vector<1x1x512x128xf32>
    %get3A_337 = vector.shape_cast %get3A_336 : vector<1x1x512x128xf32> to vector<512x128xf32>
    %transpose3A_338 = tpu.transpose %get3A_337, [1, 0] : vector<512x128xf32> -> vector<128x512xf32>
    %swap3A_339 = arith.constant 0 : index
    %swap3A_340 = arith.constant 0 : index
    %swap3A_341 = arith.constant 15 : index
    %swap3A_342 = arith.constant 0 : index
    %swap3A_343 = vector.load %arg5[%swap3A_339, %swap3A_340, %swap3A_341, %swap3A_342] : memref<1x256x16x512xf32, #tpu.memory_space<vmem>>, vector<1x128x1x512xf32>
    %swap3A_344 = vector.shape_cast %swap3A_343 : vector<1x128x1x512xf32> to vector<128x512xf32>
    %swap3A_345 = vector.shape_cast %get3A_4 : vector<128x512xf32> to vector<1x128x1x512xf32>
    tpu.vector_store %arg5[%swap3A_339, %swap3A_340, %swap3A_341, %swap3A_342], %swap3A_345 {strides = array<i32>} : memref<1x256x16x512xf32, #tpu.memory_space<vmem>>, vector<1x128x1x512xf32>,
    %sub3A_346 = arith.subf %transpose3A_338, %get3A_4 : vector<128x512xf32>
    %swap3A_347 = arith.constant 0 : index
    %swap3A_348 = arith.constant 128 : index
    %swap3A_349 = arith.constant 15 : index
    %swap3A_350 = arith.constant 0 : index
    %swap3A_351 = vector.load %arg5[%swap3A_347, %swap3A_348, %swap3A_349, %swap3A_350] : memref<1x256x16x512xf32, #tpu.memory_space<vmem>>, vector<1x128x1x512xf32>
    %swap3A_352 = vector.shape_cast %swap3A_351 : vector<1x128x1x512xf32> to vector<128x512xf32>
    %swap3A_353 = vector.shape_cast %sub3A_346 : vector<128x512xf32> to vector<1x128x1x512xf32>
    tpu.vector_store %arg5[%swap3A_347, %swap3A_348, %swap3A_349, %swap3A_350], %swap3A_353 {strides = array<i32>} : memref<1x256x16x512xf32, #tpu.memory_space<vmem>>, vector<1x128x1x512xf32>,
    return
  }
  func.func @transform_0(%arg0: i32, %arg1: i32) -> (i32, i32, i32, i32) {
    %c0_i32 = arith.constant 0 : i32
    %c0_i32_0 = arith.constant 0 : i32
    %c0_i32_1 = arith.constant 0 : i32
    return %arg0, %c0_i32, %arg1, %c0_i32_0 : i32, i32, i32, i32
  }
  func.func @transform_1(%arg0: i32, %arg1: i32) -> (i32, i32, i32) {
    %add3A = arith.constant 2 : i32
    %add3A_0 = arith.addi %arg0, %add3A : i32
    %c0_i32 = arith.constant 0 : i32
    %c0_i32_1 = arith.constant 0 : i32
    %c0_i32_2 = arith.constant 0 : i32
    return %add3A_0, %c0_i32, %c0_i32_1 : i32, i32, i32
  }
  func.func @transform_3(%arg0: i32, %arg1: i32) -> (i32, i32, i32, i32) {
    %add3A = arith.constant 2 : i32
    %add3A_0 = arith.addi %arg0, %add3A : i32
    %c0_i32 = arith.constant 0 : i32
    %c0_i32_1 = arith.constant 0 : i32
    %c0_i32_2 = arith.constant 0 : i32
    return %add3A_0, %c0_i32, %c0_i32_1, %arg1 : i32, i32, i32, i32
  }
}

module attributes {stable_mosaic.version = 14 : i64} {
  func.func @_finalize_alias_kernel(%arg0: i32, %arg1: i32, %arg2: memref<1x16x512x128xf32, #tpu.memory_space<vmem>>, %arg3: memref<1x128x2048xf32, #tpu.memory_space<vmem>>, %arg4: memref<8x256x16x2048xf32, #tpu.memory_space<any>>, %arg5: memref<1x256x16x512xf32, #tpu.memory_space<vmem>>) attributes {dimension_semantics = [#tpu.dimension_semantics<parallel>, #tpu.dimension_semantics<parallel>], iteration_bounds = array<i64: 2, 4>, scalar_prefetch = 0 : i64, scratch_operands = 0 : i64, tpu.core_type = #tpu.core_type<tc>, window_params = [{transform_indices = @transform_0, window_bounds = array<i64: 1, 16, 512, 128>}, {transform_indices = @transform_1, window_bounds = array<i64: 1, 128, 2048>}, {}, {transform_indices = @transform_3, window_bounds = array<i64: 1, 256, 16, 512>}]} {
    %mul3A = arith.constant 512 : i32
    %mul3A_0 = arith.muli %arg1, %mul3A : i32
    %get3A = arith.constant 0 : index
    %get3A_1 = arith.constant 0 : index
    %get3A_2 = arith.index_cast %mul3A_0 : i32 to index
    %get3A_3 = vector.load %arg3[%get3A, %get3A_1, %get3A_2] : memref<1x128x2048xf32, #tpu.memory_space<vmem>>, vector<1x128x512xf32>
    %get3A_4 = vector.shape_cast %get3A_3 : vector<1x128x512xf32> to vector<128x512xf32>
    %get3A_5 = arith.constant 0 : index
    %get3A_6 = arith.constant 0 : index
    %get3A_7 = arith.constant 0 : index
    %get3A_8 = arith.constant 0 : index
    %get3A_9 = vector.load %arg2[%get3A_5, %get3A_6, %get3A_7, %get3A_8] : memref<1x16x512x128xf32, #tpu.memory_space<vmem>>, vector<1x1x512x128xf32>
    %get3A_10 = vector.shape_cast %get3A_9 : vector<1x1x512x128xf32> to vector<512x128xf32>
    %transpose3A = tpu.transpose %get3A_10, [1, 0] : vector<512x128xf32> -> vector<128x512xf32>
    %swap3A = arith.constant 0 : index
    %swap3A_11 = arith.constant 0 : index
    %swap3A_12 = arith.constant 0 : index
    %swap3A_13 = arith.constant 0 : index
    %swap3A_14 = vector.load %arg5[%swap3A, %swap3A_11, %swap3A_12, %swap3A_13] : memref<1x256x16x512xf32, #tpu.memory_space<vmem>>, vector<1x128x1x512xf32>
    %swap3A_15 = vector.shape_cast %swap3A_14 : vector<1x128x1x512xf32> to vector<128x512xf32>
    %swap3A_16 = vector.shape_cast %get3A_4 : vector<128x512xf32> to vector<1x128x1x512xf32>
    tpu.vector_store %arg5[%swap3A, %swap3A_11, %swap3A_12, %swap3A_13], %swap3A_16 {strides = array<i32>} : memref<1x256x16x512xf32, #tpu.memory_space<vmem>>, vector<1x128x1x512xf32>,
    %sub3A = arith.subf %transpose3A, %get3A_4 : vector<128x512xf32>
    %swap3A_17 = arith.constant 0 : index
    %swap3A_18 = arith.constant 128 : index
    %swap3A_19 = arith.constant 0 : index
    %swap3A_20 = arith.constant 0 : index
    %swap3A_21 = vector.load %arg5[%swap3A_17, %swap3A_18, %swap3A_19, %swap3A_20] : memref<1x256x16x512xf32, #tpu.memory_space<vmem>>, vector<1x128x1x512xf32>
    %swap3A_22 = vector.shape_cast %swap3A_21 : vector<1x128x1x512xf32> to vector<128x512xf32>
    %swap3A_23 = vector.shape_cast %sub3A : vector<128x512xf32> to vector<1x128x1x512xf32>
    tpu.vector_store %arg5[%swap3A_17, %swap3A_18, %swap3A_19, %swap3A_20], %swap3A_23 {strides = array<i32>} : memref<1x256x16x512xf32, #tpu.memory_space<vmem>>, vector<1x128x1x512xf32>,
    %get3A_24 = arith.constant 0 : index
    %get3A_25 = arith.constant 1 : index
    %get3A_26 = arith.constant 0 : index
    %get3A_27 = arith.constant 0 : index
    %get3A_28 = vector.load %arg2[%get3A_24, %get3A_25, %get3A_26, %get3A_27] : memref<1x16x512x128xf32, #tpu.memory_space<vmem>>, vector<1x1x512x128xf32>
    %get3A_29 = vector.shape_cast %get3A_28 : vector<1x1x512x128xf32> to vector<512x128xf32>
    %transpose3A_30 = tpu.transpose %get3A_29, [1, 0] : vector<512x128xf32> -> vector<128x512xf32>
    %swap3A_31 = arith.constant 0 : index
    %swap3A_32 = arith.constant 0 : index
    %swap3A_33 = arith.constant 1 : index
    %swap3A_34 = arith.constant 0 : index
    %swap3A_35 = vector.load %arg5[%swap3A_31, %swap3A_32, %swap3A_33, %swap3A_34] : memref<1x256x16x512xf32, #tpu.memory_space<vmem>>, vector<1x128x1x512xf32>
    %swap3A_36 = vector.shape_cast %swap3A_35 : vector<1x128x1x512xf32> to vector<128x512xf32>
    %swap3A_37 = vector.shape_cast %get3A_4 : vector<128x512xf32> to vector<1x128x1x512xf32>
    tpu.vector_store %arg5[%swap3A_31, %swap3A_32, %swap3A_33, %swap3A_34], %swap3A_37 {strides = array<i32>} : memref<1x256x16x512xf32, #tpu.memory_space<vmem>>, vector<1x128x1x512xf32>,
    %sub3A_38 = arith.subf %transpose3A_30, %get3A_4 : vector<128x512xf32>
    %swap3A_39 = arith.constant 0 : index
    %swap3A_40 = arith.constant 128 : index
    %swap3A_41 = arith.constant 1 : index
    %swap3A_42 = arith.constant 0 : index
    %swap3A_43 = vector.load %arg5[%swap3A_39, %swap3A_40, %swap3A_41, %swap3A_42] : memref<1x256x16x512xf32, #tpu.memory_space<vmem>>, vector<1x128x1x512xf32>
    %swap3A_44 = vector.shape_cast %swap3A_43 : vector<1x128x1x512xf32> to vector<128x512xf32>
    %swap3A_45 = vector.shape_cast %sub3A_38 : vector<128x512xf32> to vector<1x128x1x512xf32>
    tpu.vector_store %arg5[%swap3A_39, %swap3A_40, %swap3A_41, %swap3A_42], %swap3A_45 {strides = array<i32>} : memref<1x256x16x512xf32, #tpu.memory_space<vmem>>, vector<1x128x1x512xf32>,
    %get3A_46 = arith.constant 0 : index
    %get3A_47 = arith.constant 2 : index
    %get3A_48 = arith.constant 0 : index
    %get3A_49 = arith.constant 0 : index
    %get3A_50 = vector.load %arg2[%get3A_46, %get3A_47, %get3A_48, %get3A_49] : memref<1x16x512x128xf32, #tpu.memory_space<vmem>>, vector<1x1x512x128xf32>
    %get3A_51 = vector.shape_cast %get3A_50 : vector<1x1x512x128xf32> to vector<512x128xf32>
    %transpose3A_52 = tpu.transpose %get3A_51, [1, 0] : vector<512x128xf32> -> vector<128x512xf32>
    %swap3A_53 = arith.constant 0 : index
    %swap3A_54 = arith.constant 0 : index
    %swap3A_55 = arith.constant 2 : index
    %swap3A_56 = arith.constant 0 : index
    %swap3A_57 = vector.load %arg5[%swap3A_53, %swap3A_54, %swap3A_55, %swap3A_56] : memref<1x256x16x512xf32, #tpu.memory_space<vmem>>, vector<1x128x1x512xf32>
    %swap3A_58 = vector.shape_cast %swap3A_57 : vector<1x128x1x512xf32> to vector<128x512xf32>
    %swap3A_59 = vector.shape_cast %get3A_4 : vector<128x512xf32> to vector<1x128x1x512xf32>
    tpu.vector_store %arg5[%swap3A_53, %swap3A_54, %swap3A_55, %swap3A_56], %swap3A_59 {strides = array<i32>} : memref<1x256x16x512xf32, #tpu.memory_space<vmem>>, vector<1x128x1x512xf32>,
    %sub3A_60 = arith.subf %transpose3A_52, %get3A_4 : vector<128x512xf32>
    %swap3A_61 = arith.constant 0 : index
    %swap3A_62 = arith.constant 128 : index
    %swap3A_63 = arith.constant 2 : index
    %swap3A_64 = arith.constant 0 : index
    %swap3A_65 = vector.load %arg5[%swap3A_61, %swap3A_62, %swap3A_63, %swap3A_64] : memref<1x256x16x512xf32, #tpu.memory_space<vmem>>, vector<1x128x1x512xf32>
    %swap3A_66 = vector.shape_cast %swap3A_65 : vector<1x128x1x512xf32> to vector<128x512xf32>
    %swap3A_67 = vector.shape_cast %sub3A_60 : vector<128x512xf32> to vector<1x128x1x512xf32>
    tpu.vector_store %arg5[%swap3A_61, %swap3A_62, %swap3A_63, %swap3A_64], %swap3A_67 {strides = array<i32>} : memref<1x256x16x512xf32, #tpu.memory_space<vmem>>, vector<1x128x1x512xf32>,
    %get3A_68 = arith.constant 0 : index
    %get3A_69 = arith.constant 3 : index
    %get3A_70 = arith.constant 0 : index
    %get3A_71 = arith.constant 0 : index
    %get3A_72 = vector.load %arg2[%get3A_68, %get3A_69, %get3A_70, %get3A_71] : memref<1x16x512x128xf32, #tpu.memory_space<vmem>>, vector<1x1x512x128xf32>
    %get3A_73 = vector.shape_cast %get3A_72 : vector<1x1x512x128xf32> to vector<512x128xf32>
    %transpose3A_74 = tpu.transpose %get3A_73, [1, 0] : vector<512x128xf32> -> vector<128x512xf32>
    %swap3A_75 = arith.constant 0 : index
    %swap3A_76 = arith.constant 0 : index
    %swap3A_77 = arith.constant 3 : index
    %swap3A_78 = arith.constant 0 : index
    %swap3A_79 = vector.load %arg5[%swap3A_75, %swap3A_76, %swap3A_77, %swap3A_78] : memref<1x256x16x512xf32, #tpu.memory_space<vmem>>, vector<1x128x1x512xf32>
    %swap3A_80 = vector.shape_cast %swap3A_79 : vector<1x128x1x512xf32> to vector<128x512xf32>
    %swap3A_81 = vector.shape_cast %get3A_4 : vector<128x512xf32> to vector<1x128x1x512xf32>
    tpu.vector_store %arg5[%swap3A_75, %swap3A_76, %swap3A_77, %swap3A_78], %swap3A_81 {strides = array<i32>} : memref<1x256x16x512xf32, #tpu.memory_space<vmem>>, vector<1x128x1x512xf32>,
    %sub3A_82 = arith.subf %transpose3A_74, %get3A_4 : vector<128x512xf32>
    %swap3A_83 = arith.constant 0 : index
    %swap3A_84 = arith.constant 128 : index
    %swap3A_85 = arith.constant 3 : index
    %swap3A_86 = arith.constant 0 : index
    %swap3A_87 = vector.load %arg5[%swap3A_83, %swap3A_84, %swap3A_85, %swap3A_86] : memref<1x256x16x512xf32, #tpu.memory_space<vmem>>, vector<1x128x1x512xf32>
    %swap3A_88 = vector.shape_cast %swap3A_87 : vector<1x128x1x512xf32> to vector<128x512xf32>
    %swap3A_89 = vector.shape_cast %sub3A_82 : vector<128x512xf32> to vector<1x128x1x512xf32>
    tpu.vector_store %arg5[%swap3A_83, %swap3A_84, %swap3A_85, %swap3A_86], %swap3A_89 {strides = array<i32>} : memref<1x256x16x512xf32, #tpu.memory_space<vmem>>, vector<1x128x1x512xf32>,
    %get3A_90 = arith.constant 0 : index
    %get3A_91 = arith.constant 4 : index
    %get3A_92 = arith.constant 0 : index
    %get3A_93 = arith.constant 0 : index
    %get3A_94 = vector.load %arg2[%get3A_90, %get3A_91, %get3A_92, %get3A_93] : memref<1x16x512x128xf32, #tpu.memory_space<vmem>>, vector<1x1x512x128xf32>
    %get3A_95 = vector.shape_cast %get3A_94 : vector<1x1x512x128xf32> to vector<512x128xf32>
    %transpose3A_96 = tpu.transpose %get3A_95, [1, 0] : vector<512x128xf32> -> vector<128x512xf32>
    %swap3A_97 = arith.constant 0 : index
    %swap3A_98 = arith.constant 0 : index
    %swap3A_99 = arith.constant 4 : index
    %swap3A_100 = arith.constant 0 : index
    %swap3A_101 = vector.load %arg5[%swap3A_97, %swap3A_98, %swap3A_99, %swap3A_100] : memref<1x256x16x512xf32, #tpu.memory_space<vmem>>, vector<1x128x1x512xf32>
    %swap3A_102 = vector.shape_cast %swap3A_101 : vector<1x128x1x512xf32> to vector<128x512xf32>
    %swap3A_103 = vector.shape_cast %get3A_4 : vector<128x512xf32> to vector<1x128x1x512xf32>
    tpu.vector_store %arg5[%swap3A_97, %swap3A_98, %swap3A_99, %swap3A_100], %swap3A_103 {strides = array<i32>} : memref<1x256x16x512xf32, #tpu.memory_space<vmem>>, vector<1x128x1x512xf32>,
    %sub3A_104 = arith.subf %transpose3A_96, %get3A_4 : vector<128x512xf32>
    %swap3A_105 = arith.constant 0 : index
    %swap3A_106 = arith.constant 128 : index
    %swap3A_107 = arith.constant 4 : index
    %swap3A_108 = arith.constant 0 : index
    %swap3A_109 = vector.load %arg5[%swap3A_105, %swap3A_106, %swap3A_107, %swap3A_108] : memref<1x256x16x512xf32, #tpu.memory_space<vmem>>, vector<1x128x1x512xf32>
    %swap3A_110 = vector.shape_cast %swap3A_109 : vector<1x128x1x512xf32> to vector<128x512xf32>
    %swap3A_111 = vector.shape_cast %sub3A_104 : vector<128x512xf32> to vector<1x128x1x512xf32>
    tpu.vector_store %arg5[%swap3A_105, %swap3A_106, %swap3A_107, %swap3A_108], %swap3A_111 {strides = array<i32>} : memref<1x256x16x512xf32, #tpu.memory_space<vmem>>, vector<1x128x1x512xf32>,
    %get3A_112 = arith.constant 0 : index
    %get3A_113 = arith.constant 5 : index
    %get3A_114 = arith.constant 0 : index
    %get3A_115 = arith.constant 0 : index
    %get3A_116 = vector.load %arg2[%get3A_112, %get3A_113, %get3A_114, %get3A_115] : memref<1x16x512x128xf32, #tpu.memory_space<vmem>>, vector<1x1x512x128xf32>
    %get3A_117 = vector.shape_cast %get3A_116 : vector<1x1x512x128xf32> to vector<512x128xf32>
    %transpose3A_118 = tpu.transpose %get3A_117, [1, 0] : vector<512x128xf32> -> vector<128x512xf32>
    %swap3A_119 = arith.constant 0 : index
    %swap3A_120 = arith.constant 0 : index
    %swap3A_121 = arith.constant 5 : index
    %swap3A_122 = arith.constant 0 : index
    %swap3A_123 = vector.load %arg5[%swap3A_119, %swap3A_120, %swap3A_121, %swap3A_122] : memref<1x256x16x512xf32, #tpu.memory_space<vmem>>, vector<1x128x1x512xf32>
    %swap3A_124 = vector.shape_cast %swap3A_123 : vector<1x128x1x512xf32> to vector<128x512xf32>
    %swap3A_125 = vector.shape_cast %get3A_4 : vector<128x512xf32> to vector<1x128x1x512xf32>
    tpu.vector_store %arg5[%swap3A_119, %swap3A_120, %swap3A_121, %swap3A_122], %swap3A_125 {strides = array<i32>} : memref<1x256x16x512xf32, #tpu.memory_space<vmem>>, vector<1x128x1x512xf32>,
    %sub3A_126 = arith.subf %transpose3A_118, %get3A_4 : vector<128x512xf32>
    %swap3A_127 = arith.constant 0 : index
    %swap3A_128 = arith.constant 128 : index
    %swap3A_129 = arith.constant 5 : index
    %swap3A_130 = arith.constant 0 : index
    %swap3A_131 = vector.load %arg5[%swap3A_127, %swap3A_128, %swap3A_129, %swap3A_130] : memref<1x256x16x512xf32, #tpu.memory_space<vmem>>, vector<1x128x1x512xf32>
    %swap3A_132 = vector.shape_cast %swap3A_131 : vector<1x128x1x512xf32> to vector<128x512xf32>
    %swap3A_133 = vector.shape_cast %sub3A_126 : vector<128x512xf32> to vector<1x128x1x512xf32>
    tpu.vector_store %arg5[%swap3A_127, %swap3A_128, %swap3A_129, %swap3A_130], %swap3A_133 {strides = array<i32>} : memref<1x256x16x512xf32, #tpu.memory_space<vmem>>, vector<1x128x1x512xf32>,
    %get3A_134 = arith.constant 0 : index
    %get3A_135 = arith.constant 6 : index
    %get3A_136 = arith.constant 0 : index
    %get3A_137 = arith.constant 0 : index
    %get3A_138 = vector.load %arg2[%get3A_134, %get3A_135, %get3A_136, %get3A_137] : memref<1x16x512x128xf32, #tpu.memory_space<vmem>>, vector<1x1x512x128xf32>
    %get3A_139 = vector.shape_cast %get3A_138 : vector<1x1x512x128xf32> to vector<512x128xf32>
    %transpose3A_140 = tpu.transpose %get3A_139, [1, 0] : vector<512x128xf32> -> vector<128x512xf32>
    %swap3A_141 = arith.constant 0 : index
    %swap3A_142 = arith.constant 0 : index
    %swap3A_143 = arith.constant 6 : index
    %swap3A_144 = arith.constant 0 : index
    %swap3A_145 = vector.load %arg5[%swap3A_141, %swap3A_142, %swap3A_143, %swap3A_144] : memref<1x256x16x512xf32, #tpu.memory_space<vmem>>, vector<1x128x1x512xf32>
    %swap3A_146 = vector.shape_cast %swap3A_145 : vector<1x128x1x512xf32> to vector<128x512xf32>
    %swap3A_147 = vector.shape_cast %get3A_4 : vector<128x512xf32> to vector<1x128x1x512xf32>
    tpu.vector_store %arg5[%swap3A_141, %swap3A_142, %swap3A_143, %swap3A_144], %swap3A_147 {strides = array<i32>} : memref<1x256x16x512xf32, #tpu.memory_space<vmem>>, vector<1x128x1x512xf32>,
    %sub3A_148 = arith.subf %transpose3A_140, %get3A_4 : vector<128x512xf32>
    %swap3A_149 = arith.constant 0 : index
    %swap3A_150 = arith.constant 128 : index
    %swap3A_151 = arith.constant 6 : index
    %swap3A_152 = arith.constant 0 : index
    %swap3A_153 = vector.load %arg5[%swap3A_149, %swap3A_150, %swap3A_151, %swap3A_152] : memref<1x256x16x512xf32, #tpu.memory_space<vmem>>, vector<1x128x1x512xf32>
    %swap3A_154 = vector.shape_cast %swap3A_153 : vector<1x128x1x512xf32> to vector<128x512xf32>
    %swap3A_155 = vector.shape_cast %sub3A_148 : vector<128x512xf32> to vector<1x128x1x512xf32>
    tpu.vector_store %arg5[%swap3A_149, %swap3A_150, %swap3A_151, %swap3A_152], %swap3A_155 {strides = array<i32>} : memref<1x256x16x512xf32, #tpu.memory_space<vmem>>, vector<1x128x1x512xf32>,
    %get3A_156 = arith.constant 0 : index
    %get3A_157 = arith.constant 7 : index
    %get3A_158 = arith.constant 0 : index
    %get3A_159 = arith.constant 0 : index
    %get3A_160 = vector.load %arg2[%get3A_156, %get3A_157, %get3A_158, %get3A_159] : memref<1x16x512x128xf32, #tpu.memory_space<vmem>>, vector<1x1x512x128xf32>
    %get3A_161 = vector.shape_cast %get3A_160 : vector<1x1x512x128xf32> to vector<512x128xf32>
    %transpose3A_162 = tpu.transpose %get3A_161, [1, 0] : vector<512x128xf32> -> vector<128x512xf32>
    %swap3A_163 = arith.constant 0 : index
    %swap3A_164 = arith.constant 0 : index
    %swap3A_165 = arith.constant 7 : index
    %swap3A_166 = arith.constant 0 : index
    %swap3A_167 = vector.load %arg5[%swap3A_163, %swap3A_164, %swap3A_165, %swap3A_166] : memref<1x256x16x512xf32, #tpu.memory_space<vmem>>, vector<1x128x1x512xf32>
    %swap3A_168 = vector.shape_cast %swap3A_167 : vector<1x128x1x512xf32> to vector<128x512xf32>
    %swap3A_169 = vector.shape_cast %get3A_4 : vector<128x512xf32> to vector<1x128x1x512xf32>
    tpu.vector_store %arg5[%swap3A_163, %swap3A_164, %swap3A_165, %swap3A_166], %swap3A_169 {strides = array<i32>} : memref<1x256x16x512xf32, #tpu.memory_space<vmem>>, vector<1x128x1x512xf32>,
    %sub3A_170 = arith.subf %transpose3A_162, %get3A_4 : vector<128x512xf32>
    %swap3A_171 = arith.constant 0 : index
    %swap3A_172 = arith.constant 128 : index
    %swap3A_173 = arith.constant 7 : index
    %swap3A_174 = arith.constant 0 : index
    %swap3A_175 = vector.load %arg5[%swap3A_171, %swap3A_172, %swap3A_173, %swap3A_174] : memref<1x256x16x512xf32, #tpu.memory_space<vmem>>, vector<1x128x1x512xf32>
    %swap3A_176 = vector.shape_cast %swap3A_175 : vector<1x128x1x512xf32> to vector<128x512xf32>
    %swap3A_177 = vector.shape_cast %sub3A_170 : vector<128x512xf32> to vector<1x128x1x512xf32>
    tpu.vector_store %arg5[%swap3A_171, %swap3A_172, %swap3A_173, %swap3A_174], %swap3A_177 {strides = array<i32>} : memref<1x256x16x512xf32, #tpu.memory_space<vmem>>, vector<1x128x1x512xf32>,
    %get3A_178 = arith.constant 0 : index
    %get3A_179 = arith.constant 8 : index
    %get3A_180 = arith.constant 0 : index
    %get3A_181 = arith.constant 0 : index
    %get3A_182 = vector.load %arg2[%get3A_178, %get3A_179, %get3A_180, %get3A_181] : memref<1x16x512x128xf32, #tpu.memory_space<vmem>>, vector<1x1x512x128xf32>
    %get3A_183 = vector.shape_cast %get3A_182 : vector<1x1x512x128xf32> to vector<512x128xf32>
    %transpose3A_184 = tpu.transpose %get3A_183, [1, 0] : vector<512x128xf32> -> vector<128x512xf32>
    %swap3A_185 = arith.constant 0 : index
    %swap3A_186 = arith.constant 0 : index
    %swap3A_187 = arith.constant 8 : index
    %swap3A_188 = arith.constant 0 : index
    %swap3A_189 = vector.load %arg5[%swap3A_185, %swap3A_186, %swap3A_187, %swap3A_188] : memref<1x256x16x512xf32, #tpu.memory_space<vmem>>, vector<1x128x1x512xf32>
    %swap3A_190 = vector.shape_cast %swap3A_189 : vector<1x128x1x512xf32> to vector<128x512xf32>
    %swap3A_191 = vector.shape_cast %get3A_4 : vector<128x512xf32> to vector<1x128x1x512xf32>
    tpu.vector_store %arg5[%swap3A_185, %swap3A_186, %swap3A_187, %swap3A_188], %swap3A_191 {strides = array<i32>} : memref<1x256x16x512xf32, #tpu.memory_space<vmem>>, vector<1x128x1x512xf32>,
    %sub3A_192 = arith.subf %transpose3A_184, %get3A_4 : vector<128x512xf32>
    %swap3A_193 = arith.constant 0 : index
    %swap3A_194 = arith.constant 128 : index
    %swap3A_195 = arith.constant 8 : index
    %swap3A_196 = arith.constant 0 : index
    %swap3A_197 = vector.load %arg5[%swap3A_193, %swap3A_194, %swap3A_195, %swap3A_196] : memref<1x256x16x512xf32, #tpu.memory_space<vmem>>, vector<1x128x1x512xf32>
    %swap3A_198 = vector.shape_cast %swap3A_197 : vector<1x128x1x512xf32> to vector<128x512xf32>
    %swap3A_199 = vector.shape_cast %sub3A_192 : vector<128x512xf32> to vector<1x128x1x512xf32>
    tpu.vector_store %arg5[%swap3A_193, %swap3A_194, %swap3A_195, %swap3A_196], %swap3A_199 {strides = array<i32>} : memref<1x256x16x512xf32, #tpu.memory_space<vmem>>, vector<1x128x1x512xf32>,
    %get3A_200 = arith.constant 0 : index
    %get3A_201 = arith.constant 9 : index
    %get3A_202 = arith.constant 0 : index
    %get3A_203 = arith.constant 0 : index
    %get3A_204 = vector.load %arg2[%get3A_200, %get3A_201, %get3A_202, %get3A_203] : memref<1x16x512x128xf32, #tpu.memory_space<vmem>>, vector<1x1x512x128xf32>
    %get3A_205 = vector.shape_cast %get3A_204 : vector<1x1x512x128xf32> to vector<512x128xf32>
    %transpose3A_206 = tpu.transpose %get3A_205, [1, 0] : vector<512x128xf32> -> vector<128x512xf32>
    %swap3A_207 = arith.constant 0 : index
    %swap3A_208 = arith.constant 0 : index
    %swap3A_209 = arith.constant 9 : index
    %swap3A_210 = arith.constant 0 : index
    %swap3A_211 = vector.load %arg5[%swap3A_207, %swap3A_208, %swap3A_209, %swap3A_210] : memref<1x256x16x512xf32, #tpu.memory_space<vmem>>, vector<1x128x1x512xf32>
    %swap3A_212 = vector.shape_cast %swap3A_211 : vector<1x128x1x512xf32> to vector<128x512xf32>
    %swap3A_213 = vector.shape_cast %get3A_4 : vector<128x512xf32> to vector<1x128x1x512xf32>
    tpu.vector_store %arg5[%swap3A_207, %swap3A_208, %swap3A_209, %swap3A_210], %swap3A_213 {strides = array<i32>} : memref<1x256x16x512xf32, #tpu.memory_space<vmem>>, vector<1x128x1x512xf32>,
    %sub3A_214 = arith.subf %transpose3A_206, %get3A_4 : vector<128x512xf32>
    %swap3A_215 = arith.constant 0 : index
    %swap3A_216 = arith.constant 128 : index
    %swap3A_217 = arith.constant 9 : index
    %swap3A_218 = arith.constant 0 : index
    %swap3A_219 = vector.load %arg5[%swap3A_215, %swap3A_216, %swap3A_217, %swap3A_218] : memref<1x256x16x512xf32, #tpu.memory_space<vmem>>, vector<1x128x1x512xf32>
    %swap3A_220 = vector.shape_cast %swap3A_219 : vector<1x128x1x512xf32> to vector<128x512xf32>
    %swap3A_221 = vector.shape_cast %sub3A_214 : vector<128x512xf32> to vector<1x128x1x512xf32>
    tpu.vector_store %arg5[%swap3A_215, %swap3A_216, %swap3A_217, %swap3A_218], %swap3A_221 {strides = array<i32>} : memref<1x256x16x512xf32, #tpu.memory_space<vmem>>, vector<1x128x1x512xf32>,
    %get3A_222 = arith.constant 0 : index
    %get3A_223 = arith.constant 10 : index
    %get3A_224 = arith.constant 0 : index
    %get3A_225 = arith.constant 0 : index
    %get3A_226 = vector.load %arg2[%get3A_222, %get3A_223, %get3A_224, %get3A_225] : memref<1x16x512x128xf32, #tpu.memory_space<vmem>>, vector<1x1x512x128xf32>
    %get3A_227 = vector.shape_cast %get3A_226 : vector<1x1x512x128xf32> to vector<512x128xf32>
    %transpose3A_228 = tpu.transpose %get3A_227, [1, 0] : vector<512x128xf32> -> vector<128x512xf32>
    %swap3A_229 = arith.constant 0 : index
    %swap3A_230 = arith.constant 0 : index
    %swap3A_231 = arith.constant 10 : index
    %swap3A_232 = arith.constant 0 : index
    %swap3A_233 = vector.load %arg5[%swap3A_229, %swap3A_230, %swap3A_231, %swap3A_232] : memref<1x256x16x512xf32, #tpu.memory_space<vmem>>, vector<1x128x1x512xf32>
    %swap3A_234 = vector.shape_cast %swap3A_233 : vector<1x128x1x512xf32> to vector<128x512xf32>
    %swap3A_235 = vector.shape_cast %get3A_4 : vector<128x512xf32> to vector<1x128x1x512xf32>
    tpu.vector_store %arg5[%swap3A_229, %swap3A_230, %swap3A_231, %swap3A_232], %swap3A_235 {strides = array<i32>} : memref<1x256x16x512xf32, #tpu.memory_space<vmem>>, vector<1x128x1x512xf32>,
    %sub3A_236 = arith.subf %transpose3A_228, %get3A_4 : vector<128x512xf32>
    %swap3A_237 = arith.constant 0 : index
    %swap3A_238 = arith.constant 128 : index
    %swap3A_239 = arith.constant 10 : index
    %swap3A_240 = arith.constant 0 : index
    %swap3A_241 = vector.load %arg5[%swap3A_237, %swap3A_238, %swap3A_239, %swap3A_240] : memref<1x256x16x512xf32, #tpu.memory_space<vmem>>, vector<1x128x1x512xf32>
    %swap3A_242 = vector.shape_cast %swap3A_241 : vector<1x128x1x512xf32> to vector<128x512xf32>
    %swap3A_243 = vector.shape_cast %sub3A_236 : vector<128x512xf32> to vector<1x128x1x512xf32>
    tpu.vector_store %arg5[%swap3A_237, %swap3A_238, %swap3A_239, %swap3A_240], %swap3A_243 {strides = array<i32>} : memref<1x256x16x512xf32, #tpu.memory_space<vmem>>, vector<1x128x1x512xf32>,
    %get3A_244 = arith.constant 0 : index
    %get3A_245 = arith.constant 11 : index
    %get3A_246 = arith.constant 0 : index
    %get3A_247 = arith.constant 0 : index
    %get3A_248 = vector.load %arg2[%get3A_244, %get3A_245, %get3A_246, %get3A_247] : memref<1x16x512x128xf32, #tpu.memory_space<vmem>>, vector<1x1x512x128xf32>
    %get3A_249 = vector.shape_cast %get3A_248 : vector<1x1x512x128xf32> to vector<512x128xf32>
    %transpose3A_250 = tpu.transpose %get3A_249, [1, 0] : vector<512x128xf32> -> vector<128x512xf32>
    %swap3A_251 = arith.constant 0 : index
    %swap3A_252 = arith.constant 0 : index
    %swap3A_253 = arith.constant 11 : index
    %swap3A_254 = arith.constant 0 : index
    %swap3A_255 = vector.load %arg5[%swap3A_251, %swap3A_252, %swap3A_253, %swap3A_254] : memref<1x256x16x512xf32, #tpu.memory_space<vmem>>, vector<1x128x1x512xf32>
    %swap3A_256 = vector.shape_cast %swap3A_255 : vector<1x128x1x512xf32> to vector<128x512xf32>
    %swap3A_257 = vector.shape_cast %get3A_4 : vector<128x512xf32> to vector<1x128x1x512xf32>
    tpu.vector_store %arg5[%swap3A_251, %swap3A_252, %swap3A_253, %swap3A_254], %swap3A_257 {strides = array<i32>} : memref<1x256x16x512xf32, #tpu.memory_space<vmem>>, vector<1x128x1x512xf32>,
    %sub3A_258 = arith.subf %transpose3A_250, %get3A_4 : vector<128x512xf32>
    %swap3A_259 = arith.constant 0 : index
    %swap3A_260 = arith.constant 128 : index
    %swap3A_261 = arith.constant 11 : index
    %swap3A_262 = arith.constant 0 : index
    %swap3A_263 = vector.load %arg5[%swap3A_259, %swap3A_260, %swap3A_261, %swap3A_262] : memref<1x256x16x512xf32, #tpu.memory_space<vmem>>, vector<1x128x1x512xf32>
    %swap3A_264 = vector.shape_cast %swap3A_263 : vector<1x128x1x512xf32> to vector<128x512xf32>
    %swap3A_265 = vector.shape_cast %sub3A_258 : vector<128x512xf32> to vector<1x128x1x512xf32>
    tpu.vector_store %arg5[%swap3A_259, %swap3A_260, %swap3A_261, %swap3A_262], %swap3A_265 {strides = array<i32>} : memref<1x256x16x512xf32, #tpu.memory_space<vmem>>, vector<1x128x1x512xf32>,
    %get3A_266 = arith.constant 0 : index
    %get3A_267 = arith.constant 12 : index
    %get3A_268 = arith.constant 0 : index
    %get3A_269 = arith.constant 0 : index
    %get3A_270 = vector.load %arg2[%get3A_266, %get3A_267, %get3A_268, %get3A_269] : memref<1x16x512x128xf32, #tpu.memory_space<vmem>>, vector<1x1x512x128xf32>
    %get3A_271 = vector.shape_cast %get3A_270 : vector<1x1x512x128xf32> to vector<512x128xf32>
    %transpose3A_272 = tpu.transpose %get3A_271, [1, 0] : vector<512x128xf32> -> vector<128x512xf32>
    %swap3A_273 = arith.constant 0 : index
    %swap3A_274 = arith.constant 0 : index
    %swap3A_275 = arith.constant 12 : index
    %swap3A_276 = arith.constant 0 : index
    %swap3A_277 = vector.load %arg5[%swap3A_273, %swap3A_274, %swap3A_275, %swap3A_276] : memref<1x256x16x512xf32, #tpu.memory_space<vmem>>, vector<1x128x1x512xf32>
    %swap3A_278 = vector.shape_cast %swap3A_277 : vector<1x128x1x512xf32> to vector<128x512xf32>
    %swap3A_279 = vector.shape_cast %get3A_4 : vector<128x512xf32> to vector<1x128x1x512xf32>
    tpu.vector_store %arg5[%swap3A_273, %swap3A_274, %swap3A_275, %swap3A_276], %swap3A_279 {strides = array<i32>} : memref<1x256x16x512xf32, #tpu.memory_space<vmem>>, vector<1x128x1x512xf32>,
    %sub3A_280 = arith.subf %transpose3A_272, %get3A_4 : vector<128x512xf32>
    %swap3A_281 = arith.constant 0 : index
    %swap3A_282 = arith.constant 128 : index
    %swap3A_283 = arith.constant 12 : index
    %swap3A_284 = arith.constant 0 : index
    %swap3A_285 = vector.load %arg5[%swap3A_281, %swap3A_282, %swap3A_283, %swap3A_284] : memref<1x256x16x512xf32, #tpu.memory_space<vmem>>, vector<1x128x1x512xf32>
    %swap3A_286 = vector.shape_cast %swap3A_285 : vector<1x128x1x512xf32> to vector<128x512xf32>
    %swap3A_287 = vector.shape_cast %sub3A_280 : vector<128x512xf32> to vector<1x128x1x512xf32>
    tpu.vector_store %arg5[%swap3A_281, %swap3A_282, %swap3A_283, %swap3A_284], %swap3A_287 {strides = array<i32>} : memref<1x256x16x512xf32, #tpu.memory_space<vmem>>, vector<1x128x1x512xf32>,
    %get3A_288 = arith.constant 0 : index
    %get3A_289 = arith.constant 13 : index
    %get3A_290 = arith.constant 0 : index
    %get3A_291 = arith.constant 0 : index
    %get3A_292 = vector.load %arg2[%get3A_288, %get3A_289, %get3A_290, %get3A_291] : memref<1x16x512x128xf32, #tpu.memory_space<vmem>>, vector<1x1x512x128xf32>
    %get3A_293 = vector.shape_cast %get3A_292 : vector<1x1x512x128xf32> to vector<512x128xf32>
    %transpose3A_294 = tpu.transpose %get3A_293, [1, 0] : vector<512x128xf32> -> vector<128x512xf32>
    %swap3A_295 = arith.constant 0 : index
    %swap3A_296 = arith.constant 0 : index
    %swap3A_297 = arith.constant 13 : index
    %swap3A_298 = arith.constant 0 : index
    %swap3A_299 = vector.load %arg5[%swap3A_295, %swap3A_296, %swap3A_297, %swap3A_298] : memref<1x256x16x512xf32, #tpu.memory_space<vmem>>, vector<1x128x1x512xf32>
    %swap3A_300 = vector.shape_cast %swap3A_299 : vector<1x128x1x512xf32> to vector<128x512xf32>
    %swap3A_301 = vector.shape_cast %get3A_4 : vector<128x512xf32> to vector<1x128x1x512xf32>
    tpu.vector_store %arg5[%swap3A_295, %swap3A_296, %swap3A_297, %swap3A_298], %swap3A_301 {strides = array<i32>} : memref<1x256x16x512xf32, #tpu.memory_space<vmem>>, vector<1x128x1x512xf32>,
    %sub3A_302 = arith.subf %transpose3A_294, %get3A_4 : vector<128x512xf32>
    %swap3A_303 = arith.constant 0 : index
    %swap3A_304 = arith.constant 128 : index
    %swap3A_305 = arith.constant 13 : index
    %swap3A_306 = arith.constant 0 : index
    %swap3A_307 = vector.load %arg5[%swap3A_303, %swap3A_304, %swap3A_305, %swap3A_306] : memref<1x256x16x512xf32, #tpu.memory_space<vmem>>, vector<1x128x1x512xf32>
    %swap3A_308 = vector.shape_cast %swap3A_307 : vector<1x128x1x512xf32> to vector<128x512xf32>
    %swap3A_309 = vector.shape_cast %sub3A_302 : vector<128x512xf32> to vector<1x128x1x512xf32>
    tpu.vector_store %arg5[%swap3A_303, %swap3A_304, %swap3A_305, %swap3A_306], %swap3A_309 {strides = array<i32>} : memref<1x256x16x512xf32, #tpu.memory_space<vmem>>, vector<1x128x1x512xf32>,
    %get3A_310 = arith.constant 0 : index
    %get3A_311 = arith.constant 14 : index
    %get3A_312 = arith.constant 0 : index
    %get3A_313 = arith.constant 0 : index
    %get3A_314 = vector.load %arg2[%get3A_310, %get3A_311, %get3A_312, %get3A_313] : memref<1x16x512x128xf32, #tpu.memory_space<vmem>>, vector<1x1x512x128xf32>
    %get3A_315 = vector.shape_cast %get3A_314 : vector<1x1x512x128xf32> to vector<512x128xf32>
    %transpose3A_316 = tpu.transpose %get3A_315, [1, 0] : vector<512x128xf32> -> vector<128x512xf32>
    %swap3A_317 = arith.constant 0 : index
    %swap3A_318 = arith.constant 0 : index
    %swap3A_319 = arith.constant 14 : index
    %swap3A_320 = arith.constant 0 : index
    %swap3A_321 = vector.load %arg5[%swap3A_317, %swap3A_318, %swap3A_319, %swap3A_320] : memref<1x256x16x512xf32, #tpu.memory_space<vmem>>, vector<1x128x1x512xf32>
    %swap3A_322 = vector.shape_cast %swap3A_321 : vector<1x128x1x512xf32> to vector<128x512xf32>
    %swap3A_323 = vector.shape_cast %get3A_4 : vector<128x512xf32> to vector<1x128x1x512xf32>
    tpu.vector_store %arg5[%swap3A_317, %swap3A_318, %swap3A_319, %swap3A_320], %swap3A_323 {strides = array<i32>} : memref<1x256x16x512xf32, #tpu.memory_space<vmem>>, vector<1x128x1x512xf32>,
    %sub3A_324 = arith.subf %transpose3A_316, %get3A_4 : vector<128x512xf32>
    %swap3A_325 = arith.constant 0 : index
    %swap3A_326 = arith.constant 128 : index
    %swap3A_327 = arith.constant 14 : index
    %swap3A_328 = arith.constant 0 : index
    %swap3A_329 = vector.load %arg5[%swap3A_325, %swap3A_326, %swap3A_327, %swap3A_328] : memref<1x256x16x512xf32, #tpu.memory_space<vmem>>, vector<1x128x1x512xf32>
    %swap3A_330 = vector.shape_cast %swap3A_329 : vector<1x128x1x512xf32> to vector<128x512xf32>
    %swap3A_331 = vector.shape_cast %sub3A_324 : vector<128x512xf32> to vector<1x128x1x512xf32>
    tpu.vector_store %arg5[%swap3A_325, %swap3A_326, %swap3A_327, %swap3A_328], %swap3A_331 {strides = array<i32>} : memref<1x256x16x512xf32, #tpu.memory_space<vmem>>, vector<1x128x1x512xf32>,
    %get3A_332 = arith.constant 0 : index
    %get3A_333 = arith.constant 15 : index
    %get3A_334 = arith.constant 0 : index
    %get3A_335 = arith.constant 0 : index
    %get3A_336 = vector.load %arg2[%get3A_332, %get3A_333, %get3A_334, %get3A_335] : memref<1x16x512x128xf32, #tpu.memory_space<vmem>>, vector<1x1x512x128xf32>
    %get3A_337 = vector.shape_cast %get3A_336 : vector<1x1x512x128xf32> to vector<512x128xf32>
    %transpose3A_338 = tpu.transpose %get3A_337, [1, 0] : vector<512x128xf32> -> vector<128x512xf32>
    %swap3A_339 = arith.constant 0 : index
    %swap3A_340 = arith.constant 0 : index
    %swap3A_341 = arith.constant 15 : index
    %swap3A_342 = arith.constant 0 : index
    %swap3A_343 = vector.load %arg5[%swap3A_339, %swap3A_340, %swap3A_341, %swap3A_342] : memref<1x256x16x512xf32, #tpu.memory_space<vmem>>, vector<1x128x1x512xf32>
    %swap3A_344 = vector.shape_cast %swap3A_343 : vector<1x128x1x512xf32> to vector<128x512xf32>
    %swap3A_345 = vector.shape_cast %get3A_4 : vector<128x512xf32> to vector<1x128x1x512xf32>
    tpu.vector_store %arg5[%swap3A_339, %swap3A_340, %swap3A_341, %swap3A_342], %swap3A_345 {strides = array<i32>} : memref<1x256x16x512xf32, #tpu.memory_space<vmem>>, vector<1x128x1x512xf32>,
    %sub3A_346 = arith.subf %transpose3A_338, %get3A_4 : vector<128x512xf32>
    %swap3A_347 = arith.constant 0 : index
    %swap3A_348 = arith.constant 128 : index
    %swap3A_349 = arith.constant 15 : index
    %swap3A_350 = arith.constant 0 : index
    %swap3A_351 = vector.load %arg5[%swap3A_347, %swap3A_348, %swap3A_349, %swap3A_350] : memref<1x256x16x512xf32, #tpu.memory_space<vmem>>, vector<1x128x1x512xf32>
    %swap3A_352 = vector.shape_cast %swap3A_351 : vector<1x128x1x512xf32> to vector<128x512xf32>
    %swap3A_353 = vector.shape_cast %sub3A_346 : vector<128x512xf32> to vector<1x128x1x512xf32>
    tpu.vector_store %arg5[%swap3A_347, %swap3A_348, %swap3A_349, %swap3A_350], %swap3A_353 {strides = array<i32>} : memref<1x256x16x512xf32, #tpu.memory_space<vmem>>, vector<1x128x1x512xf32>,
    return
  }
  func.func @transform_0(%arg0: i32, %arg1: i32) -> (i32, i32, i32, i32) {
    %c0_i32 = arith.constant 0 : i32
    %c0_i32_0 = arith.constant 0 : i32
    %c0_i32_1 = arith.constant 0 : i32
    return %arg0, %c0_i32, %arg1, %c0_i32_0 : i32, i32, i32, i32
  }
  func.func @transform_1(%arg0: i32, %arg1: i32) -> (i32, i32, i32) {
    %add3A = arith.constant 4 : i32
    %add3A_0 = arith.addi %arg0, %add3A : i32
    %c0_i32 = arith.constant 0 : i32
    %c0_i32_1 = arith.constant 0 : i32
    %c0_i32_2 = arith.constant 0 : i32
    return %add3A_0, %c0_i32, %c0_i32_1 : i32, i32, i32
  }
  func.func @transform_3(%arg0: i32, %arg1: i32) -> (i32, i32, i32, i32) {
    %add3A = arith.constant 4 : i32
    %add3A_0 = arith.addi %arg0, %add3A : i32
    %c0_i32 = arith.constant 0 : i32
    %c0_i32_1 = arith.constant 0 : i32
    %c0_i32_2 = arith.constant 0 : i32
    return %add3A_0, %c0_i32, %c0_i32_1, %arg1 : i32, i32, i32, i32
  }
}

module attributes {stable_mosaic.version = 14 : i64} {
  func.func @_finalize_alias_kernel(%arg0: i32, %arg1: i32, %arg2: memref<1x16x512x128xf32, #tpu.memory_space<vmem>>, %arg3: memref<1x128x2048xf32, #tpu.memory_space<vmem>>, %arg4: memref<8x256x16x2048xf32, #tpu.memory_space<any>>, %arg5: memref<1x256x16x512xf32, #tpu.memory_space<vmem>>) attributes {dimension_semantics = [#tpu.dimension_semantics<parallel>, #tpu.dimension_semantics<parallel>], iteration_bounds = array<i64: 2, 4>, scalar_prefetch = 0 : i64, scratch_operands = 0 : i64, tpu.core_type = #tpu.core_type<tc>, window_params = [{transform_indices = @transform_0, window_bounds = array<i64: 1, 16, 512, 128>}, {transform_indices = @transform_1, window_bounds = array<i64: 1, 128, 2048>}, {}, {transform_indices = @transform_3, window_bounds = array<i64: 1, 256, 16, 512>}]} {
    %mul3A = arith.constant 512 : i32
    %mul3A_0 = arith.muli %arg1, %mul3A : i32
    %get3A = arith.constant 0 : index
    %get3A_1 = arith.constant 0 : index
    %get3A_2 = arith.index_cast %mul3A_0 : i32 to index
    %get3A_3 = vector.load %arg3[%get3A, %get3A_1, %get3A_2] : memref<1x128x2048xf32, #tpu.memory_space<vmem>>, vector<1x128x512xf32>
    %get3A_4 = vector.shape_cast %get3A_3 : vector<1x128x512xf32> to vector<128x512xf32>
    %get3A_5 = arith.constant 0 : index
    %get3A_6 = arith.constant 0 : index
    %get3A_7 = arith.constant 0 : index
    %get3A_8 = arith.constant 0 : index
    %get3A_9 = vector.load %arg2[%get3A_5, %get3A_6, %get3A_7, %get3A_8] : memref<1x16x512x128xf32, #tpu.memory_space<vmem>>, vector<1x1x512x128xf32>
    %get3A_10 = vector.shape_cast %get3A_9 : vector<1x1x512x128xf32> to vector<512x128xf32>
    %transpose3A = tpu.transpose %get3A_10, [1, 0] : vector<512x128xf32> -> vector<128x512xf32>
    %swap3A = arith.constant 0 : index
    %swap3A_11 = arith.constant 0 : index
    %swap3A_12 = arith.constant 0 : index
    %swap3A_13 = arith.constant 0 : index
    %swap3A_14 = vector.load %arg5[%swap3A, %swap3A_11, %swap3A_12, %swap3A_13] : memref<1x256x16x512xf32, #tpu.memory_space<vmem>>, vector<1x128x1x512xf32>
    %swap3A_15 = vector.shape_cast %swap3A_14 : vector<1x128x1x512xf32> to vector<128x512xf32>
    %swap3A_16 = vector.shape_cast %get3A_4 : vector<128x512xf32> to vector<1x128x1x512xf32>
    tpu.vector_store %arg5[%swap3A, %swap3A_11, %swap3A_12, %swap3A_13], %swap3A_16 {strides = array<i32>} : memref<1x256x16x512xf32, #tpu.memory_space<vmem>>, vector<1x128x1x512xf32>,
    %sub3A = arith.subf %transpose3A, %get3A_4 : vector<128x512xf32>
    %swap3A_17 = arith.constant 0 : index
    %swap3A_18 = arith.constant 128 : index
    %swap3A_19 = arith.constant 0 : index
    %swap3A_20 = arith.constant 0 : index
    %swap3A_21 = vector.load %arg5[%swap3A_17, %swap3A_18, %swap3A_19, %swap3A_20] : memref<1x256x16x512xf32, #tpu.memory_space<vmem>>, vector<1x128x1x512xf32>
    %swap3A_22 = vector.shape_cast %swap3A_21 : vector<1x128x1x512xf32> to vector<128x512xf32>
    %swap3A_23 = vector.shape_cast %sub3A : vector<128x512xf32> to vector<1x128x1x512xf32>
    tpu.vector_store %arg5[%swap3A_17, %swap3A_18, %swap3A_19, %swap3A_20], %swap3A_23 {strides = array<i32>} : memref<1x256x16x512xf32, #tpu.memory_space<vmem>>, vector<1x128x1x512xf32>,
    %get3A_24 = arith.constant 0 : index
    %get3A_25 = arith.constant 1 : index
    %get3A_26 = arith.constant 0 : index
    %get3A_27 = arith.constant 0 : index
    %get3A_28 = vector.load %arg2[%get3A_24, %get3A_25, %get3A_26, %get3A_27] : memref<1x16x512x128xf32, #tpu.memory_space<vmem>>, vector<1x1x512x128xf32>
    %get3A_29 = vector.shape_cast %get3A_28 : vector<1x1x512x128xf32> to vector<512x128xf32>
    %transpose3A_30 = tpu.transpose %get3A_29, [1, 0] : vector<512x128xf32> -> vector<128x512xf32>
    %swap3A_31 = arith.constant 0 : index
    %swap3A_32 = arith.constant 0 : index
    %swap3A_33 = arith.constant 1 : index
    %swap3A_34 = arith.constant 0 : index
    %swap3A_35 = vector.load %arg5[%swap3A_31, %swap3A_32, %swap3A_33, %swap3A_34] : memref<1x256x16x512xf32, #tpu.memory_space<vmem>>, vector<1x128x1x512xf32>
    %swap3A_36 = vector.shape_cast %swap3A_35 : vector<1x128x1x512xf32> to vector<128x512xf32>
    %swap3A_37 = vector.shape_cast %get3A_4 : vector<128x512xf32> to vector<1x128x1x512xf32>
    tpu.vector_store %arg5[%swap3A_31, %swap3A_32, %swap3A_33, %swap3A_34], %swap3A_37 {strides = array<i32>} : memref<1x256x16x512xf32, #tpu.memory_space<vmem>>, vector<1x128x1x512xf32>,
    %sub3A_38 = arith.subf %transpose3A_30, %get3A_4 : vector<128x512xf32>
    %swap3A_39 = arith.constant 0 : index
    %swap3A_40 = arith.constant 128 : index
    %swap3A_41 = arith.constant 1 : index
    %swap3A_42 = arith.constant 0 : index
    %swap3A_43 = vector.load %arg5[%swap3A_39, %swap3A_40, %swap3A_41, %swap3A_42] : memref<1x256x16x512xf32, #tpu.memory_space<vmem>>, vector<1x128x1x512xf32>
    %swap3A_44 = vector.shape_cast %swap3A_43 : vector<1x128x1x512xf32> to vector<128x512xf32>
    %swap3A_45 = vector.shape_cast %sub3A_38 : vector<128x512xf32> to vector<1x128x1x512xf32>
    tpu.vector_store %arg5[%swap3A_39, %swap3A_40, %swap3A_41, %swap3A_42], %swap3A_45 {strides = array<i32>} : memref<1x256x16x512xf32, #tpu.memory_space<vmem>>, vector<1x128x1x512xf32>,
    %get3A_46 = arith.constant 0 : index
    %get3A_47 = arith.constant 2 : index
    %get3A_48 = arith.constant 0 : index
    %get3A_49 = arith.constant 0 : index
    %get3A_50 = vector.load %arg2[%get3A_46, %get3A_47, %get3A_48, %get3A_49] : memref<1x16x512x128xf32, #tpu.memory_space<vmem>>, vector<1x1x512x128xf32>
    %get3A_51 = vector.shape_cast %get3A_50 : vector<1x1x512x128xf32> to vector<512x128xf32>
    %transpose3A_52 = tpu.transpose %get3A_51, [1, 0] : vector<512x128xf32> -> vector<128x512xf32>
    %swap3A_53 = arith.constant 0 : index
    %swap3A_54 = arith.constant 0 : index
    %swap3A_55 = arith.constant 2 : index
    %swap3A_56 = arith.constant 0 : index
    %swap3A_57 = vector.load %arg5[%swap3A_53, %swap3A_54, %swap3A_55, %swap3A_56] : memref<1x256x16x512xf32, #tpu.memory_space<vmem>>, vector<1x128x1x512xf32>
    %swap3A_58 = vector.shape_cast %swap3A_57 : vector<1x128x1x512xf32> to vector<128x512xf32>
    %swap3A_59 = vector.shape_cast %get3A_4 : vector<128x512xf32> to vector<1x128x1x512xf32>
    tpu.vector_store %arg5[%swap3A_53, %swap3A_54, %swap3A_55, %swap3A_56], %swap3A_59 {strides = array<i32>} : memref<1x256x16x512xf32, #tpu.memory_space<vmem>>, vector<1x128x1x512xf32>,
    %sub3A_60 = arith.subf %transpose3A_52, %get3A_4 : vector<128x512xf32>
    %swap3A_61 = arith.constant 0 : index
    %swap3A_62 = arith.constant 128 : index
    %swap3A_63 = arith.constant 2 : index
    %swap3A_64 = arith.constant 0 : index
    %swap3A_65 = vector.load %arg5[%swap3A_61, %swap3A_62, %swap3A_63, %swap3A_64] : memref<1x256x16x512xf32, #tpu.memory_space<vmem>>, vector<1x128x1x512xf32>
    %swap3A_66 = vector.shape_cast %swap3A_65 : vector<1x128x1x512xf32> to vector<128x512xf32>
    %swap3A_67 = vector.shape_cast %sub3A_60 : vector<128x512xf32> to vector<1x128x1x512xf32>
    tpu.vector_store %arg5[%swap3A_61, %swap3A_62, %swap3A_63, %swap3A_64], %swap3A_67 {strides = array<i32>} : memref<1x256x16x512xf32, #tpu.memory_space<vmem>>, vector<1x128x1x512xf32>,
    %get3A_68 = arith.constant 0 : index
    %get3A_69 = arith.constant 3 : index
    %get3A_70 = arith.constant 0 : index
    %get3A_71 = arith.constant 0 : index
    %get3A_72 = vector.load %arg2[%get3A_68, %get3A_69, %get3A_70, %get3A_71] : memref<1x16x512x128xf32, #tpu.memory_space<vmem>>, vector<1x1x512x128xf32>
    %get3A_73 = vector.shape_cast %get3A_72 : vector<1x1x512x128xf32> to vector<512x128xf32>
    %transpose3A_74 = tpu.transpose %get3A_73, [1, 0] : vector<512x128xf32> -> vector<128x512xf32>
    %swap3A_75 = arith.constant 0 : index
    %swap3A_76 = arith.constant 0 : index
    %swap3A_77 = arith.constant 3 : index
    %swap3A_78 = arith.constant 0 : index
    %swap3A_79 = vector.load %arg5[%swap3A_75, %swap3A_76, %swap3A_77, %swap3A_78] : memref<1x256x16x512xf32, #tpu.memory_space<vmem>>, vector<1x128x1x512xf32>
    %swap3A_80 = vector.shape_cast %swap3A_79 : vector<1x128x1x512xf32> to vector<128x512xf32>
    %swap3A_81 = vector.shape_cast %get3A_4 : vector<128x512xf32> to vector<1x128x1x512xf32>
    tpu.vector_store %arg5[%swap3A_75, %swap3A_76, %swap3A_77, %swap3A_78], %swap3A_81 {strides = array<i32>} : memref<1x256x16x512xf32, #tpu.memory_space<vmem>>, vector<1x128x1x512xf32>,
    %sub3A_82 = arith.subf %transpose3A_74, %get3A_4 : vector<128x512xf32>
    %swap3A_83 = arith.constant 0 : index
    %swap3A_84 = arith.constant 128 : index
    %swap3A_85 = arith.constant 3 : index
    %swap3A_86 = arith.constant 0 : index
    %swap3A_87 = vector.load %arg5[%swap3A_83, %swap3A_84, %swap3A_85, %swap3A_86] : memref<1x256x16x512xf32, #tpu.memory_space<vmem>>, vector<1x128x1x512xf32>
    %swap3A_88 = vector.shape_cast %swap3A_87 : vector<1x128x1x512xf32> to vector<128x512xf32>
    %swap3A_89 = vector.shape_cast %sub3A_82 : vector<128x512xf32> to vector<1x128x1x512xf32>
    tpu.vector_store %arg5[%swap3A_83, %swap3A_84, %swap3A_85, %swap3A_86], %swap3A_89 {strides = array<i32>} : memref<1x256x16x512xf32, #tpu.memory_space<vmem>>, vector<1x128x1x512xf32>,
    %get3A_90 = arith.constant 0 : index
    %get3A_91 = arith.constant 4 : index
    %get3A_92 = arith.constant 0 : index
    %get3A_93 = arith.constant 0 : index
    %get3A_94 = vector.load %arg2[%get3A_90, %get3A_91, %get3A_92, %get3A_93] : memref<1x16x512x128xf32, #tpu.memory_space<vmem>>, vector<1x1x512x128xf32>
    %get3A_95 = vector.shape_cast %get3A_94 : vector<1x1x512x128xf32> to vector<512x128xf32>
    %transpose3A_96 = tpu.transpose %get3A_95, [1, 0] : vector<512x128xf32> -> vector<128x512xf32>
    %swap3A_97 = arith.constant 0 : index
    %swap3A_98 = arith.constant 0 : index
    %swap3A_99 = arith.constant 4 : index
    %swap3A_100 = arith.constant 0 : index
    %swap3A_101 = vector.load %arg5[%swap3A_97, %swap3A_98, %swap3A_99, %swap3A_100] : memref<1x256x16x512xf32, #tpu.memory_space<vmem>>, vector<1x128x1x512xf32>
    %swap3A_102 = vector.shape_cast %swap3A_101 : vector<1x128x1x512xf32> to vector<128x512xf32>
    %swap3A_103 = vector.shape_cast %get3A_4 : vector<128x512xf32> to vector<1x128x1x512xf32>
    tpu.vector_store %arg5[%swap3A_97, %swap3A_98, %swap3A_99, %swap3A_100], %swap3A_103 {strides = array<i32>} : memref<1x256x16x512xf32, #tpu.memory_space<vmem>>, vector<1x128x1x512xf32>,
    %sub3A_104 = arith.subf %transpose3A_96, %get3A_4 : vector<128x512xf32>
    %swap3A_105 = arith.constant 0 : index
    %swap3A_106 = arith.constant 128 : index
    %swap3A_107 = arith.constant 4 : index
    %swap3A_108 = arith.constant 0 : index
    %swap3A_109 = vector.load %arg5[%swap3A_105, %swap3A_106, %swap3A_107, %swap3A_108] : memref<1x256x16x512xf32, #tpu.memory_space<vmem>>, vector<1x128x1x512xf32>
    %swap3A_110 = vector.shape_cast %swap3A_109 : vector<1x128x1x512xf32> to vector<128x512xf32>
    %swap3A_111 = vector.shape_cast %sub3A_104 : vector<128x512xf32> to vector<1x128x1x512xf32>
    tpu.vector_store %arg5[%swap3A_105, %swap3A_106, %swap3A_107, %swap3A_108], %swap3A_111 {strides = array<i32>} : memref<1x256x16x512xf32, #tpu.memory_space<vmem>>, vector<1x128x1x512xf32>,
    %get3A_112 = arith.constant 0 : index
    %get3A_113 = arith.constant 5 : index
    %get3A_114 = arith.constant 0 : index
    %get3A_115 = arith.constant 0 : index
    %get3A_116 = vector.load %arg2[%get3A_112, %get3A_113, %get3A_114, %get3A_115] : memref<1x16x512x128xf32, #tpu.memory_space<vmem>>, vector<1x1x512x128xf32>
    %get3A_117 = vector.shape_cast %get3A_116 : vector<1x1x512x128xf32> to vector<512x128xf32>
    %transpose3A_118 = tpu.transpose %get3A_117, [1, 0] : vector<512x128xf32> -> vector<128x512xf32>
    %swap3A_119 = arith.constant 0 : index
    %swap3A_120 = arith.constant 0 : index
    %swap3A_121 = arith.constant 5 : index
    %swap3A_122 = arith.constant 0 : index
    %swap3A_123 = vector.load %arg5[%swap3A_119, %swap3A_120, %swap3A_121, %swap3A_122] : memref<1x256x16x512xf32, #tpu.memory_space<vmem>>, vector<1x128x1x512xf32>
    %swap3A_124 = vector.shape_cast %swap3A_123 : vector<1x128x1x512xf32> to vector<128x512xf32>
    %swap3A_125 = vector.shape_cast %get3A_4 : vector<128x512xf32> to vector<1x128x1x512xf32>
    tpu.vector_store %arg5[%swap3A_119, %swap3A_120, %swap3A_121, %swap3A_122], %swap3A_125 {strides = array<i32>} : memref<1x256x16x512xf32, #tpu.memory_space<vmem>>, vector<1x128x1x512xf32>,
    %sub3A_126 = arith.subf %transpose3A_118, %get3A_4 : vector<128x512xf32>
    %swap3A_127 = arith.constant 0 : index
    %swap3A_128 = arith.constant 128 : index
    %swap3A_129 = arith.constant 5 : index
    %swap3A_130 = arith.constant 0 : index
    %swap3A_131 = vector.load %arg5[%swap3A_127, %swap3A_128, %swap3A_129, %swap3A_130] : memref<1x256x16x512xf32, #tpu.memory_space<vmem>>, vector<1x128x1x512xf32>
    %swap3A_132 = vector.shape_cast %swap3A_131 : vector<1x128x1x512xf32> to vector<128x512xf32>
    %swap3A_133 = vector.shape_cast %sub3A_126 : vector<128x512xf32> to vector<1x128x1x512xf32>
    tpu.vector_store %arg5[%swap3A_127, %swap3A_128, %swap3A_129, %swap3A_130], %swap3A_133 {strides = array<i32>} : memref<1x256x16x512xf32, #tpu.memory_space<vmem>>, vector<1x128x1x512xf32>,
    %get3A_134 = arith.constant 0 : index
    %get3A_135 = arith.constant 6 : index
    %get3A_136 = arith.constant 0 : index
    %get3A_137 = arith.constant 0 : index
    %get3A_138 = vector.load %arg2[%get3A_134, %get3A_135, %get3A_136, %get3A_137] : memref<1x16x512x128xf32, #tpu.memory_space<vmem>>, vector<1x1x512x128xf32>
    %get3A_139 = vector.shape_cast %get3A_138 : vector<1x1x512x128xf32> to vector<512x128xf32>
    %transpose3A_140 = tpu.transpose %get3A_139, [1, 0] : vector<512x128xf32> -> vector<128x512xf32>
    %swap3A_141 = arith.constant 0 : index
    %swap3A_142 = arith.constant 0 : index
    %swap3A_143 = arith.constant 6 : index
    %swap3A_144 = arith.constant 0 : index
    %swap3A_145 = vector.load %arg5[%swap3A_141, %swap3A_142, %swap3A_143, %swap3A_144] : memref<1x256x16x512xf32, #tpu.memory_space<vmem>>, vector<1x128x1x512xf32>
    %swap3A_146 = vector.shape_cast %swap3A_145 : vector<1x128x1x512xf32> to vector<128x512xf32>
    %swap3A_147 = vector.shape_cast %get3A_4 : vector<128x512xf32> to vector<1x128x1x512xf32>
    tpu.vector_store %arg5[%swap3A_141, %swap3A_142, %swap3A_143, %swap3A_144], %swap3A_147 {strides = array<i32>} : memref<1x256x16x512xf32, #tpu.memory_space<vmem>>, vector<1x128x1x512xf32>,
    %sub3A_148 = arith.subf %transpose3A_140, %get3A_4 : vector<128x512xf32>
    %swap3A_149 = arith.constant 0 : index
    %swap3A_150 = arith.constant 128 : index
    %swap3A_151 = arith.constant 6 : index
    %swap3A_152 = arith.constant 0 : index
    %swap3A_153 = vector.load %arg5[%swap3A_149, %swap3A_150, %swap3A_151, %swap3A_152] : memref<1x256x16x512xf32, #tpu.memory_space<vmem>>, vector<1x128x1x512xf32>
    %swap3A_154 = vector.shape_cast %swap3A_153 : vector<1x128x1x512xf32> to vector<128x512xf32>
    %swap3A_155 = vector.shape_cast %sub3A_148 : vector<128x512xf32> to vector<1x128x1x512xf32>
    tpu.vector_store %arg5[%swap3A_149, %swap3A_150, %swap3A_151, %swap3A_152], %swap3A_155 {strides = array<i32>} : memref<1x256x16x512xf32, #tpu.memory_space<vmem>>, vector<1x128x1x512xf32>,
    %get3A_156 = arith.constant 0 : index
    %get3A_157 = arith.constant 7 : index
    %get3A_158 = arith.constant 0 : index
    %get3A_159 = arith.constant 0 : index
    %get3A_160 = vector.load %arg2[%get3A_156, %get3A_157, %get3A_158, %get3A_159] : memref<1x16x512x128xf32, #tpu.memory_space<vmem>>, vector<1x1x512x128xf32>
    %get3A_161 = vector.shape_cast %get3A_160 : vector<1x1x512x128xf32> to vector<512x128xf32>
    %transpose3A_162 = tpu.transpose %get3A_161, [1, 0] : vector<512x128xf32> -> vector<128x512xf32>
    %swap3A_163 = arith.constant 0 : index
    %swap3A_164 = arith.constant 0 : index
    %swap3A_165 = arith.constant 7 : index
    %swap3A_166 = arith.constant 0 : index
    %swap3A_167 = vector.load %arg5[%swap3A_163, %swap3A_164, %swap3A_165, %swap3A_166] : memref<1x256x16x512xf32, #tpu.memory_space<vmem>>, vector<1x128x1x512xf32>
    %swap3A_168 = vector.shape_cast %swap3A_167 : vector<1x128x1x512xf32> to vector<128x512xf32>
    %swap3A_169 = vector.shape_cast %get3A_4 : vector<128x512xf32> to vector<1x128x1x512xf32>
    tpu.vector_store %arg5[%swap3A_163, %swap3A_164, %swap3A_165, %swap3A_166], %swap3A_169 {strides = array<i32>} : memref<1x256x16x512xf32, #tpu.memory_space<vmem>>, vector<1x128x1x512xf32>,
    %sub3A_170 = arith.subf %transpose3A_162, %get3A_4 : vector<128x512xf32>
    %swap3A_171 = arith.constant 0 : index
    %swap3A_172 = arith.constant 128 : index
    %swap3A_173 = arith.constant 7 : index
    %swap3A_174 = arith.constant 0 : index
    %swap3A_175 = vector.load %arg5[%swap3A_171, %swap3A_172, %swap3A_173, %swap3A_174] : memref<1x256x16x512xf32, #tpu.memory_space<vmem>>, vector<1x128x1x512xf32>
    %swap3A_176 = vector.shape_cast %swap3A_175 : vector<1x128x1x512xf32> to vector<128x512xf32>
    %swap3A_177 = vector.shape_cast %sub3A_170 : vector<128x512xf32> to vector<1x128x1x512xf32>
    tpu.vector_store %arg5[%swap3A_171, %swap3A_172, %swap3A_173, %swap3A_174], %swap3A_177 {strides = array<i32>} : memref<1x256x16x512xf32, #tpu.memory_space<vmem>>, vector<1x128x1x512xf32>,
    %get3A_178 = arith.constant 0 : index
    %get3A_179 = arith.constant 8 : index
    %get3A_180 = arith.constant 0 : index
    %get3A_181 = arith.constant 0 : index
    %get3A_182 = vector.load %arg2[%get3A_178, %get3A_179, %get3A_180, %get3A_181] : memref<1x16x512x128xf32, #tpu.memory_space<vmem>>, vector<1x1x512x128xf32>
    %get3A_183 = vector.shape_cast %get3A_182 : vector<1x1x512x128xf32> to vector<512x128xf32>
    %transpose3A_184 = tpu.transpose %get3A_183, [1, 0] : vector<512x128xf32> -> vector<128x512xf32>
    %swap3A_185 = arith.constant 0 : index
    %swap3A_186 = arith.constant 0 : index
    %swap3A_187 = arith.constant 8 : index
    %swap3A_188 = arith.constant 0 : index
    %swap3A_189 = vector.load %arg5[%swap3A_185, %swap3A_186, %swap3A_187, %swap3A_188] : memref<1x256x16x512xf32, #tpu.memory_space<vmem>>, vector<1x128x1x512xf32>
    %swap3A_190 = vector.shape_cast %swap3A_189 : vector<1x128x1x512xf32> to vector<128x512xf32>
    %swap3A_191 = vector.shape_cast %get3A_4 : vector<128x512xf32> to vector<1x128x1x512xf32>
    tpu.vector_store %arg5[%swap3A_185, %swap3A_186, %swap3A_187, %swap3A_188], %swap3A_191 {strides = array<i32>} : memref<1x256x16x512xf32, #tpu.memory_space<vmem>>, vector<1x128x1x512xf32>,
    %sub3A_192 = arith.subf %transpose3A_184, %get3A_4 : vector<128x512xf32>
    %swap3A_193 = arith.constant 0 : index
    %swap3A_194 = arith.constant 128 : index
    %swap3A_195 = arith.constant 8 : index
    %swap3A_196 = arith.constant 0 : index
    %swap3A_197 = vector.load %arg5[%swap3A_193, %swap3A_194, %swap3A_195, %swap3A_196] : memref<1x256x16x512xf32, #tpu.memory_space<vmem>>, vector<1x128x1x512xf32>
    %swap3A_198 = vector.shape_cast %swap3A_197 : vector<1x128x1x512xf32> to vector<128x512xf32>
    %swap3A_199 = vector.shape_cast %sub3A_192 : vector<128x512xf32> to vector<1x128x1x512xf32>
    tpu.vector_store %arg5[%swap3A_193, %swap3A_194, %swap3A_195, %swap3A_196], %swap3A_199 {strides = array<i32>} : memref<1x256x16x512xf32, #tpu.memory_space<vmem>>, vector<1x128x1x512xf32>,
    %get3A_200 = arith.constant 0 : index
    %get3A_201 = arith.constant 9 : index
    %get3A_202 = arith.constant 0 : index
    %get3A_203 = arith.constant 0 : index
    %get3A_204 = vector.load %arg2[%get3A_200, %get3A_201, %get3A_202, %get3A_203] : memref<1x16x512x128xf32, #tpu.memory_space<vmem>>, vector<1x1x512x128xf32>
    %get3A_205 = vector.shape_cast %get3A_204 : vector<1x1x512x128xf32> to vector<512x128xf32>
    %transpose3A_206 = tpu.transpose %get3A_205, [1, 0] : vector<512x128xf32> -> vector<128x512xf32>
    %swap3A_207 = arith.constant 0 : index
    %swap3A_208 = arith.constant 0 : index
    %swap3A_209 = arith.constant 9 : index
    %swap3A_210 = arith.constant 0 : index
    %swap3A_211 = vector.load %arg5[%swap3A_207, %swap3A_208, %swap3A_209, %swap3A_210] : memref<1x256x16x512xf32, #tpu.memory_space<vmem>>, vector<1x128x1x512xf32>
    %swap3A_212 = vector.shape_cast %swap3A_211 : vector<1x128x1x512xf32> to vector<128x512xf32>
    %swap3A_213 = vector.shape_cast %get3A_4 : vector<128x512xf32> to vector<1x128x1x512xf32>
    tpu.vector_store %arg5[%swap3A_207, %swap3A_208, %swap3A_209, %swap3A_210], %swap3A_213 {strides = array<i32>} : memref<1x256x16x512xf32, #tpu.memory_space<vmem>>, vector<1x128x1x512xf32>,
    %sub3A_214 = arith.subf %transpose3A_206, %get3A_4 : vector<128x512xf32>
    %swap3A_215 = arith.constant 0 : index
    %swap3A_216 = arith.constant 128 : index
    %swap3A_217 = arith.constant 9 : index
    %swap3A_218 = arith.constant 0 : index
    %swap3A_219 = vector.load %arg5[%swap3A_215, %swap3A_216, %swap3A_217, %swap3A_218] : memref<1x256x16x512xf32, #tpu.memory_space<vmem>>, vector<1x128x1x512xf32>
    %swap3A_220 = vector.shape_cast %swap3A_219 : vector<1x128x1x512xf32> to vector<128x512xf32>
    %swap3A_221 = vector.shape_cast %sub3A_214 : vector<128x512xf32> to vector<1x128x1x512xf32>
    tpu.vector_store %arg5[%swap3A_215, %swap3A_216, %swap3A_217, %swap3A_218], %swap3A_221 {strides = array<i32>} : memref<1x256x16x512xf32, #tpu.memory_space<vmem>>, vector<1x128x1x512xf32>,
    %get3A_222 = arith.constant 0 : index
    %get3A_223 = arith.constant 10 : index
    %get3A_224 = arith.constant 0 : index
    %get3A_225 = arith.constant 0 : index
    %get3A_226 = vector.load %arg2[%get3A_222, %get3A_223, %get3A_224, %get3A_225] : memref<1x16x512x128xf32, #tpu.memory_space<vmem>>, vector<1x1x512x128xf32>
    %get3A_227 = vector.shape_cast %get3A_226 : vector<1x1x512x128xf32> to vector<512x128xf32>
    %transpose3A_228 = tpu.transpose %get3A_227, [1, 0] : vector<512x128xf32> -> vector<128x512xf32>
    %swap3A_229 = arith.constant 0 : index
    %swap3A_230 = arith.constant 0 : index
    %swap3A_231 = arith.constant 10 : index
    %swap3A_232 = arith.constant 0 : index
    %swap3A_233 = vector.load %arg5[%swap3A_229, %swap3A_230, %swap3A_231, %swap3A_232] : memref<1x256x16x512xf32, #tpu.memory_space<vmem>>, vector<1x128x1x512xf32>
    %swap3A_234 = vector.shape_cast %swap3A_233 : vector<1x128x1x512xf32> to vector<128x512xf32>
    %swap3A_235 = vector.shape_cast %get3A_4 : vector<128x512xf32> to vector<1x128x1x512xf32>
    tpu.vector_store %arg5[%swap3A_229, %swap3A_230, %swap3A_231, %swap3A_232], %swap3A_235 {strides = array<i32>} : memref<1x256x16x512xf32, #tpu.memory_space<vmem>>, vector<1x128x1x512xf32>,
    %sub3A_236 = arith.subf %transpose3A_228, %get3A_4 : vector<128x512xf32>
    %swap3A_237 = arith.constant 0 : index
    %swap3A_238 = arith.constant 128 : index
    %swap3A_239 = arith.constant 10 : index
    %swap3A_240 = arith.constant 0 : index
    %swap3A_241 = vector.load %arg5[%swap3A_237, %swap3A_238, %swap3A_239, %swap3A_240] : memref<1x256x16x512xf32, #tpu.memory_space<vmem>>, vector<1x128x1x512xf32>
    %swap3A_242 = vector.shape_cast %swap3A_241 : vector<1x128x1x512xf32> to vector<128x512xf32>
    %swap3A_243 = vector.shape_cast %sub3A_236 : vector<128x512xf32> to vector<1x128x1x512xf32>
    tpu.vector_store %arg5[%swap3A_237, %swap3A_238, %swap3A_239, %swap3A_240], %swap3A_243 {strides = array<i32>} : memref<1x256x16x512xf32, #tpu.memory_space<vmem>>, vector<1x128x1x512xf32>,
    %get3A_244 = arith.constant 0 : index
    %get3A_245 = arith.constant 11 : index
    %get3A_246 = arith.constant 0 : index
    %get3A_247 = arith.constant 0 : index
    %get3A_248 = vector.load %arg2[%get3A_244, %get3A_245, %get3A_246, %get3A_247] : memref<1x16x512x128xf32, #tpu.memory_space<vmem>>, vector<1x1x512x128xf32>
    %get3A_249 = vector.shape_cast %get3A_248 : vector<1x1x512x128xf32> to vector<512x128xf32>
    %transpose3A_250 = tpu.transpose %get3A_249, [1, 0] : vector<512x128xf32> -> vector<128x512xf32>
    %swap3A_251 = arith.constant 0 : index
    %swap3A_252 = arith.constant 0 : index
    %swap3A_253 = arith.constant 11 : index
    %swap3A_254 = arith.constant 0 : index
    %swap3A_255 = vector.load %arg5[%swap3A_251, %swap3A_252, %swap3A_253, %swap3A_254] : memref<1x256x16x512xf32, #tpu.memory_space<vmem>>, vector<1x128x1x512xf32>
    %swap3A_256 = vector.shape_cast %swap3A_255 : vector<1x128x1x512xf32> to vector<128x512xf32>
    %swap3A_257 = vector.shape_cast %get3A_4 : vector<128x512xf32> to vector<1x128x1x512xf32>
    tpu.vector_store %arg5[%swap3A_251, %swap3A_252, %swap3A_253, %swap3A_254], %swap3A_257 {strides = array<i32>} : memref<1x256x16x512xf32, #tpu.memory_space<vmem>>, vector<1x128x1x512xf32>,
    %sub3A_258 = arith.subf %transpose3A_250, %get3A_4 : vector<128x512xf32>
    %swap3A_259 = arith.constant 0 : index
    %swap3A_260 = arith.constant 128 : index
    %swap3A_261 = arith.constant 11 : index
    %swap3A_262 = arith.constant 0 : index
    %swap3A_263 = vector.load %arg5[%swap3A_259, %swap3A_260, %swap3A_261, %swap3A_262] : memref<1x256x16x512xf32, #tpu.memory_space<vmem>>, vector<1x128x1x512xf32>
    %swap3A_264 = vector.shape_cast %swap3A_263 : vector<1x128x1x512xf32> to vector<128x512xf32>
    %swap3A_265 = vector.shape_cast %sub3A_258 : vector<128x512xf32> to vector<1x128x1x512xf32>
    tpu.vector_store %arg5[%swap3A_259, %swap3A_260, %swap3A_261, %swap3A_262], %swap3A_265 {strides = array<i32>} : memref<1x256x16x512xf32, #tpu.memory_space<vmem>>, vector<1x128x1x512xf32>,
    %get3A_266 = arith.constant 0 : index
    %get3A_267 = arith.constant 12 : index
    %get3A_268 = arith.constant 0 : index
    %get3A_269 = arith.constant 0 : index
    %get3A_270 = vector.load %arg2[%get3A_266, %get3A_267, %get3A_268, %get3A_269] : memref<1x16x512x128xf32, #tpu.memory_space<vmem>>, vector<1x1x512x128xf32>
    %get3A_271 = vector.shape_cast %get3A_270 : vector<1x1x512x128xf32> to vector<512x128xf32>
    %transpose3A_272 = tpu.transpose %get3A_271, [1, 0] : vector<512x128xf32> -> vector<128x512xf32>
    %swap3A_273 = arith.constant 0 : index
    %swap3A_274 = arith.constant 0 : index
    %swap3A_275 = arith.constant 12 : index
    %swap3A_276 = arith.constant 0 : index
    %swap3A_277 = vector.load %arg5[%swap3A_273, %swap3A_274, %swap3A_275, %swap3A_276] : memref<1x256x16x512xf32, #tpu.memory_space<vmem>>, vector<1x128x1x512xf32>
    %swap3A_278 = vector.shape_cast %swap3A_277 : vector<1x128x1x512xf32> to vector<128x512xf32>
    %swap3A_279 = vector.shape_cast %get3A_4 : vector<128x512xf32> to vector<1x128x1x512xf32>
    tpu.vector_store %arg5[%swap3A_273, %swap3A_274, %swap3A_275, %swap3A_276], %swap3A_279 {strides = array<i32>} : memref<1x256x16x512xf32, #tpu.memory_space<vmem>>, vector<1x128x1x512xf32>,
    %sub3A_280 = arith.subf %transpose3A_272, %get3A_4 : vector<128x512xf32>
    %swap3A_281 = arith.constant 0 : index
    %swap3A_282 = arith.constant 128 : index
    %swap3A_283 = arith.constant 12 : index
    %swap3A_284 = arith.constant 0 : index
    %swap3A_285 = vector.load %arg5[%swap3A_281, %swap3A_282, %swap3A_283, %swap3A_284] : memref<1x256x16x512xf32, #tpu.memory_space<vmem>>, vector<1x128x1x512xf32>
    %swap3A_286 = vector.shape_cast %swap3A_285 : vector<1x128x1x512xf32> to vector<128x512xf32>
    %swap3A_287 = vector.shape_cast %sub3A_280 : vector<128x512xf32> to vector<1x128x1x512xf32>
    tpu.vector_store %arg5[%swap3A_281, %swap3A_282, %swap3A_283, %swap3A_284], %swap3A_287 {strides = array<i32>} : memref<1x256x16x512xf32, #tpu.memory_space<vmem>>, vector<1x128x1x512xf32>,
    %get3A_288 = arith.constant 0 : index
    %get3A_289 = arith.constant 13 : index
    %get3A_290 = arith.constant 0 : index
    %get3A_291 = arith.constant 0 : index
    %get3A_292 = vector.load %arg2[%get3A_288, %get3A_289, %get3A_290, %get3A_291] : memref<1x16x512x128xf32, #tpu.memory_space<vmem>>, vector<1x1x512x128xf32>
    %get3A_293 = vector.shape_cast %get3A_292 : vector<1x1x512x128xf32> to vector<512x128xf32>
    %transpose3A_294 = tpu.transpose %get3A_293, [1, 0] : vector<512x128xf32> -> vector<128x512xf32>
    %swap3A_295 = arith.constant 0 : index
    %swap3A_296 = arith.constant 0 : index
    %swap3A_297 = arith.constant 13 : index
    %swap3A_298 = arith.constant 0 : index
    %swap3A_299 = vector.load %arg5[%swap3A_295, %swap3A_296, %swap3A_297, %swap3A_298] : memref<1x256x16x512xf32, #tpu.memory_space<vmem>>, vector<1x128x1x512xf32>
    %swap3A_300 = vector.shape_cast %swap3A_299 : vector<1x128x1x512xf32> to vector<128x512xf32>
    %swap3A_301 = vector.shape_cast %get3A_4 : vector<128x512xf32> to vector<1x128x1x512xf32>
    tpu.vector_store %arg5[%swap3A_295, %swap3A_296, %swap3A_297, %swap3A_298], %swap3A_301 {strides = array<i32>} : memref<1x256x16x512xf32, #tpu.memory_space<vmem>>, vector<1x128x1x512xf32>,
    %sub3A_302 = arith.subf %transpose3A_294, %get3A_4 : vector<128x512xf32>
    %swap3A_303 = arith.constant 0 : index
    %swap3A_304 = arith.constant 128 : index
    %swap3A_305 = arith.constant 13 : index
    %swap3A_306 = arith.constant 0 : index
    %swap3A_307 = vector.load %arg5[%swap3A_303, %swap3A_304, %swap3A_305, %swap3A_306] : memref<1x256x16x512xf32, #tpu.memory_space<vmem>>, vector<1x128x1x512xf32>
    %swap3A_308 = vector.shape_cast %swap3A_307 : vector<1x128x1x512xf32> to vector<128x512xf32>
    %swap3A_309 = vector.shape_cast %sub3A_302 : vector<128x512xf32> to vector<1x128x1x512xf32>
    tpu.vector_store %arg5[%swap3A_303, %swap3A_304, %swap3A_305, %swap3A_306], %swap3A_309 {strides = array<i32>} : memref<1x256x16x512xf32, #tpu.memory_space<vmem>>, vector<1x128x1x512xf32>,
    %get3A_310 = arith.constant 0 : index
    %get3A_311 = arith.constant 14 : index
    %get3A_312 = arith.constant 0 : index
    %get3A_313 = arith.constant 0 : index
    %get3A_314 = vector.load %arg2[%get3A_310, %get3A_311, %get3A_312, %get3A_313] : memref<1x16x512x128xf32, #tpu.memory_space<vmem>>, vector<1x1x512x128xf32>
    %get3A_315 = vector.shape_cast %get3A_314 : vector<1x1x512x128xf32> to vector<512x128xf32>
    %transpose3A_316 = tpu.transpose %get3A_315, [1, 0] : vector<512x128xf32> -> vector<128x512xf32>
    %swap3A_317 = arith.constant 0 : index
    %swap3A_318 = arith.constant 0 : index
    %swap3A_319 = arith.constant 14 : index
    %swap3A_320 = arith.constant 0 : index
    %swap3A_321 = vector.load %arg5[%swap3A_317, %swap3A_318, %swap3A_319, %swap3A_320] : memref<1x256x16x512xf32, #tpu.memory_space<vmem>>, vector<1x128x1x512xf32>
    %swap3A_322 = vector.shape_cast %swap3A_321 : vector<1x128x1x512xf32> to vector<128x512xf32>
    %swap3A_323 = vector.shape_cast %get3A_4 : vector<128x512xf32> to vector<1x128x1x512xf32>
    tpu.vector_store %arg5[%swap3A_317, %swap3A_318, %swap3A_319, %swap3A_320], %swap3A_323 {strides = array<i32>} : memref<1x256x16x512xf32, #tpu.memory_space<vmem>>, vector<1x128x1x512xf32>,
    %sub3A_324 = arith.subf %transpose3A_316, %get3A_4 : vector<128x512xf32>
    %swap3A_325 = arith.constant 0 : index
    %swap3A_326 = arith.constant 128 : index
    %swap3A_327 = arith.constant 14 : index
    %swap3A_328 = arith.constant 0 : index
    %swap3A_329 = vector.load %arg5[%swap3A_325, %swap3A_326, %swap3A_327, %swap3A_328] : memref<1x256x16x512xf32, #tpu.memory_space<vmem>>, vector<1x128x1x512xf32>
    %swap3A_330 = vector.shape_cast %swap3A_329 : vector<1x128x1x512xf32> to vector<128x512xf32>
    %swap3A_331 = vector.shape_cast %sub3A_324 : vector<128x512xf32> to vector<1x128x1x512xf32>
    tpu.vector_store %arg5[%swap3A_325, %swap3A_326, %swap3A_327, %swap3A_328], %swap3A_331 {strides = array<i32>} : memref<1x256x16x512xf32, #tpu.memory_space<vmem>>, vector<1x128x1x512xf32>,
    %get3A_332 = arith.constant 0 : index
    %get3A_333 = arith.constant 15 : index
    %get3A_334 = arith.constant 0 : index
    %get3A_335 = arith.constant 0 : index
    %get3A_336 = vector.load %arg2[%get3A_332, %get3A_333, %get3A_334, %get3A_335] : memref<1x16x512x128xf32, #tpu.memory_space<vmem>>, vector<1x1x512x128xf32>
    %get3A_337 = vector.shape_cast %get3A_336 : vector<1x1x512x128xf32> to vector<512x128xf32>
    %transpose3A_338 = tpu.transpose %get3A_337, [1, 0] : vector<512x128xf32> -> vector<128x512xf32>
    %swap3A_339 = arith.constant 0 : index
    %swap3A_340 = arith.constant 0 : index
    %swap3A_341 = arith.constant 15 : index
    %swap3A_342 = arith.constant 0 : index
    %swap3A_343 = vector.load %arg5[%swap3A_339, %swap3A_340, %swap3A_341, %swap3A_342] : memref<1x256x16x512xf32, #tpu.memory_space<vmem>>, vector<1x128x1x512xf32>
    %swap3A_344 = vector.shape_cast %swap3A_343 : vector<1x128x1x512xf32> to vector<128x512xf32>
    %swap3A_345 = vector.shape_cast %get3A_4 : vector<128x512xf32> to vector<1x128x1x512xf32>
    tpu.vector_store %arg5[%swap3A_339, %swap3A_340, %swap3A_341, %swap3A_342], %swap3A_345 {strides = array<i32>} : memref<1x256x16x512xf32, #tpu.memory_space<vmem>>, vector<1x128x1x512xf32>,
    %sub3A_346 = arith.subf %transpose3A_338, %get3A_4 : vector<128x512xf32>
    %swap3A_347 = arith.constant 0 : index
    %swap3A_348 = arith.constant 128 : index
    %swap3A_349 = arith.constant 15 : index
    %swap3A_350 = arith.constant 0 : index
    %swap3A_351 = vector.load %arg5[%swap3A_347, %swap3A_348, %swap3A_349, %swap3A_350] : memref<1x256x16x512xf32, #tpu.memory_space<vmem>>, vector<1x128x1x512xf32>
    %swap3A_352 = vector.shape_cast %swap3A_351 : vector<1x128x1x512xf32> to vector<128x512xf32>
    %swap3A_353 = vector.shape_cast %sub3A_346 : vector<128x512xf32> to vector<1x128x1x512xf32>
    tpu.vector_store %arg5[%swap3A_347, %swap3A_348, %swap3A_349, %swap3A_350], %swap3A_353 {strides = array<i32>} : memref<1x256x16x512xf32, #tpu.memory_space<vmem>>, vector<1x128x1x512xf32>,
    return
  }
  func.func @transform_0(%arg0: i32, %arg1: i32) -> (i32, i32, i32, i32) {
    %c0_i32 = arith.constant 0 : i32
    %c0_i32_0 = arith.constant 0 : i32
    %c0_i32_1 = arith.constant 0 : i32
    return %arg0, %c0_i32, %arg1, %c0_i32_0 : i32, i32, i32, i32
  }
  func.func @transform_1(%arg0: i32, %arg1: i32) -> (i32, i32, i32) {
    %add3A = arith.constant 6 : i32
    %add3A_0 = arith.addi %arg0, %add3A : i32
    %c0_i32 = arith.constant 0 : i32
    %c0_i32_1 = arith.constant 0 : i32
    %c0_i32_2 = arith.constant 0 : i32
    return %add3A_0, %c0_i32, %c0_i32_1 : i32, i32, i32
  }
  func.func @transform_3(%arg0: i32, %arg1: i32) -> (i32, i32, i32, i32) {
    %add3A = arith.constant 6 : i32
    %add3A_0 = arith.addi %arg0, %add3A : i32
    %c0_i32 = arith.constant 0 : i32
    %c0_i32_1 = arith.constant 0 : i32
    %c0_i32_2 = arith.constant 0 : i32
    return %add3A_0, %c0_i32, %c0_i32_1, %arg1 : i32, i32, i32, i32
  }
}

</mosaic_0001>

<sc_bundles>
// kernel: kernel.15.cloned.1.call-start
scs
__scs_entry_jumppad:
0x0: {  	(pc) =	sbr.rel $0x88, $3  }
0x1: {  	(tag) =	ssettag $0x0;
	lr =	simm.s32 $0x1  }
0x2: {  	[smem:$0x3F9F] =	sst lr;
	_ =	strace $0xD0000000  }
0x3: {  	_ = 	snop  }
0x4: {  	_ = 	snop  }
0x5: {  	_ = 	snop  }
0x6: {  	_ = 	snop  }
0x7: {  	_ = 	snop  }
__scs_overlays_trampoline_lowered:
0x8: {  	[smem:$0x3FAE] =	sst s0  }
0x9: {  	[smem:$0x3FAF] =	sst s1  }
0xa: {  	[smem:$0x3FB0] =	sst s2  }
0xb: {  	[smem:$0x3FB1] =	sst s3  }
0xc: {  	[smem:$0x3FB2] =	sst s4  }
0xd: {  	[smem:$0x3FB3] =	sst s5  }
0xe: {  	[smem:$0x3FB4] =	sst s6  }
0xf: {  	[smem:$0x3FB5] =	sst s7  }
0x10: {  	[smem:$0x3FB6] =	sst s8  }
0x11: {  	[smem:$0x3FB7] =	sst s9;
	s0 =	simm.s32 @!p0 $0x0  }
0x12: {  	s1 =	sld [smem:$0x3F9D];
	s0 =	simm.s32 @p0 $0x1  }
0x13: {  	[smem:$0x3FB8] =	sst s0;
	s0 =	simm.s32 @!p1 $0x0  }
0x14: {  	s2 =	sld [smem:$0x3F9C];
	s0 =	simm.s32 @p1 $0x1  }
0x15: {  	[smem:$0x3FB9] =	sst s0;
	s0 =	simm.s32 @!p2 $0x0  }
0x16: {  	s3 =	sld [smem:$0x3FDB];
	s0 =	simm.s32 @p2 $0x1  }
0x17: {  	s4 =	simm.s32 $0x1BF5;
	[smem:$0x3FBB] =	sst s0  }
0x18: {  	s0 =	sld [smem:$0x3F9E];
	_ =	swait.ge [sflag:s4], $0x0  }
0x19: {  	s7 =	sld [smem:$0x3F9F]  }
0x1a: {  	s8 =	sadd.s32 $0xFFFFE003, lr  }
0x1b: {  	s9 =	sadd.s32 $0xFFFFFEF7, lr;
	s5 =	simm.s32 $0xFFFFFFFF;
	p2 =	slt.u32 s8, $0xFFFFF086  }
0x1c: {  	p1 =	slt.u32 s9, $0xF7A;
	s5 =	simm.s32 @!p2 $0x0  }
0x1d: {  	s5 =	simm.s32 @p1 $0x1;
	p0 =	seq.s32 s7, s2  }
0x1e: {  	s7 =	smul.u32 @!p0 $0xF7A, s2;
	p2 =	seq.s32 @!p0 s5, $0x0  }
0x1f: {  	s9 =	smul.u32 $0xF7A, s1;
	s8 =	simm.s32 @!p0 $0x1BF5;
	p2 =	por !p2, p0  }
0x20: {  	[sflag:s8] =	ssyncset.s32 @!p0 $0xFFFFF086;
	s6 =	sadd.s32 @!p0 s3, s7;
	s7 =	simm.s32 @!p0 $0x108  }
0x21: {  	s3 =	sadd.s32 s3, s9;
	s6 =	sadd.s32 @!p0 $0x88, s6;
	s7 =	simm.s32 @p2 $0x1082  }
0x22: {  	[simem:s7], [sflag:s8] =	dma.local @!p0 [hbm:s6], $0xF7A  }
0x23: {  	s9 =	sor.u32 $0xD0000000, s2;
	s6 =	simm.s32 $0x108;
	_ =	swait.ge @!p0 [sflag:s8], $0x0  }
0x24: {  	s3 =	sadd.s32 $0x88, s3;
	s6 =	simm.s32 @!p1 $0x1082;
	[sflag:s4] =	ssyncset.s32 $0xFFFFF086  }
0x25: {  	[simem:s6], [sflag:s4] =	dma.local [hbm:s3], $0xF7A  }
0x26: {  	[smem:$0x3F9F] =	sst s1;
	(tag) =	ssettag s2;
	_ =	strace s9  }
0x27: {  	s1 =	sld [smem:$0x3FAF]  }
0x28: {  	s2 =	sld [smem:$0x3FB0]  }
0x29: {  	s4 =	sld [smem:$0x3FB2]  }
0x2a: {  	p0 =	seq.s32 s5, $0x0;
	s5 =	sld [smem:$0x3FB3]  }
0x2b: {  	s6 =	sld [smem:$0x3FB4]  }
0x2c: {  	s7 =	sld [smem:$0x3FB5]  }
0x2d: {  	s3 =	simm.s32 $0x108;
	s8 =	sld [smem:$0x3FB6]  }
0x2e: {  	s3 =	simm.s32 @!p0 $0x1082;
	s9 =	sld [smem:$0x3FB7]  }
0x2f: {  	lr =	sadd.s32 s0, s3;
	s0 =	sld [smem:$0x3FAE]  }
0x30: {  	s3 =	sld [smem:$0x3FB1]  }
0x31: {  	[smem:$0x3FBA] =	sst s10  }
0x32: {  	s10 =	sld [smem:$0x3FB8];
	_ =	sdelay $0x3  }
0x33: {  	p0 =	seq.s32 s10, $0x1;
	s10 =	sld [smem:$0x3FBA];
	_ =	sdelay $0x3  }
0x34: {  	[smem:$0x3FBA] =	sst s10  }
0x35: {  	s10 =	sld [smem:$0x3FB9];
	_ =	sdelay $0x3  }
0x36: {  	p1 =	seq.s32 s10, $0x1;
	s10 =	sld [smem:$0x3FBA];
	_ =	sdelay $0x3  }
0x37: {  	[smem:$0x3FBA] =	sst s10  }
0x38: {  	s10 =	sld [smem:$0x3FBB]  }
0x39: {  	_ = 	snop;
	(pc) =	sbr.ind lr, $3  }
0x3a: {  	_ = 	snop  }
0x3b: {  	_ = 	snop  }
0x3c: {  	p2 =	seq.s32 s10, $0x1;
	s10 =	sld [smem:$0x3FBA]  }
0x3d: {  	_ =	shalt  }
0x3e: {  	_ =	shalt  }
0x3f: {  	_ =	shalt  }
0x40: {  	_ =	shalt  }
0x41: {  	_ =	shalt  }
0x42: {  	_ =	shalt  }
0x43: {  	_ =	shalt  }
0x44: {  	_ =	shalt  }
0x45: {  	_ =	shalt  }
0x46: {  	_ =	shalt  }
0x47: {  	_ =	shalt  }
0x48: {  	_ =	shalt  }
0x49: {  	_ =	shalt  }
0x4a: {  	_ =	shalt  }
0x4b: {  	_ =	shalt  }
0x4c: {  	_ =	shalt  }
0x4d: {  	_ =	shalt  }
0x4e: {  	_ =	shalt  }
0x4f: {  	_ =	shalt  }
0x50: {  	_ =	shalt  }
0x51: {  	_ =	shalt  }
0x52: {  	_ =	shalt  }
0x53: {  	_ =	shalt  }
0x54: {  	_ =	shalt  }
0x55: {  	_ =	shalt  }
0x56: {  	_ =	shalt  }
0x57: {  	_ =	shalt  }
0x58: {  	_ =	shalt  }
0x59: {  	_ =	shalt  }
0x5a: {  	_ =	shalt  }
0x5b: {  	_ =	shalt  }
0x5c: {  	_ =	shalt  }
0x5d: {  	_ =	shalt  }
0x5e: {  	_ =	shalt  }
0x5f: {  	_ =	shalt  }
0x60: {  	_ =	shalt  }
0x61: {  	_ =	shalt  }
0x62: {  	_ =	shalt  }
0x63: {  	_ =	shalt  }
0x64: {  	_ =	shalt  }
0x65: {  	_ =	shalt  }
0x66: {  	_ =	shalt  }
0x67: {  	_ =	shalt  }
0x68: {  	_ =	shalt  }
0x69: {  	_ =	shalt  }
0x6a: {  	_ =	shalt  }
0x6b: {  	_ =	shalt  }
0x6c: {  	_ =	shalt  }
0x6d: {  	_ =	shalt  }
0x6e: {  	_ =	shalt  }
0x6f: {  	_ =	shalt  }
0x70: {  	_ =	shalt  }
0x71: {  	_ =	shalt  }
0x72: {  	_ =	shalt  }
0x73: {  	_ =	shalt  }
0x74: {  	_ =	shalt  }
0x75: {  	_ =	shalt  }
0x76: {  	_ =	shalt  }
0x77: {  	_ =	shalt  }
0x78: {  	_ =	shalt  }
0x79: {  	_ =	shalt  }
0x7a: {  	_ =	shalt  }
0x7b: {  	_ =	shalt  }
0x7c: {  	_ =	shalt  }
0x7d: {  	_ =	shalt  }
0x7e: {  	_ =	shalt  }
0x7f: {  	_ =	shalt  }
0x80: {  	_ =	shalt  }
0x81: {  	_ =	shalt  }
0x82: {  	_ =	shalt  }
0x83: {  	_ =	shalt  }
0x84: {  	_ =	shalt  }
0x85: {  	_ =	shalt  }
0x86: {  	_ =	shalt  }
0x87: {  	_ =	shalt  }
.Lfunc_end0:
.L_simem_size_0:
called_computation_lowered:
.L_overlay_start_0:
0x88: {  	s2 =	sld [smem:$0x3FD9]  }
0x89: {  	s3 =	sld [smem:$0x3FFE];
	_ =	sdelay $0x1  }
0x8a: {  	s1 =	srdreg.scid  }
0x8b: {  	s0 =	sand.u32 $0x1, s1  }
0x8c: {  	s17 =	sshll.u32 s0, $0xA;
	s2 =	sadd.s32 s3, s2  }
0x8d: {  	s2 =	sadd.s32 s2, s17  }
0x8e: {  	[smem:$0x3FC6] =	sst s2  }
0x8f: {  	_ = 	snop  }
0x90: {  	s2 =	sld [smem:$0x3FD0];
	(tm) =	ssettm $0x1  }
0x91: {  	s18 =	sld [smem:$0x3FFB];
	_ =	sdelay $0x3  }
0x92: {  	_ =	strace s18  }
0x93: {  	s3 =	sld [smem:$0x3FFC];
	_ =	sdelay $0x3  }
0x94: {  	_ =	strace s3  }
0x95: {  	s3 =	sld [smem:$0x3FFD];
	_ =	sdelay $0x3  }
0x96: {  	_ =	strace s3  }
0x97: {  	_ =	strace $0x8FFFFFFF  }
0x98: {  	s19 =	sld [smem:$0x3FDB];
	_ =	sdelay $0x1  }
0x99: {  	s4 =	simm.s32 $_scs_section_size  }
0x9a: {  	s5 =	simm.s32 $_size__tile_overlayer_lowered;
	s6 =	simm.s32 $_tile_overlayer_lowered  }
0x9b: {  	s22 =	simm.s32 $0x1BFF;
	s21 =	sshll.u32 s6, $0x1;
	s3 =	sadd.s32 s4, s19  }
0x9c: {  	s7 =	simm.s32 $0x0;
	s20 =	sshll.u32 s5, $0x1;
	s5 =	sadd.s32 s21, s3  }
0x9d: {  	[timem:s7], [sflag:s22] =	dma.local [hbm:s5], s20  }
0x9e: {  	_ =	swait.ge [sflag:s22], s20  }
0x9f: {  	s4 =	ssub.s32 $0x0, s20;
	[sflag:s22] =	ssyncset.done $0x0  }
0xa0: {  	[sflag:s22] =	ssyncadd.s32 s4;
	_ =	sdelay $0x1  }
0xa1: {  	s23 =	simm.s32 $0x1B8B  }
0xa2: {  	_ =	swait.ge [sflag:s23], $0x1  }
0xa3: {  	[sflag:s23] =	ssyncset.done $0x0  }
0xa4: {  	s25 =	simm.s32 $0x1B8E;
	s24 =	sld [smem:$0x3FFE];
	[sflag:s23] =	ssyncadd.s32 $0xFFFFFFFF  }
0xa5: {  	s26 =	simm.s32 $execute0_lowered;
	[smem:$0x3FD2] =	sst s25  }
0xa6: {  	s5 =	sshll.u32 s26, $0x1;
	_ =	strace $0x80000046;
	[dreg:$0x1] =	wrdreg $0xFFFFFFFF  }
0xa7: {  	s28 =	simm.s32 $_size_execute0_lowered;
	s3 =	sadd.s32 s3, s5;
	[dreg:$0x0] =	wrdreg $0x0  }
0xa8: {  	s5 =	sshll.u32 s28, $0x1;
	[dreg:$0x2] =	wrdreg s3  }
0xa9: {  	[dreg:$0x3] =	wrdreg s5  }
0xaa: {  	[dreg:$0x4] =	wrdreg $0xC0  }
0xab: {  	_ =	task [dreg:s7], $0x5FFFF  }
0xac: {  	[dreg:$0x1] =	wrdreg $0xFFFFFFFF  }
0xad: {  	[dreg:$0x0] =	wrdreg $0x60  }
0xae: {  	[dreg:$0x2] =	wrdreg s24  }
0xaf: {  	[dreg:$0x3] =	wrdreg s2  }
0xb0: {  	[dreg:$0x4] =	wrdreg $0x9  }
0xb1: {  	_ =	task.clear_ibuf [dreg:s7], $0x5FFFF;
	_ =	strace $0x90000046  }
0xb2: {  	s29 =	simm.s32 $0x9;
	_ =	strace $0x80000048  }
0xb3: {  	_ =	swait.ge [sflag:s29], $0x1  }
0xb4: {  	[sflag:s29] =	ssyncadd.s32 $0xFFFFFFFF  }
0xb5: {  	_ =	strace $0x90000048  }
0xb6: {  	_ =	sfence  }
0xb7: {  	s30 =	sld [smem:$0x0];
	_ =	sdelay $0x2  }
0xb8: {  	s31 =	sshll.u32 s1, $0xD;
	s1 =	sshrl.u32 s1, $0x2  }
0xb9: {  	s3 =	sand.u32 $0x4000, s31;
	s1 =	sadd.s32 s1, s30  }
0xba: {  	s0 =	sor.u32 s3, s0;
	s1 =	sshll.u32 s1, $0x11  }
0xbb: {  	s0 =	sor.u32 s1, s0  }
0xbc: {  	s0 =	sadd.s32 $0x8F2B, s0  }
0xbd: {  	[sflag:s0] =	ssyncadd.remote.s32 $0x1  }
0xbe: {  	_ =	sfence.sel $0xFFFF  }
0xbf: {  	[dreg:$0x0] =	wrdreg $0xFFFFFFFF;
	(pc) =	sbr.abs _section_cstart, $3  }
0xc0: {  	[dreg:$0x1] =	wrdreg $0xFFFFFFFF  }
0xc1: {  	_ =	task.clear_ibuf [dreg:s7], $0x2FFFF;
	_ =	strace $0x9FFFFFFF  }
0xc2: {  	(tm) =	ssettm $0x7FFFFFFF  }
0xc3: {  	_ =	shalt  }
tec
execute0_lowered:
.L_overlay_start_1:
0x0: {  	(tag) =	ssettag $0x1  }
0x1: {  	s4 =	rddreg [dreg:$0x0]  }
0x2: {  	s6 =	rddreg [dreg:$0x1]  }
0x3: {  	s0 =	rddreg [dreg:$0x2];
	s2 =	simm.s32 $0x0;
	s1 =	stileid.u32  }
0x4: {  	s3 =	srdreg.scid;
	[smem:$0x7FF] =	sst s2  }
0x5: {  	s5 =	sshll.u32 s1, $0x10;
	s7 =	sand.u32 $0x1, s3;
	s3 =	sadd.s32 $0x1E00, s4  }
0x6: {  	s9 =	sshll.u32 s1, $0xC;
	_ =	strace $0x80000047;
	s5 =	sadd.s32 s5, s4  }
0x7: {  	s29 =	ssub.s32 $0x2, s7;
	s10 =	sshll.u32 s7, $0xB;
	s7 =	sshll.u32 s7, $0xF  }
0x8: {  	s8 =	sshrl.u32 s29, $0x1;
	s30 =	sor.u32 s10, s9;
	s5 =	sadd.s32 s7, s5  }
0x9: {  	s7 =	simm.s32 $0x2;
	s9 =	simm.s32 $0x1;
	s10 =	simm.s32 $0x0  }
0xa: {  	s4 =	ssub.s32 s29, s8;
	s31 =	sshrl.u32 s30, $0x3;
	s5 =	sadd.s32 $0x41E00, s5  }
0xb: {  	s8 =	simm.s32 $0x80;
	s4 =	smax.u32 s4, $0x1;
	s6 =	sadd.s32 s31, s6  }
.LBB2_1:
0xc: {  	s11 =	sadd.s32 $0x0, s6  }
0xd: {  	[tilespmem:s2], [sflag:$0x2] =	stream.linear.gather [hbm4b:s11+s2], $0x80, $0x38;
	[tilespmem:$0x4080] =	vst v63  }
0xe: {  	_ =	swait.ge [sflag:s7], $0x80  }
0xf: {  	[sflag:s7] =	ssyncset.done $0x0  }
0x10: {  	[sflag:s7] =	ssyncadd.s32 $0xFFFFFF80  }
0x11: {  	[tilespmem:s8], [sflag:$0x1] =	stream.indirect.gather [hbm4b:s3+s8], $0x80, s2, s8, $0xb8;
	[tilespmem:$0x4080] =	vst v63  }
0x12: {  	_ =	swait.ge [sflag:s9], $0x4000  }
0x13: {  	[sflag:s9] =	ssyncset.done $0x0  }
0x14: {  	[sflag:s9] =	ssyncadd.s32 $0xFFFFC000  }
0x15: {  	[hbm4b:s5+s2] =	stream.linear.scatter [tilespmem:s8], [sflag:$0x2], $0x4000, $0x38;
	[tilespmem:$0x4080] =	vst v63  }
0x16: {  	s12 =	simm.s32 $0x10;
	_ =	swait.ge [sflag:s7], $0x4000  }
0x17: {  	s13 =	simm.s32 $0x20;
	s11 =	sadd.s32 $0x800, s5;
	[sflag:s7] =	ssyncset.done $0x0  }
.LBB2_2:
0x18: {  	s14 =	sadd.s32 s12, s6  }
0x19: {  	[sflag:s7] =	ssyncadd.s32 $0xFFFFC000;
	s12 =	smov.u32 s13;
	s15 =	sadd.s32 $0x10, s13  }
0x1a: {  	[tilespmem:s2], [sflag:$0x2] =	stream.linear.gather [hbm4b:s14+s2], $0x80, $0x38;
	[tilespmem:$0x4080] =	vst v63  }
0x1b: {  	p0 =	sne.s32 s13, $0xF0;
	_ =	swait.ge [sflag:s7], $0x80  }
0x1c: {  	[sflag:s7] =	ssyncset.done $0x0  }
0x1d: {  	[sflag:s7] =	ssyncadd.s32 $0xFFFFFF80  }
0x1e: {  	[tilespmem:s8], [sflag:$0x1] =	stream.indirect.gather [hbm4b:s3+s8], $0x80, s2, s8, $0xb8;
	[tilespmem:$0x4080] =	vst v63  }
0x1f: {  	_ =	swait.ge [sflag:s9], $0x4000  }
.Ltmp0:
0x20: {  	[sflag:s9] =	ssyncset.done $0x0;
	(pc) =	sbr.rel @p0 .LBB2_2-.Ltmp0, $4  }
0x21: {  	[sflag:s9] =	ssyncadd.s32 $0xFFFFC000  }
0x22: {  	[hbm4b:s11+s2] =	stream.linear.scatter [tilespmem:s8], [sflag:$0x2], $0x4000, $0x38;
	[tilespmem:$0x4080] =	vst v63  }
0x23: {  	_ =	swait.ge [sflag:s7], $0x4000  }
0x24: {  	s13 =	smov.u32 s15;
	s11 =	sadd.s32 $0x800, s11;
	[sflag:s7] =	ssyncset.done $0x0  }
0x25: {  	s12 =	sadd.s32 s12, s6;
	[sflag:s7] =	ssyncadd.s32 $0xFFFFC000  }
0x26: {  	[tilespmem:s2], [sflag:$0x2] =	stream.linear.gather [hbm4b:s12+s2], $0x80, $0x38;
	[tilespmem:$0x4080] =	vst v63  }
0x27: {  	_ =	swait.ge [sflag:s7], $0x80  }
0x28: {  	[sflag:s7] =	ssyncset.done $0x0  }
0x29: {  	[sflag:s7] =	ssyncadd.s32 $0xFFFFFF80  }
0x2a: {  	[tilespmem:s8], [sflag:$0x1] =	stream.indirect.gather [hbm4b:s3+s8], $0x80, s2, s8, $0xb8;
	[tilespmem:$0x4080] =	vst v63  }
0x2b: {  	s10 =	sadd.s32 $0x1, s10;
	_ =	swait.ge [sflag:s9], $0x4000  }
0x2c: {  	p0 =	sne.s32 s10, s4;
	[sflag:s9] =	ssyncset.done $0x0  }
.Ltmp1:
0x2d: {  	[sflag:s9] =	ssyncadd.s32 $0xFFFFC000;
	(pc) =	sbr.rel @p0 .LBB2_1-.Ltmp1, $4  }
0x2e: {  	[hbm4b:s11+s2] =	stream.linear.scatter [tilespmem:s8], [sflag:$0x2], $0x4000, $0x38;
	[tilespmem:$0x4080] =	vst v63  }
0x2f: {  	_ =	swait.ge [sflag:s7], $0x4000  }
0x30: {  	[sflag:s7] =	ssyncset.done $0x0  }
0x31: {  	[sflag:s7] =	ssyncadd.s32 $0xFFFFC000  }
0x32: {  	_ =	sfence.sel $0x180000  }
0x33: {  	[bflag:$0x0] =	sbarrier.arrive $0xFFFF  }
0x34: {  	p0 =	sne.s32 s1, $0x0;
	_ =	strace $0x90000047  }
0x35: {  	s0 =	sadd.s32 @!p0 $0x100000, s0;
	[bflag:$0x2] =	sbarrier.arrive $0xFFFF  }
0x36: {  	[sflag:s0] =	ssyncadd.tile.s32 @!p0 $0x1;
	_ =	shalt  }
.Lfunc_end2:
_tile_overlayer_lowered:
.L_overlay_start_2:
0x37: {  	(tag) =	ssettag $0x2  }
0x38: {  	s0 =	rddreg [dreg:$0x0];
	s2 =	stileid.u32  }
0x39: {  	s1 =	rddreg [dreg:$0x1];
	p0 =	sne.s32 s2, $0x0  }
0x3a: {  	s3 =	rddreg [dreg:$0x2];
	[bflag:$0x3] =	sbarrier.arrive $0xFFFF;
	s2 =	simm.s32 @!p0 $0x1C02  }
0x3b: {  	[timem:s3], [sflag:s2] =	dma.local @!p0 [hbm:s0], s1  }
0x3c: {  	s0 =	simm.s32 @!p0 $0x2  }
0x3d: {  	_ =	swait.ge @!p0 [sflag:s0], s1  }
0x3e: {  	s1 =	ssub.s32 @!p0 $0x0, s1;
	[sflag:s0] =	ssyncset.done @!p0 $0x0  }
0x3f: {  	[sflag:s0] =	ssyncadd.s32 @!p0 s1  }
0x40: {  	[bflag:$0x3] =	sbarrier.arrive $0xFFFF  }
0x41: {  	_ =	shalt  }

// kernel: kernel.18.cloned.1.call-start
scs
__scs_entry_jumppad:
0x0: {  	(pc) =	sbr.rel $0x88, $3  }
0x1: {  	(tag) =	ssettag $0x0;
	lr =	simm.s32 $0x1  }
0x2: {  	[smem:$0x3F9F] =	sst lr;
	_ =	strace $0xD0000000  }
0x3: {  	_ = 	snop  }
0x4: {  	_ = 	snop  }
0x5: {  	_ = 	snop  }
0x6: {  	_ = 	snop  }
0x7: {  	_ = 	snop  }
__scs_overlays_trampoline_lowered:
0x8: {  	[smem:$0x3FAE] =	sst s0  }
0x9: {  	[smem:$0x3FAF] =	sst s1  }
0xa: {  	[smem:$0x3FB0] =	sst s2  }
0xb: {  	[smem:$0x3FB1] =	sst s3  }
0xc: {  	[smem:$0x3FB2] =	sst s4  }
0xd: {  	[smem:$0x3FB3] =	sst s5  }
0xe: {  	[smem:$0x3FB4] =	sst s6  }
0xf: {  	[smem:$0x3FB5] =	sst s7  }
0x10: {  	[smem:$0x3FB6] =	sst s8  }
0x11: {  	[smem:$0x3FB7] =	sst s9;
	s0 =	simm.s32 @!p0 $0x0  }
0x12: {  	s1 =	sld [smem:$0x3F9D];
	s0 =	simm.s32 @p0 $0x1  }
0x13: {  	[smem:$0x3FB8] =	sst s0;
	s0 =	simm.s32 @!p1 $0x0  }
0x14: {  	s2 =	sld [smem:$0x3F9C];
	s0 =	simm.s32 @p1 $0x1  }
0x15: {  	[smem:$0x3FB9] =	sst s0;
	s0 =	simm.s32 @!p2 $0x0  }
0x16: {  	s3 =	sld [smem:$0x3FDB];
	s0 =	simm.s32 @p2 $0x1  }
0x17: {  	s4 =	simm.s32 $0x1BF5;
	[smem:$0x3FBB] =	sst s0  }
0x18: {  	s0 =	sld [smem:$0x3F9E];
	_ =	swait.ge [sflag:s4], $0x0  }
0x19: {  	s7 =	sld [smem:$0x3F9F]  }
0x1a: {  	s8 =	sadd.s32 $0xFFFFE003, lr  }
0x1b: {  	s9 =	sadd.s32 $0xFFFFFEF7, lr;
	s5 =	simm.s32 $0xFFFFFFFF;
	p2 =	slt.u32 s8, $0xFFFFF086  }
0x1c: {  	p1 =	slt.u32 s9, $0xF7A;
	s5 =	simm.s32 @!p2 $0x0  }
0x1d: {  	s5 =	simm.s32 @p1 $0x1;
	p0 =	seq.s32 s7, s2  }
0x1e: {  	s7 =	smul.u32 @!p0 $0xF7A, s2;
	p2 =	seq.s32 @!p0 s5, $0x0  }
0x1f: {  	s9 =	smul.u32 $0xF7A, s1;
	s8 =	simm.s32 @!p0 $0x1BF5;
	p2 =	por !p2, p0  }
0x20: {  	[sflag:s8] =	ssyncset.s32 @!p0 $0xFFFFF086;
	s6 =	sadd.s32 @!p0 s3, s7;
	s7 =	simm.s32 @!p0 $0x108  }
0x21: {  	s3 =	sadd.s32 s3, s9;
	s6 =	sadd.s32 @!p0 $0x88, s6;
	s7 =	simm.s32 @p2 $0x1082  }
0x22: {  	[simem:s7], [sflag:s8] =	dma.local @!p0 [hbm:s6], $0xF7A  }
0x23: {  	s9 =	sor.u32 $0xD0000000, s2;
	s6 =	simm.s32 $0x108;
	_ =	swait.ge @!p0 [sflag:s8], $0x0  }
0x24: {  	s3 =	sadd.s32 $0x88, s3;
	s6 =	simm.s32 @!p1 $0x1082;
	[sflag:s4] =	ssyncset.s32 $0xFFFFF086  }
0x25: {  	[simem:s6], [sflag:s4] =	dma.local [hbm:s3], $0xF7A  }
0x26: {  	[smem:$0x3F9F] =	sst s1;
	(tag) =	ssettag s2;
	_ =	strace s9  }
0x27: {  	s1 =	sld [smem:$0x3FAF]  }
0x28: {  	s2 =	sld [smem:$0x3FB0]  }
0x29: {  	s4 =	sld [smem:$0x3FB2]  }
0x2a: {  	p0 =	seq.s32 s5, $0x0;
	s5 =	sld [smem:$0x3FB3]  }
0x2b: {  	s6 =	sld [smem:$0x3FB4]  }
0x2c: {  	s7 =	sld [smem:$0x3FB5]  }
0x2d: {  	s3 =	simm.s32 $0x108;
	s8 =	sld [smem:$0x3FB6]  }
0x2e: {  	s3 =	simm.s32 @!p0 $0x1082;
	s9 =	sld [smem:$0x3FB7]  }
0x2f: {  	lr =	sadd.s32 s0, s3;
	s0 =	sld [smem:$0x3FAE]  }
0x30: {  	s3 =	sld [smem:$0x3FB1]  }
0x31: {  	[smem:$0x3FBA] =	sst s10  }
0x32: {  	s10 =	sld [smem:$0x3FB8];
	_ =	sdelay $0x3  }
0x33: {  	p0 =	seq.s32 s10, $0x1;
	s10 =	sld [smem:$0x3FBA];
	_ =	sdelay $0x3  }
0x34: {  	[smem:$0x3FBA] =	sst s10  }
0x35: {  	s10 =	sld [smem:$0x3FB9];
	_ =	sdelay $0x3  }
0x36: {  	p1 =	seq.s32 s10, $0x1;
	s10 =	sld [smem:$0x3FBA];
	_ =	sdelay $0x3  }
0x37: {  	[smem:$0x3FBA] =	sst s10  }
0x38: {  	s10 =	sld [smem:$0x3FBB]  }
0x39: {  	_ = 	snop;
	(pc) =	sbr.ind lr, $3  }
0x3a: {  	_ = 	snop  }
0x3b: {  	_ = 	snop  }
0x3c: {  	p2 =	seq.s32 s10, $0x1;
	s10 =	sld [smem:$0x3FBA]  }
0x3d: {  	_ =	shalt  }
0x3e: {  	_ =	shalt  }
0x3f: {  	_ =	shalt  }
0x40: {  	_ =	shalt  }
0x41: {  	_ =	shalt  }
0x42: {  	_ =	shalt  }
0x43: {  	_ =	shalt  }
0x44: {  	_ =	shalt  }
0x45: {  	_ =	shalt  }
0x46: {  	_ =	shalt  }
0x47: {  	_ =	shalt  }
0x48: {  	_ =	shalt  }
0x49: {  	_ =	shalt  }
0x4a: {  	_ =	shalt  }
0x4b: {  	_ =	shalt  }
0x4c: {  	_ =	shalt  }
0x4d: {  	_ =	shalt  }
0x4e: {  	_ =	shalt  }
0x4f: {  	_ =	shalt  }
0x50: {  	_ =	shalt  }
0x51: {  	_ =	shalt  }
0x52: {  	_ =	shalt  }
0x53: {  	_ =	shalt  }
0x54: {  	_ =	shalt  }
0x55: {  	_ =	shalt  }
0x56: {  	_ =	shalt  }
0x57: {  	_ =	shalt  }
0x58: {  	_ =	shalt  }
0x59: {  	_ =	shalt  }
0x5a: {  	_ =	shalt  }
0x5b: {  	_ =	shalt  }
0x5c: {  	_ =	shalt  }
0x5d: {  	_ =	shalt  }
0x5e: {  	_ =	shalt  }
0x5f: {  	_ =	shalt  }
0x60: {  	_ =	shalt  }
0x61: {  	_ =	shalt  }
0x62: {  	_ =	shalt  }
0x63: {  	_ =	shalt  }
0x64: {  	_ =	shalt  }
0x65: {  	_ =	shalt  }
0x66: {  	_ =	shalt  }
0x67: {  	_ =	shalt  }
0x68: {  	_ =	shalt  }
0x69: {  	_ =	shalt  }
0x6a: {  	_ =	shalt  }
0x6b: {  	_ =	shalt  }
0x6c: {  	_ =	shalt  }
0x6d: {  	_ =	shalt  }
0x6e: {  	_ =	shalt  }
0x6f: {  	_ =	shalt  }
0x70: {  	_ =	shalt  }
0x71: {  	_ =	shalt  }
0x72: {  	_ =	shalt  }
0x73: {  	_ =	shalt  }
0x74: {  	_ =	shalt  }
0x75: {  	_ =	shalt  }
0x76: {  	_ =	shalt  }
0x77: {  	_ =	shalt  }
0x78: {  	_ =	shalt  }
0x79: {  	_ =	shalt  }
0x7a: {  	_ =	shalt  }
0x7b: {  	_ =	shalt  }
0x7c: {  	_ =	shalt  }
0x7d: {  	_ =	shalt  }
0x7e: {  	_ =	shalt  }
0x7f: {  	_ =	shalt  }
0x80: {  	_ =	shalt  }
0x81: {  	_ =	shalt  }
0x82: {  	_ =	shalt  }
0x83: {  	_ =	shalt  }
0x84: {  	_ =	shalt  }
0x85: {  	_ =	shalt  }
0x86: {  	_ =	shalt  }
0x87: {  	_ =	shalt  }
.Lfunc_end0:
.L_simem_size_0:
called_computation.1_lowered:
.L_overlay_start_0:
0x88: {  	s2 =	sld [smem:$0x3FD9]  }
0x89: {  	s3 =	sld [smem:$0x3FFE];
	_ =	sdelay $0x1  }
0x8a: {  	s1 =	srdreg.scid  }
0x8b: {  	s0 =	sand.u32 $0x1, s1  }
0x8c: {  	s17 =	sshll.u32 s0, $0xA;
	s2 =	sadd.s32 s3, s2  }
0x8d: {  	s2 =	sadd.s32 s2, s17  }
0x8e: {  	[smem:$0x3FC6] =	sst s2  }
0x8f: {  	_ = 	snop  }
0x90: {  	(tm) =	ssettm $0x1  }
0x91: {  	s18 =	sld [smem:$0x3FFB];
	_ =	sdelay $0x3  }
0x92: {  	_ =	strace s18  }
0x93: {  	s2 =	sld [smem:$0x3FFC];
	_ =	sdelay $0x3  }
0x94: {  	_ =	strace s2  }
0x95: {  	s2 =	sld [smem:$0x3FFD];
	_ =	sdelay $0x3  }
0x96: {  	_ =	strace s2  }
0x97: {  	_ =	strace $0x8FFFFFFF  }
0x98: {  	s19 =	sld [smem:$0x3FDB];
	_ =	sdelay $0x1  }
0x99: {  	s20 =	simm.s32 $_scs_section_size  }
0x9a: {  	s4 =	simm.s32 $_size__tile_overlayer_lowered;
	s5 =	simm.s32 $_tile_overlayer_lowered  }
0x9b: {  	s6 =	simm.s32 $0x1BFF;
	s21 =	sshll.u32 s5, $0x1;
	s3 =	sadd.s32 s20, s19  }
0x9c: {  	s22 =	simm.s32 $0x0;
	s4 =	sshll.u32 s4, $0x1;
	s5 =	sadd.s32 s21, s3  }
0x9d: {  	[timem:s22], [sflag:s6] =	dma.local [hbm:s5], s4  }
0x9e: {  	_ =	swait.ge [sflag:s6], s4  }
0x9f: {  	s4 =	ssub.s32 $0x0, s4;
	[sflag:s6] =	ssyncset.done $0x0  }
0xa0: {  	[sflag:s6] =	ssyncadd.s32 s4;
	_ =	sdelay $0x1  }
0xa1: {  	s23 =	simm.s32 $0x1B8B  }
0xa2: {  	_ =	swait.ge [sflag:s23], $0x1  }
0xa3: {  	[sflag:s23] =	ssyncset.done $0x0  }
0xa4: {  	[sflag:s23] =	ssyncadd.s32 $0xFFFFFFFF  }
0xa5: {  	s4 =	sld [smem:$0x0]  }
0xa6: {  	s5 =	sand.u32 $0xFFFFFFFE, s1  }
0xa7: {  	p0 =	sne.s32 s1, s5  }
0xa8: {  	s5 =	sshll.u32 @p0 s5, $0xE  }
0xa9: {  	s5 =	sadd.s32 @p0 $0x11B8D, s5;
	s6 =	sshll.u32 @p0 s4, $0x11  }
0xaa: {  	s5 =	sor.u32 @p0 s6, s5  }
0xab: {  	[sflag:s5] =	ssyncadd.remote.s32 @p0 $0x1;
	_ =	sdelay $0x1  }
0xac: {  	s5 =	simm.s32 @p0 $0x1B8D  }
0xad: {  	_ =	swait.eq @p0 [sflag:s5], $0x1  }
0xae: {  	[sflag:s5] =	ssyncadd.s32 @p0 $0xFFFFFFFF  }
0xaf: {  	s6 =	sshll.u32 @!p0 s1, $0xE  }
0xb0: {  	s6 =	sor.u32 @!p0 $0x4000, s6;
	s5 =	simm.s32 @!p0 $0x1B8D  }
0xb1: {  	s4 =	sshll.u32 @!p0 s4, $0x11;
	s6 =	sadd.s32 @!p0 $0x11B8D, s6;
	_ =	swait.eq @!p0 [sflag:s5], $0x1  }
0xb2: {  	s4 =	sor.u32 @!p0 s4, s6;
	[sflag:s5] =	ssyncadd.s32 @!p0 $0xFFFFFFFF  }
0xb3: {  	s25 =	simm.s32 $0x1B8E;
	s24 =	sld [smem:$0x3FFE];
	[sflag:s4] =	ssyncadd.remote.s32 @!p0 $0x1  }
0xb4: {  	s26 =	simm.s32 $execute0_lowered;
	[smem:$0x3FD2] =	sst s25  }
0xb5: {  	s5 =	sshll.u32 s26, $0x1;
	_ =	strace $0x80000049;
	[dreg:$0x1] =	wrdreg $0xFFFFFFFF  }
0xb6: {  	s28 =	simm.s32 $_size_execute0_lowered;
	s3 =	sadd.s32 s3, s5;
	[dreg:$0x0] =	wrdreg $0x0  }
0xb7: {  	s5 =	sshll.u32 s28, $0x1;
	[dreg:$0x2] =	wrdreg s3  }
0xb8: {  	[dreg:$0x3] =	wrdreg s5  }
0xb9: {  	[dreg:$0x4] =	wrdreg $0xC0  }
0xba: {  	_ =	task [dreg:s22], $0x5FFFF  }
0xbb: {  	[dreg:$0x1] =	wrdreg $0xFFFFFFFF  }
0xbc: {  	[dreg:$0x0] =	wrdreg $0x60  }
0xbd: {  	[dreg:$0x2] =	wrdreg s24  }
0xbe: {  	[dreg:$0x3] =	wrdreg $0xA  }
0xbf: {  	_ =	task.clear_ibuf [dreg:s22], $0x4FFFF;
	_ =	strace $0x90000049  }
0xc0: {  	s29 =	simm.s32 $0xA;
	_ =	strace $0x8000004B  }
0xc1: {  	_ =	swait.ge [sflag:s29], $0x1  }
0xc2: {  	[sflag:s29] =	ssyncadd.s32 $0xFFFFFFFF  }
0xc3: {  	_ =	strace $0x9000004B  }
0xc4: {  	_ =	sfence  }
0xc5: {  	s30 =	sld [smem:$0x0];
	_ =	sdelay $0x2  }
0xc6: {  	s31 =	sshll.u32 s1, $0xD;
	s1 =	sshrl.u32 s1, $0x2  }
0xc7: {  	s4 =	sand.u32 $0x4000, s31;
	s1 =	sadd.s32 s1, s30  }
0xc8: {  	s0 =	sor.u32 s4, s0;
	s1 =	sshll.u32 s1, $0x11  }
0xc9: {  	s0 =	sor.u32 s1, s0  }
0xca: {  	s0 =	sadd.s32 $0x8F2B, s0  }
0xcb: {  	[sflag:s0] =	ssyncadd.remote.s32 $0x1  }
0xcc: {  	_ =	sfence.sel $0xFFFF  }
0xcd: {  	[dreg:$0x0] =	wrdreg $0xFFFFFFFF;
	(pc) =	sbr.abs _section_cstart, $3  }
0xce: {  	[dreg:$0x1] =	wrdreg $0xFFFFFFFF  }
0xcf: {  	_ =	task.clear_ibuf [dreg:s22], $0x2FFFF;
	_ =	strace $0x9FFFFFFF  }
0xd0: {  	(tm) =	ssettm $0x7FFFFFFF  }
0xd1: {  	_ =	shalt  }
tec
execute0_lowered:
.L_overlay_start_1:
0x0: {  	(tag) =	ssettag $0x1  }
0x1: {  	s4 =	rddreg [dreg:$0x0]  }
0x2: {  	s0 =	rddreg [dreg:$0x1];
	s2 =	simm.s32 $0x0;
	s3 =	srdreg.scid  }
0x3: {  	s1 =	stileid.u32;
	s10 =	simm.s32 $0x0;
	[smem:$0x7FF] =	sst s2  }
0x4: {  	s5 =	sand.u32 $0x1, s3;
	s6 =	sshll.u32 s1, $0xC;
	s3 =	sadd.s32 $0x1E00, s4  }
0x5: {  	s8 =	sshll.u32 s1, $0x10;
	_ =	strace $0x8000004A;
	s7 =	sshll.u32 s5, $0xB  }
0x6: {  	s31 =	ssub.s32 $0x2, s5;
	s8 =	sadd.s32 s8, s4;
	s5 =	sshll.u32 s5, $0xF  }
0x7: {  	s6 =	sor.u32 s7, s6;
	s9 =	sshrl.u32 s31, $0x1;
	s5 =	sadd.s32 s5, s8  }
0x8: {  	s8 =	simm.s32 $0x80;
	s6 =	sshrl.u32 s6, $0x3;
	s7 =	ssub.s32 s31, s9  }
0x9: {  	s5 =	sadd.s32 $0x143E00, s5;
	s9 =	simm.s32 $0x1;
	s6 =	sadd.s32 s6, s4  }
0xa: {  	s4 =	smax.u32 s7, $0x1;
	s7 =	simm.s32 $0x2;
	s6 =	sadd.s32 $0x141E00, s6  }
.LBB2_1:
0xb: {  	s11 =	sadd.s32 $0x0, s6  }
0xc: {  	[tilespmem:s2], [sflag:$0x2] =	stream.linear.gather [hbm4b:s11+s2], $0x80, $0x38;
	[tilespmem:$0x4080] =	vst v63  }
0xd: {  	_ =	swait.ge [sflag:s7], $0x80  }
0xe: {  	[sflag:s7] =	ssyncset.done $0x0  }
0xf: {  	[sflag:s7] =	ssyncadd.s32 $0xFFFFFF80  }
0x10: {  	[tilespmem:s8], [sflag:$0x1] =	stream.indirect.gather [hbm4b:s3+s8], $0x80, s2, s8, $0xb8;
	[tilespmem:$0x4080] =	vst v63  }
0x11: {  	_ =	swait.ge [sflag:s9], $0x4000  }
0x12: {  	[sflag:s9] =	ssyncset.done $0x0  }
0x13: {  	[sflag:s9] =	ssyncadd.s32 $0xFFFFC000  }
0x14: {  	[hbm4b:s5+s2] =	stream.linear.scatter [tilespmem:s8], [sflag:$0x2], $0x4000, $0x38;
	[tilespmem:$0x4080] =	vst v63  }
0x15: {  	s12 =	simm.s32 $0x10;
	_ =	swait.ge [sflag:s7], $0x4000  }
0x16: {  	s13 =	simm.s32 $0x20;
	s11 =	sadd.s32 $0x800, s5;
	[sflag:s7] =	ssyncset.done $0x0  }
.LBB2_2:
0x17: {  	s14 =	sadd.s32 s12, s6  }
0x18: {  	[sflag:s7] =	ssyncadd.s32 $0xFFFFC000;
	s12 =	smov.u32 s13;
	s15 =	sadd.s32 $0x10, s13  }
0x19: {  	[tilespmem:s2], [sflag:$0x2] =	stream.linear.gather [hbm4b:s14+s2], $0x80, $0x38;
	[tilespmem:$0x4080] =	vst v63  }
0x1a: {  	p0 =	sne.s32 s13, $0xF0;
	_ =	swait.ge [sflag:s7], $0x80  }
0x1b: {  	[sflag:s7] =	ssyncset.done $0x0  }
0x1c: {  	[sflag:s7] =	ssyncadd.s32 $0xFFFFFF80  }
0x1d: {  	[tilespmem:s8], [sflag:$0x1] =	stream.indirect.gather [hbm4b:s3+s8], $0x80, s2, s8, $0xb8;
	[tilespmem:$0x4080] =	vst v63  }
0x1e: {  	_ =	swait.ge [sflag:s9], $0x4000  }
.Ltmp0:
0x1f: {  	[sflag:s9] =	ssyncset.done $0x0;
	(pc) =	sbr.rel @p0 .LBB2_2-.Ltmp0, $4  }
0x20: {  	[sflag:s9] =	ssyncadd.s32 $0xFFFFC000  }
0x21: {  	[hbm4b:s11+s2] =	stream.linear.scatter [tilespmem:s8], [sflag:$0x2], $0x4000, $0x38;
	[tilespmem:$0x4080] =	vst v63  }
0x22: {  	_ =	swait.ge [sflag:s7], $0x4000  }
0x23: {  	s13 =	smov.u32 s15;
	s11 =	sadd.s32 $0x800, s11;
	[sflag:s7] =	ssyncset.done $0x0  }
0x24: {  	s12 =	sadd.s32 s12, s6;
	[sflag:s7] =	ssyncadd.s32 $0xFFFFC000  }
0x25: {  	[tilespmem:s2], [sflag:$0x2] =	stream.linear.gather [hbm4b:s12+s2], $0x80, $0x38;
	[tilespmem:$0x4080] =	vst v63  }
0x26: {  	_ =	swait.ge [sflag:s7], $0x80  }
0x27: {  	[sflag:s7] =	ssyncset.done $0x0  }
0x28: {  	[sflag:s7] =	ssyncadd.s32 $0xFFFFFF80  }
0x29: {  	[tilespmem:s8], [sflag:$0x1] =	stream.indirect.gather [hbm4b:s3+s8], $0x80, s2, s8, $0xb8;
	[tilespmem:$0x4080] =	vst v63  }
0x2a: {  	s10 =	sadd.s32 $0x1, s10;
	_ =	swait.ge [sflag:s9], $0x4000  }
0x2b: {  	p0 =	sne.s32 s10, s4;
	[sflag:s9] =	ssyncset.done $0x0  }
.Ltmp1:
0x2c: {  	[sflag:s9] =	ssyncadd.s32 $0xFFFFC000;
	(pc) =	sbr.rel @p0 .LBB2_1-.Ltmp1, $4  }
0x2d: {  	[hbm4b:s11+s2] =	stream.linear.scatter [tilespmem:s8], [sflag:$0x2], $0x4000, $0x38;
	[tilespmem:$0x4080] =	vst v63  }
0x2e: {  	_ =	swait.ge [sflag:s7], $0x4000  }
0x2f: {  	[sflag:s7] =	ssyncset.done $0x0  }
0x30: {  	[sflag:s7] =	ssyncadd.s32 $0xFFFFC000  }
0x31: {  	_ =	sfence.sel $0x180000  }
0x32: {  	[bflag:$0x0] =	sbarrier.arrive $0xFFFF  }
0x33: {  	p0 =	sne.s32 s1, $0x0;
	_ =	strace $0x9000004A  }
0x34: {  	s0 =	sadd.s32 @!p0 $0x100000, s0;
	[bflag:$0x2] =	sbarrier.arrive $0xFFFF  }
0x35: {  	[sflag:s0] =	ssyncadd.tile.s32 @!p0 $0x1;
	_ =	shalt  }
.Lfunc_end2:
_tile_overlayer_lowered:
.L_overlay_start_2:
0x36: {  	(tag) =	ssettag $0x2  }
0x37: {  	s0 =	rddreg [dreg:$0x0];
	s2 =	stileid.u32  }
0x38: {  	s1 =	rddreg [dreg:$0x1];
	p0 =	sne.s32 s2, $0x0  }
0x39: {  	s3 =	rddreg [dreg:$0x2];
	[bflag:$0x3] =	sbarrier.arrive $0xFFFF;
	s2 =	simm.s32 @!p0 $0x1C02  }
0x3a: {  	[timem:s3], [sflag:s2] =	dma.local @!p0 [hbm:s0], s1  }
0x3b: {  	s0 =	simm.s32 @!p0 $0x2  }
0x3c: {  	_ =	swait.ge @!p0 [sflag:s0], s1  }
0x3d: {  	s1 =	ssub.s32 @!p0 $0x0, s1;
	[sflag:s0] =	ssyncset.done @!p0 $0x0  }
0x3e: {  	[sflag:s0] =	ssyncadd.s32 @!p0 s1  }
0x3f: {  	[bflag:$0x3] =	sbarrier.arrive $0xFFFF  }
0x40: {  	_ =	shalt  }

// kernel: kernel.21.cloned.1.call-start
scs
__scs_entry_jumppad:
0x0: {  	(pc) =	sbr.rel $0x88, $3  }
0x1: {  	(tag) =	ssettag $0x0;
	lr =	simm.s32 $0x1  }
0x2: {  	[smem:$0x3F9F] =	sst lr;
	_ =	strace $0xD0000000  }
0x3: {  	_ = 	snop  }
0x4: {  	_ = 	snop  }
0x5: {  	_ = 	snop  }
0x6: {  	_ = 	snop  }
0x7: {  	_ = 	snop  }
__scs_overlays_trampoline_lowered:
0x8: {  	[smem:$0x3FAE] =	sst s0  }
0x9: {  	[smem:$0x3FAF] =	sst s1  }
0xa: {  	[smem:$0x3FB0] =	sst s2  }
0xb: {  	[smem:$0x3FB1] =	sst s3  }
0xc: {  	[smem:$0x3FB2] =	sst s4  }
0xd: {  	[smem:$0x3FB3] =	sst s5  }
0xe: {  	[smem:$0x3FB4] =	sst s6  }
0xf: {  	[smem:$0x3FB5] =	sst s7  }
0x10: {  	[smem:$0x3FB6] =	sst s8  }
0x11: {  	[smem:$0x3FB7] =	sst s9;
	s0 =	simm.s32 @!p0 $0x0  }
0x12: {  	s1 =	sld [smem:$0x3F9D];
	s0 =	simm.s32 @p0 $0x1  }
0x13: {  	[smem:$0x3FB8] =	sst s0;
	s0 =	simm.s32 @!p1 $0x0  }
0x14: {  	s2 =	sld [smem:$0x3F9C];
	s0 =	simm.s32 @p1 $0x1  }
0x15: {  	[smem:$0x3FB9] =	sst s0;
	s0 =	simm.s32 @!p2 $0x0  }
0x16: {  	s3 =	sld [smem:$0x3FDB];
	s0 =	simm.s32 @p2 $0x1  }
0x17: {  	s4 =	simm.s32 $0x1BF5;
	[smem:$0x3FBB] =	sst s0  }
0x18: {  	s0 =	sld [smem:$0x3F9E];
	_ =	swait.ge [sflag:s4], $0x0  }
0x19: {  	s7 =	sld [smem:$0x3F9F]  }
0x1a: {  	s8 =	sadd.s32 $0xFFFFE003, lr  }
0x1b: {  	s9 =	sadd.s32 $0xFFFFFEF7, lr;
	s5 =	simm.s32 $0xFFFFFFFF;
	p2 =	slt.u32 s8, $0xFFFFF086  }
0x1c: {  	p1 =	slt.u32 s9, $0xF7A;
	s5 =	simm.s32 @!p2 $0x0  }
0x1d: {  	s5 =	simm.s32 @p1 $0x1;
	p0 =	seq.s32 s7, s2  }
0x1e: {  	s7 =	smul.u32 @!p0 $0xF7A, s2;
	p2 =	seq.s32 @!p0 s5, $0x0  }
0x1f: {  	s9 =	smul.u32 $0xF7A, s1;
	s8 =	simm.s32 @!p0 $0x1BF5;
	p2 =	por !p2, p0  }
0x20: {  	[sflag:s8] =	ssyncset.s32 @!p0 $0xFFFFF086;
	s6 =	sadd.s32 @!p0 s3, s7;
	s7 =	simm.s32 @!p0 $0x108  }
0x21: {  	s3 =	sadd.s32 s3, s9;
	s6 =	sadd.s32 @!p0 $0x88, s6;
	s7 =	simm.s32 @p2 $0x1082  }
0x22: {  	[simem:s7], [sflag:s8] =	dma.local @!p0 [hbm:s6], $0xF7A  }
0x23: {  	s9 =	sor.u32 $0xD0000000, s2;
	s6 =	simm.s32 $0x108;
	_ =	swait.ge @!p0 [sflag:s8], $0x0  }
0x24: {  	s3 =	sadd.s32 $0x88, s3;
	s6 =	simm.s32 @!p1 $0x1082;
	[sflag:s4] =	ssyncset.s32 $0xFFFFF086  }
0x25: {  	[simem:s6], [sflag:s4] =	dma.local [hbm:s3], $0xF7A  }
0x26: {  	[smem:$0x3F9F] =	sst s1;
	(tag) =	ssettag s2;
	_ =	strace s9  }
0x27: {  	s1 =	sld [smem:$0x3FAF]  }
0x28: {  	s2 =	sld [smem:$0x3FB0]  }
0x29: {  	s4 =	sld [smem:$0x3FB2]  }
0x2a: {  	p0 =	seq.s32 s5, $0x0;
	s5 =	sld [smem:$0x3FB3]  }
0x2b: {  	s6 =	sld [smem:$0x3FB4]  }
0x2c: {  	s7 =	sld [smem:$0x3FB5]  }
0x2d: {  	s3 =	simm.s32 $0x108;
	s8 =	sld [smem:$0x3FB6]  }
0x2e: {  	s3 =	simm.s32 @!p0 $0x1082;
	s9 =	sld [smem:$0x3FB7]  }
0x2f: {  	lr =	sadd.s32 s0, s3;
	s0 =	sld [smem:$0x3FAE]  }
0x30: {  	s3 =	sld [smem:$0x3FB1]  }
0x31: {  	[smem:$0x3FBA] =	sst s10  }
0x32: {  	s10 =	sld [smem:$0x3FB8];
	_ =	sdelay $0x3  }
0x33: {  	p0 =	seq.s32 s10, $0x1;
	s10 =	sld [smem:$0x3FBA];
	_ =	sdelay $0x3  }
0x34: {  	[smem:$0x3FBA] =	sst s10  }
0x35: {  	s10 =	sld [smem:$0x3FB9];
	_ =	sdelay $0x3  }
0x36: {  	p1 =	seq.s32 s10, $0x1;
	s10 =	sld [smem:$0x3FBA];
	_ =	sdelay $0x3  }
0x37: {  	[smem:$0x3FBA] =	sst s10  }
0x38: {  	s10 =	sld [smem:$0x3FBB]  }
0x39: {  	_ = 	snop;
	(pc) =	sbr.ind lr, $3  }
0x3a: {  	_ = 	snop  }
0x3b: {  	_ = 	snop  }
0x3c: {  	p2 =	seq.s32 s10, $0x1;
	s10 =	sld [smem:$0x3FBA]  }
0x3d: {  	_ =	shalt  }
0x3e: {  	_ =	shalt  }
0x3f: {  	_ =	shalt  }
0x40: {  	_ =	shalt  }
0x41: {  	_ =	shalt  }
0x42: {  	_ =	shalt  }
0x43: {  	_ =	shalt  }
0x44: {  	_ =	shalt  }
0x45: {  	_ =	shalt  }
0x46: {  	_ =	shalt  }
0x47: {  	_ =	shalt  }
0x48: {  	_ =	shalt  }
0x49: {  	_ =	shalt  }
0x4a: {  	_ =	shalt  }
0x4b: {  	_ =	shalt  }
0x4c: {  	_ =	shalt  }
0x4d: {  	_ =	shalt  }
0x4e: {  	_ =	shalt  }
0x4f: {  	_ =	shalt  }
0x50: {  	_ =	shalt  }
0x51: {  	_ =	shalt  }
0x52: {  	_ =	shalt  }
0x53: {  	_ =	shalt  }
0x54: {  	_ =	shalt  }
0x55: {  	_ =	shalt  }
0x56: {  	_ =	shalt  }
0x57: {  	_ =	shalt  }
0x58: {  	_ =	shalt  }
0x59: {  	_ =	shalt  }
0x5a: {  	_ =	shalt  }
0x5b: {  	_ =	shalt  }
0x5c: {  	_ =	shalt  }
0x5d: {  	_ =	shalt  }
0x5e: {  	_ =	shalt  }
0x5f: {  	_ =	shalt  }
0x60: {  	_ =	shalt  }
0x61: {  	_ =	shalt  }
0x62: {  	_ =	shalt  }
0x63: {  	_ =	shalt  }
0x64: {  	_ =	shalt  }
0x65: {  	_ =	shalt  }
0x66: {  	_ =	shalt  }
0x67: {  	_ =	shalt  }
0x68: {  	_ =	shalt  }
0x69: {  	_ =	shalt  }
0x6a: {  	_ =	shalt  }
0x6b: {  	_ =	shalt  }
0x6c: {  	_ =	shalt  }
0x6d: {  	_ =	shalt  }
0x6e: {  	_ =	shalt  }
0x6f: {  	_ =	shalt  }
0x70: {  	_ =	shalt  }
0x71: {  	_ =	shalt  }
0x72: {  	_ =	shalt  }
0x73: {  	_ =	shalt  }
0x74: {  	_ =	shalt  }
0x75: {  	_ =	shalt  }
0x76: {  	_ =	shalt  }
0x77: {  	_ =	shalt  }
0x78: {  	_ =	shalt  }
0x79: {  	_ =	shalt  }
0x7a: {  	_ =	shalt  }
0x7b: {  	_ =	shalt  }
0x7c: {  	_ =	shalt  }
0x7d: {  	_ =	shalt  }
0x7e: {  	_ =	shalt  }
0x7f: {  	_ =	shalt  }
0x80: {  	_ =	shalt  }
0x81: {  	_ =	shalt  }
0x82: {  	_ =	shalt  }
0x83: {  	_ =	shalt  }
0x84: {  	_ =	shalt  }
0x85: {  	_ =	shalt  }
0x86: {  	_ =	shalt  }
0x87: {  	_ =	shalt  }
.Lfunc_end0:
.L_simem_size_0:
called_computation.2_lowered:
.L_overlay_start_0:
0x88: {  	s2 =	sld [smem:$0x3FD9]  }
0x89: {  	s3 =	sld [smem:$0x3FFE];
	_ =	sdelay $0x1  }
0x8a: {  	s1 =	srdreg.scid  }
0x8b: {  	s0 =	sand.u32 $0x1, s1  }
0x8c: {  	s17 =	sshll.u32 s0, $0xA;
	s2 =	sadd.s32 s3, s2  }
0x8d: {  	s2 =	sadd.s32 s2, s17  }
0x8e: {  	[smem:$0x3FC6] =	sst s2  }
0x8f: {  	_ = 	snop  }
0x90: {  	(tm) =	ssettm $0x1  }
0x91: {  	s18 =	sld [smem:$0x3FFB];
	_ =	sdelay $0x3  }
0x92: {  	_ =	strace s18  }
0x93: {  	s2 =	sld [smem:$0x3FFC];
	_ =	sdelay $0x3  }
0x94: {  	_ =	strace s2  }
0x95: {  	s2 =	sld [smem:$0x3FFD];
	_ =	sdelay $0x3  }
0x96: {  	_ =	strace s2  }
0x97: {  	_ =	strace $0x8FFFFFFF  }
0x98: {  	s19 =	sld [smem:$0x3FDB];
	_ =	sdelay $0x1  }
0x99: {  	s20 =	simm.s32 $_scs_section_size  }
0x9a: {  	s4 =	simm.s32 $_size__tile_overlayer_lowered;
	s5 =	simm.s32 $_tile_overlayer_lowered  }
0x9b: {  	s6 =	simm.s32 $0x1BFF;
	s21 =	sshll.u32 s5, $0x1;
	s3 =	sadd.s32 s20, s19  }
0x9c: {  	s22 =	simm.s32 $0x0;
	s4 =	sshll.u32 s4, $0x1;
	s5 =	sadd.s32 s21, s3  }
0x9d: {  	[timem:s22], [sflag:s6] =	dma.local [hbm:s5], s4  }
0x9e: {  	_ =	swait.ge [sflag:s6], s4  }
0x9f: {  	s4 =	ssub.s32 $0x0, s4;
	[sflag:s6] =	ssyncset.done $0x0  }
0xa0: {  	[sflag:s6] =	ssyncadd.s32 s4;
	_ =	sdelay $0x1  }
0xa1: {  	s23 =	simm.s32 $0x1B8B  }
0xa2: {  	_ =	swait.ge [sflag:s23], $0x1  }
0xa3: {  	[sflag:s23] =	ssyncset.done $0x0  }
0xa4: {  	[sflag:s23] =	ssyncadd.s32 $0xFFFFFFFF  }
0xa5: {  	s4 =	sld [smem:$0x0]  }
0xa6: {  	s5 =	sand.u32 $0xFFFFFFFE, s1  }
0xa7: {  	p0 =	sne.s32 s1, s5  }
0xa8: {  	s5 =	sshll.u32 @p0 s5, $0xE  }
0xa9: {  	s5 =	sadd.s32 @p0 $0x11B8D, s5;
	s6 =	sshll.u32 @p0 s4, $0x11  }
0xaa: {  	s5 =	sor.u32 @p0 s6, s5  }
0xab: {  	[sflag:s5] =	ssyncadd.remote.s32 @p0 $0x1;
	_ =	sdelay $0x1  }
0xac: {  	s5 =	simm.s32 @p0 $0x1B8D  }
0xad: {  	_ =	swait.eq @p0 [sflag:s5], $0x1  }
0xae: {  	[sflag:s5] =	ssyncadd.s32 @p0 $0xFFFFFFFF  }
0xaf: {  	s6 =	sshll.u32 @!p0 s1, $0xE  }
0xb0: {  	s6 =	sor.u32 @!p0 $0x4000, s6;
	s5 =	simm.s32 @!p0 $0x1B8D  }
0xb1: {  	s4 =	sshll.u32 @!p0 s4, $0x11;
	s6 =	sadd.s32 @!p0 $0x11B8D, s6;
	_ =	swait.eq @!p0 [sflag:s5], $0x1  }
0xb2: {  	s4 =	sor.u32 @!p0 s4, s6;
	[sflag:s5] =	ssyncadd.s32 @!p0 $0xFFFFFFFF  }
0xb3: {  	s25 =	simm.s32 $0x1B8E;
	s24 =	sld [smem:$0x3FFE];
	[sflag:s4] =	ssyncadd.remote.s32 @!p0 $0x1  }
0xb4: {  	s26 =	simm.s32 $execute0_lowered;
	[smem:$0x3FD2] =	sst s25  }
0xb5: {  	s5 =	sshll.u32 s26, $0x1;
	_ =	strace $0x8000004C;
	[dreg:$0x1] =	wrdreg $0xFFFFFFFF  }
0xb6: {  	s28 =	simm.s32 $_size_execute0_lowered;
	s3 =	sadd.s32 s3, s5;
	[dreg:$0x0] =	wrdreg $0x0  }
0xb7: {  	s5 =	sshll.u32 s28, $0x1;
	[dreg:$0x2] =	wrdreg s3  }
0xb8: {  	[dreg:$0x3] =	wrdreg s5  }
0xb9: {  	[dreg:$0x4] =	wrdreg $0xC0  }
0xba: {  	_ =	task [dreg:s22], $0x5FFFF  }
0xbb: {  	[dreg:$0x1] =	wrdreg $0xFFFFFFFF  }
0xbc: {  	[dreg:$0x0] =	wrdreg $0x60  }
0xbd: {  	[dreg:$0x2] =	wrdreg s24  }
0xbe: {  	[dreg:$0x3] =	wrdreg $0xB  }
0xbf: {  	_ =	task.clear_ibuf [dreg:s22], $0x4FFFF;
	_ =	strace $0x9000004C  }
0xc0: {  	s29 =	simm.s32 $0xB;
	_ =	strace $0x8000004E  }
0xc1: {  	_ =	swait.ge [sflag:s29], $0x1  }
0xc2: {  	[sflag:s29] =	ssyncadd.s32 $0xFFFFFFFF  }
0xc3: {  	_ =	strace $0x9000004E  }
0xc4: {  	_ =	sfence  }
0xc5: {  	s30 =	sld [smem:$0x0];
	_ =	sdelay $0x2  }
0xc6: {  	s31 =	sshll.u32 s1, $0xD;
	s1 =	sshrl.u32 s1, $0x2  }
0xc7: {  	s4 =	sand.u32 $0x4000, s31;
	s1 =	sadd.s32 s1, s30  }
0xc8: {  	s0 =	sor.u32 s4, s0;
	s1 =	sshll.u32 s1, $0x11  }
0xc9: {  	s0 =	sor.u32 s1, s0  }
0xca: {  	s0 =	sadd.s32 $0x8F2B, s0  }
0xcb: {  	[sflag:s0] =	ssyncadd.remote.s32 $0x1  }
0xcc: {  	_ =	sfence.sel $0xFFFF  }
0xcd: {  	[dreg:$0x0] =	wrdreg $0xFFFFFFFF;
	(pc) =	sbr.abs _section_cstart, $3  }
0xce: {  	[dreg:$0x1] =	wrdreg $0xFFFFFFFF  }
0xcf: {  	_ =	task.clear_ibuf [dreg:s22], $0x2FFFF;
	_ =	strace $0x9FFFFFFF  }
0xd0: {  	(tm) =	ssettm $0x7FFFFFFF  }
0xd1: {  	_ =	shalt  }
tec
execute0_lowered:
.L_overlay_start_1:
0x0: {  	(tag) =	ssettag $0x1  }
0x1: {  	s4 =	rddreg [dreg:$0x0]  }
0x2: {  	s0 =	rddreg [dreg:$0x1];
	s2 =	simm.s32 $0x0;
	s3 =	srdreg.scid  }
0x3: {  	s1 =	stileid.u32;
	s10 =	simm.s32 $0x0;
	[smem:$0x7FF] =	sst s2  }
0x4: {  	s5 =	sand.u32 $0x1, s3;
	s6 =	sshll.u32 s1, $0xC;
	s3 =	sadd.s32 $0x1E00, s4  }
0x5: {  	s8 =	sshll.u32 s1, $0x10;
	_ =	strace $0x8000004D;
	s7 =	sshll.u32 s5, $0xB  }
0x6: {  	s31 =	ssub.s32 $0x2, s5;
	s8 =	sadd.s32 s8, s4;
	s5 =	sshll.u32 s5, $0xF  }
0x7: {  	s6 =	sor.u32 s7, s6;
	s9 =	sshrl.u32 s31, $0x1;
	s5 =	sadd.s32 s5, s8  }
0x8: {  	s8 =	simm.s32 $0x80;
	s6 =	sshrl.u32 s6, $0x3;
	s7 =	ssub.s32 s31, s9  }
0x9: {  	s5 =	sadd.s32 $0x245E00, s5;
	s9 =	simm.s32 $0x1;
	s6 =	sadd.s32 s6, s4  }
0xa: {  	s4 =	smax.u32 s7, $0x1;
	s7 =	simm.s32 $0x2;
	s6 =	sadd.s32 $0x243E00, s6  }
.LBB2_1:
0xb: {  	s11 =	sadd.s32 $0x0, s6  }
0xc: {  	[tilespmem:s2], [sflag:$0x2] =	stream.linear.gather [hbm4b:s11+s2], $0x80, $0x38;
	[tilespmem:$0x4080] =	vst v63  }
0xd: {  	_ =	swait.ge [sflag:s7], $0x80  }
0xe: {  	[sflag:s7] =	ssyncset.done $0x0  }
0xf: {  	[sflag:s7] =	ssyncadd.s32 $0xFFFFFF80  }
0x10: {  	[tilespmem:s8], [sflag:$0x1] =	stream.indirect.gather [hbm4b:s3+s8], $0x80, s2, s8, $0xb8;
	[tilespmem:$0x4080] =	vst v63  }
0x11: {  	_ =	swait.ge [sflag:s9], $0x4000  }
0x12: {  	[sflag:s9] =	ssyncset.done $0x0  }
0x13: {  	[sflag:s9] =	ssyncadd.s32 $0xFFFFC000  }
0x14: {  	[hbm4b:s5+s2] =	stream.linear.scatter [tilespmem:s8], [sflag:$0x2], $0x4000, $0x38;
	[tilespmem:$0x4080] =	vst v63  }
0x15: {  	s12 =	simm.s32 $0x10;
	_ =	swait.ge [sflag:s7], $0x4000  }
0x16: {  	s13 =	simm.s32 $0x20;
	s11 =	sadd.s32 $0x800, s5;
	[sflag:s7] =	ssyncset.done $0x0  }
.LBB2_2:
0x17: {  	s14 =	sadd.s32 s12, s6  }
0x18: {  	[sflag:s7] =	ssyncadd.s32 $0xFFFFC000;
	s12 =	smov.u32 s13;
	s15 =	sadd.s32 $0x10, s13  }
0x19: {  	[tilespmem:s2], [sflag:$0x2] =	stream.linear.gather [hbm4b:s14+s2], $0x80, $0x38;
	[tilespmem:$0x4080] =	vst v63  }
0x1a: {  	p0 =	sne.s32 s13, $0xF0;
	_ =	swait.ge [sflag:s7], $0x80  }
0x1b: {  	[sflag:s7] =	ssyncset.done $0x0  }
0x1c: {  	[sflag:s7] =	ssyncadd.s32 $0xFFFFFF80  }
0x1d: {  	[tilespmem:s8], [sflag:$0x1] =	stream.indirect.gather [hbm4b:s3+s8], $0x80, s2, s8, $0xb8;
	[tilespmem:$0x4080] =	vst v63  }
0x1e: {  	_ =	swait.ge [sflag:s9], $0x4000  }
.Ltmp0:
0x1f: {  	[sflag:s9] =	ssyncset.done $0x0;
	(pc) =	sbr.rel @p0 .LBB2_2-.Ltmp0, $4  }
0x20: {  	[sflag:s9] =	ssyncadd.s32 $0xFFFFC000  }
0x21: {  	[hbm4b:s11+s2] =	stream.linear.scatter [tilespmem:s8], [sflag:$0x2], $0x4000, $0x38;
	[tilespmem:$0x4080] =	vst v63  }
0x22: {  	_ =	swait.ge [sflag:s7], $0x4000  }
0x23: {  	s13 =	smov.u32 s15;
	s11 =	sadd.s32 $0x800, s11;
	[sflag:s7] =	ssyncset.done $0x0  }
0x24: {  	s12 =	sadd.s32 s12, s6;
	[sflag:s7] =	ssyncadd.s32 $0xFFFFC000  }
0x25: {  	[tilespmem:s2], [sflag:$0x2] =	stream.linear.gather [hbm4b:s12+s2], $0x80, $0x38;
	[tilespmem:$0x4080] =	vst v63  }
0x26: {  	_ =	swait.ge [sflag:s7], $0x80  }
0x27: {  	[sflag:s7] =	ssyncset.done $0x0  }
0x28: {  	[sflag:s7] =	ssyncadd.s32 $0xFFFFFF80  }
0x29: {  	[tilespmem:s8], [sflag:$0x1] =	stream.indirect.gather [hbm4b:s3+s8], $0x80, s2, s8, $0xb8;
	[tilespmem:$0x4080] =	vst v63  }
0x2a: {  	s10 =	sadd.s32 $0x1, s10;
	_ =	swait.ge [sflag:s9], $0x4000  }
0x2b: {  	p0 =	sne.s32 s10, s4;
	[sflag:s9] =	ssyncset.done $0x0  }
.Ltmp1:
0x2c: {  	[sflag:s9] =	ssyncadd.s32 $0xFFFFC000;
	(pc) =	sbr.rel @p0 .LBB2_1-.Ltmp1, $4  }
0x2d: {  	[hbm4b:s11+s2] =	stream.linear.scatter [tilespmem:s8], [sflag:$0x2], $0x4000, $0x38;
	[tilespmem:$0x4080] =	vst v63  }
0x2e: {  	_ =	swait.ge [sflag:s7], $0x4000  }
0x2f: {  	[sflag:s7] =	ssyncset.done $0x0  }
0x30: {  	[sflag:s7] =	ssyncadd.s32 $0xFFFFC000  }
0x31: {  	_ =	sfence.sel $0x180000  }
0x32: {  	[bflag:$0x0] =	sbarrier.arrive $0xFFFF  }
0x33: {  	p0 =	sne.s32 s1, $0x0;
	_ =	strace $0x9000004D  }
0x34: {  	s0 =	sadd.s32 @!p0 $0x100000, s0;
	[bflag:$0x2] =	sbarrier.arrive $0xFFFF  }
0x35: {  	[sflag:s0] =	ssyncadd.tile.s32 @!p0 $0x1;
	_ =	shalt  }
.Lfunc_end2:
_tile_overlayer_lowered:
.L_overlay_start_2:
0x36: {  	(tag) =	ssettag $0x2  }
0x37: {  	s0 =	rddreg [dreg:$0x0];
	s2 =	stileid.u32  }
0x38: {  	s1 =	rddreg [dreg:$0x1];
	p0 =	sne.s32 s2, $0x0  }
0x39: {  	s3 =	rddreg [dreg:$0x2];
	[bflag:$0x3] =	sbarrier.arrive $0xFFFF;
	s2 =	simm.s32 @!p0 $0x1C02  }
0x3a: {  	[timem:s3], [sflag:s2] =	dma.local @!p0 [hbm:s0], s1  }
0x3b: {  	s0 =	simm.s32 @!p0 $0x2  }
0x3c: {  	_ =	swait.ge @!p0 [sflag:s0], s1  }
0x3d: {  	s1 =	ssub.s32 @!p0 $0x0, s1;
	[sflag:s0] =	ssyncset.done @!p0 $0x0  }
0x3e: {  	[sflag:s0] =	ssyncadd.s32 @!p0 s1  }
0x3f: {  	[bflag:$0x3] =	sbarrier.arrive $0xFFFF  }
0x40: {  	_ =	shalt  }

// kernel: kernel.24.cloned.1.call-start
scs
__scs_entry_jumppad:
0x0: {  	(pc) =	sbr.rel $0x88, $3  }
0x1: {  	(tag) =	ssettag $0x0;
	lr =	simm.s32 $0x1  }
0x2: {  	[smem:$0x3F9F] =	sst lr;
	_ =	strace $0xD0000000  }
0x3: {  	_ = 	snop  }
0x4: {  	_ = 	snop  }
0x5: {  	_ = 	snop  }
0x6: {  	_ = 	snop  }
0x7: {  	_ = 	snop  }
__scs_overlays_trampoline_lowered:
0x8: {  	[smem:$0x3FAE] =	sst s0  }
0x9: {  	[smem:$0x3FAF] =	sst s1  }
0xa: {  	[smem:$0x3FB0] =	sst s2  }
0xb: {  	[smem:$0x3FB1] =	sst s3  }
0xc: {  	[smem:$0x3FB2] =	sst s4  }
0xd: {  	[smem:$0x3FB3] =	sst s5  }
0xe: {  	[smem:$0x3FB4] =	sst s6  }
0xf: {  	[smem:$0x3FB5] =	sst s7  }
0x10: {  	[smem:$0x3FB6] =	sst s8  }
0x11: {  	[smem:$0x3FB7] =	sst s9;
	s0 =	simm.s32 @!p0 $0x0  }
0x12: {  	s1 =	sld [smem:$0x3F9D];
	s0 =	simm.s32 @p0 $0x1  }
0x13: {  	[smem:$0x3FB8] =	sst s0;
	s0 =	simm.s32 @!p1 $0x0  }
0x14: {  	s2 =	sld [smem:$0x3F9C];
	s0 =	simm.s32 @p1 $0x1  }
0x15: {  	[smem:$0x3FB9] =	sst s0;
	s0 =	simm.s32 @!p2 $0x0  }
0x16: {  	s3 =	sld [smem:$0x3FDB];
	s0 =	simm.s32 @p2 $0x1  }
0x17: {  	s4 =	simm.s32 $0x1BF5;
	[smem:$0x3FBB] =	sst s0  }
0x18: {  	s0 =	sld [smem:$0x3F9E];
	_ =	swait.ge [sflag:s4], $0x0  }
0x19: {  	s7 =	sld [smem:$0x3F9F]  }
0x1a: {  	s8 =	sadd.s32 $0xFFFFE003, lr  }
0x1b: {  	s9 =	sadd.s32 $0xFFFFFEF7, lr;
	s5 =	simm.s32 $0xFFFFFFFF;
	p2 =	slt.u32 s8, $0xFFFFF086  }
0x1c: {  	p1 =	slt.u32 s9, $0xF7A;
	s5 =	simm.s32 @!p2 $0x0  }
0x1d: {  	s5 =	simm.s32 @p1 $0x1;
	p0 =	seq.s32 s7, s2  }
0x1e: {  	s7 =	smul.u32 @!p0 $0xF7A, s2;
	p2 =	seq.s32 @!p0 s5, $0x0  }
0x1f: {  	s9 =	smul.u32 $0xF7A, s1;
	s8 =	simm.s32 @!p0 $0x1BF5;
	p2 =	por !p2, p0  }
0x20: {  	[sflag:s8] =	ssyncset.s32 @!p0 $0xFFFFF086;
	s6 =	sadd.s32 @!p0 s3, s7;
	s7 =	simm.s32 @!p0 $0x108  }
0x21: {  	s3 =	sadd.s32 s3, s9;
	s6 =	sadd.s32 @!p0 $0x88, s6;
	s7 =	simm.s32 @p2 $0x1082  }
0x22: {  	[simem:s7], [sflag:s8] =	dma.local @!p0 [hbm:s6], $0xF7A  }
0x23: {  	s9 =	sor.u32 $0xD0000000, s2;
	s6 =	simm.s32 $0x108;
	_ =	swait.ge @!p0 [sflag:s8], $0x0  }
0x24: {  	s3 =	sadd.s32 $0x88, s3;
	s6 =	simm.s32 @!p1 $0x1082;
	[sflag:s4] =	ssyncset.s32 $0xFFFFF086  }
0x25: {  	[simem:s6], [sflag:s4] =	dma.local [hbm:s3], $0xF7A  }
0x26: {  	[smem:$0x3F9F] =	sst s1;
	(tag) =	ssettag s2;
	_ =	strace s9  }
0x27: {  	s1 =	sld [smem:$0x3FAF]  }
0x28: {  	s2 =	sld [smem:$0x3FB0]  }
0x29: {  	s4 =	sld [smem:$0x3FB2]  }
0x2a: {  	p0 =	seq.s32 s5, $0x0;
	s5 =	sld [smem:$0x3FB3]  }
0x2b: {  	s6 =	sld [smem:$0x3FB4]  }
0x2c: {  	s7 =	sld [smem:$0x3FB5]  }
0x2d: {  	s3 =	simm.s32 $0x108;
	s8 =	sld [smem:$0x3FB6]  }
0x2e: {  	s3 =	simm.s32 @!p0 $0x1082;
	s9 =	sld [smem:$0x3FB7]  }
0x2f: {  	lr =	sadd.s32 s0, s3;
	s0 =	sld [smem:$0x3FAE]  }
0x30: {  	s3 =	sld [smem:$0x3FB1]  }
0x31: {  	[smem:$0x3FBA] =	sst s10  }
0x32: {  	s10 =	sld [smem:$0x3FB8];
	_ =	sdelay $0x3  }
0x33: {  	p0 =	seq.s32 s10, $0x1;
	s10 =	sld [smem:$0x3FBA];
	_ =	sdelay $0x3  }
0x34: {  	[smem:$0x3FBA] =	sst s10  }
0x35: {  	s10 =	sld [smem:$0x3FB9];
	_ =	sdelay $0x3  }
0x36: {  	p1 =	seq.s32 s10, $0x1;
	s10 =	sld [smem:$0x3FBA];
	_ =	sdelay $0x3  }
0x37: {  	[smem:$0x3FBA] =	sst s10  }
0x38: {  	s10 =	sld [smem:$0x3FBB]  }
0x39: {  	_ = 	snop;
	(pc) =	sbr.ind lr, $3  }
0x3a: {  	_ = 	snop  }
0x3b: {  	_ = 	snop  }
0x3c: {  	p2 =	seq.s32 s10, $0x1;
	s10 =	sld [smem:$0x3FBA]  }
0x3d: {  	_ =	shalt  }
0x3e: {  	_ =	shalt  }
0x3f: {  	_ =	shalt  }
0x40: {  	_ =	shalt  }
0x41: {  	_ =	shalt  }
0x42: {  	_ =	shalt  }
0x43: {  	_ =	shalt  }
0x44: {  	_ =	shalt  }
0x45: {  	_ =	shalt  }
0x46: {  	_ =	shalt  }
0x47: {  	_ =	shalt  }
0x48: {  	_ =	shalt  }
0x49: {  	_ =	shalt  }
0x4a: {  	_ =	shalt  }
0x4b: {  	_ =	shalt  }
0x4c: {  	_ =	shalt  }
0x4d: {  	_ =	shalt  }
0x4e: {  	_ =	shalt  }
0x4f: {  	_ =	shalt  }
0x50: {  	_ =	shalt  }
0x51: {  	_ =	shalt  }
0x52: {  	_ =	shalt  }
0x53: {  	_ =	shalt  }
0x54: {  	_ =	shalt  }
0x55: {  	_ =	shalt  }
0x56: {  	_ =	shalt  }
0x57: {  	_ =	shalt  }
0x58: {  	_ =	shalt  }
0x59: {  	_ =	shalt  }
0x5a: {  	_ =	shalt  }
0x5b: {  	_ =	shalt  }
0x5c: {  	_ =	shalt  }
0x5d: {  	_ =	shalt  }
0x5e: {  	_ =	shalt  }
0x5f: {  	_ =	shalt  }
0x60: {  	_ =	shalt  }
0x61: {  	_ =	shalt  }
0x62: {  	_ =	shalt  }
0x63: {  	_ =	shalt  }
0x64: {  	_ =	shalt  }
0x65: {  	_ =	shalt  }
0x66: {  	_ =	shalt  }
0x67: {  	_ =	shalt  }
0x68: {  	_ =	shalt  }
0x69: {  	_ =	shalt  }
0x6a: {  	_ =	shalt  }
0x6b: {  	_ =	shalt  }
0x6c: {  	_ =	shalt  }
0x6d: {  	_ =	shalt  }
0x6e: {  	_ =	shalt  }
0x6f: {  	_ =	shalt  }
0x70: {  	_ =	shalt  }
0x71: {  	_ =	shalt  }
0x72: {  	_ =	shalt  }
0x73: {  	_ =	shalt  }
0x74: {  	_ =	shalt  }
0x75: {  	_ =	shalt  }
0x76: {  	_ =	shalt  }
0x77: {  	_ =	shalt  }
0x78: {  	_ =	shalt  }
0x79: {  	_ =	shalt  }
0x7a: {  	_ =	shalt  }
0x7b: {  	_ =	shalt  }
0x7c: {  	_ =	shalt  }
0x7d: {  	_ =	shalt  }
0x7e: {  	_ =	shalt  }
0x7f: {  	_ =	shalt  }
0x80: {  	_ =	shalt  }
0x81: {  	_ =	shalt  }
0x82: {  	_ =	shalt  }
0x83: {  	_ =	shalt  }
0x84: {  	_ =	shalt  }
0x85: {  	_ =	shalt  }
0x86: {  	_ =	shalt  }
0x87: {  	_ =	shalt  }
.Lfunc_end0:
.L_simem_size_0:
called_computation.3_lowered:
.L_overlay_start_0:
0x88: {  	s2 =	sld [smem:$0x3FD9]  }
0x89: {  	s3 =	sld [smem:$0x3FFE];
	_ =	sdelay $0x1  }
0x8a: {  	s1 =	srdreg.scid  }
0x8b: {  	s0 =	sand.u32 $0x1, s1  }
0x8c: {  	s17 =	sshll.u32 s0, $0xA;
	s2 =	sadd.s32 s3, s2  }
0x8d: {  	s2 =	sadd.s32 s2, s17  }
0x8e: {  	[smem:$0x3FC6] =	sst s2  }
0x8f: {  	_ = 	snop  }
0x90: {  	(tm) =	ssettm $0x1  }
0x91: {  	s18 =	sld [smem:$0x3FFB];
	_ =	sdelay $0x3  }
0x92: {  	_ =	strace s18  }
0x93: {  	s2 =	sld [smem:$0x3FFC];
	_ =	sdelay $0x3  }
0x94: {  	_ =	strace s2  }
0x95: {  	s2 =	sld [smem:$0x3FFD];
	_ =	sdelay $0x3  }
0x96: {  	_ =	strace s2  }
0x97: {  	_ =	strace $0x8FFFFFFF  }
0x98: {  	s19 =	sld [smem:$0x3FDB];
	_ =	sdelay $0x1  }
0x99: {  	s20 =	simm.s32 $_scs_section_size  }
0x9a: {  	s4 =	simm.s32 $_size__tile_overlayer_lowered;
	s5 =	simm.s32 $_tile_overlayer_lowered  }
0x9b: {  	s6 =	simm.s32 $0x1BFF;
	s21 =	sshll.u32 s5, $0x1;
	s3 =	sadd.s32 s20, s19  }
0x9c: {  	s22 =	simm.s32 $0x0;
	s4 =	sshll.u32 s4, $0x1;
	s5 =	sadd.s32 s21, s3  }
0x9d: {  	[timem:s22], [sflag:s6] =	dma.local [hbm:s5], s4  }
0x9e: {  	_ =	swait.ge [sflag:s6], s4  }
0x9f: {  	s4 =	ssub.s32 $0x0, s4;
	[sflag:s6] =	ssyncset.done $0x0  }
0xa0: {  	[sflag:s6] =	ssyncadd.s32 s4;
	_ =	sdelay $0x1  }
0xa1: {  	s23 =	simm.s32 $0x1B8B  }
0xa2: {  	_ =	swait.ge [sflag:s23], $0x1  }
0xa3: {  	[sflag:s23] =	ssyncset.done $0x0  }
0xa4: {  	[sflag:s23] =	ssyncadd.s32 $0xFFFFFFFF  }
0xa5: {  	s4 =	sld [smem:$0x0]  }
0xa6: {  	s5 =	sand.u32 $0xFFFFFFFE, s1  }
0xa7: {  	p0 =	sne.s32 s1, s5  }
0xa8: {  	s5 =	sshll.u32 @p0 s5, $0xE  }
0xa9: {  	s5 =	sadd.s32 @p0 $0x11B8D, s5;
	s6 =	sshll.u32 @p0 s4, $0x11  }
0xaa: {  	s5 =	sor.u32 @p0 s6, s5  }
0xab: {  	[sflag:s5] =	ssyncadd.remote.s32 @p0 $0x1;
	_ =	sdelay $0x1  }
0xac: {  	s5 =	simm.s32 @p0 $0x1B8D  }
0xad: {  	_ =	swait.eq @p0 [sflag:s5], $0x1  }
0xae: {  	[sflag:s5] =	ssyncadd.s32 @p0 $0xFFFFFFFF  }
0xaf: {  	s6 =	sshll.u32 @!p0 s1, $0xE  }
0xb0: {  	s6 =	sor.u32 @!p0 $0x4000, s6;
	s5 =	simm.s32 @!p0 $0x1B8D  }
0xb1: {  	s4 =	sshll.u32 @!p0 s4, $0x11;
	s6 =	sadd.s32 @!p0 $0x11B8D, s6;
	_ =	swait.eq @!p0 [sflag:s5], $0x1  }
0xb2: {  	s4 =	sor.u32 @!p0 s4, s6;
	[sflag:s5] =	ssyncadd.s32 @!p0 $0xFFFFFFFF  }
0xb3: {  	s25 =	simm.s32 $0x1B8E;
	s24 =	sld [smem:$0x3FFE];
	[sflag:s4] =	ssyncadd.remote.s32 @!p0 $0x1  }
0xb4: {  	s26 =	simm.s32 $execute0_lowered;
	[smem:$0x3FD2] =	sst s25  }
0xb5: {  	s5 =	sshll.u32 s26, $0x1;
	_ =	strace $0x8000004F;
	[dreg:$0x1] =	wrdreg $0xFFFFFFFF  }
0xb6: {  	s28 =	simm.s32 $_size_execute0_lowered;
	s3 =	sadd.s32 s3, s5;
	[dreg:$0x0] =	wrdreg $0x0  }
0xb7: {  	s5 =	sshll.u32 s28, $0x1;
	[dreg:$0x2] =	wrdreg s3  }
0xb8: {  	[dreg:$0x3] =	wrdreg s5  }
0xb9: {  	[dreg:$0x4] =	wrdreg $0xC0  }
0xba: {  	_ =	task [dreg:s22], $0x5FFFF  }
0xbb: {  	[dreg:$0x1] =	wrdreg $0xFFFFFFFF  }
0xbc: {  	[dreg:$0x0] =	wrdreg $0x60  }
0xbd: {  	[dreg:$0x2] =	wrdreg s24  }
0xbe: {  	[dreg:$0x3] =	wrdreg $0xC  }
0xbf: {  	_ =	task.clear_ibuf [dreg:s22], $0x4FFFF;
	_ =	strace $0x9000004F  }
0xc0: {  	s29 =	simm.s32 $0xC;
	_ =	strace $0x80000051  }
0xc1: {  	_ =	swait.ge [sflag:s29], $0x1  }
0xc2: {  	[sflag:s29] =	ssyncadd.s32 $0xFFFFFFFF  }
0xc3: {  	_ =	strace $0x90000051  }
0xc4: {  	_ =	sfence  }
0xc5: {  	s30 =	sld [smem:$0x0];
	_ =	sdelay $0x2  }
0xc6: {  	s31 =	sshll.u32 s1, $0xD;
	s1 =	sshrl.u32 s1, $0x2  }
0xc7: {  	s4 =	sand.u32 $0x4000, s31;
	s1 =	sadd.s32 s1, s30  }
0xc8: {  	s0 =	sor.u32 s4, s0;
	s1 =	sshll.u32 s1, $0x11  }
0xc9: {  	s0 =	sor.u32 s1, s0  }
0xca: {  	s0 =	sadd.s32 $0x8F2B, s0  }
0xcb: {  	[sflag:s0] =	ssyncadd.remote.s32 $0x1  }
0xcc: {  	_ =	sfence.sel $0xFFFF  }
0xcd: {  	[dreg:$0x0] =	wrdreg $0xFFFFFFFF;
	(pc) =	sbr.abs _section_cstart, $3  }
0xce: {  	[dreg:$0x1] =	wrdreg $0xFFFFFFFF  }
0xcf: {  	_ =	task.clear_ibuf [dreg:s22], $0x2FFFF;
	_ =	strace $0x9FFFFFFF  }
0xd0: {  	(tm) =	ssettm $0x7FFFFFFF  }
0xd1: {  	_ =	shalt  }
tec
execute0_lowered:
.L_overlay_start_1:
0x0: {  	(tag) =	ssettag $0x1  }
0x1: {  	s4 =	rddreg [dreg:$0x0]  }
0x2: {  	s0 =	rddreg [dreg:$0x1];
	s2 =	simm.s32 $0x0;
	s3 =	srdreg.scid  }
0x3: {  	s1 =	stileid.u32;
	s10 =	simm.s32 $0x0;
	[smem:$0x7FF] =	sst s2  }
0x4: {  	s5 =	sand.u32 $0x1, s3;
	s6 =	sshll.u32 s1, $0xC;
	s3 =	sadd.s32 $0x1E00, s4  }
0x5: {  	s8 =	sshll.u32 s1, $0x10;
	_ =	strace $0x80000050;
	s7 =	sshll.u32 s5, $0xB  }
0x6: {  	s31 =	ssub.s32 $0x2, s5;
	s8 =	sadd.s32 s8, s4;
	s5 =	sshll.u32 s5, $0xF  }
0x7: {  	s6 =	sor.u32 s7, s6;
	s9 =	sshrl.u32 s31, $0x1;
	s5 =	sadd.s32 s5, s8  }
0x8: {  	s8 =	simm.s32 $0x80;
	s6 =	sshrl.u32 s6, $0x3;
	s7 =	ssub.s32 s31, s9  }
0x9: {  	s5 =	sadd.s32 $0x347E00, s5;
	s9 =	simm.s32 $0x1;
	s6 =	sadd.s32 s6, s4  }
0xa: {  	s4 =	smax.u32 s7, $0x1;
	s7 =	simm.s32 $0x2;
	s6 =	sadd.s32 $0x345E00, s6  }
.LBB2_1:
0xb: {  	s11 =	sadd.s32 $0x0, s6  }
0xc: {  	[tilespmem:s2], [sflag:$0x2] =	stream.linear.gather [hbm4b:s11+s2], $0x80, $0x38;
	[tilespmem:$0x4080] =	vst v63  }
0xd: {  	_ =	swait.ge [sflag:s7], $0x80  }
0xe: {  	[sflag:s7] =	ssyncset.done $0x0  }
0xf: {  	[sflag:s7] =	ssyncadd.s32 $0xFFFFFF80  }
0x10: {  	[tilespmem:s8], [sflag:$0x1] =	stream.indirect.gather [hbm4b:s3+s8], $0x80, s2, s8, $0xb8;
	[tilespmem:$0x4080] =	vst v63  }
0x11: {  	_ =	swait.ge [sflag:s9], $0x4000  }
0x12: {  	[sflag:s9] =	ssyncset.done $0x0  }
0x13: {  	[sflag:s9] =	ssyncadd.s32 $0xFFFFC000  }
0x14: {  	[hbm4b:s5+s2] =	stream.linear.scatter [tilespmem:s8], [sflag:$0x2], $0x4000, $0x38;
	[tilespmem:$0x4080] =	vst v63  }
0x15: {  	s12 =	simm.s32 $0x10;
	_ =	swait.ge [sflag:s7], $0x4000  }
0x16: {  	s13 =	simm.s32 $0x20;
	s11 =	sadd.s32 $0x800, s5;
	[sflag:s7] =	ssyncset.done $0x0  }
.LBB2_2:
0x17: {  	s14 =	sadd.s32 s12, s6  }
0x18: {  	[sflag:s7] =	ssyncadd.s32 $0xFFFFC000;
	s12 =	smov.u32 s13;
	s15 =	sadd.s32 $0x10, s13  }
0x19: {  	[tilespmem:s2], [sflag:$0x2] =	stream.linear.gather [hbm4b:s14+s2], $0x80, $0x38;
	[tilespmem:$0x4080] =	vst v63  }
0x1a: {  	p0 =	sne.s32 s13, $0xF0;
	_ =	swait.ge [sflag:s7], $0x80  }
0x1b: {  	[sflag:s7] =	ssyncset.done $0x0  }
0x1c: {  	[sflag:s7] =	ssyncadd.s32 $0xFFFFFF80  }
0x1d: {  	[tilespmem:s8], [sflag:$0x1] =	stream.indirect.gather [hbm4b:s3+s8], $0x80, s2, s8, $0xb8;
	[tilespmem:$0x4080] =	vst v63  }
0x1e: {  	_ =	swait.ge [sflag:s9], $0x4000  }
.Ltmp0:
0x1f: {  	[sflag:s9] =	ssyncset.done $0x0;
	(pc) =	sbr.rel @p0 .LBB2_2-.Ltmp0, $4  }
0x20: {  	[sflag:s9] =	ssyncadd.s32 $0xFFFFC000  }
0x21: {  	[hbm4b:s11+s2] =	stream.linear.scatter [tilespmem:s8], [sflag:$0x2], $0x4000, $0x38;
	[tilespmem:$0x4080] =	vst v63  }
0x22: {  	_ =	swait.ge [sflag:s7], $0x4000  }
0x23: {  	s13 =	smov.u32 s15;
	s11 =	sadd.s32 $0x800, s11;
	[sflag:s7] =	ssyncset.done $0x0  }
0x24: {  	s12 =	sadd.s32 s12, s6;
	[sflag:s7] =	ssyncadd.s32 $0xFFFFC000  }
0x25: {  	[tilespmem:s2], [sflag:$0x2] =	stream.linear.gather [hbm4b:s12+s2], $0x80, $0x38;
	[tilespmem:$0x4080] =	vst v63  }
0x26: {  	_ =	swait.ge [sflag:s7], $0x80  }
0x27: {  	[sflag:s7] =	ssyncset.done $0x0  }
0x28: {  	[sflag:s7] =	ssyncadd.s32 $0xFFFFFF80  }
0x29: {  	[tilespmem:s8], [sflag:$0x1] =	stream.indirect.gather [hbm4b:s3+s8], $0x80, s2, s8, $0xb8;
	[tilespmem:$0x4080] =	vst v63  }
0x2a: {  	s10 =	sadd.s32 $0x1, s10;
	_ =	swait.ge [sflag:s9], $0x4000  }
0x2b: {  	p0 =	sne.s32 s10, s4;
	[sflag:s9] =	ssyncset.done $0x0  }
.Ltmp1:
0x2c: {  	[sflag:s9] =	ssyncadd.s32 $0xFFFFC000;
	(pc) =	sbr.rel @p0 .LBB2_1-.Ltmp1, $4  }
0x2d: {  	[hbm4b:s11+s2] =	stream.linear.scatter [tilespmem:s8], [sflag:$0x2], $0x4000, $0x38;
	[tilespmem:$0x4080] =	vst v63  }
0x2e: {  	_ =	swait.ge [sflag:s7], $0x4000  }
0x2f: {  	[sflag:s7] =	ssyncset.done $0x0  }
0x30: {  	[sflag:s7] =	ssyncadd.s32 $0xFFFFC000  }
0x31: {  	_ =	sfence.sel $0x180000  }
0x32: {  	[bflag:$0x0] =	sbarrier.arrive $0xFFFF  }
0x33: {  	p0 =	sne.s32 s1, $0x0;
	_ =	strace $0x90000050  }
0x34: {  	s0 =	sadd.s32 @!p0 $0x100000, s0;
	[bflag:$0x2] =	sbarrier.arrive $0xFFFF  }
0x35: {  	[sflag:s0] =	ssyncadd.tile.s32 @!p0 $0x1;
	_ =	shalt  }
.Lfunc_end2:
_tile_overlayer_lowered:
.L_overlay_start_2:
0x36: {  	(tag) =	ssettag $0x2  }
0x37: {  	s0 =	rddreg [dreg:$0x0];
	s2 =	stileid.u32  }
0x38: {  	s1 =	rddreg [dreg:$0x1];
	p0 =	sne.s32 s2, $0x0  }
0x39: {  	s3 =	rddreg [dreg:$0x2];
	[bflag:$0x3] =	sbarrier.arrive $0xFFFF;
	s2 =	simm.s32 @!p0 $0x1C02  }
0x3a: {  	[timem:s3], [sflag:s2] =	dma.local @!p0 [hbm:s0], s1  }
0x3b: {  	s0 =	simm.s32 @!p0 $0x2  }
0x3c: {  	_ =	swait.ge @!p0 [sflag:s0], s1  }
0x3d: {  	s1 =	ssub.s32 @!p0 $0x0, s1;
	[sflag:s0] =	ssyncset.done @!p0 $0x0  }
0x3e: {  	[sflag:s0] =	ssyncadd.s32 @!p0 s1  }
0x3f: {  	[bflag:$0x3] =	sbarrier.arrive $0xFFFF  }
0x40: {  	_ =	shalt  }

</sc_bundles>
